<compile_context>
chip_gen: v7x
topology: tpu7x:2x2x1
jax: 0.10.2.dev20260603
libtpu: 0.0.44.dev20260713+nightly
codegen_flags: <defaults>
</compile_context>

<pallas_src>
import functools

import jax
import jax.numpy as jnp
from jax import lax
from jax.experimental import pallas as pl
from jax.experimental.pallas import tpu as pltpu
from jax.experimental.pallas import tpu_sc as plsc

N = 10000
NP = 10240
E = 320000
NC = 2
NS = 16
NW = NC * NS
B = 128
NCHUNK = 80
EPW = NCHUNK * B
E_PAD = NW * EPW
RPT = NP // NS
CW = 16

_f32 = jnp.float32


def _agg_body(D, with_cnt, nbuf, *refs):
    nring = 2 * nbuf
    if with_cnt:
        (feat, srcr, dstr, ones_h, zf, zc,
         accp_out, cntp_out,
         src_ring, dst_ring, rows, ones_v, acc, cacc,
         sem_g, sem_s, sem_d) = refs
    else:
        (feat, srcr, dstr, zf,
         accp_out,
         src_ring, dst_ring, rows, acc,
         sem_g, sem_s, sem_d) = refs

    cid = lax.axis_index("c")
    sid = lax.axis_index("s")
    wid = sid * NC + cid
    r0 = sid * RPT

    pltpu.sync_copy(zf.at[pl.ds(r0, RPT)], acc.at[pl.ds(r0, RPT)])
    if with_cnt:
        pltpu.sync_copy(zc.at[pl.ds(r0, RPT)], cacc.at[pl.ds(r0, RPT)])
        pltpu.sync_copy(ones_h, ones_v)
    plsc.subcore_barrier()

    def load_idx(j, u):
        pltpu.async_copy(srcr.at[wid, j], src_ring.at[u], sem_s.at[u])
        pltpu.async_copy(dstr.at[wid, j], dst_ring.at[u], sem_d.at[u])

    def wait_src(j, u):
        pltpu.make_async_copy(srcr.at[wid, j], src_ring.at[u],
                              sem_s.at[u]).wait()

    def start_gather(u, b):
        pltpu.async_copy(feat.at[src_ring.at[u]], rows.at[b], sem_g.at[b])

    for u in range(nring):
        load_idx(u, u)
    for b in range(nbuf):
        wait_src(b, b)
        start_gather(b, b)

    def outer(jj, carry):
        for u in range(nring):
            j = jj * nring + u
            b = u % nbuf
            pltpu.make_async_copy(feat.at[src_ring.at[u]], rows.at[b],
                                  sem_g.at[b]).wait()
            pltpu.make_async_copy(dstr.at[wid, j], dst_ring.at[u],
                                  sem_d.at[u]).wait()
            pltpu.sync_copy(rows.at[b], acc.at[dst_ring.at[u]], add=True)
            if with_cnt:
                pltpu.sync_copy(ones_v, cacc.at[dst_ring.at[u]], add=True)

            @pl.when(j + nring < NCHUNK)
            def _():
                load_idx(j + nring, u)

            u2 = (u + nbuf) % nring

            @pl.when(j + nbuf < NCHUNK)
            def _():
                wait_src(j + nbuf, u2)
                start_gather(u2, b)
        return carry

    lax.fori_loop(0, NCHUNK // nring, outer, 0)
    plsc.subcore_barrier()

    pltpu.sync_copy(acc.at[pl.ds(r0, RPT)], accp_out.at[cid, pl.ds(r0, RPT)])
    if with_cnt:
        pltpu.sync_copy(cacc.at[pl.ds(r0, RPT)],
                        cntp_out.at[cid, pl.ds(r0, RPT)])


def _make_agg(D, with_cnt, nbuf):
    nring = 2 * nbuf
    assert NCHUNK % nring == 0
    mesh = plsc.VectorSubcoreMesh(core_axis_name="c", subcore_axis_name="s")
    out_type = [jax.ShapeDtypeStruct((NC, NP, D), _f32)]
    if with_cnt:
        out_type.append(jax.ShapeDtypeStruct((NC, NP, CW), _f32))
    scratch = [
        pltpu.VMEM((nring, B), jnp.int32),
        pltpu.VMEM((nring, B), jnp.int32),
        pltpu.VMEM((nbuf, B, D), _f32),
    ]
    if with_cnt:
        scratch.append(pltpu.VMEM((B, CW), _f32))
    scratch.append(pltpu.VMEM_SHARED((NP, D), _f32))
    if with_cnt:
        scratch.append(pltpu.VMEM_SHARED((NP, CW), _f32))
    scratch += [
        pltpu.SemaphoreType.DMA((nbuf,)),
        pltpu.SemaphoreType.DMA((nring,)),
        pltpu.SemaphoreType.DMA((nring,)),
    ]
    return pl.kernel(
        functools.partial(_agg_body, D, with_cnt, nbuf),
        out_type=out_type,
        mesh=mesh,
        scratch_types=scratch,
        compiler_params=pltpu.CompilerParams(use_tc_tiling_on_sc=False),
    )


def _tc1_body(aggp, cntp, x, w1l, w1r, b1, w2lp, w2rp, b2p, y2_out, z_out):
    agg = aggp[0] + aggp[1]
    cnt = cntp[0][:, 0:1] + cntp[1][:, 0:1]
    mean = agg * (1.0 / jnp.maximum(cnt, 1.0))
    h = jnp.dot(mean, w1l[...], preferred_element_type=_f32)
    h += jnp.dot(x[...], w1r[...], preferred_element_type=_f32)
    h = jnp.maximum(h + b1[0], 0.0)
    y2_out[...] = jnp.dot(h, w2lp[...], preferred_element_type=_f32)
    z_out[...] = jnp.dot(h, w2rp[...], preferred_element_type=_f32) + b2p[0]


def _tc2_body(agg2p, cntp, z, out_ref):
    agg2 = agg2p[0] + agg2p[1]
    cnt = cntp[0][:, 0:1] + cntp[1][:, 0:1]
    o = z[...] + agg2 * (1.0 / jnp.maximum(cnt, 1.0))
    m = jnp.max(o, axis=-1, keepdims=True)
    e = jnp.exp(o - m)
    s = jnp.sum(e, axis=-1, keepdims=True)
    out_ref[...] = o - m - jnp.log(s)


def kernel(x, edge_index, W1_l, W1_r, b1, W2_l, W2_r, b2):
    D = x.shape[1]
    DO = W2_l.shape[1]
    DP = 64
    npad = E_PAD - E
    src_r = jnp.concatenate(
        [edge_index[0], jnp.zeros((npad,), jnp.int32)]).reshape(NW, NCHUNK, B)
    pad_dst = N + jnp.arange(npad, dtype=jnp.int32) % (NP - N)
    dst_r = jnp.concatenate([edge_index[1], pad_dst]).reshape(NW, NCHUNK, B)

    ones_rows = jnp.ones((B, CW), _f32)
    zf128 = jnp.zeros((NP, D), _f32)
    zc = jnp.zeros((NP, CW), _f32)
    zf64 = jnp.zeros((NP, DP), _f32)

    agg1p, cntp = _make_agg(D, True, 2)(x, src_r, dst_r, ones_rows, zf128, zc)

    w2lp = jnp.pad(W2_l, ((0, 0), (0, DP - DO)))
    w2rp = jnp.pad(W2_r, ((0, 0), (0, DP - DO)))
    b2p = jnp.pad(b2, (0, DP - DO), constant_values=-1e30).reshape(1, DP)
    b1r = b1.reshape(1, D)

    bn = 1000
    grid = (N // bn,)
    y2, z = pl.pallas_call(
        _tc1_body,
        grid=grid,
        in_specs=[
            pl.BlockSpec((NC, bn, D), lambda i: (0, i, 0)),
            pl.BlockSpec((NC, bn, CW), lambda i: (0, i, 0)),
            pl.BlockSpec((bn, D), lambda i: (i, 0)),
            pl.BlockSpec((D, D), lambda i: (0, 0)),
            pl.BlockSpec((D, D), lambda i: (0, 0)),
            pl.BlockSpec((1, D), lambda i: (0, 0)),
            pl.BlockSpec((D, DP), lambda i: (0, 0)),
            pl.BlockSpec((D, DP), lambda i: (0, 0)),
            pl.BlockSpec((1, DP), lambda i: (0, 0)),
        ],
        out_specs=[
            pl.BlockSpec((bn, DP), lambda i: (i, 0)),
            pl.BlockSpec((bn, DP), lambda i: (i, 0)),
        ],
        out_shape=[
            jax.ShapeDtypeStruct((N, DP), _f32),
            jax.ShapeDtypeStruct((N, DP), _f32),
        ],
    )(agg1p, cntp, x, W1_l, W1_r, b1r, w2lp, w2rp, b2p)

    (agg2p,) = _make_agg(DP, False, 4)(y2, src_r, dst_r, zf64)

    out64 = pl.pallas_call(
        _tc2_body,
        grid=grid,
        in_specs=[
            pl.BlockSpec((NC, bn, DP), lambda i: (0, i, 0)),
            pl.BlockSpec((NC, bn, CW), lambda i: (0, i, 0)),
            pl.BlockSpec((bn, DP), lambda i: (i, 0)),
        ],
        out_specs=pl.BlockSpec((bn, DP), lambda i: (i, 0)),
        out_shape=jax.ShapeDtypeStruct((N, DP), _f32),
    )(agg2p, cntp, z)

    return out64[:, :DO]

# --- scband reference (transcript-rebuilt; emitter-appended) ---
"""Pipeline reference for scband-sage-8022998909159 (READ-ONLY COPY).

The authoritative reference and input builder live on the scoring server;
editing this copy changes nothing except your own understanding.
"""

import jax, jax.numpy as jnp
import numpy as np

N = 10000
E = 320000
D_IN = 128
D_H = 128
D_OUT = 47


def setup_inputs(seed: int = 0) -> dict:
    key = jax.random.key(seed)
    ks = jax.random.split(key, 8)
    x = jax.random.normal(ks[0], (N, D_IN), dtype=jnp.float32)
    edge_index = jax.random.randint(ks[1], (2, E), 0, N, dtype=jnp.int32)
    s1 = 1.0 / np.sqrt(D_IN)
    s2 = 1.0 / np.sqrt(D_H)
    W1_l = jax.random.normal(ks[2], (D_IN, D_H), dtype=jnp.float32) * s1
    W1_r = jax.random.normal(ks[3], (D_IN, D_H), dtype=jnp.float32) * s1
    b1 = jnp.zeros((D_H,), dtype=jnp.float32)
    W2_l = jax.random.normal(ks[4], (D_H, D_OUT), dtype=jnp.float32) * s2
    W2_r = jax.random.normal(ks[5], (D_H, D_OUT), dtype=jnp.float32) * s2
    b2 = jnp.zeros((D_OUT,), dtype=jnp.float32)
    return {"x": x, "edge_index": edge_index, "W1_l": W1_l, "W1_r": W1_r, "b1": b1,
            "W2_l": W2_l, "W2_r": W2_r, "b2": b2}


def _sage_layer(x, src, dst, W_l, W_r, b):
    # SAGEConv with mean aggregation: lin_l(mean_{j in N(i)} x_j) + lin_r(x_i)
    msg = x[src]
    agg = jax.ops.segment_sum(msg, dst, num_segments=x.shape[0])
    cnt = jax.ops.segment_sum(jnp.ones((msg.shape[0],), dtype=x.dtype), dst,
                              num_segments=x.shape[0])
    mean = agg / jnp.clip(cnt, 1.0)[:, None]
    return mean @ W_l + x @ W_r + b


def reference(x, edge_index, W1_l, W1_r, b1, W2_l, W2_r, b2):
    src = edge_index[0]
    dst = edge_index[1]
    # Layer 1 (full-graph adjs; x_target = x since size[1] == N)
    h = _sage_layer(x, src, dst, W1_l, W1_r, b1)
    h = jax.nn.relu(h)  # dropout is identity in eval mode
    # Layer 2
    out = _sage_layer(h, src, dst, W2_l, W2_r, b2)
    return jax.nn.log_softmax(out, axis=-1)

if __name__ == "__main__":
    import jax
    _d = setup_inputs()
    print(jax.jit(kernel)(*tuple(_d.values())))

</pallas_src>

<mosaic_0001>
#map = affine_map<(d0, d1) -> (0, 0)>
#map1 = affine_map<(d0, d1) -> (0, 0, 0)>
module attributes {stable_mosaic.version = 14 : i64} {
  func.func @_agg_body(%arg0: i32, %arg1: i32, %arg2: memref<10000x128xf32, #tpu.memory_space<hbm>>, %arg3: memref<32x80x128xi32, #tpu.memory_space<hbm>>, %arg4: memref<32x80x128xi32, #tpu.memory_space<hbm>>, %arg5: memref<128x16xf32, #tpu.memory_space<hbm>>, %arg6: memref<10240x128xf32, #tpu.memory_space<hbm>>, %arg7: memref<10240x16xf32, #tpu.memory_space<hbm>>, %arg8: memref<2x10240x128xf32, #tpu.memory_space<hbm>>, %arg9: memref<2x10240x16xf32, #tpu.memory_space<hbm>>, %arg10: memref<4x128xi32, #tpu.memory_space<vmem>>, %arg11: memref<4x128xi32, #tpu.memory_space<vmem>>, %arg12: memref<2x128x128xf32, #tpu.memory_space<vmem>>, %arg13: memref<128x16xf32, #tpu.memory_space<vmem>>, %arg14: memref<10240x128xf32, #tpu.memory_space<vmem_shared>>, %arg15: memref<10240x16xf32, #tpu.memory_space<vmem_shared>>, %arg16: memref<2x!tpu.dma_semaphore, #tpu.memory_space<semaphore_mem>>, %arg17: memref<4x!tpu.dma_semaphore, #tpu.memory_space<semaphore_mem>>, %arg18: memref<4x!tpu.dma_semaphore, #tpu.memory_space<semaphore_mem>>) attributes {dimension_semantics = [#tpu.dimension_semantics<core_parallel>, #tpu.dimension_semantics<subcore_parallel>], iteration_bounds = array<i64: 2, 16>, scalar_prefetch = 0 : i64, scratch_operands = 9 : i64, tpu.core_type = #tpu.core_type<sc_vector_subcore>, window_params = [{transform_indices = #map}, {transform_indices = #map1}, {transform_indices = #map1}, {transform_indices = #map}, {transform_indices = #map}, {transform_indices = #map}, {transform_indices = #map1}, {transform_indices = #map1}]} {
    %mul3A = arith.constant 2 : i32
    %mul3A_0 = arith.muli %arg1, %mul3A : i32
    %add3A = arith.addi %mul3A_0, %arg0 : i32
    %mul3A_1 = arith.constant 640 : i32
    %mul3A_2 = arith.muli %arg1, %mul3A_1 : i32
    "tpu.region"() ({
      %run_scoped3A = tpu.sem_alloc : memref<!tpu.dma_semaphore, #tpu.memory_space<semaphore_mem>>
      %dma_start3A_207 = arith.constant 0 : i32
      %dma_start3A_208 = tpu.memref_slice %arg14[%mul3A_2, %dma_start3A_207] : memref<10240x128xf32, #tpu.memory_space<vmem_shared>> -> memref<640x128xf32, #tpu.memory_space<vmem_shared>>
      %dma_start3A_209 = arith.constant 0 : i32
      %dma_start3A_210 = tpu.memref_slice %arg6[%mul3A_2, %dma_start3A_209] : memref<10240x128xf32, #tpu.memory_space<hbm>> -> memref<640x128xf32, #tpu.memory_space<hbm>>
      tpu.enqueue_dma source(%dma_start3A_210 : memref<640x128xf32, #tpu.memory_space<hbm>>) target(%dma_start3A_208 : memref<640x128xf32, #tpu.memory_space<vmem_shared>>) target_semaphore(%run_scoped3A : memref<!tpu.dma_semaphore, #tpu.memory_space<semaphore_mem>>)
      %dma_wait3A_211 = arith.constant 0 : i32
      %dma_wait3A_212 = tpu.memref_slice %arg14[%mul3A_2, %dma_wait3A_211] : memref<10240x128xf32, #tpu.memory_space<vmem_shared>> -> memref<640x128xf32, #tpu.memory_space<vmem_shared>>
      %dma_wait3A_213 = arith.constant 0 : i32
      %dma_wait3A_214 = tpu.memref_slice %arg6[%mul3A_2, %dma_wait3A_213] : memref<10240x128xf32, #tpu.memory_space<hbm>> -> memref<640x128xf32, #tpu.memory_space<hbm>>
      tpu.wait_dma2 semaphore(%run_scoped3A : memref<!tpu.dma_semaphore, #tpu.memory_space<semaphore_mem>>) src(%dma_wait3A_214 : memref<640x128xf32, #tpu.memory_space<hbm>>) dst(%dma_wait3A_212 : memref<640x128xf32, #tpu.memory_space<vmem_shared>>)
      tpu.yield
    }) : () -> ()
    "tpu.region"() ({
      %run_scoped3A = tpu.sem_alloc : memref<!tpu.dma_semaphore, #tpu.memory_space<semaphore_mem>>
      %dma_start3A_207 = arith.constant 0 : i32
      %dma_start3A_208 = tpu.memref_slice %arg15[%mul3A_2, %dma_start3A_207] : memref<10240x16xf32, #tpu.memory_space<vmem_shared>> -> memref<640x16xf32, #tpu.memory_space<vmem_shared>>
      %dma_start3A_209 = arith.constant 0 : i32
      %dma_start3A_210 = tpu.memref_slice %arg7[%mul3A_2, %dma_start3A_209] : memref<10240x16xf32, #tpu.memory_space<hbm>> -> memref<640x16xf32, #tpu.memory_space<hbm>>
      tpu.enqueue_dma source(%dma_start3A_210 : memref<640x16xf32, #tpu.memory_space<hbm>>) target(%dma_start3A_208 : memref<640x16xf32, #tpu.memory_space<vmem_shared>>) target_semaphore(%run_scoped3A : memref<!tpu.dma_semaphore, #tpu.memory_space<semaphore_mem>>)
      %dma_wait3A_211 = arith.constant 0 : i32
      %dma_wait3A_212 = tpu.memref_slice %arg15[%mul3A_2, %dma_wait3A_211] : memref<10240x16xf32, #tpu.memory_space<vmem_shared>> -> memref<640x16xf32, #tpu.memory_space<vmem_shared>>
      %dma_wait3A_213 = arith.constant 0 : i32
      %dma_wait3A_214 = tpu.memref_slice %arg7[%mul3A_2, %dma_wait3A_213] : memref<10240x16xf32, #tpu.memory_space<hbm>> -> memref<640x16xf32, #tpu.memory_space<hbm>>
      tpu.wait_dma2 semaphore(%run_scoped3A : memref<!tpu.dma_semaphore, #tpu.memory_space<semaphore_mem>>) src(%dma_wait3A_214 : memref<640x16xf32, #tpu.memory_space<hbm>>) dst(%dma_wait3A_212 : memref<640x16xf32, #tpu.memory_space<vmem_shared>>)
      tpu.yield
    }) : () -> ()
    "tpu.region"() ({
      %run_scoped3A = tpu.sem_alloc : memref<!tpu.dma_semaphore, #tpu.memory_space<semaphore_mem>>
      tpu.enqueue_dma source(%arg5 : memref<128x16xf32, #tpu.memory_space<hbm>>) target(%arg13 : memref<128x16xf32, #tpu.memory_space<vmem>>) target_semaphore(%run_scoped3A : memref<!tpu.dma_semaphore, #tpu.memory_space<semaphore_mem>>)
      tpu.wait_dma2 semaphore(%run_scoped3A : memref<!tpu.dma_semaphore, #tpu.memory_space<semaphore_mem>>) src(%arg5 : memref<128x16xf32, #tpu.memory_space<hbm>>) dst(%arg13 : memref<128x16xf32, #tpu.memory_space<vmem>>)
      tpu.yield
    }) : () -> ()
    %barrier3A = arith.constant 0 : index
    tpu.barrier barrier_id(%barrier3A)
    %dma_start3A = arith.constant 0 : i32
    %dma_start3A_3 = arith.constant 0 : i32
    %dma_start3A_4 = arith.constant 0 : i32
    %dma_start3A_5 = arith.constant 0 : i32
    %dma_start3A_6 = tpu.memref_slice %arg10[%dma_start3A_3, %dma_start3A_5] : memref<4x128xi32, #tpu.memory_space<vmem>> -> memref<1x128xi32, #tpu.memory_space<vmem>>
    %dma_start3A_7 = tpu.memref_squeeze %dma_start3A_6 : memref<1x128xi32, #tpu.memory_space<vmem>> -> memref<128xi32, #tpu.memory_space<vmem>>
    %dma_start3A_8 = arith.constant 0 : i32
    %dma_start3A_9 = tpu.memref_slice %arg3[%add3A, %dma_start3A, %dma_start3A_8] : memref<32x80x128xi32, #tpu.memory_space<hbm>> -> memref<1x1x128xi32, #tpu.memory_space<hbm>>
    %dma_start3A_10 = tpu.memref_squeeze %dma_start3A_9 : memref<1x1x128xi32, #tpu.memory_space<hbm>> -> memref<128xi32, #tpu.memory_space<hbm>>
    %dma_start3A_11 = tpu.memref_slice %arg17[%dma_start3A_4] : memref<4x!tpu.dma_semaphore, #tpu.memory_space<semaphore_mem>> -> memref<1x!tpu.dma_semaphore, #tpu.memory_space<semaphore_mem>>
    %dma_start3A_12 = tpu.memref_squeeze %dma_start3A_11 : memref<1x!tpu.dma_semaphore, #tpu.memory_space<semaphore_mem>> -> memref<!tpu.dma_semaphore, #tpu.memory_space<semaphore_mem>>
    %dma_start3A_13 = arith.constant 0 : i32
    %dma_start3A_14 = tpu.memref_slice %arg10[%dma_start3A_3, %dma_start3A_13] : memref<4x128xi32, #tpu.memory_space<vmem>> -> memref<1x128xi32, #tpu.memory_space<vmem>>
    %dma_start3A_15 = tpu.memref_squeeze %dma_start3A_14 : memref<1x128xi32, #tpu.memory_space<vmem>> -> memref<128xi32, #tpu.memory_space<vmem>>
    %dma_start3A_16 = arith.constant 0 : i32
    %dma_start3A_17 = tpu.memref_slice %arg3[%add3A, %dma_start3A, %dma_start3A_16] : memref<32x80x128xi32, #tpu.memory_space<hbm>> -> memref<1x1x128xi32, #tpu.memory_space<hbm>>
    %dma_start3A_18 = tpu.memref_squeeze %dma_start3A_17 : memref<1x1x128xi32, #tpu.memory_space<hbm>> -> memref<128xi32, #tpu.memory_space<hbm>>
    tpu.enqueue_dma source(%dma_start3A_18 : memref<128xi32, #tpu.memory_space<hbm>>) target(%dma_start3A_15 : memref<128xi32, #tpu.memory_space<vmem>>) target_semaphore(%dma_start3A_12 : memref<!tpu.dma_semaphore, #tpu.memory_space<semaphore_mem>>)
    %dma_start3A_19 = arith.constant 0 : i32
    %dma_start3A_20 = arith.constant 0 : i32
    %dma_start3A_21 = arith.constant 0 : i32
    %dma_start3A_22 = arith.constant 0 : i32
    %dma_start3A_23 = tpu.memref_slice %arg11[%dma_start3A_20, %dma_start3A_22] : memref<4x128xi32, #tpu.memory_space<vmem>> -> memref<1x128xi32, #tpu.memory_space<vmem>>
    %dma_start3A_24 = tpu.memref_squeeze %dma_start3A_23 : memref<1x128xi32, #tpu.memory_space<vmem>> -> memref<128xi32, #tpu.memory_space<vmem>>
    %dma_start3A_25 = arith.constant 0 : i32
    %dma_start3A_26 = tpu.memref_slice %arg4[%add3A, %dma_start3A_19, %dma_start3A_25] : memref<32x80x128xi32, #tpu.memory_space<hbm>> -> memref<1x1x128xi32, #tpu.memory_space<hbm>>
    %dma_start3A_27 = tpu.memref_squeeze %dma_start3A_26 : memref<1x1x128xi32, #tpu.memory_space<hbm>> -> memref<128xi32, #tpu.memory_space<hbm>>
    %dma_start3A_28 = tpu.memref_slice %arg18[%dma_start3A_21] : memref<4x!tpu.dma_semaphore, #tpu.memory_space<semaphore_mem>> -> memref<1x!tpu.dma_semaphore, #tpu.memory_space<semaphore_mem>>
    %dma_start3A_29 = tpu.memref_squeeze %dma_start3A_28 : memref<1x!tpu.dma_semaphore, #tpu.memory_space<semaphore_mem>> -> memref<!tpu.dma_semaphore, #tpu.memory_space<semaphore_mem>>
    %dma_start3A_30 = arith.constant 0 : i32
    %dma_start3A_31 = tpu.memref_slice %arg11[%dma_start3A_20, %dma_start3A_30] : memref<4x128xi32, #tpu.memory_space<vmem>> -> memref<1x128xi32, #tpu.memory_space<vmem>>
    %dma_start3A_32 = tpu.memref_squeeze %dma_start3A_31 : memref<1x128xi32, #tpu.memory_space<vmem>> -> memref<128xi32, #tpu.memory_space<vmem>>
    %dma_start3A_33 = arith.constant 0 : i32
    %dma_start3A_34 = tpu.memref_slice %arg4[%add3A, %dma_start3A_19, %dma_start3A_33] : memref<32x80x128xi32, #tpu.memory_space<hbm>> -> memref<1x1x128xi32, #tpu.memory_space<hbm>>
    %dma_start3A_35 = tpu.memref_squeeze %dma_start3A_34 : memref<1x1x128xi32, #tpu.memory_space<hbm>> -> memref<128xi32, #tpu.memory_space<hbm>>
    tpu.enqueue_dma source(%dma_start3A_35 : memref<128xi32, #tpu.memory_space<hbm>>) target(%dma_start3A_32 : memref<128xi32, #tpu.memory_space<vmem>>) target_semaphore(%dma_start3A_29 : memref<!tpu.dma_semaphore, #tpu.memory_space<semaphore_mem>>)
    %dma_start3A_36 = arith.constant 1 : i32
    %dma_start3A_37 = arith.constant 1 : i32
    %dma_start3A_38 = arith.constant 1 : i32
    %dma_start3A_39 = arith.constant 0 : i32
    %dma_start3A_40 = tpu.memref_slice %arg10[%dma_start3A_37, %dma_start3A_39] : memref<4x128xi32, #tpu.memory_space<vmem>> -> memref<1x128xi32, #tpu.memory_space<vmem>>
    %dma_start3A_41 = tpu.memref_squeeze %dma_start3A_40 : memref<1x128xi32, #tpu.memory_space<vmem>> -> memref<128xi32, #tpu.memory_space<vmem>>
    %dma_start3A_42 = arith.constant 0 : i32
    %dma_start3A_43 = tpu.memref_slice %arg3[%add3A, %dma_start3A_36, %dma_start3A_42] : memref<32x80x128xi32, #tpu.memory_space<hbm>> -> memref<1x1x128xi32, #tpu.memory_space<hbm>>
    %dma_start3A_44 = tpu.memref_squeeze %dma_start3A_43 : memref<1x1x128xi32, #tpu.memory_space<hbm>> -> memref<128xi32, #tpu.memory_space<hbm>>
    %dma_start3A_45 = tpu.memref_slice %arg17[%dma_start3A_38] : memref<4x!tpu.dma_semaphore, #tpu.memory_space<semaphore_mem>> -> memref<1x!tpu.dma_semaphore, #tpu.memory_space<semaphore_mem>>
    %dma_start3A_46 = tpu.memref_squeeze %dma_start3A_45 : memref<1x!tpu.dma_semaphore, #tpu.memory_space<semaphore_mem>> -> memref<!tpu.dma_semaphore, #tpu.memory_space<semaphore_mem>>
    %dma_start3A_47 = arith.constant 0 : i32
    %dma_start3A_48 = tpu.memref_slice %arg10[%dma_start3A_37, %dma_start3A_47] : memref<4x128xi32, #tpu.memory_space<vmem>> -> memref<1x128xi32, #tpu.memory_space<vmem>>
    %dma_start3A_49 = tpu.memref_squeeze %dma_start3A_48 : memref<1x128xi32, #tpu.memory_space<vmem>> -> memref<128xi32, #tpu.memory_space<vmem>>
    %dma_start3A_50 = arith.constant 0 : i32
    %dma_start3A_51 = tpu.memref_slice %arg3[%add3A, %dma_start3A_36, %dma_start3A_50] : memref<32x80x128xi32, #tpu.memory_space<hbm>> -> memref<1x1x128xi32, #tpu.memory_space<hbm>>
    %dma_start3A_52 = tpu.memref_squeeze %dma_start3A_51 : memref<1x1x128xi32, #tpu.memory_space<hbm>> -> memref<128xi32, #tpu.memory_space<hbm>>
    tpu.enqueue_dma source(%dma_start3A_52 : memref<128xi32, #tpu.memory_space<hbm>>) target(%dma_start3A_49 : memref<128xi32, #tpu.memory_space<vmem>>) target_semaphore(%dma_start3A_46 : memref<!tpu.dma_semaphore, #tpu.memory_space<semaphore_mem>>)
    %dma_start3A_53 = arith.constant 1 : i32
    %dma_start3A_54 = arith.constant 1 : i32
    %dma_start3A_55 = arith.constant 1 : i32
    %dma_start3A_56 = arith.constant 0 : i32
    %dma_start3A_57 = tpu.memref_slice %arg11[%dma_start3A_54, %dma_start3A_56] : memref<4x128xi32, #tpu.memory_space<vmem>> -> memref<1x128xi32, #tpu.memory_space<vmem>>
    %dma_start3A_58 = tpu.memref_squeeze %dma_start3A_57 : memref<1x128xi32, #tpu.memory_space<vmem>> -> memref<128xi32, #tpu.memory_space<vmem>>
    %dma_start3A_59 = arith.constant 0 : i32
    %dma_start3A_60 = tpu.memref_slice %arg4[%add3A, %dma_start3A_53, %dma_start3A_59] : memref<32x80x128xi32, #tpu.memory_space<hbm>> -> memref<1x1x128xi32, #tpu.memory_space<hbm>>
    %dma_start3A_61 = tpu.memref_squeeze %dma_start3A_60 : memref<1x1x128xi32, #tpu.memory_space<hbm>> -> memref<128xi32, #tpu.memory_space<hbm>>
    %dma_start3A_62 = tpu.memref_slice %arg18[%dma_start3A_55] : memref<4x!tpu.dma_semaphore, #tpu.memory_space<semaphore_mem>> -> memref<1x!tpu.dma_semaphore, #tpu.memory_space<semaphore_mem>>
    %dma_start3A_63 = tpu.memref_squeeze %dma_start3A_62 : memref<1x!tpu.dma_semaphore, #tpu.memory_space<semaphore_mem>> -> memref<!tpu.dma_semaphore, #tpu.memory_space<semaphore_mem>>
    %dma_start3A_64 = arith.constant 0 : i32
    %dma_start3A_65 = tpu.memref_slice %arg11[%dma_start3A_54, %dma_start3A_64] : memref<4x128xi32, #tpu.memory_space<vmem>> -> memref<1x128xi32, #tpu.memory_space<vmem>>
    %dma_start3A_66 = tpu.memref_squeeze %dma_start3A_65 : memref<1x128xi32, #tpu.memory_space<vmem>> -> memref<128xi32, #tpu.memory_space<vmem>>
    %dma_start3A_67 = arith.constant 0 : i32
    %dma_start3A_68 = tpu.memref_slice %arg4[%add3A, %dma_start3A_53, %dma_start3A_67] : memref<32x80x128xi32, #tpu.memory_space<hbm>> -> memref<1x1x128xi32, #tpu.memory_space<hbm>>
    %dma_start3A_69 = tpu.memref_squeeze %dma_start3A_68 : memref<1x1x128xi32, #tpu.memory_space<hbm>> -> memref<128xi32, #tpu.memory_space<hbm>>
    tpu.enqueue_dma source(%dma_start3A_69 : memref<128xi32, #tpu.memory_space<hbm>>) target(%dma_start3A_66 : memref<128xi32, #tpu.memory_space<vmem>>) target_semaphore(%dma_start3A_63 : memref<!tpu.dma_semaphore, #tpu.memory_space<semaphore_mem>>)
    %dma_start3A_70 = arith.constant 2 : i32
    %dma_start3A_71 = arith.constant 2 : i32
    %dma_start3A_72 = arith.constant 2 : i32
    %dma_start3A_73 = arith.constant 0 : i32
    %dma_start3A_74 = tpu.memref_slice %arg10[%dma_start3A_71, %dma_start3A_73] : memref<4x128xi32, #tpu.memory_space<vmem>> -> memref<1x128xi32, #tpu.memory_space<vmem>>
    %dma_start3A_75 = tpu.memref_squeeze %dma_start3A_74 : memref<1x128xi32, #tpu.memory_space<vmem>> -> memref<128xi32, #tpu.memory_space<vmem>>
    %dma_start3A_76 = arith.constant 0 : i32
    %dma_start3A_77 = tpu.memref_slice %arg3[%add3A, %dma_start3A_70, %dma_start3A_76] : memref<32x80x128xi32, #tpu.memory_space<hbm>> -> memref<1x1x128xi32, #tpu.memory_space<hbm>>
    %dma_start3A_78 = tpu.memref_squeeze %dma_start3A_77 : memref<1x1x128xi32, #tpu.memory_space<hbm>> -> memref<128xi32, #tpu.memory_space<hbm>>
    %dma_start3A_79 = tpu.memref_slice %arg17[%dma_start3A_72] : memref<4x!tpu.dma_semaphore, #tpu.memory_space<semaphore_mem>> -> memref<1x!tpu.dma_semaphore, #tpu.memory_space<semaphore_mem>>
    %dma_start3A_80 = tpu.memref_squeeze %dma_start3A_79 : memref<1x!tpu.dma_semaphore, #tpu.memory_space<semaphore_mem>> -> memref<!tpu.dma_semaphore, #tpu.memory_space<semaphore_mem>>
    %dma_start3A_81 = arith.constant 0 : i32
    %dma_start3A_82 = tpu.memref_slice %arg10[%dma_start3A_71, %dma_start3A_81] : memref<4x128xi32, #tpu.memory_space<vmem>> -> memref<1x128xi32, #tpu.memory_space<vmem>>
    %dma_start3A_83 = tpu.memref_squeeze %dma_start3A_82 : memref<1x128xi32, #tpu.memory_space<vmem>> -> memref<128xi32, #tpu.memory_space<vmem>>
    %dma_start3A_84 = arith.constant 0 : i32
    %dma_start3A_85 = tpu.memref_slice %arg3[%add3A, %dma_start3A_70, %dma_start3A_84] : memref<32x80x128xi32, #tpu.memory_space<hbm>> -> memref<1x1x128xi32, #tpu.memory_space<hbm>>
    %dma_start3A_86 = tpu.memref_squeeze %dma_start3A_85 : memref<1x1x128xi32, #tpu.memory_space<hbm>> -> memref<128xi32, #tpu.memory_space<hbm>>
    tpu.enqueue_dma source(%dma_start3A_86 : memref<128xi32, #tpu.memory_space<hbm>>) target(%dma_start3A_83 : memref<128xi32, #tpu.memory_space<vmem>>) target_semaphore(%dma_start3A_80 : memref<!tpu.dma_semaphore, #tpu.memory_space<semaphore_mem>>)
    %dma_start3A_87 = arith.constant 2 : i32
    %dma_start3A_88 = arith.constant 2 : i32
    %dma_start3A_89 = arith.constant 2 : i32
    %dma_start3A_90 = arith.constant 0 : i32
    %dma_start3A_91 = tpu.memref_slice %arg11[%dma_start3A_88, %dma_start3A_90] : memref<4x128xi32, #tpu.memory_space<vmem>> -> memref<1x128xi32, #tpu.memory_space<vmem>>
    %dma_start3A_92 = tpu.memref_squeeze %dma_start3A_91 : memref<1x128xi32, #tpu.memory_space<vmem>> -> memref<128xi32, #tpu.memory_space<vmem>>
    %dma_start3A_93 = arith.constant 0 : i32
    %dma_start3A_94 = tpu.memref_slice %arg4[%add3A, %dma_start3A_87, %dma_start3A_93] : memref<32x80x128xi32, #tpu.memory_space<hbm>> -> memref<1x1x128xi32, #tpu.memory_space<hbm>>
    %dma_start3A_95 = tpu.memref_squeeze %dma_start3A_94 : memref<1x1x128xi32, #tpu.memory_space<hbm>> -> memref<128xi32, #tpu.memory_space<hbm>>
    %dma_start3A_96 = tpu.memref_slice %arg18[%dma_start3A_89] : memref<4x!tpu.dma_semaphore, #tpu.memory_space<semaphore_mem>> -> memref<1x!tpu.dma_semaphore, #tpu.memory_space<semaphore_mem>>
    %dma_start3A_97 = tpu.memref_squeeze %dma_start3A_96 : memref<1x!tpu.dma_semaphore, #tpu.memory_space<semaphore_mem>> -> memref<!tpu.dma_semaphore, #tpu.memory_space<semaphore_mem>>
    %dma_start3A_98 = arith.constant 0 : i32
    %dma_start3A_99 = tpu.memref_slice %arg11[%dma_start3A_88, %dma_start3A_98] : memref<4x128xi32, #tpu.memory_space<vmem>> -> memref<1x128xi32, #tpu.memory_space<vmem>>
    %dma_start3A_100 = tpu.memref_squeeze %dma_start3A_99 : memref<1x128xi32, #tpu.memory_space<vmem>> -> memref<128xi32, #tpu.memory_space<vmem>>
    %dma_start3A_101 = arith.constant 0 : i32
    %dma_start3A_102 = tpu.memref_slice %arg4[%add3A, %dma_start3A_87, %dma_start3A_101] : memref<32x80x128xi32, #tpu.memory_space<hbm>> -> memref<1x1x128xi32, #tpu.memory_space<hbm>>
    %dma_start3A_103 = tpu.memref_squeeze %dma_start3A_102 : memref<1x1x128xi32, #tpu.memory_space<hbm>> -> memref<128xi32, #tpu.memory_space<hbm>>
    tpu.enqueue_dma source(%dma_start3A_103 : memref<128xi32, #tpu.memory_space<hbm>>) target(%dma_start3A_100 : memref<128xi32, #tpu.memory_space<vmem>>) target_semaphore(%dma_start3A_97 : memref<!tpu.dma_semaphore, #tpu.memory_space<semaphore_mem>>)
    %dma_start3A_104 = arith.constant 3 : i32
    %dma_start3A_105 = arith.constant 3 : i32
    %dma_start3A_106 = arith.constant 3 : i32
    %dma_start3A_107 = arith.constant 0 : i32
    %dma_start3A_108 = tpu.memref_slice %arg10[%dma_start3A_105, %dma_start3A_107] : memref<4x128xi32, #tpu.memory_space<vmem>> -> memref<1x128xi32, #tpu.memory_space<vmem>>
    %dma_start3A_109 = tpu.memref_squeeze %dma_start3A_108 : memref<1x128xi32, #tpu.memory_space<vmem>> -> memref<128xi32, #tpu.memory_space<vmem>>
    %dma_start3A_110 = arith.constant 0 : i32
    %dma_start3A_111 = tpu.memref_slice %arg3[%add3A, %dma_start3A_104, %dma_start3A_110] : memref<32x80x128xi32, #tpu.memory_space<hbm>> -> memref<1x1x128xi32, #tpu.memory_space<hbm>>
    %dma_start3A_112 = tpu.memref_squeeze %dma_start3A_111 : memref<1x1x128xi32, #tpu.memory_space<hbm>> -> memref<128xi32, #tpu.memory_space<hbm>>
    %dma_start3A_113 = tpu.memref_slice %arg17[%dma_start3A_106] : memref<4x!tpu.dma_semaphore, #tpu.memory_space<semaphore_mem>> -> memref<1x!tpu.dma_semaphore, #tpu.memory_space<semaphore_mem>>
    %dma_start3A_114 = tpu.memref_squeeze %dma_start3A_113 : memref<1x!tpu.dma_semaphore, #tpu.memory_space<semaphore_mem>> -> memref<!tpu.dma_semaphore, #tpu.memory_space<semaphore_mem>>
    %dma_start3A_115 = arith.constant 0 : i32
    %dma_start3A_116 = tpu.memref_slice %arg10[%dma_start3A_105, %dma_start3A_115] : memref<4x128xi32, #tpu.memory_space<vmem>> -> memref<1x128xi32, #tpu.memory_space<vmem>>
    %dma_start3A_117 = tpu.memref_squeeze %dma_start3A_116 : memref<1x128xi32, #tpu.memory_space<vmem>> -> memref<128xi32, #tpu.memory_space<vmem>>
    %dma_start3A_118 = arith.constant 0 : i32
    %dma_start3A_119 = tpu.memref_slice %arg3[%add3A, %dma_start3A_104, %dma_start3A_118] : memref<32x80x128xi32, #tpu.memory_space<hbm>> -> memref<1x1x128xi32, #tpu.memory_space<hbm>>
    %dma_start3A_120 = tpu.memref_squeeze %dma_start3A_119 : memref<1x1x128xi32, #tpu.memory_space<hbm>> -> memref<128xi32, #tpu.memory_space<hbm>>
    tpu.enqueue_dma source(%dma_start3A_120 : memref<128xi32, #tpu.memory_space<hbm>>) target(%dma_start3A_117 : memref<128xi32, #tpu.memory_space<vmem>>) target_semaphore(%dma_start3A_114 : memref<!tpu.dma_semaphore, #tpu.memory_space<semaphore_mem>>)
    %dma_start3A_121 = arith.constant 3 : i32
    %dma_start3A_122 = arith.constant 3 : i32
    %dma_start3A_123 = arith.constant 3 : i32
    %dma_start3A_124 = arith.constant 0 : i32
    %dma_start3A_125 = tpu.memref_slice %arg11[%dma_start3A_122, %dma_start3A_124] : memref<4x128xi32, #tpu.memory_space<vmem>> -> memref<1x128xi32, #tpu.memory_space<vmem>>
    %dma_start3A_126 = tpu.memref_squeeze %dma_start3A_125 : memref<1x128xi32, #tpu.memory_space<vmem>> -> memref<128xi32, #tpu.memory_space<vmem>>
    %dma_start3A_127 = arith.constant 0 : i32
    %dma_start3A_128 = tpu.memref_slice %arg4[%add3A, %dma_start3A_121, %dma_start3A_127] : memref<32x80x128xi32, #tpu.memory_space<hbm>> -> memref<1x1x128xi32, #tpu.memory_space<hbm>>
    %dma_start3A_129 = tpu.memref_squeeze %dma_start3A_128 : memref<1x1x128xi32, #tpu.memory_space<hbm>> -> memref<128xi32, #tpu.memory_space<hbm>>
    %dma_start3A_130 = tpu.memref_slice %arg18[%dma_start3A_123] : memref<4x!tpu.dma_semaphore, #tpu.memory_space<semaphore_mem>> -> memref<1x!tpu.dma_semaphore, #tpu.memory_space<semaphore_mem>>
    %dma_start3A_131 = tpu.memref_squeeze %dma_start3A_130 : memref<1x!tpu.dma_semaphore, #tpu.memory_space<semaphore_mem>> -> memref<!tpu.dma_semaphore, #tpu.memory_space<semaphore_mem>>
    %dma_start3A_132 = arith.constant 0 : i32
    %dma_start3A_133 = tpu.memref_slice %arg11[%dma_start3A_122, %dma_start3A_132] : memref<4x128xi32, #tpu.memory_space<vmem>> -> memref<1x128xi32, #tpu.memory_space<vmem>>
    %dma_start3A_134 = tpu.memref_squeeze %dma_start3A_133 : memref<1x128xi32, #tpu.memory_space<vmem>> -> memref<128xi32, #tpu.memory_space<vmem>>
    %dma_start3A_135 = arith.constant 0 : i32
    %dma_start3A_136 = tpu.memref_slice %arg4[%add3A, %dma_start3A_121, %dma_start3A_135] : memref<32x80x128xi32, #tpu.memory_space<hbm>> -> memref<1x1x128xi32, #tpu.memory_space<hbm>>
    %dma_start3A_137 = tpu.memref_squeeze %dma_start3A_136 : memref<1x1x128xi32, #tpu.memory_space<hbm>> -> memref<128xi32, #tpu.memory_space<hbm>>
    tpu.enqueue_dma source(%dma_start3A_137 : memref<128xi32, #tpu.memory_space<hbm>>) target(%dma_start3A_134 : memref<128xi32, #tpu.memory_space<vmem>>) target_semaphore(%dma_start3A_131 : memref<!tpu.dma_semaphore, #tpu.memory_space<semaphore_mem>>)
    %dma_wait3A = arith.constant 0 : i32
    %dma_wait3A_138 = arith.constant 0 : i32
    %dma_wait3A_139 = arith.constant 0 : i32
    %dma_wait3A_140 = arith.constant 0 : i32
    %dma_wait3A_141 = tpu.memref_slice %arg10[%dma_wait3A_138, %dma_wait3A_140] : memref<4x128xi32, #tpu.memory_space<vmem>> -> memref<1x128xi32, #tpu.memory_space<vmem>>
    %dma_wait3A_142 = tpu.memref_squeeze %dma_wait3A_141 : memref<1x128xi32, #tpu.memory_space<vmem>> -> memref<128xi32, #tpu.memory_space<vmem>>
    %dma_wait3A_143 = arith.constant 0 : i32
    %dma_wait3A_144 = tpu.memref_slice %arg3[%add3A, %dma_wait3A, %dma_wait3A_143] : memref<32x80x128xi32, #tpu.memory_space<hbm>> -> memref<1x1x128xi32, #tpu.memory_space<hbm>>
    %dma_wait3A_145 = tpu.memref_squeeze %dma_wait3A_144 : memref<1x1x128xi32, #tpu.memory_space<hbm>> -> memref<128xi32, #tpu.memory_space<hbm>>
    %dma_wait3A_146 = tpu.memref_slice %arg17[%dma_wait3A_139] : memref<4x!tpu.dma_semaphore, #tpu.memory_space<semaphore_mem>> -> memref<1x!tpu.dma_semaphore, #tpu.memory_space<semaphore_mem>>
    %dma_wait3A_147 = tpu.memref_squeeze %dma_wait3A_146 : memref<1x!tpu.dma_semaphore, #tpu.memory_space<semaphore_mem>> -> memref<!tpu.dma_semaphore, #tpu.memory_space<semaphore_mem>>
    %dma_wait3A_148 = arith.constant 0 : i32
    %dma_wait3A_149 = tpu.memref_slice %arg10[%dma_wait3A_138, %dma_wait3A_148] : memref<4x128xi32, #tpu.memory_space<vmem>> -> memref<1x128xi32, #tpu.memory_space<vmem>>
    %dma_wait3A_150 = tpu.memref_squeeze %dma_wait3A_149 : memref<1x128xi32, #tpu.memory_space<vmem>> -> memref<128xi32, #tpu.memory_space<vmem>>
    %dma_wait3A_151 = arith.constant 0 : i32
    %dma_wait3A_152 = tpu.memref_slice %arg3[%add3A, %dma_wait3A, %dma_wait3A_151] : memref<32x80x128xi32, #tpu.memory_space<hbm>> -> memref<1x1x128xi32, #tpu.memory_space<hbm>>
    %dma_wait3A_153 = tpu.memref_squeeze %dma_wait3A_152 : memref<1x1x128xi32, #tpu.memory_space<hbm>> -> memref<128xi32, #tpu.memory_space<hbm>>
    tpu.wait_dma2 semaphore(%dma_wait3A_147 : memref<!tpu.dma_semaphore, #tpu.memory_space<semaphore_mem>>) src(%dma_wait3A_153 : memref<128xi32, #tpu.memory_space<hbm>>) dst(%dma_wait3A_150 : memref<128xi32, #tpu.memory_space<vmem>>)
    %dma_start3A_154 = arith.constant 0 : i32
    %dma_start3A_155 = arith.constant 0 : i32
    %dma_start3A_156 = arith.constant 0 : i32
    %dma_start3A_157 = arith.constant 0 : i32
    %dma_start3A_158 = arith.constant 0 : i32
    %dma_start3A_159 = tpu.memref_slice %arg12[%dma_start3A_155, %dma_start3A_157, %dma_start3A_158] : memref<2x128x128xf32, #tpu.memory_space<vmem>> -> memref<1x128x128xf32, #tpu.memory_space<vmem>>
    %dma_start3A_160 = tpu.memref_squeeze %dma_start3A_159 : memref<1x128x128xf32, #tpu.memory_space<vmem>> -> memref<128x128xf32, #tpu.memory_space<vmem>>
    %dma_start3A_161 = arith.constant 0 : i32
    %dma_start3A_162 = tpu.memref_slice %arg10[%dma_start3A_154, %dma_start3A_161] : memref<4x128xi32, #tpu.memory_space<vmem>> -> memref<1x128xi32, #tpu.memory_space<vmem>>
    %dma_start3A_163 = tpu.memref_squeeze %dma_start3A_162 : memref<1x128xi32, #tpu.memory_space<vmem>> -> memref<128xi32, #tpu.memory_space<vmem>>
    %dma_start3A_164 = arith.constant 0 : i32
    %dma_start3A_165 = arith.constant 0 : i32
    %dma_start3A_166 = tpu.memref_slice %arg2[%dma_start3A_164, %dma_start3A_165] : memref<10000x128xf32, #tpu.memory_space<hbm>> -> memref<10000x128xf32, #tpu.memory_space<hbm>>
    %dma_start3A_167 = tpu.memref_slice %arg16[%dma_start3A_156] : memref<2x!tpu.dma_semaphore, #tpu.memory_space<semaphore_mem>> -> memref<1x!tpu.dma_semaphore, #tpu.memory_space<semaphore_mem>>
    %dma_start3A_168 = tpu.memref_squeeze %dma_start3A_167 : memref<1x!tpu.dma_semaphore, #tpu.memory_space<semaphore_mem>> -> memref<!tpu.dma_semaphore, #tpu.memory_space<semaphore_mem>>
    tpu.enqueue_indirect_dma source(%dma_start3A_166 : memref<10000x128xf32, #tpu.memory_space<hbm>>) target(%dma_start3A_160 : memref<128x128xf32, #tpu.memory_space<vmem>>) offsets(%dma_start3A_163 : memref<128xi32, #tpu.memory_space<vmem>>) semaphore(%dma_start3A_168 : memref<!tpu.dma_semaphore, #tpu.memory_space<semaphore_mem>>)
    %dma_wait3A_169 = arith.constant 1 : i32
    %dma_wait3A_170 = arith.constant 1 : i32
    %dma_wait3A_171 = arith.constant 1 : i32
    %dma_wait3A_172 = arith.constant 0 : i32
    %dma_wait3A_173 = tpu.memref_slice %arg10[%dma_wait3A_170, %dma_wait3A_172] : memref<4x128xi32, #tpu.memory_space<vmem>> -> memref<1x128xi32, #tpu.memory_space<vmem>>
    %dma_wait3A_174 = tpu.memref_squeeze %dma_wait3A_173 : memref<1x128xi32, #tpu.memory_space<vmem>> -> memref<128xi32, #tpu.memory_space<vmem>>
    %dma_wait3A_175 = arith.constant 0 : i32
    %dma_wait3A_176 = tpu.memref_slice %arg3[%add3A, %dma_wait3A_169, %dma_wait3A_175] : memref<32x80x128xi32, #tpu.memory_space<hbm>> -> memref<1x1x128xi32, #tpu.memory_space<hbm>>
    %dma_wait3A_177 = tpu.memref_squeeze %dma_wait3A_176 : memref<1x1x128xi32, #tpu.memory_space<hbm>> -> memref<128xi32, #tpu.memory_space<hbm>>
    %dma_wait3A_178 = tpu.memref_slice %arg17[%dma_wait3A_171] : memref<4x!tpu.dma_semaphore, #tpu.memory_space<semaphore_mem>> -> memref<1x!tpu.dma_semaphore, #tpu.memory_space<semaphore_mem>>
    %dma_wait3A_179 = tpu.memref_squeeze %dma_wait3A_178 : memref<1x!tpu.dma_semaphore, #tpu.memory_space<semaphore_mem>> -> memref<!tpu.dma_semaphore, #tpu.memory_space<semaphore_mem>>
    %dma_wait3A_180 = arith.constant 0 : i32
    %dma_wait3A_181 = tpu.memref_slice %arg10[%dma_wait3A_170, %dma_wait3A_180] : memref<4x128xi32, #tpu.memory_space<vmem>> -> memref<1x128xi32, #tpu.memory_space<vmem>>
    %dma_wait3A_182 = tpu.memref_squeeze %dma_wait3A_181 : memref<1x128xi32, #tpu.memory_space<vmem>> -> memref<128xi32, #tpu.memory_space<vmem>>
    %dma_wait3A_183 = arith.constant 0 : i32
    %dma_wait3A_184 = tpu.memref_slice %arg3[%add3A, %dma_wait3A_169, %dma_wait3A_183] : memref<32x80x128xi32, #tpu.memory_space<hbm>> -> memref<1x1x128xi32, #tpu.memory_space<hbm>>
    %dma_wait3A_185 = tpu.memref_squeeze %dma_wait3A_184 : memref<1x1x128xi32, #tpu.memory_space<hbm>> -> memref<128xi32, #tpu.memory_space<hbm>>
    tpu.wait_dma2 semaphore(%dma_wait3A_179 : memref<!tpu.dma_semaphore, #tpu.memory_space<semaphore_mem>>) src(%dma_wait3A_185 : memref<128xi32, #tpu.memory_space<hbm>>) dst(%dma_wait3A_182 : memref<128xi32, #tpu.memory_space<vmem>>)
    %dma_start3A_186 = arith.constant 1 : i32
    %dma_start3A_187 = arith.constant 1 : i32
    %dma_start3A_188 = arith.constant 1 : i32
    %dma_start3A_189 = arith.constant 0 : i32
    %dma_start3A_190 = arith.constant 0 : i32
    %dma_start3A_191 = tpu.memref_slice %arg12[%dma_start3A_187, %dma_start3A_189, %dma_start3A_190] : memref<2x128x128xf32, #tpu.memory_space<vmem>> -> memref<1x128x128xf32, #tpu.memory_space<vmem>>
    %dma_start3A_192 = tpu.memref_squeeze %dma_start3A_191 : memref<1x128x128xf32, #tpu.memory_space<vmem>> -> memref<128x128xf32, #tpu.memory_space<vmem>>
    %dma_start3A_193 = arith.constant 0 : i32
    %dma_start3A_194 = tpu.memref_slice %arg10[%dma_start3A_186, %dma_start3A_193] : memref<4x128xi32, #tpu.memory_space<vmem>> -> memref<1x128xi32, #tpu.memory_space<vmem>>
    %dma_start3A_195 = tpu.memref_squeeze %dma_start3A_194 : memref<1x128xi32, #tpu.memory_space<vmem>> -> memref<128xi32, #tpu.memory_space<vmem>>
    %dma_start3A_196 = arith.constant 0 : i32
    %dma_start3A_197 = arith.constant 0 : i32
    %dma_start3A_198 = tpu.memref_slice %arg2[%dma_start3A_196, %dma_start3A_197] : memref<10000x128xf32, #tpu.memory_space<hbm>> -> memref<10000x128xf32, #tpu.memory_space<hbm>>
    %dma_start3A_199 = tpu.memref_slice %arg16[%dma_start3A_188] : memref<2x!tpu.dma_semaphore, #tpu.memory_space<semaphore_mem>> -> memref<1x!tpu.dma_semaphore, #tpu.memory_space<semaphore_mem>>
    %dma_start3A_200 = tpu.memref_squeeze %dma_start3A_199 : memref<1x!tpu.dma_semaphore, #tpu.memory_space<semaphore_mem>> -> memref<!tpu.dma_semaphore, #tpu.memory_space<semaphore_mem>>
    tpu.enqueue_indirect_dma source(%dma_start3A_198 : memref<10000x128xf32, #tpu.memory_space<hbm>>) target(%dma_start3A_192 : memref<128x128xf32, #tpu.memory_space<vmem>>) offsets(%dma_start3A_195 : memref<128xi32, #tpu.memory_space<vmem>>) semaphore(%dma_start3A_200 : memref<!tpu.dma_semaphore, #tpu.memory_space<semaphore_mem>>)
    %scan3A = arith.constant 0 : i32
    %scan3A_201 = arith.constant 0 : i32
    %scan3A_202 = arith.constant 20 : i32
    %scan3A_203 = arith.addi %scan3A_201, %scan3A_202 : i32
    %scan3A_204 = arith.constant 1 : i32
    scf.for %scan3A_207 = %scan3A_201 to %scan3A_203 step %scan3A_204  : i32 {
      %mul3A_208 = arith.constant 4 : i32
      %mul3A_209 = arith.muli %scan3A_207, %mul3A_208 : i32
      %add3A_210 = arith.constant 0 : i32
      %add3A_211 = arith.addi %mul3A_209, %add3A_210 : i32
      %dma_wait3A_212 = arith.constant 0 : i32
      %dma_wait3A_213 = arith.constant 0 : i32
      %dma_wait3A_214 = arith.constant 0 : i32
      %dma_wait3A_215 = arith.constant 0 : i32
      %dma_wait3A_216 = arith.constant 0 : i32
      %dma_wait3A_217 = tpu.memref_slice %arg12[%dma_wait3A_213, %dma_wait3A_215, %dma_wait3A_216] : memref<2x128x128xf32, #tpu.memory_space<vmem>> -> memref<1x128x128xf32, #tpu.memory_space<vmem>>
      %dma_wait3A_218 = tpu.memref_squeeze %dma_wait3A_217 : memref<1x128x128xf32, #tpu.memory_space<vmem>> -> memref<128x128xf32, #tpu.memory_space<vmem>>
      %dma_wait3A_219 = arith.constant 0 : i32
      %dma_wait3A_220 = tpu.memref_slice %arg10[%dma_wait3A_212, %dma_wait3A_219] : memref<4x128xi32, #tpu.memory_space<vmem>> -> memref<1x128xi32, #tpu.memory_space<vmem>>
      %dma_wait3A_221 = tpu.memref_squeeze %dma_wait3A_220 : memref<1x128xi32, #tpu.memory_space<vmem>> -> memref<128xi32, #tpu.memory_space<vmem>>
      %dma_wait3A_222 = arith.constant 0 : i32
      %dma_wait3A_223 = arith.constant 0 : i32
      %dma_wait3A_224 = tpu.memref_slice %arg2[%dma_wait3A_222, %dma_wait3A_223] : memref<10000x128xf32, #tpu.memory_space<hbm>> -> memref<10000x128xf32, #tpu.memory_space<hbm>>
      %dma_wait3A_225 = tpu.memref_slice %arg16[%dma_wait3A_214] : memref<2x!tpu.dma_semaphore, #tpu.memory_space<semaphore_mem>> -> memref<1x!tpu.dma_semaphore, #tpu.memory_space<semaphore_mem>>
      %dma_wait3A_226 = tpu.memref_squeeze %dma_wait3A_225 : memref<1x!tpu.dma_semaphore, #tpu.memory_space<semaphore_mem>> -> memref<!tpu.dma_semaphore, #tpu.memory_space<semaphore_mem>>
      tpu.wait_indirect_dma semaphore(%dma_wait3A_226 : memref<!tpu.dma_semaphore, #tpu.memory_space<semaphore_mem>>) src(%dma_wait3A_224 : memref<10000x128xf32, #tpu.memory_space<hbm>>) dst(%dma_wait3A_218 : memref<128x128xf32, #tpu.memory_space<vmem>>)
      %dma_wait3A_227 = arith.constant 0 : i32
      %dma_wait3A_228 = arith.constant 0 : i32
      %dma_wait3A_229 = arith.constant 0 : i32
      %dma_wait3A_230 = tpu.memref_slice %arg11[%dma_wait3A_227, %dma_wait3A_229] : memref<4x128xi32, #tpu.memory_space<vmem>> -> memref<1x128xi32, #tpu.memory_space<vmem>>
      %dma_wait3A_231 = tpu.memref_squeeze %dma_wait3A_230 : memref<1x128xi32, #tpu.memory_space<vmem>> -> memref<128xi32, #tpu.memory_space<vmem>>
      %dma_wait3A_232 = arith.constant 0 : i32
      %dma_wait3A_233 = tpu.memref_slice %arg4[%add3A, %add3A_211, %dma_wait3A_232] : memref<32x80x128xi32, #tpu.memory_space<hbm>> -> memref<1x1x128xi32, #tpu.memory_space<hbm>>
      %dma_wait3A_234 = tpu.memref_squeeze %dma_wait3A_233 : memref<1x1x128xi32, #tpu.memory_space<hbm>> -> memref<128xi32, #tpu.memory_space<hbm>>
      %dma_wait3A_235 = tpu.memref_slice %arg18[%dma_wait3A_228] : memref<4x!tpu.dma_semaphore, #tpu.memory_space<semaphore_mem>> -> memref<1x!tpu.dma_semaphore, #tpu.memory_space<semaphore_mem>>
      %dma_wait3A_236 = tpu.memref_squeeze %dma_wait3A_235 : memref<1x!tpu.dma_semaphore, #tpu.memory_space<semaphore_mem>> -> memref<!tpu.dma_semaphore, #tpu.memory_space<semaphore_mem>>
      %dma_wait3A_237 = arith.constant 0 : i32
      %dma_wait3A_238 = tpu.memref_slice %arg11[%dma_wait3A_227, %dma_wait3A_237] : memref<4x128xi32, #tpu.memory_space<vmem>> -> memref<1x128xi32, #tpu.memory_space<vmem>>
      %dma_wait3A_239 = tpu.memref_squeeze %dma_wait3A_238 : memref<1x128xi32, #tpu.memory_space<vmem>> -> memref<128xi32, #tpu.memory_space<vmem>>
      %dma_wait3A_240 = arith.constant 0 : i32
      %dma_wait3A_241 = tpu.memref_slice %arg4[%add3A, %add3A_211, %dma_wait3A_240] : memref<32x80x128xi32, #tpu.memory_space<hbm>> -> memref<1x1x128xi32, #tpu.memory_space<hbm>>
      %dma_wait3A_242 = tpu.memref_squeeze %dma_wait3A_241 : memref<1x1x128xi32, #tpu.memory_space<hbm>> -> memref<128xi32, #tpu.memory_space<hbm>>
      tpu.wait_dma2 semaphore(%dma_wait3A_236 : memref<!tpu.dma_semaphore, #tpu.memory_space<semaphore_mem>>) src(%dma_wait3A_242 : memref<128xi32, #tpu.memory_space<hbm>>) dst(%dma_wait3A_239 : memref<128xi32, #tpu.memory_space<vmem>>)
      %run_scoped3A = arith.constant 0 : i32
      %run_scoped3A_243 = arith.constant 0 : i32
      "tpu.region"() ({
        %run_scoped3A_412 = tpu.sem_alloc : memref<!tpu.dma_semaphore, #tpu.memory_space<semaphore_mem>>
        %dma_start3A_413 = arith.constant 0 : i32
        %dma_start3A_414 = arith.constant 0 : i32
        %dma_start3A_415 = tpu.memref_slice %arg12[%run_scoped3A, %dma_start3A_413, %dma_start3A_414] : memref<2x128x128xf32, #tpu.memory_space<vmem>> -> memref<1x128x128xf32, #tpu.memory_space<vmem>>
        %dma_start3A_416 = tpu.memref_squeeze %dma_start3A_415 : memref<1x128x128xf32, #tpu.memory_space<vmem>> -> memref<128x128xf32, #tpu.memory_space<vmem>>
        %dma_start3A_417 = arith.constant 0 : i32
        %dma_start3A_418 = tpu.memref_slice %arg11[%run_scoped3A_243, %dma_start3A_417] : memref<4x128xi32, #tpu.memory_space<vmem>> -> memref<1x128xi32, #tpu.memory_space<vmem>>
        %dma_start3A_419 = tpu.memref_squeeze %dma_start3A_418 : memref<1x128xi32, #tpu.memory_space<vmem>> -> memref<128xi32, #tpu.memory_space<vmem>>
        %dma_start3A_420 = arith.constant 0 : i32
        %dma_start3A_421 = arith.constant 0 : i32
        %dma_start3A_422 = tpu.memref_slice %arg14[%dma_start3A_420, %dma_start3A_421] : memref<10240x128xf32, #tpu.memory_space<vmem_shared>> -> memref<10240x128xf32, #tpu.memory_space<vmem_shared>>
        tpu.enqueue_indirect_dma source(%dma_start3A_416 : memref<128x128xf32, #tpu.memory_space<vmem>>) target(%dma_start3A_422 : memref<10240x128xf32, #tpu.memory_space<vmem_shared>>) offsets(%dma_start3A_419 : memref<128xi32, #tpu.memory_space<vmem>>) semaphore(%run_scoped3A_412 : memref<!tpu.dma_semaphore, #tpu.memory_space<semaphore_mem>>) {add = true}
        %dma_wait3A_423 = arith.constant 0 : i32
        %dma_wait3A_424 = arith.constant 0 : i32
        %dma_wait3A_425 = tpu.memref_slice %arg12[%run_scoped3A, %dma_wait3A_423, %dma_wait3A_424] : memref<2x128x128xf32, #tpu.memory_space<vmem>> -> memref<1x128x128xf32, #tpu.memory_space<vmem>>
        %dma_wait3A_426 = tpu.memref_squeeze %dma_wait3A_425 : memref<1x128x128xf32, #tpu.memory_space<vmem>> -> memref<128x128xf32, #tpu.memory_space<vmem>>
        %dma_wait3A_427 = arith.constant 0 : i32
        %dma_wait3A_428 = tpu.memref_slice %arg11[%run_scoped3A_243, %dma_wait3A_427] : memref<4x128xi32, #tpu.memory_space<vmem>> -> memref<1x128xi32, #tpu.memory_space<vmem>>
        %dma_wait3A_429 = tpu.memref_squeeze %dma_wait3A_428 : memref<1x128xi32, #tpu.memory_space<vmem>> -> memref<128xi32, #tpu.memory_space<vmem>>
        %dma_wait3A_430 = arith.constant 0 : i32
        %dma_wait3A_431 = arith.constant 0 : i32
        %dma_wait3A_432 = tpu.memref_slice %arg14[%dma_wait3A_430, %dma_wait3A_431] : memref<10240x128xf32, #tpu.memory_space<vmem_shared>> -> memref<10240x128xf32, #tpu.memory_space<vmem_shared>>
        tpu.wait_indirect_dma semaphore(%run_scoped3A_412 : memref<!tpu.dma_semaphore, #tpu.memory_space<semaphore_mem>>) src(%dma_wait3A_426 : memref<128x128xf32, #tpu.memory_space<vmem>>) dst(%dma_wait3A_432 : memref<10240x128xf32, #tpu.memory_space<vmem_shared>>)
        tpu.yield
      }) : () -> ()
      %run_scoped3A_244 = arith.constant 0 : i32
      "tpu.region"() ({
        %run_scoped3A_412 = tpu.sem_alloc : memref<!tpu.dma_semaphore, #tpu.memory_space<semaphore_mem>>
        %dma_start3A_413 = arith.constant 0 : i32
        %dma_start3A_414 = tpu.memref_slice %arg11[%run_scoped3A_244, %dma_start3A_413] : memref<4x128xi32, #tpu.memory_space<vmem>> -> memref<1x128xi32, #tpu.memory_space<vmem>>
        %dma_start3A_415 = tpu.memref_squeeze %dma_start3A_414 : memref<1x128xi32, #tpu.memory_space<vmem>> -> memref<128xi32, #tpu.memory_space<vmem>>
        %dma_start3A_416 = arith.constant 0 : i32
        %dma_start3A_417 = arith.constant 0 : i32
        %dma_start3A_418 = tpu.memref_slice %arg15[%dma_start3A_416, %dma_start3A_417] : memref<10240x16xf32, #tpu.memory_space<vmem_shared>> -> memref<10240x16xf32, #tpu.memory_space<vmem_shared>>
        tpu.enqueue_indirect_dma source(%arg13 : memref<128x16xf32, #tpu.memory_space<vmem>>) target(%dma_start3A_418 : memref<10240x16xf32, #tpu.memory_space<vmem_shared>>) offsets(%dma_start3A_415 : memref<128xi32, #tpu.memory_space<vmem>>) semaphore(%run_scoped3A_412 : memref<!tpu.dma_semaphore, #tpu.memory_space<semaphore_mem>>) {add = true}
        %dma_wait3A_419 = arith.constant 0 : i32
        %dma_wait3A_420 = tpu.memref_slice %arg11[%run_scoped3A_244, %dma_wait3A_419] : memref<4x128xi32, #tpu.memory_space<vmem>> -> memref<1x128xi32, #tpu.memory_space<vmem>>
        %dma_wait3A_421 = tpu.memref_squeeze %dma_wait3A_420 : memref<1x128xi32, #tpu.memory_space<vmem>> -> memref<128xi32, #tpu.memory_space<vmem>>
        %dma_wait3A_422 = arith.constant 0 : i32
        %dma_wait3A_423 = arith.constant 0 : i32
        %dma_wait3A_424 = tpu.memref_slice %arg15[%dma_wait3A_422, %dma_wait3A_423] : memref<10240x16xf32, #tpu.memory_space<vmem_shared>> -> memref<10240x16xf32, #tpu.memory_space<vmem_shared>>
        tpu.wait_indirect_dma semaphore(%run_scoped3A_412 : memref<!tpu.dma_semaphore, #tpu.memory_space<semaphore_mem>>) src(%arg13 : memref<128x16xf32, #tpu.memory_space<vmem>>) dst(%dma_wait3A_424 : memref<10240x16xf32, #tpu.memory_space<vmem_shared>>)
        tpu.yield
      }) : () -> ()
      %add3A_245 = arith.constant 4 : i32
      %add3A_246 = arith.addi %add3A_211, %add3A_245 : i32
      %lt3A = arith.constant 80 : i32
      %lt3A_247 = arith.cmpi slt, %add3A_246, %lt3A : i32
      %convert_element_type3A = arith.extui %lt3A_247 : i1 to i32
      %cond3A = arith.constant 0 : i32
      %cond3A_248 = arith.cmpi ne, %convert_element_type3A, %cond3A : i32
      scf.if %cond3A_248 {
        %add3A_412 = arith.constant 4 : i32
        %add3A_413 = arith.addi %add3A_211, %add3A_412 : i32
        %dma_start3A_414 = arith.constant 0 : i32
        %dma_start3A_415 = arith.constant 0 : i32
        %dma_start3A_416 = arith.constant 0 : i32
        %dma_start3A_417 = tpu.memref_slice %arg10[%dma_start3A_414, %dma_start3A_416] : memref<4x128xi32, #tpu.memory_space<vmem>> -> memref<1x128xi32, #tpu.memory_space<vmem>>
        %dma_start3A_418 = tpu.memref_squeeze %dma_start3A_417 : memref<1x128xi32, #tpu.memory_space<vmem>> -> memref<128xi32, #tpu.memory_space<vmem>>
        %dma_start3A_419 = arith.constant 0 : i32
        %dma_start3A_420 = tpu.memref_slice %arg3[%add3A, %add3A_413, %dma_start3A_419] : memref<32x80x128xi32, #tpu.memory_space<hbm>> -> memref<1x1x128xi32, #tpu.memory_space<hbm>>
        %dma_start3A_421 = tpu.memref_squeeze %dma_start3A_420 : memref<1x1x128xi32, #tpu.memory_space<hbm>> -> memref<128xi32, #tpu.memory_space<hbm>>
        %dma_start3A_422 = tpu.memref_slice %arg17[%dma_start3A_415] : memref<4x!tpu.dma_semaphore, #tpu.memory_space<semaphore_mem>> -> memref<1x!tpu.dma_semaphore, #tpu.memory_space<semaphore_mem>>
        %dma_start3A_423 = tpu.memref_squeeze %dma_start3A_422 : memref<1x!tpu.dma_semaphore, #tpu.memory_space<semaphore_mem>> -> memref<!tpu.dma_semaphore, #tpu.memory_space<semaphore_mem>>
        %dma_start3A_424 = arith.constant 0 : i32
        %dma_start3A_425 = tpu.memref_slice %arg10[%dma_start3A_414, %dma_start3A_424] : memref<4x128xi32, #tpu.memory_space<vmem>> -> memref<1x128xi32, #tpu.memory_space<vmem>>
        %dma_start3A_426 = tpu.memref_squeeze %dma_start3A_425 : memref<1x128xi32, #tpu.memory_space<vmem>> -> memref<128xi32, #tpu.memory_space<vmem>>
        %dma_start3A_427 = arith.constant 0 : i32
        %dma_start3A_428 = tpu.memref_slice %arg3[%add3A, %add3A_413, %dma_start3A_427] : memref<32x80x128xi32, #tpu.memory_space<hbm>> -> memref<1x1x128xi32, #tpu.memory_space<hbm>>
        %dma_start3A_429 = tpu.memref_squeeze %dma_start3A_428 : memref<1x1x128xi32, #tpu.memory_space<hbm>> -> memref<128xi32, #tpu.memory_space<hbm>>
        tpu.enqueue_dma source(%dma_start3A_429 : memref<128xi32, #tpu.memory_space<hbm>>) target(%dma_start3A_426 : memref<128xi32, #tpu.memory_space<vmem>>) target_semaphore(%dma_start3A_423 : memref<!tpu.dma_semaphore, #tpu.memory_space<semaphore_mem>>)
        %dma_start3A_430 = arith.constant 0 : i32
        %dma_start3A_431 = arith.constant 0 : i32
        %dma_start3A_432 = arith.constant 0 : i32
        %dma_start3A_433 = tpu.memref_slice %arg11[%dma_start3A_430, %dma_start3A_432] : memref<4x128xi32, #tpu.memory_space<vmem>> -> memref<1x128xi32, #tpu.memory_space<vmem>>
        %dma_start3A_434 = tpu.memref_squeeze %dma_start3A_433 : memref<1x128xi32, #tpu.memory_space<vmem>> -> memref<128xi32, #tpu.memory_space<vmem>>
        %dma_start3A_435 = arith.constant 0 : i32
        %dma_start3A_436 = tpu.memref_slice %arg4[%add3A, %add3A_413, %dma_start3A_435] : memref<32x80x128xi32, #tpu.memory_space<hbm>> -> memref<1x1x128xi32, #tpu.memory_space<hbm>>
        %dma_start3A_437 = tpu.memref_squeeze %dma_start3A_436 : memref<1x1x128xi32, #tpu.memory_space<hbm>> -> memref<128xi32, #tpu.memory_space<hbm>>
        %dma_start3A_438 = tpu.memref_slice %arg18[%dma_start3A_431] : memref<4x!tpu.dma_semaphore, #tpu.memory_space<semaphore_mem>> -> memref<1x!tpu.dma_semaphore, #tpu.memory_space<semaphore_mem>>
        %dma_start3A_439 = tpu.memref_squeeze %dma_start3A_438 : memref<1x!tpu.dma_semaphore, #tpu.memory_space<semaphore_mem>> -> memref<!tpu.dma_semaphore, #tpu.memory_space<semaphore_mem>>
        %dma_start3A_440 = arith.constant 0 : i32
        %dma_start3A_441 = tpu.memref_slice %arg11[%dma_start3A_430, %dma_start3A_440] : memref<4x128xi32, #tpu.memory_space<vmem>> -> memref<1x128xi32, #tpu.memory_space<vmem>>
        %dma_start3A_442 = tpu.memref_squeeze %dma_start3A_441 : memref<1x128xi32, #tpu.memory_space<vmem>> -> memref<128xi32, #tpu.memory_space<vmem>>
        %dma_start3A_443 = arith.constant 0 : i32
        %dma_start3A_444 = tpu.memref_slice %arg4[%add3A, %add3A_413, %dma_start3A_443] : memref<32x80x128xi32, #tpu.memory_space<hbm>> -> memref<1x1x128xi32, #tpu.memory_space<hbm>>
        %dma_start3A_445 = tpu.memref_squeeze %dma_start3A_444 : memref<1x1x128xi32, #tpu.memory_space<hbm>> -> memref<128xi32, #tpu.memory_space<hbm>>
        tpu.enqueue_dma source(%dma_start3A_445 : memref<128xi32, #tpu.memory_space<hbm>>) target(%dma_start3A_442 : memref<128xi32, #tpu.memory_space<vmem>>) target_semaphore(%dma_start3A_439 : memref<!tpu.dma_semaphore, #tpu.memory_space<semaphore_mem>>)
      } else {
      }
      %add3A_249 = arith.constant 2 : i32
      %add3A_250 = arith.addi %add3A_211, %add3A_249 : i32
      %lt3A_251 = arith.constant 80 : i32
      %lt3A_252 = arith.cmpi slt, %add3A_250, %lt3A_251 : i32
      %convert_element_type3A_253 = arith.extui %lt3A_252 : i1 to i32
      %cond3A_254 = arith.constant 0 : i32
      %cond3A_255 = arith.cmpi ne, %convert_element_type3A_253, %cond3A_254 : i32
      scf.if %cond3A_255 {
        %add3A_412 = arith.constant 2 : i32
        %add3A_413 = arith.addi %add3A_211, %add3A_412 : i32
        %dma_wait3A_414 = arith.constant 2 : i32
        %dma_wait3A_415 = arith.constant 2 : i32
        %dma_wait3A_416 = arith.constant 0 : i32
        %dma_wait3A_417 = tpu.memref_slice %arg10[%dma_wait3A_414, %dma_wait3A_416] : memref<4x128xi32, #tpu.memory_space<vmem>> -> memref<1x128xi32, #tpu.memory_space<vmem>>
        %dma_wait3A_418 = tpu.memref_squeeze %dma_wait3A_417 : memref<1x128xi32, #tpu.memory_space<vmem>> -> memref<128xi32, #tpu.memory_space<vmem>>
        %dma_wait3A_419 = arith.constant 0 : i32
        %dma_wait3A_420 = tpu.memref_slice %arg3[%add3A, %add3A_413, %dma_wait3A_419] : memref<32x80x128xi32, #tpu.memory_space<hbm>> -> memref<1x1x128xi32, #tpu.memory_space<hbm>>
        %dma_wait3A_421 = tpu.memref_squeeze %dma_wait3A_420 : memref<1x1x128xi32, #tpu.memory_space<hbm>> -> memref<128xi32, #tpu.memory_space<hbm>>
        %dma_wait3A_422 = tpu.memref_slice %arg17[%dma_wait3A_415] : memref<4x!tpu.dma_semaphore, #tpu.memory_space<semaphore_mem>> -> memref<1x!tpu.dma_semaphore, #tpu.memory_space<semaphore_mem>>
        %dma_wait3A_423 = tpu.memref_squeeze %dma_wait3A_422 : memref<1x!tpu.dma_semaphore, #tpu.memory_space<semaphore_mem>> -> memref<!tpu.dma_semaphore, #tpu.memory_space<semaphore_mem>>
        %dma_wait3A_424 = arith.constant 0 : i32
        %dma_wait3A_425 = tpu.memref_slice %arg10[%dma_wait3A_414, %dma_wait3A_424] : memref<4x128xi32, #tpu.memory_space<vmem>> -> memref<1x128xi32, #tpu.memory_space<vmem>>
        %dma_wait3A_426 = tpu.memref_squeeze %dma_wait3A_425 : memref<1x128xi32, #tpu.memory_space<vmem>> -> memref<128xi32, #tpu.memory_space<vmem>>
        %dma_wait3A_427 = arith.constant 0 : i32
        %dma_wait3A_428 = tpu.memref_slice %arg3[%add3A, %add3A_413, %dma_wait3A_427] : memref<32x80x128xi32, #tpu.memory_space<hbm>> -> memref<1x1x128xi32, #tpu.memory_space<hbm>>
        %dma_wait3A_429 = tpu.memref_squeeze %dma_wait3A_428 : memref<1x1x128xi32, #tpu.memory_space<hbm>> -> memref<128xi32, #tpu.memory_space<hbm>>
        tpu.wait_dma2 semaphore(%dma_wait3A_423 : memref<!tpu.dma_semaphore, #tpu.memory_space<semaphore_mem>>) src(%dma_wait3A_429 : memref<128xi32, #tpu.memory_space<hbm>>) dst(%dma_wait3A_426 : memref<128xi32, #tpu.memory_space<vmem>>)
        %dma_start3A_430 = arith.constant 2 : i32
        %dma_start3A_431 = arith.constant 0 : i32
        %dma_start3A_432 = arith.constant 0 : i32
        %dma_start3A_433 = arith.constant 0 : i32
        %dma_start3A_434 = arith.constant 0 : i32
        %dma_start3A_435 = tpu.memref_slice %arg12[%dma_start3A_431, %dma_start3A_433, %dma_start3A_434] : memref<2x128x128xf32, #tpu.memory_space<vmem>> -> memref<1x128x128xf32, #tpu.memory_space<vmem>>
        %dma_start3A_436 = tpu.memref_squeeze %dma_start3A_435 : memref<1x128x128xf32, #tpu.memory_space<vmem>> -> memref<128x128xf32, #tpu.memory_space<vmem>>
        %dma_start3A_437 = arith.constant 0 : i32
        %dma_start3A_438 = tpu.memref_slice %arg10[%dma_start3A_430, %dma_start3A_437] : memref<4x128xi32, #tpu.memory_space<vmem>> -> memref<1x128xi32, #tpu.memory_space<vmem>>
        %dma_start3A_439 = tpu.memref_squeeze %dma_start3A_438 : memref<1x128xi32, #tpu.memory_space<vmem>> -> memref<128xi32, #tpu.memory_space<vmem>>
        %dma_start3A_440 = arith.constant 0 : i32
        %dma_start3A_441 = arith.constant 0 : i32
        %dma_start3A_442 = tpu.memref_slice %arg2[%dma_start3A_440, %dma_start3A_441] : memref<10000x128xf32, #tpu.memory_space<hbm>> -> memref<10000x128xf32, #tpu.memory_space<hbm>>
        %dma_start3A_443 = tpu.memref_slice %arg16[%dma_start3A_432] : memref<2x!tpu.dma_semaphore, #tpu.memory_space<semaphore_mem>> -> memref<1x!tpu.dma_semaphore, #tpu.memory_space<semaphore_mem>>
        %dma_start3A_444 = tpu.memref_squeeze %dma_start3A_443 : memref<1x!tpu.dma_semaphore, #tpu.memory_space<semaphore_mem>> -> memref<!tpu.dma_semaphore, #tpu.memory_space<semaphore_mem>>
        tpu.enqueue_indirect_dma source(%dma_start3A_442 : memref<10000x128xf32, #tpu.memory_space<hbm>>) target(%dma_start3A_436 : memref<128x128xf32, #tpu.memory_space<vmem>>) offsets(%dma_start3A_439 : memref<128xi32, #tpu.memory_space<vmem>>) semaphore(%dma_start3A_444 : memref<!tpu.dma_semaphore, #tpu.memory_space<semaphore_mem>>)
      } else {
      }
      %mul3A_256 = arith.constant 4 : i32
      %mul3A_257 = arith.muli %scan3A_207, %mul3A_256 : i32
      %add3A_258 = arith.constant 1 : i32
      %add3A_259 = arith.addi %mul3A_257, %add3A_258 : i32
      %dma_wait3A_260 = arith.constant 1 : i32
      %dma_wait3A_261 = arith.constant 1 : i32
      %dma_wait3A_262 = arith.constant 1 : i32
      %dma_wait3A_263 = arith.constant 0 : i32
      %dma_wait3A_264 = arith.constant 0 : i32
      %dma_wait3A_265 = tpu.memref_slice %arg12[%dma_wait3A_261, %dma_wait3A_263, %dma_wait3A_264] : memref<2x128x128xf32, #tpu.memory_space<vmem>> -> memref<1x128x128xf32, #tpu.memory_space<vmem>>
      %dma_wait3A_266 = tpu.memref_squeeze %dma_wait3A_265 : memref<1x128x128xf32, #tpu.memory_space<vmem>> -> memref<128x128xf32, #tpu.memory_space<vmem>>
      %dma_wait3A_267 = arith.constant 0 : i32
      %dma_wait3A_268 = tpu.memref_slice %arg10[%dma_wait3A_260, %dma_wait3A_267] : memref<4x128xi32, #tpu.memory_space<vmem>> -> memref<1x128xi32, #tpu.memory_space<vmem>>
      %dma_wait3A_269 = tpu.memref_squeeze %dma_wait3A_268 : memref<1x128xi32, #tpu.memory_space<vmem>> -> memref<128xi32, #tpu.memory_space<vmem>>
      %dma_wait3A_270 = arith.constant 0 : i32
      %dma_wait3A_271 = arith.constant 0 : i32
      %dma_wait3A_272 = tpu.memref_slice %arg2[%dma_wait3A_270, %dma_wait3A_271] : memref<10000x128xf32, #tpu.memory_space<hbm>> -> memref<10000x128xf32, #tpu.memory_space<hbm>>
      %dma_wait3A_273 = tpu.memref_slice %arg16[%dma_wait3A_262] : memref<2x!tpu.dma_semaphore, #tpu.memory_space<semaphore_mem>> -> memref<1x!tpu.dma_semaphore, #tpu.memory_space<semaphore_mem>>
      %dma_wait3A_274 = tpu.memref_squeeze %dma_wait3A_273 : memref<1x!tpu.dma_semaphore, #tpu.memory_space<semaphore_mem>> -> memref<!tpu.dma_semaphore, #tpu.memory_space<semaphore_mem>>
      tpu.wait_indirect_dma semaphore(%dma_wait3A_274 : memref<!tpu.dma_semaphore, #tpu.memory_space<semaphore_mem>>) src(%dma_wait3A_272 : memref<10000x128xf32, #tpu.memory_space<hbm>>) dst(%dma_wait3A_266 : memref<128x128xf32, #tpu.memory_space<vmem>>)
      %dma_wait3A_275 = arith.constant 1 : i32
      %dma_wait3A_276 = arith.constant 1 : i32
      %dma_wait3A_277 = arith.constant 0 : i32
      %dma_wait3A_278 = tpu.memref_slice %arg11[%dma_wait3A_275, %dma_wait3A_277] : memref<4x128xi32, #tpu.memory_space<vmem>> -> memref<1x128xi32, #tpu.memory_space<vmem>>
      %dma_wait3A_279 = tpu.memref_squeeze %dma_wait3A_278 : memref<1x128xi32, #tpu.memory_space<vmem>> -> memref<128xi32, #tpu.memory_space<vmem>>
      %dma_wait3A_280 = arith.constant 0 : i32
      %dma_wait3A_281 = tpu.memref_slice %arg4[%add3A, %add3A_259, %dma_wait3A_280] : memref<32x80x128xi32, #tpu.memory_space<hbm>> -> memref<1x1x128xi32, #tpu.memory_space<hbm>>
      %dma_wait3A_282 = tpu.memref_squeeze %dma_wait3A_281 : memref<1x1x128xi32, #tpu.memory_space<hbm>> -> memref<128xi32, #tpu.memory_space<hbm>>
      %dma_wait3A_283 = tpu.memref_slice %arg18[%dma_wait3A_276] : memref<4x!tpu.dma_semaphore, #tpu.memory_space<semaphore_mem>> -> memref<1x!tpu.dma_semaphore, #tpu.memory_space<semaphore_mem>>
      %dma_wait3A_284 = tpu.memref_squeeze %dma_wait3A_283 : memref<1x!tpu.dma_semaphore, #tpu.memory_space<semaphore_mem>> -> memref<!tpu.dma_semaphore, #tpu.memory_space<semaphore_mem>>
      %dma_wait3A_285 = arith.constant 0 : i32
      %dma_wait3A_286 = tpu.memref_slice %arg11[%dma_wait3A_275, %dma_wait3A_285] : memref<4x128xi32, #tpu.memory_space<vmem>> -> memref<1x128xi32, #tpu.memory_space<vmem>>
      %dma_wait3A_287 = tpu.memref_squeeze %dma_wait3A_286 : memref<1x128xi32, #tpu.memory_space<vmem>> -> memref<128xi32, #tpu.memory_space<vmem>>
      %dma_wait3A_288 = arith.constant 0 : i32
      %dma_wait3A_289 = tpu.memref_slice %arg4[%add3A, %add3A_259, %dma_wait3A_288] : memref<32x80x128xi32, #tpu.memory_space<hbm>> -> memref<1x1x128xi32, #tpu.memory_space<hbm>>
      %dma_wait3A_290 = tpu.memref_squeeze %dma_wait3A_289 : memref<1x1x128xi32, #tpu.memory_space<hbm>> -> memref<128xi32, #tpu.memory_space<hbm>>
      tpu.wait_dma2 semaphore(%dma_wait3A_284 : memref<!tpu.dma_semaphore, #tpu.memory_space<semaphore_mem>>) src(%dma_wait3A_290 : memref<128xi32, #tpu.memory_space<hbm>>) dst(%dma_wait3A_287 : memref<128xi32, #tpu.memory_space<vmem>>)
      %run_scoped3A_291 = arith.constant 1 : i32
      %run_scoped3A_292 = arith.constant 1 : i32
      "tpu.region"() ({
        %run_scoped3A_412 = tpu.sem_alloc : memref<!tpu.dma_semaphore, #tpu.memory_space<semaphore_mem>>
        %dma_start3A_413 = arith.constant 0 : i32
        %dma_start3A_414 = arith.constant 0 : i32
        %dma_start3A_415 = tpu.memref_slice %arg12[%run_scoped3A_291, %dma_start3A_413, %dma_start3A_414] : memref<2x128x128xf32, #tpu.memory_space<vmem>> -> memref<1x128x128xf32, #tpu.memory_space<vmem>>
        %dma_start3A_416 = tpu.memref_squeeze %dma_start3A_415 : memref<1x128x128xf32, #tpu.memory_space<vmem>> -> memref<128x128xf32, #tpu.memory_space<vmem>>
        %dma_start3A_417 = arith.constant 0 : i32
        %dma_start3A_418 = tpu.memref_slice %arg11[%run_scoped3A_292, %dma_start3A_417] : memref<4x128xi32, #tpu.memory_space<vmem>> -> memref<1x128xi32, #tpu.memory_space<vmem>>
        %dma_start3A_419 = tpu.memref_squeeze %dma_start3A_418 : memref<1x128xi32, #tpu.memory_space<vmem>> -> memref<128xi32, #tpu.memory_space<vmem>>
        %dma_start3A_420 = arith.constant 0 : i32
        %dma_start3A_421 = arith.constant 0 : i32
        %dma_start3A_422 = tpu.memref_slice %arg14[%dma_start3A_420, %dma_start3A_421] : memref<10240x128xf32, #tpu.memory_space<vmem_shared>> -> memref<10240x128xf32, #tpu.memory_space<vmem_shared>>
        tpu.enqueue_indirect_dma source(%dma_start3A_416 : memref<128x128xf32, #tpu.memory_space<vmem>>) target(%dma_start3A_422 : memref<10240x128xf32, #tpu.memory_space<vmem_shared>>) offsets(%dma_start3A_419 : memref<128xi32, #tpu.memory_space<vmem>>) semaphore(%run_scoped3A_412 : memref<!tpu.dma_semaphore, #tpu.memory_space<semaphore_mem>>) {add = true}
        %dma_wait3A_423 = arith.constant 0 : i32
        %dma_wait3A_424 = arith.constant 0 : i32
        %dma_wait3A_425 = tpu.memref_slice %arg12[%run_scoped3A_291, %dma_wait3A_423, %dma_wait3A_424] : memref<2x128x128xf32, #tpu.memory_space<vmem>> -> memref<1x128x128xf32, #tpu.memory_space<vmem>>
        %dma_wait3A_426 = tpu.memref_squeeze %dma_wait3A_425 : memref<1x128x128xf32, #tpu.memory_space<vmem>> -> memref<128x128xf32, #tpu.memory_space<vmem>>
        %dma_wait3A_427 = arith.constant 0 : i32
        %dma_wait3A_428 = tpu.memref_slice %arg11[%run_scoped3A_292, %dma_wait3A_427] : memref<4x128xi32, #tpu.memory_space<vmem>> -> memref<1x128xi32, #tpu.memory_space<vmem>>
        %dma_wait3A_429 = tpu.memref_squeeze %dma_wait3A_428 : memref<1x128xi32, #tpu.memory_space<vmem>> -> memref<128xi32, #tpu.memory_space<vmem>>
        %dma_wait3A_430 = arith.constant 0 : i32
        %dma_wait3A_431 = arith.constant 0 : i32
        %dma_wait3A_432 = tpu.memref_slice %arg14[%dma_wait3A_430, %dma_wait3A_431] : memref<10240x128xf32, #tpu.memory_space<vmem_shared>> -> memref<10240x128xf32, #tpu.memory_space<vmem_shared>>
        tpu.wait_indirect_dma semaphore(%run_scoped3A_412 : memref<!tpu.dma_semaphore, #tpu.memory_space<semaphore_mem>>) src(%dma_wait3A_426 : memref<128x128xf32, #tpu.memory_space<vmem>>) dst(%dma_wait3A_432 : memref<10240x128xf32, #tpu.memory_space<vmem_shared>>)
        tpu.yield
      }) : () -> ()
      %run_scoped3A_293 = arith.constant 1 : i32
      "tpu.region"() ({
        %run_scoped3A_412 = tpu.sem_alloc : memref<!tpu.dma_semaphore, #tpu.memory_space<semaphore_mem>>
        %dma_start3A_413 = arith.constant 0 : i32
        %dma_start3A_414 = tpu.memref_slice %arg11[%run_scoped3A_293, %dma_start3A_413] : memref<4x128xi32, #tpu.memory_space<vmem>> -> memref<1x128xi32, #tpu.memory_space<vmem>>
        %dma_start3A_415 = tpu.memref_squeeze %dma_start3A_414 : memref<1x128xi32, #tpu.memory_space<vmem>> -> memref<128xi32, #tpu.memory_space<vmem>>
        %dma_start3A_416 = arith.constant 0 : i32
        %dma_start3A_417 = arith.constant 0 : i32
        %dma_start3A_418 = tpu.memref_slice %arg15[%dma_start3A_416, %dma_start3A_417] : memref<10240x16xf32, #tpu.memory_space<vmem_shared>> -> memref<10240x16xf32, #tpu.memory_space<vmem_shared>>
        tpu.enqueue_indirect_dma source(%arg13 : memref<128x16xf32, #tpu.memory_space<vmem>>) target(%dma_start3A_418 : memref<10240x16xf32, #tpu.memory_space<vmem_shared>>) offsets(%dma_start3A_415 : memref<128xi32, #tpu.memory_space<vmem>>) semaphore(%run_scoped3A_412 : memref<!tpu.dma_semaphore, #tpu.memory_space<semaphore_mem>>) {add = true}
        %dma_wait3A_419 = arith.constant 0 : i32
        %dma_wait3A_420 = tpu.memref_slice %arg11[%run_scoped3A_293, %dma_wait3A_419] : memref<4x128xi32, #tpu.memory_space<vmem>> -> memref<1x128xi32, #tpu.memory_space<vmem>>
        %dma_wait3A_421 = tpu.memref_squeeze %dma_wait3A_420 : memref<1x128xi32, #tpu.memory_space<vmem>> -> memref<128xi32, #tpu.memory_space<vmem>>
        %dma_wait3A_422 = arith.constant 0 : i32
        %dma_wait3A_423 = arith.constant 0 : i32
        %dma_wait3A_424 = tpu.memref_slice %arg15[%dma_wait3A_422, %dma_wait3A_423] : memref<10240x16xf32, #tpu.memory_space<vmem_shared>> -> memref<10240x16xf32, #tpu.memory_space<vmem_shared>>
        tpu.wait_indirect_dma semaphore(%run_scoped3A_412 : memref<!tpu.dma_semaphore, #tpu.memory_space<semaphore_mem>>) src(%arg13 : memref<128x16xf32, #tpu.memory_space<vmem>>) dst(%dma_wait3A_424 : memref<10240x16xf32, #tpu.memory_space<vmem_shared>>)
        tpu.yield
      }) : () -> ()
      %add3A_294 = arith.constant 4 : i32
      %add3A_295 = arith.addi %add3A_259, %add3A_294 : i32
      %lt3A_296 = arith.constant 80 : i32
      %lt3A_297 = arith.cmpi slt, %add3A_295, %lt3A_296 : i32
      %convert_element_type3A_298 = arith.extui %lt3A_297 : i1 to i32
      %cond3A_299 = arith.constant 0 : i32
      %cond3A_300 = arith.cmpi ne, %convert_element_type3A_298, %cond3A_299 : i32
      scf.if %cond3A_300 {
        %add3A_412 = arith.constant 4 : i32
        %add3A_413 = arith.addi %add3A_259, %add3A_412 : i32
        %dma_start3A_414 = arith.constant 1 : i32
        %dma_start3A_415 = arith.constant 1 : i32
        %dma_start3A_416 = arith.constant 0 : i32
        %dma_start3A_417 = tpu.memref_slice %arg10[%dma_start3A_414, %dma_start3A_416] : memref<4x128xi32, #tpu.memory_space<vmem>> -> memref<1x128xi32, #tpu.memory_space<vmem>>
        %dma_start3A_418 = tpu.memref_squeeze %dma_start3A_417 : memref<1x128xi32, #tpu.memory_space<vmem>> -> memref<128xi32, #tpu.memory_space<vmem>>
        %dma_start3A_419 = arith.constant 0 : i32
        %dma_start3A_420 = tpu.memref_slice %arg3[%add3A, %add3A_413, %dma_start3A_419] : memref<32x80x128xi32, #tpu.memory_space<hbm>> -> memref<1x1x128xi32, #tpu.memory_space<hbm>>
        %dma_start3A_421 = tpu.memref_squeeze %dma_start3A_420 : memref<1x1x128xi32, #tpu.memory_space<hbm>> -> memref<128xi32, #tpu.memory_space<hbm>>
        %dma_start3A_422 = tpu.memref_slice %arg17[%dma_start3A_415] : memref<4x!tpu.dma_semaphore, #tpu.memory_space<semaphore_mem>> -> memref<1x!tpu.dma_semaphore, #tpu.memory_space<semaphore_mem>>
        %dma_start3A_423 = tpu.memref_squeeze %dma_start3A_422 : memref<1x!tpu.dma_semaphore, #tpu.memory_space<semaphore_mem>> -> memref<!tpu.dma_semaphore, #tpu.memory_space<semaphore_mem>>
        %dma_start3A_424 = arith.constant 0 : i32
        %dma_start3A_425 = tpu.memref_slice %arg10[%dma_start3A_414, %dma_start3A_424] : memref<4x128xi32, #tpu.memory_space<vmem>> -> memref<1x128xi32, #tpu.memory_space<vmem>>
        %dma_start3A_426 = tpu.memref_squeeze %dma_start3A_425 : memref<1x128xi32, #tpu.memory_space<vmem>> -> memref<128xi32, #tpu.memory_space<vmem>>
        %dma_start3A_427 = arith.constant 0 : i32
        %dma_start3A_428 = tpu.memref_slice %arg3[%add3A, %add3A_413, %dma_start3A_427] : memref<32x80x128xi32, #tpu.memory_space<hbm>> -> memref<1x1x128xi32, #tpu.memory_space<hbm>>
        %dma_start3A_429 = tpu.memref_squeeze %dma_start3A_428 : memref<1x1x128xi32, #tpu.memory_space<hbm>> -> memref<128xi32, #tpu.memory_space<hbm>>
        tpu.enqueue_dma source(%dma_start3A_429 : memref<128xi32, #tpu.memory_space<hbm>>) target(%dma_start3A_426 : memref<128xi32, #tpu.memory_space<vmem>>) target_semaphore(%dma_start3A_423 : memref<!tpu.dma_semaphore, #tpu.memory_space<semaphore_mem>>)
        %dma_start3A_430 = arith.constant 1 : i32
        %dma_start3A_431 = arith.constant 1 : i32
        %dma_start3A_432 = arith.constant 0 : i32
        %dma_start3A_433 = tpu.memref_slice %arg11[%dma_start3A_430, %dma_start3A_432] : memref<4x128xi32, #tpu.memory_space<vmem>> -> memref<1x128xi32, #tpu.memory_space<vmem>>
        %dma_start3A_434 = tpu.memref_squeeze %dma_start3A_433 : memref<1x128xi32, #tpu.memory_space<vmem>> -> memref<128xi32, #tpu.memory_space<vmem>>
        %dma_start3A_435 = arith.constant 0 : i32
        %dma_start3A_436 = tpu.memref_slice %arg4[%add3A, %add3A_413, %dma_start3A_435] : memref<32x80x128xi32, #tpu.memory_space<hbm>> -> memref<1x1x128xi32, #tpu.memory_space<hbm>>
        %dma_start3A_437 = tpu.memref_squeeze %dma_start3A_436 : memref<1x1x128xi32, #tpu.memory_space<hbm>> -> memref<128xi32, #tpu.memory_space<hbm>>
        %dma_start3A_438 = tpu.memref_slice %arg18[%dma_start3A_431] : memref<4x!tpu.dma_semaphore, #tpu.memory_space<semaphore_mem>> -> memref<1x!tpu.dma_semaphore, #tpu.memory_space<semaphore_mem>>
        %dma_start3A_439 = tpu.memref_squeeze %dma_start3A_438 : memref<1x!tpu.dma_semaphore, #tpu.memory_space<semaphore_mem>> -> memref<!tpu.dma_semaphore, #tpu.memory_space<semaphore_mem>>
        %dma_start3A_440 = arith.constant 0 : i32
        %dma_start3A_441 = tpu.memref_slice %arg11[%dma_start3A_430, %dma_start3A_440] : memref<4x128xi32, #tpu.memory_space<vmem>> -> memref<1x128xi32, #tpu.memory_space<vmem>>
        %dma_start3A_442 = tpu.memref_squeeze %dma_start3A_441 : memref<1x128xi32, #tpu.memory_space<vmem>> -> memref<128xi32, #tpu.memory_space<vmem>>
        %dma_start3A_443 = arith.constant 0 : i32
        %dma_start3A_444 = tpu.memref_slice %arg4[%add3A, %add3A_413, %dma_start3A_443] : memref<32x80x128xi32, #tpu.memory_space<hbm>> -> memref<1x1x128xi32, #tpu.memory_space<hbm>>
        %dma_start3A_445 = tpu.memref_squeeze %dma_start3A_444 : memref<1x1x128xi32, #tpu.memory_space<hbm>> -> memref<128xi32, #tpu.memory_space<hbm>>
        tpu.enqueue_dma source(%dma_start3A_445 : memref<128xi32, #tpu.memory_space<hbm>>) target(%dma_start3A_442 : memref<128xi32, #tpu.memory_space<vmem>>) target_semaphore(%dma_start3A_439 : memref<!tpu.dma_semaphore, #tpu.memory_space<semaphore_mem>>)
      } else {
      }
      %add3A_301 = arith.constant 2 : i32
      %add3A_302 = arith.addi %add3A_259, %add3A_301 : i32
      %lt3A_303 = arith.constant 80 : i32
      %lt3A_304 = arith.cmpi slt, %add3A_302, %lt3A_303 : i32
      %convert_element_type3A_305 = arith.extui %lt3A_304 : i1 to i32
      %cond3A_306 = arith.constant 0 : i32
      %cond3A_307 = arith.cmpi ne, %convert_element_type3A_305, %cond3A_306 : i32
      scf.if %cond3A_307 {
        %add3A_412 = arith.constant 2 : i32
        %add3A_413 = arith.addi %add3A_259, %add3A_412 : i32
        %dma_wait3A_414 = arith.constant 3 : i32
        %dma_wait3A_415 = arith.constant 3 : i32
        %dma_wait3A_416 = arith.constant 0 : i32
        %dma_wait3A_417 = tpu.memref_slice %arg10[%dma_wait3A_414, %dma_wait3A_416] : memref<4x128xi32, #tpu.memory_space<vmem>> -> memref<1x128xi32, #tpu.memory_space<vmem>>
        %dma_wait3A_418 = tpu.memref_squeeze %dma_wait3A_417 : memref<1x128xi32, #tpu.memory_space<vmem>> -> memref<128xi32, #tpu.memory_space<vmem>>
        %dma_wait3A_419 = arith.constant 0 : i32
        %dma_wait3A_420 = tpu.memref_slice %arg3[%add3A, %add3A_413, %dma_wait3A_419] : memref<32x80x128xi32, #tpu.memory_space<hbm>> -> memref<1x1x128xi32, #tpu.memory_space<hbm>>
        %dma_wait3A_421 = tpu.memref_squeeze %dma_wait3A_420 : memref<1x1x128xi32, #tpu.memory_space<hbm>> -> memref<128xi32, #tpu.memory_space<hbm>>
        %dma_wait3A_422 = tpu.memref_slice %arg17[%dma_wait3A_415] : memref<4x!tpu.dma_semaphore, #tpu.memory_space<semaphore_mem>> -> memref<1x!tpu.dma_semaphore, #tpu.memory_space<semaphore_mem>>
        %dma_wait3A_423 = tpu.memref_squeeze %dma_wait3A_422 : memref<1x!tpu.dma_semaphore, #tpu.memory_space<semaphore_mem>> -> memref<!tpu.dma_semaphore, #tpu.memory_space<semaphore_mem>>
        %dma_wait3A_424 = arith.constant 0 : i32
        %dma_wait3A_425 = tpu.memref_slice %arg10[%dma_wait3A_414, %dma_wait3A_424] : memref<4x128xi32, #tpu.memory_space<vmem>> -> memref<1x128xi32, #tpu.memory_space<vmem>>
        %dma_wait3A_426 = tpu.memref_squeeze %dma_wait3A_425 : memref<1x128xi32, #tpu.memory_space<vmem>> -> memref<128xi32, #tpu.memory_space<vmem>>
        %dma_wait3A_427 = arith.constant 0 : i32
        %dma_wait3A_428 = tpu.memref_slice %arg3[%add3A, %add3A_413, %dma_wait3A_427] : memref<32x80x128xi32, #tpu.memory_space<hbm>> -> memref<1x1x128xi32, #tpu.memory_space<hbm>>
        %dma_wait3A_429 = tpu.memref_squeeze %dma_wait3A_428 : memref<1x1x128xi32, #tpu.memory_space<hbm>> -> memref<128xi32, #tpu.memory_space<hbm>>
        tpu.wait_dma2 semaphore(%dma_wait3A_423 : memref<!tpu.dma_semaphore, #tpu.memory_space<semaphore_mem>>) src(%dma_wait3A_429 : memref<128xi32, #tpu.memory_space<hbm>>) dst(%dma_wait3A_426 : memref<128xi32, #tpu.memory_space<vmem>>)
        %dma_start3A_430 = arith.constant 3 : i32
        %dma_start3A_431 = arith.constant 1 : i32
        %dma_start3A_432 = arith.constant 1 : i32
        %dma_start3A_433 = arith.constant 0 : i32
        %dma_start3A_434 = arith.constant 0 : i32
        %dma_start3A_435 = tpu.memref_slice %arg12[%dma_start3A_431, %dma_start3A_433, %dma_start3A_434] : memref<2x128x128xf32, #tpu.memory_space<vmem>> -> memref<1x128x128xf32, #tpu.memory_space<vmem>>
        %dma_start3A_436 = tpu.memref_squeeze %dma_start3A_435 : memref<1x128x128xf32, #tpu.memory_space<vmem>> -> memref<128x128xf32, #tpu.memory_space<vmem>>
        %dma_start3A_437 = arith.constant 0 : i32
        %dma_start3A_438 = tpu.memref_slice %arg10[%dma_start3A_430, %dma_start3A_437] : memref<4x128xi32, #tpu.memory_space<vmem>> -> memref<1x128xi32, #tpu.memory_space<vmem>>
        %dma_start3A_439 = tpu.memref_squeeze %dma_start3A_438 : memref<1x128xi32, #tpu.memory_space<vmem>> -> memref<128xi32, #tpu.memory_space<vmem>>
        %dma_start3A_440 = arith.constant 0 : i32
        %dma_start3A_441 = arith.constant 0 : i32
        %dma_start3A_442 = tpu.memref_slice %arg2[%dma_start3A_440, %dma_start3A_441] : memref<10000x128xf32, #tpu.memory_space<hbm>> -> memref<10000x128xf32, #tpu.memory_space<hbm>>
        %dma_start3A_443 = tpu.memref_slice %arg16[%dma_start3A_432] : memref<2x!tpu.dma_semaphore, #tpu.memory_space<semaphore_mem>> -> memref<1x!tpu.dma_semaphore, #tpu.memory_space<semaphore_mem>>
        %dma_start3A_444 = tpu.memref_squeeze %dma_start3A_443 : memref<1x!tpu.dma_semaphore, #tpu.memory_space<semaphore_mem>> -> memref<!tpu.dma_semaphore, #tpu.memory_space<semaphore_mem>>
        tpu.enqueue_indirect_dma source(%dma_start3A_442 : memref<10000x128xf32, #tpu.memory_space<hbm>>) target(%dma_start3A_436 : memref<128x128xf32, #tpu.memory_space<vmem>>) offsets(%dma_start3A_439 : memref<128xi32, #tpu.memory_space<vmem>>) semaphore(%dma_start3A_444 : memref<!tpu.dma_semaphore, #tpu.memory_space<semaphore_mem>>)
      } else {
      }
      %mul3A_308 = arith.constant 4 : i32
      %mul3A_309 = arith.muli %scan3A_207, %mul3A_308 : i32
      %add3A_310 = arith.constant 2 : i32
      %add3A_311 = arith.addi %mul3A_309, %add3A_310 : i32
      %dma_wait3A_312 = arith.constant 2 : i32
      %dma_wait3A_313 = arith.constant 0 : i32
      %dma_wait3A_314 = arith.constant 0 : i32
      %dma_wait3A_315 = arith.constant 0 : i32
      %dma_wait3A_316 = arith.constant 0 : i32
      %dma_wait3A_317 = tpu.memref_slice %arg12[%dma_wait3A_313, %dma_wait3A_315, %dma_wait3A_316] : memref<2x128x128xf32, #tpu.memory_space<vmem>> -> memref<1x128x128xf32, #tpu.memory_space<vmem>>
      %dma_wait3A_318 = tpu.memref_squeeze %dma_wait3A_317 : memref<1x128x128xf32, #tpu.memory_space<vmem>> -> memref<128x128xf32, #tpu.memory_space<vmem>>
      %dma_wait3A_319 = arith.constant 0 : i32
      %dma_wait3A_320 = tpu.memref_slice %arg10[%dma_wait3A_312, %dma_wait3A_319] : memref<4x128xi32, #tpu.memory_space<vmem>> -> memref<1x128xi32, #tpu.memory_space<vmem>>
      %dma_wait3A_321 = tpu.memref_squeeze %dma_wait3A_320 : memref<1x128xi32, #tpu.memory_space<vmem>> -> memref<128xi32, #tpu.memory_space<vmem>>
      %dma_wait3A_322 = arith.constant 0 : i32
      %dma_wait3A_323 = arith.constant 0 : i32
      %dma_wait3A_324 = tpu.memref_slice %arg2[%dma_wait3A_322, %dma_wait3A_323] : memref<10000x128xf32, #tpu.memory_space<hbm>> -> memref<10000x128xf32, #tpu.memory_space<hbm>>
      %dma_wait3A_325 = tpu.memref_slice %arg16[%dma_wait3A_314] : memref<2x!tpu.dma_semaphore, #tpu.memory_space<semaphore_mem>> -> memref<1x!tpu.dma_semaphore, #tpu.memory_space<semaphore_mem>>
      %dma_wait3A_326 = tpu.memref_squeeze %dma_wait3A_325 : memref<1x!tpu.dma_semaphore, #tpu.memory_space<semaphore_mem>> -> memref<!tpu.dma_semaphore, #tpu.memory_space<semaphore_mem>>
      tpu.wait_indirect_dma semaphore(%dma_wait3A_326 : memref<!tpu.dma_semaphore, #tpu.memory_space<semaphore_mem>>) src(%dma_wait3A_324 : memref<10000x128xf32, #tpu.memory_space<hbm>>) dst(%dma_wait3A_318 : memref<128x128xf32, #tpu.memory_space<vmem>>)
      %dma_wait3A_327 = arith.constant 2 : i32
      %dma_wait3A_328 = arith.constant 2 : i32
      %dma_wait3A_329 = arith.constant 0 : i32
      %dma_wait3A_330 = tpu.memref_slice %arg11[%dma_wait3A_327, %dma_wait3A_329] : memref<4x128xi32, #tpu.memory_space<vmem>> -> memref<1x128xi32, #tpu.memory_space<vmem>>
      %dma_wait3A_331 = tpu.memref_squeeze %dma_wait3A_330 : memref<1x128xi32, #tpu.memory_space<vmem>> -> memref<128xi32, #tpu.memory_space<vmem>>
      %dma_wait3A_332 = arith.constant 0 : i32
      %dma_wait3A_333 = tpu.memref_slice %arg4[%add3A, %add3A_311, %dma_wait3A_332] : memref<32x80x128xi32, #tpu.memory_space<hbm>> -> memref<1x1x128xi32, #tpu.memory_space<hbm>>
      %dma_wait3A_334 = tpu.memref_squeeze %dma_wait3A_333 : memref<1x1x128xi32, #tpu.memory_space<hbm>> -> memref<128xi32, #tpu.memory_space<hbm>>
      %dma_wait3A_335 = tpu.memref_slice %arg18[%dma_wait3A_328] : memref<4x!tpu.dma_semaphore, #tpu.memory_space<semaphore_mem>> -> memref<1x!tpu.dma_semaphore, #tpu.memory_space<semaphore_mem>>
      %dma_wait3A_336 = tpu.memref_squeeze %dma_wait3A_335 : memref<1x!tpu.dma_semaphore, #tpu.memory_space<semaphore_mem>> -> memref<!tpu.dma_semaphore, #tpu.memory_space<semaphore_mem>>
      %dma_wait3A_337 = arith.constant 0 : i32
      %dma_wait3A_338 = tpu.memref_slice %arg11[%dma_wait3A_327, %dma_wait3A_337] : memref<4x128xi32, #tpu.memory_space<vmem>> -> memref<1x128xi32, #tpu.memory_space<vmem>>
      %dma_wait3A_339 = tpu.memref_squeeze %dma_wait3A_338 : memref<1x128xi32, #tpu.memory_space<vmem>> -> memref<128xi32, #tpu.memory_space<vmem>>
      %dma_wait3A_340 = arith.constant 0 : i32
      %dma_wait3A_341 = tpu.memref_slice %arg4[%add3A, %add3A_311, %dma_wait3A_340] : memref<32x80x128xi32, #tpu.memory_space<hbm>> -> memref<1x1x128xi32, #tpu.memory_space<hbm>>
      %dma_wait3A_342 = tpu.memref_squeeze %dma_wait3A_341 : memref<1x1x128xi32, #tpu.memory_space<hbm>> -> memref<128xi32, #tpu.memory_space<hbm>>
      tpu.wait_dma2 semaphore(%dma_wait3A_336 : memref<!tpu.dma_semaphore, #tpu.memory_space<semaphore_mem>>) src(%dma_wait3A_342 : memref<128xi32, #tpu.memory_space<hbm>>) dst(%dma_wait3A_339 : memref<128xi32, #tpu.memory_space<vmem>>)
      %run_scoped3A_343 = arith.constant 0 : i32
      %run_scoped3A_344 = arith.constant 2 : i32
      "tpu.region"() ({
        %run_scoped3A_412 = tpu.sem_alloc : memref<!tpu.dma_semaphore, #tpu.memory_space<semaphore_mem>>
        %dma_start3A_413 = arith.constant 0 : i32
        %dma_start3A_414 = arith.constant 0 : i32
        %dma_start3A_415 = tpu.memref_slice %arg12[%run_scoped3A_343, %dma_start3A_413, %dma_start3A_414] : memref<2x128x128xf32, #tpu.memory_space<vmem>> -> memref<1x128x128xf32, #tpu.memory_space<vmem>>
        %dma_start3A_416 = tpu.memref_squeeze %dma_start3A_415 : memref<1x128x128xf32, #tpu.memory_space<vmem>> -> memref<128x128xf32, #tpu.memory_space<vmem>>
        %dma_start3A_417 = arith.constant 0 : i32
        %dma_start3A_418 = tpu.memref_slice %arg11[%run_scoped3A_344, %dma_start3A_417] : memref<4x128xi32, #tpu.memory_space<vmem>> -> memref<1x128xi32, #tpu.memory_space<vmem>>
        %dma_start3A_419 = tpu.memref_squeeze %dma_start3A_418 : memref<1x128xi32, #tpu.memory_space<vmem>> -> memref<128xi32, #tpu.memory_space<vmem>>
        %dma_start3A_420 = arith.constant 0 : i32
        %dma_start3A_421 = arith.constant 0 : i32
        %dma_start3A_422 = tpu.memref_slice %arg14[%dma_start3A_420, %dma_start3A_421] : memref<10240x128xf32, #tpu.memory_space<vmem_shared>> -> memref<10240x128xf32, #tpu.memory_space<vmem_shared>>
        tpu.enqueue_indirect_dma source(%dma_start3A_416 : memref<128x128xf32, #tpu.memory_space<vmem>>) target(%dma_start3A_422 : memref<10240x128xf32, #tpu.memory_space<vmem_shared>>) offsets(%dma_start3A_419 : memref<128xi32, #tpu.memory_space<vmem>>) semaphore(%run_scoped3A_412 : memref<!tpu.dma_semaphore, #tpu.memory_space<semaphore_mem>>) {add = true}
        %dma_wait3A_423 = arith.constant 0 : i32
        %dma_wait3A_424 = arith.constant 0 : i32
        %dma_wait3A_425 = tpu.memref_slice %arg12[%run_scoped3A_343, %dma_wait3A_423, %dma_wait3A_424] : memref<2x128x128xf32, #tpu.memory_space<vmem>> -> memref<1x128x128xf32, #tpu.memory_space<vmem>>
        %dma_wait3A_426 = tpu.memref_squeeze %dma_wait3A_425 : memref<1x128x128xf32, #tpu.memory_space<vmem>> -> memref<128x128xf32, #tpu.memory_space<vmem>>
        %dma_wait3A_427 = arith.constant 0 : i32
        %dma_wait3A_428 = tpu.memref_slice %arg11[%run_scoped3A_344, %dma_wait3A_427] : memref<4x128xi32, #tpu.memory_space<vmem>> -> memref<1x128xi32, #tpu.memory_space<vmem>>
        %dma_wait3A_429 = tpu.memref_squeeze %dma_wait3A_428 : memref<1x128xi32, #tpu.memory_space<vmem>> -> memref<128xi32, #tpu.memory_space<vmem>>
        %dma_wait3A_430 = arith.constant 0 : i32
        %dma_wait3A_431 = arith.constant 0 : i32
        %dma_wait3A_432 = tpu.memref_slice %arg14[%dma_wait3A_430, %dma_wait3A_431] : memref<10240x128xf32, #tpu.memory_space<vmem_shared>> -> memref<10240x128xf32, #tpu.memory_space<vmem_shared>>
        tpu.wait_indirect_dma semaphore(%run_scoped3A_412 : memref<!tpu.dma_semaphore, #tpu.memory_space<semaphore_mem>>) src(%dma_wait3A_426 : memref<128x128xf32, #tpu.memory_space<vmem>>) dst(%dma_wait3A_432 : memref<10240x128xf32, #tpu.memory_space<vmem_shared>>)
        tpu.yield
      }) : () -> ()
      %run_scoped3A_345 = arith.constant 2 : i32
      "tpu.region"() ({
        %run_scoped3A_412 = tpu.sem_alloc : memref<!tpu.dma_semaphore, #tpu.memory_space<semaphore_mem>>
        %dma_start3A_413 = arith.constant 0 : i32
        %dma_start3A_414 = tpu.memref_slice %arg11[%run_scoped3A_345, %dma_start3A_413] : memref<4x128xi32, #tpu.memory_space<vmem>> -> memref<1x128xi32, #tpu.memory_space<vmem>>
        %dma_start3A_415 = tpu.memref_squeeze %dma_start3A_414 : memref<1x128xi32, #tpu.memory_space<vmem>> -> memref<128xi32, #tpu.memory_space<vmem>>
        %dma_start3A_416 = arith.constant 0 : i32
        %dma_start3A_417 = arith.constant 0 : i32
        %dma_start3A_418 = tpu.memref_slice %arg15[%dma_start3A_416, %dma_start3A_417] : memref<10240x16xf32, #tpu.memory_space<vmem_shared>> -> memref<10240x16xf32, #tpu.memory_space<vmem_shared>>
        tpu.enqueue_indirect_dma source(%arg13 : memref<128x16xf32, #tpu.memory_space<vmem>>) target(%dma_start3A_418 : memref<10240x16xf32, #tpu.memory_space<vmem_shared>>) offsets(%dma_start3A_415 : memref<128xi32, #tpu.memory_space<vmem>>) semaphore(%run_scoped3A_412 : memref<!tpu.dma_semaphore, #tpu.memory_space<semaphore_mem>>) {add = true}
        %dma_wait3A_419 = arith.constant 0 : i32
        %dma_wait3A_420 = tpu.memref_slice %arg11[%run_scoped3A_345, %dma_wait3A_419] : memref<4x128xi32, #tpu.memory_space<vmem>> -> memref<1x128xi32, #tpu.memory_space<vmem>>
        %dma_wait3A_421 = tpu.memref_squeeze %dma_wait3A_420 : memref<1x128xi32, #tpu.memory_space<vmem>> -> memref<128xi32, #tpu.memory_space<vmem>>
        %dma_wait3A_422 = arith.constant 0 : i32
        %dma_wait3A_423 = arith.constant 0 : i32
        %dma_wait3A_424 = tpu.memref_slice %arg15[%dma_wait3A_422, %dma_wait3A_423] : memref<10240x16xf32, #tpu.memory_space<vmem_shared>> -> memref<10240x16xf32, #tpu.memory_space<vmem_shared>>
        tpu.wait_indirect_dma semaphore(%run_scoped3A_412 : memref<!tpu.dma_semaphore, #tpu.memory_space<semaphore_mem>>) src(%arg13 : memref<128x16xf32, #tpu.memory_space<vmem>>) dst(%dma_wait3A_424 : memref<10240x16xf32, #tpu.memory_space<vmem_shared>>)
        tpu.yield
      }) : () -> ()
      %add3A_346 = arith.constant 4 : i32
      %add3A_347 = arith.addi %add3A_311, %add3A_346 : i32
      %lt3A_348 = arith.constant 80 : i32
      %lt3A_349 = arith.cmpi slt, %add3A_347, %lt3A_348 : i32
      %convert_element_type3A_350 = arith.extui %lt3A_349 : i1 to i32
      %cond3A_351 = arith.constant 0 : i32
      %cond3A_352 = arith.cmpi ne, %convert_element_type3A_350, %cond3A_351 : i32
      scf.if %cond3A_352 {
        %add3A_412 = arith.constant 4 : i32
        %add3A_413 = arith.addi %add3A_311, %add3A_412 : i32
        %dma_start3A_414 = arith.constant 2 : i32
        %dma_start3A_415 = arith.constant 2 : i32
        %dma_start3A_416 = arith.constant 0 : i32
        %dma_start3A_417 = tpu.memref_slice %arg10[%dma_start3A_414, %dma_start3A_416] : memref<4x128xi32, #tpu.memory_space<vmem>> -> memref<1x128xi32, #tpu.memory_space<vmem>>
        %dma_start3A_418 = tpu.memref_squeeze %dma_start3A_417 : memref<1x128xi32, #tpu.memory_space<vmem>> -> memref<128xi32, #tpu.memory_space<vmem>>
        %dma_start3A_419 = arith.constant 0 : i32
        %dma_start3A_420 = tpu.memref_slice %arg3[%add3A, %add3A_413, %dma_start3A_419] : memref<32x80x128xi32, #tpu.memory_space<hbm>> -> memref<1x1x128xi32, #tpu.memory_space<hbm>>
        %dma_start3A_421 = tpu.memref_squeeze %dma_start3A_420 : memref<1x1x128xi32, #tpu.memory_space<hbm>> -> memref<128xi32, #tpu.memory_space<hbm>>
        %dma_start3A_422 = tpu.memref_slice %arg17[%dma_start3A_415] : memref<4x!tpu.dma_semaphore, #tpu.memory_space<semaphore_mem>> -> memref<1x!tpu.dma_semaphore, #tpu.memory_space<semaphore_mem>>
        %dma_start3A_423 = tpu.memref_squeeze %dma_start3A_422 : memref<1x!tpu.dma_semaphore, #tpu.memory_space<semaphore_mem>> -> memref<!tpu.dma_semaphore, #tpu.memory_space<semaphore_mem>>
        %dma_start3A_424 = arith.constant 0 : i32
        %dma_start3A_425 = tpu.memref_slice %arg10[%dma_start3A_414, %dma_start3A_424] : memref<4x128xi32, #tpu.memory_space<vmem>> -> memref<1x128xi32, #tpu.memory_space<vmem>>
        %dma_start3A_426 = tpu.memref_squeeze %dma_start3A_425 : memref<1x128xi32, #tpu.memory_space<vmem>> -> memref<128xi32, #tpu.memory_space<vmem>>
        %dma_start3A_427 = arith.constant 0 : i32
        %dma_start3A_428 = tpu.memref_slice %arg3[%add3A, %add3A_413, %dma_start3A_427] : memref<32x80x128xi32, #tpu.memory_space<hbm>> -> memref<1x1x128xi32, #tpu.memory_space<hbm>>
        %dma_start3A_429 = tpu.memref_squeeze %dma_start3A_428 : memref<1x1x128xi32, #tpu.memory_space<hbm>> -> memref<128xi32, #tpu.memory_space<hbm>>
        tpu.enqueue_dma source(%dma_start3A_429 : memref<128xi32, #tpu.memory_space<hbm>>) target(%dma_start3A_426 : memref<128xi32, #tpu.memory_space<vmem>>) target_semaphore(%dma_start3A_423 : memref<!tpu.dma_semaphore, #tpu.memory_space<semaphore_mem>>)
        %dma_start3A_430 = arith.constant 2 : i32
        %dma_start3A_431 = arith.constant 2 : i32
        %dma_start3A_432 = arith.constant 0 : i32
        %dma_start3A_433 = tpu.memref_slice %arg11[%dma_start3A_430, %dma_start3A_432] : memref<4x128xi32, #tpu.memory_space<vmem>> -> memref<1x128xi32, #tpu.memory_space<vmem>>
        %dma_start3A_434 = tpu.memref_squeeze %dma_start3A_433 : memref<1x128xi32, #tpu.memory_space<vmem>> -> memref<128xi32, #tpu.memory_space<vmem>>
        %dma_start3A_435 = arith.constant 0 : i32
        %dma_start3A_436 = tpu.memref_slice %arg4[%add3A, %add3A_413, %dma_start3A_435] : memref<32x80x128xi32, #tpu.memory_space<hbm>> -> memref<1x1x128xi32, #tpu.memory_space<hbm>>
        %dma_start3A_437 = tpu.memref_squeeze %dma_start3A_436 : memref<1x1x128xi32, #tpu.memory_space<hbm>> -> memref<128xi32, #tpu.memory_space<hbm>>
        %dma_start3A_438 = tpu.memref_slice %arg18[%dma_start3A_431] : memref<4x!tpu.dma_semaphore, #tpu.memory_space<semaphore_mem>> -> memref<1x!tpu.dma_semaphore, #tpu.memory_space<semaphore_mem>>
        %dma_start3A_439 = tpu.memref_squeeze %dma_start3A_438 : memref<1x!tpu.dma_semaphore, #tpu.memory_space<semaphore_mem>> -> memref<!tpu.dma_semaphore, #tpu.memory_space<semaphore_mem>>
        %dma_start3A_440 = arith.constant 0 : i32
        %dma_start3A_441 = tpu.memref_slice %arg11[%dma_start3A_430, %dma_start3A_440] : memref<4x128xi32, #tpu.memory_space<vmem>> -> memref<1x128xi32, #tpu.memory_space<vmem>>
        %dma_start3A_442 = tpu.memref_squeeze %dma_start3A_441 : memref<1x128xi32, #tpu.memory_space<vmem>> -> memref<128xi32, #tpu.memory_space<vmem>>
        %dma_start3A_443 = arith.constant 0 : i32
        %dma_start3A_444 = tpu.memref_slice %arg4[%add3A, %add3A_413, %dma_start3A_443] : memref<32x80x128xi32, #tpu.memory_space<hbm>> -> memref<1x1x128xi32, #tpu.memory_space<hbm>>
        %dma_start3A_445 = tpu.memref_squeeze %dma_start3A_444 : memref<1x1x128xi32, #tpu.memory_space<hbm>> -> memref<128xi32, #tpu.memory_space<hbm>>
        tpu.enqueue_dma source(%dma_start3A_445 : memref<128xi32, #tpu.memory_space<hbm>>) target(%dma_start3A_442 : memref<128xi32, #tpu.memory_space<vmem>>) target_semaphore(%dma_start3A_439 : memref<!tpu.dma_semaphore, #tpu.memory_space<semaphore_mem>>)
      } else {
      }
      %add3A_353 = arith.constant 2 : i32
      %add3A_354 = arith.addi %add3A_311, %add3A_353 : i32
      %lt3A_355 = arith.constant 80 : i32
      %lt3A_356 = arith.cmpi slt, %add3A_354, %lt3A_355 : i32
      %convert_element_type3A_357 = arith.extui %lt3A_356 : i1 to i32
      %cond3A_358 = arith.constant 0 : i32
      %cond3A_359 = arith.cmpi ne, %convert_element_type3A_357, %cond3A_358 : i32
      scf.if %cond3A_359 {
        %add3A_412 = arith.constant 2 : i32
        %add3A_413 = arith.addi %add3A_311, %add3A_412 : i32
        %dma_wait3A_414 = arith.constant 0 : i32
        %dma_wait3A_415 = arith.constant 0 : i32
        %dma_wait3A_416 = arith.constant 0 : i32
        %dma_wait3A_417 = tpu.memref_slice %arg10[%dma_wait3A_414, %dma_wait3A_416] : memref<4x128xi32, #tpu.memory_space<vmem>> -> memref<1x128xi32, #tpu.memory_space<vmem>>
        %dma_wait3A_418 = tpu.memref_squeeze %dma_wait3A_417 : memref<1x128xi32, #tpu.memory_space<vmem>> -> memref<128xi32, #tpu.memory_space<vmem>>
        %dma_wait3A_419 = arith.constant 0 : i32
        %dma_wait3A_420 = tpu.memref_slice %arg3[%add3A, %add3A_413, %dma_wait3A_419] : memref<32x80x128xi32, #tpu.memory_space<hbm>> -> memref<1x1x128xi32, #tpu.memory_space<hbm>>
        %dma_wait3A_421 = tpu.memref_squeeze %dma_wait3A_420 : memref<1x1x128xi32, #tpu.memory_space<hbm>> -> memref<128xi32, #tpu.memory_space<hbm>>
        %dma_wait3A_422 = tpu.memref_slice %arg17[%dma_wait3A_415] : memref<4x!tpu.dma_semaphore, #tpu.memory_space<semaphore_mem>> -> memref<1x!tpu.dma_semaphore, #tpu.memory_space<semaphore_mem>>
        %dma_wait3A_423 = tpu.memref_squeeze %dma_wait3A_422 : memref<1x!tpu.dma_semaphore, #tpu.memory_space<semaphore_mem>> -> memref<!tpu.dma_semaphore, #tpu.memory_space<semaphore_mem>>
        %dma_wait3A_424 = arith.constant 0 : i32
        %dma_wait3A_425 = tpu.memref_slice %arg10[%dma_wait3A_414, %dma_wait3A_424] : memref<4x128xi32, #tpu.memory_space<vmem>> -> memref<1x128xi32, #tpu.memory_space<vmem>>
        %dma_wait3A_426 = tpu.memref_squeeze %dma_wait3A_425 : memref<1x128xi32, #tpu.memory_space<vmem>> -> memref<128xi32, #tpu.memory_space<vmem>>
        %dma_wait3A_427 = arith.constant 0 : i32
        %dma_wait3A_428 = tpu.memref_slice %arg3[%add3A, %add3A_413, %dma_wait3A_427] : memref<32x80x128xi32, #tpu.memory_space<hbm>> -> memref<1x1x128xi32, #tpu.memory_space<hbm>>
        %dma_wait3A_429 = tpu.memref_squeeze %dma_wait3A_428 : memref<1x1x128xi32, #tpu.memory_space<hbm>> -> memref<128xi32, #tpu.memory_space<hbm>>
        tpu.wait_dma2 semaphore(%dma_wait3A_423 : memref<!tpu.dma_semaphore, #tpu.memory_space<semaphore_mem>>) src(%dma_wait3A_429 : memref<128xi32, #tpu.memory_space<hbm>>) dst(%dma_wait3A_426 : memref<128xi32, #tpu.memory_space<vmem>>)
        %dma_start3A_430 = arith.constant 0 : i32
        %dma_start3A_431 = arith.constant 0 : i32
        %dma_start3A_432 = arith.constant 0 : i32
        %dma_start3A_433 = arith.constant 0 : i32
        %dma_start3A_434 = arith.constant 0 : i32
        %dma_start3A_435 = tpu.memref_slice %arg12[%dma_start3A_431, %dma_start3A_433, %dma_start3A_434] : memref<2x128x128xf32, #tpu.memory_space<vmem>> -> memref<1x128x128xf32, #tpu.memory_space<vmem>>
        %dma_start3A_436 = tpu.memref_squeeze %dma_start3A_435 : memref<1x128x128xf32, #tpu.memory_space<vmem>> -> memref<128x128xf32, #tpu.memory_space<vmem>>
        %dma_start3A_437 = arith.constant 0 : i32
        %dma_start3A_438 = tpu.memref_slice %arg10[%dma_start3A_430, %dma_start3A_437] : memref<4x128xi32, #tpu.memory_space<vmem>> -> memref<1x128xi32, #tpu.memory_space<vmem>>
        %dma_start3A_439 = tpu.memref_squeeze %dma_start3A_438 : memref<1x128xi32, #tpu.memory_space<vmem>> -> memref<128xi32, #tpu.memory_space<vmem>>
        %dma_start3A_440 = arith.constant 0 : i32
        %dma_start3A_441 = arith.constant 0 : i32
        %dma_start3A_442 = tpu.memref_slice %arg2[%dma_start3A_440, %dma_start3A_441] : memref<10000x128xf32, #tpu.memory_space<hbm>> -> memref<10000x128xf32, #tpu.memory_space<hbm>>
        %dma_start3A_443 = tpu.memref_slice %arg16[%dma_start3A_432] : memref<2x!tpu.dma_semaphore, #tpu.memory_space<semaphore_mem>> -> memref<1x!tpu.dma_semaphore, #tpu.memory_space<semaphore_mem>>
        %dma_start3A_444 = tpu.memref_squeeze %dma_start3A_443 : memref<1x!tpu.dma_semaphore, #tpu.memory_space<semaphore_mem>> -> memref<!tpu.dma_semaphore, #tpu.memory_space<semaphore_mem>>
        tpu.enqueue_indirect_dma source(%dma_start3A_442 : memref<10000x128xf32, #tpu.memory_space<hbm>>) target(%dma_start3A_436 : memref<128x128xf32, #tpu.memory_space<vmem>>) offsets(%dma_start3A_439 : memref<128xi32, #tpu.memory_space<vmem>>) semaphore(%dma_start3A_444 : memref<!tpu.dma_semaphore, #tpu.memory_space<semaphore_mem>>)
      } else {
      }
      %mul3A_360 = arith.constant 4 : i32
      %mul3A_361 = arith.muli %scan3A_207, %mul3A_360 : i32
      %add3A_362 = arith.constant 3 : i32
      %add3A_363 = arith.addi %mul3A_361, %add3A_362 : i32
      %dma_wait3A_364 = arith.constant 3 : i32
      %dma_wait3A_365 = arith.constant 1 : i32
      %dma_wait3A_366 = arith.constant 1 : i32
      %dma_wait3A_367 = arith.constant 0 : i32
      %dma_wait3A_368 = arith.constant 0 : i32
      %dma_wait3A_369 = tpu.memref_slice %arg12[%dma_wait3A_365, %dma_wait3A_367, %dma_wait3A_368] : memref<2x128x128xf32, #tpu.memory_space<vmem>> -> memref<1x128x128xf32, #tpu.memory_space<vmem>>
      %dma_wait3A_370 = tpu.memref_squeeze %dma_wait3A_369 : memref<1x128x128xf32, #tpu.memory_space<vmem>> -> memref<128x128xf32, #tpu.memory_space<vmem>>
      %dma_wait3A_371 = arith.constant 0 : i32
      %dma_wait3A_372 = tpu.memref_slice %arg10[%dma_wait3A_364, %dma_wait3A_371] : memref<4x128xi32, #tpu.memory_space<vmem>> -> memref<1x128xi32, #tpu.memory_space<vmem>>
      %dma_wait3A_373 = tpu.memref_squeeze %dma_wait3A_372 : memref<1x128xi32, #tpu.memory_space<vmem>> -> memref<128xi32, #tpu.memory_space<vmem>>
      %dma_wait3A_374 = arith.constant 0 : i32
      %dma_wait3A_375 = arith.constant 0 : i32
      %dma_wait3A_376 = tpu.memref_slice %arg2[%dma_wait3A_374, %dma_wait3A_375] : memref<10000x128xf32, #tpu.memory_space<hbm>> -> memref<10000x128xf32, #tpu.memory_space<hbm>>
      %dma_wait3A_377 = tpu.memref_slice %arg16[%dma_wait3A_366] : memref<2x!tpu.dma_semaphore, #tpu.memory_space<semaphore_mem>> -> memref<1x!tpu.dma_semaphore, #tpu.memory_space<semaphore_mem>>
      %dma_wait3A_378 = tpu.memref_squeeze %dma_wait3A_377 : memref<1x!tpu.dma_semaphore, #tpu.memory_space<semaphore_mem>> -> memref<!tpu.dma_semaphore, #tpu.memory_space<semaphore_mem>>
      tpu.wait_indirect_dma semaphore(%dma_wait3A_378 : memref<!tpu.dma_semaphore, #tpu.memory_space<semaphore_mem>>) src(%dma_wait3A_376 : memref<10000x128xf32, #tpu.memory_space<hbm>>) dst(%dma_wait3A_370 : memref<128x128xf32, #tpu.memory_space<vmem>>)
      %dma_wait3A_379 = arith.constant 3 : i32
      %dma_wait3A_380 = arith.constant 3 : i32
      %dma_wait3A_381 = arith.constant 0 : i32
      %dma_wait3A_382 = tpu.memref_slice %arg11[%dma_wait3A_379, %dma_wait3A_381] : memref<4x128xi32, #tpu.memory_space<vmem>> -> memref<1x128xi32, #tpu.memory_space<vmem>>
      %dma_wait3A_383 = tpu.memref_squeeze %dma_wait3A_382 : memref<1x128xi32, #tpu.memory_space<vmem>> -> memref<128xi32, #tpu.memory_space<vmem>>
      %dma_wait3A_384 = arith.constant 0 : i32
      %dma_wait3A_385 = tpu.memref_slice %arg4[%add3A, %add3A_363, %dma_wait3A_384] : memref<32x80x128xi32, #tpu.memory_space<hbm>> -> memref<1x1x128xi32, #tpu.memory_space<hbm>>
      %dma_wait3A_386 = tpu.memref_squeeze %dma_wait3A_385 : memref<1x1x128xi32, #tpu.memory_space<hbm>> -> memref<128xi32, #tpu.memory_space<hbm>>
      %dma_wait3A_387 = tpu.memref_slice %arg18[%dma_wait3A_380] : memref<4x!tpu.dma_semaphore, #tpu.memory_space<semaphore_mem>> -> memref<1x!tpu.dma_semaphore, #tpu.memory_space<semaphore_mem>>
      %dma_wait3A_388 = tpu.memref_squeeze %dma_wait3A_387 : memref<1x!tpu.dma_semaphore, #tpu.memory_space<semaphore_mem>> -> memref<!tpu.dma_semaphore, #tpu.memory_space<semaphore_mem>>
      %dma_wait3A_389 = arith.constant 0 : i32
      %dma_wait3A_390 = tpu.memref_slice %arg11[%dma_wait3A_379, %dma_wait3A_389] : memref<4x128xi32, #tpu.memory_space<vmem>> -> memref<1x128xi32, #tpu.memory_space<vmem>>
      %dma_wait3A_391 = tpu.memref_squeeze %dma_wait3A_390 : memref<1x128xi32, #tpu.memory_space<vmem>> -> memref<128xi32, #tpu.memory_space<vmem>>
      %dma_wait3A_392 = arith.constant 0 : i32
      %dma_wait3A_393 = tpu.memref_slice %arg4[%add3A, %add3A_363, %dma_wait3A_392] : memref<32x80x128xi32, #tpu.memory_space<hbm>> -> memref<1x1x128xi32, #tpu.memory_space<hbm>>
      %dma_wait3A_394 = tpu.memref_squeeze %dma_wait3A_393 : memref<1x1x128xi32, #tpu.memory_space<hbm>> -> memref<128xi32, #tpu.memory_space<hbm>>
      tpu.wait_dma2 semaphore(%dma_wait3A_388 : memref<!tpu.dma_semaphore, #tpu.memory_space<semaphore_mem>>) src(%dma_wait3A_394 : memref<128xi32, #tpu.memory_space<hbm>>) dst(%dma_wait3A_391 : memref<128xi32, #tpu.memory_space<vmem>>)
      %run_scoped3A_395 = arith.constant 1 : i32
      %run_scoped3A_396 = arith.constant 3 : i32
      "tpu.region"() ({
        %run_scoped3A_412 = tpu.sem_alloc : memref<!tpu.dma_semaphore, #tpu.memory_space<semaphore_mem>>
        %dma_start3A_413 = arith.constant 0 : i32
        %dma_start3A_414 = arith.constant 0 : i32
        %dma_start3A_415 = tpu.memref_slice %arg12[%run_scoped3A_395, %dma_start3A_413, %dma_start3A_414] : memref<2x128x128xf32, #tpu.memory_space<vmem>> -> memref<1x128x128xf32, #tpu.memory_space<vmem>>
        %dma_start3A_416 = tpu.memref_squeeze %dma_start3A_415 : memref<1x128x128xf32, #tpu.memory_space<vmem>> -> memref<128x128xf32, #tpu.memory_space<vmem>>
        %dma_start3A_417 = arith.constant 0 : i32
        %dma_start3A_418 = tpu.memref_slice %arg11[%run_scoped3A_396, %dma_start3A_417] : memref<4x128xi32, #tpu.memory_space<vmem>> -> memref<1x128xi32, #tpu.memory_space<vmem>>
        %dma_start3A_419 = tpu.memref_squeeze %dma_start3A_418 : memref<1x128xi32, #tpu.memory_space<vmem>> -> memref<128xi32, #tpu.memory_space<vmem>>
        %dma_start3A_420 = arith.constant 0 : i32
        %dma_start3A_421 = arith.constant 0 : i32
        %dma_start3A_422 = tpu.memref_slice %arg14[%dma_start3A_420, %dma_start3A_421] : memref<10240x128xf32, #tpu.memory_space<vmem_shared>> -> memref<10240x128xf32, #tpu.memory_space<vmem_shared>>
        tpu.enqueue_indirect_dma source(%dma_start3A_416 : memref<128x128xf32, #tpu.memory_space<vmem>>) target(%dma_start3A_422 : memref<10240x128xf32, #tpu.memory_space<vmem_shared>>) offsets(%dma_start3A_419 : memref<128xi32, #tpu.memory_space<vmem>>) semaphore(%run_scoped3A_412 : memref<!tpu.dma_semaphore, #tpu.memory_space<semaphore_mem>>) {add = true}
        %dma_wait3A_423 = arith.constant 0 : i32
        %dma_wait3A_424 = arith.constant 0 : i32
        %dma_wait3A_425 = tpu.memref_slice %arg12[%run_scoped3A_395, %dma_wait3A_423, %dma_wait3A_424] : memref<2x128x128xf32, #tpu.memory_space<vmem>> -> memref<1x128x128xf32, #tpu.memory_space<vmem>>
        %dma_wait3A_426 = tpu.memref_squeeze %dma_wait3A_425 : memref<1x128x128xf32, #tpu.memory_space<vmem>> -> memref<128x128xf32, #tpu.memory_space<vmem>>
        %dma_wait3A_427 = arith.constant 0 : i32
        %dma_wait3A_428 = tpu.memref_slice %arg11[%run_scoped3A_396, %dma_wait3A_427] : memref<4x128xi32, #tpu.memory_space<vmem>> -> memref<1x128xi32, #tpu.memory_space<vmem>>
        %dma_wait3A_429 = tpu.memref_squeeze %dma_wait3A_428 : memref<1x128xi32, #tpu.memory_space<vmem>> -> memref<128xi32, #tpu.memory_space<vmem>>
        %dma_wait3A_430 = arith.constant 0 : i32
        %dma_wait3A_431 = arith.constant 0 : i32
        %dma_wait3A_432 = tpu.memref_slice %arg14[%dma_wait3A_430, %dma_wait3A_431] : memref<10240x128xf32, #tpu.memory_space<vmem_shared>> -> memref<10240x128xf32, #tpu.memory_space<vmem_shared>>
        tpu.wait_indirect_dma semaphore(%run_scoped3A_412 : memref<!tpu.dma_semaphore, #tpu.memory_space<semaphore_mem>>) src(%dma_wait3A_426 : memref<128x128xf32, #tpu.memory_space<vmem>>) dst(%dma_wait3A_432 : memref<10240x128xf32, #tpu.memory_space<vmem_shared>>)
        tpu.yield
      }) : () -> ()
      %run_scoped3A_397 = arith.constant 3 : i32
      "tpu.region"() ({
        %run_scoped3A_412 = tpu.sem_alloc : memref<!tpu.dma_semaphore, #tpu.memory_space<semaphore_mem>>
        %dma_start3A_413 = arith.constant 0 : i32
        %dma_start3A_414 = tpu.memref_slice %arg11[%run_scoped3A_397, %dma_start3A_413] : memref<4x128xi32, #tpu.memory_space<vmem>> -> memref<1x128xi32, #tpu.memory_space<vmem>>
        %dma_start3A_415 = tpu.memref_squeeze %dma_start3A_414 : memref<1x128xi32, #tpu.memory_space<vmem>> -> memref<128xi32, #tpu.memory_space<vmem>>
        %dma_start3A_416 = arith.constant 0 : i32
        %dma_start3A_417 = arith.constant 0 : i32
        %dma_start3A_418 = tpu.memref_slice %arg15[%dma_start3A_416, %dma_start3A_417] : memref<10240x16xf32, #tpu.memory_space<vmem_shared>> -> memref<10240x16xf32, #tpu.memory_space<vmem_shared>>
        tpu.enqueue_indirect_dma source(%arg13 : memref<128x16xf32, #tpu.memory_space<vmem>>) target(%dma_start3A_418 : memref<10240x16xf32, #tpu.memory_space<vmem_shared>>) offsets(%dma_start3A_415 : memref<128xi32, #tpu.memory_space<vmem>>) semaphore(%run_scoped3A_412 : memref<!tpu.dma_semaphore, #tpu.memory_space<semaphore_mem>>) {add = true}
        %dma_wait3A_419 = arith.constant 0 : i32
        %dma_wait3A_420 = tpu.memref_slice %arg11[%run_scoped3A_397, %dma_wait3A_419] : memref<4x128xi32, #tpu.memory_space<vmem>> -> memref<1x128xi32, #tpu.memory_space<vmem>>
        %dma_wait3A_421 = tpu.memref_squeeze %dma_wait3A_420 : memref<1x128xi32, #tpu.memory_space<vmem>> -> memref<128xi32, #tpu.memory_space<vmem>>
        %dma_wait3A_422 = arith.constant 0 : i32
        %dma_wait3A_423 = arith.constant 0 : i32
        %dma_wait3A_424 = tpu.memref_slice %arg15[%dma_wait3A_422, %dma_wait3A_423] : memref<10240x16xf32, #tpu.memory_space<vmem_shared>> -> memref<10240x16xf32, #tpu.memory_space<vmem_shared>>
        tpu.wait_indirect_dma semaphore(%run_scoped3A_412 : memref<!tpu.dma_semaphore, #tpu.memory_space<semaphore_mem>>) src(%arg13 : memref<128x16xf32, #tpu.memory_space<vmem>>) dst(%dma_wait3A_424 : memref<10240x16xf32, #tpu.memory_space<vmem_shared>>)
        tpu.yield
      }) : () -> ()
      %add3A_398 = arith.constant 4 : i32
      %add3A_399 = arith.addi %add3A_363, %add3A_398 : i32
      %lt3A_400 = arith.constant 80 : i32
      %lt3A_401 = arith.cmpi slt, %add3A_399, %lt3A_400 : i32
      %convert_element_type3A_402 = arith.extui %lt3A_401 : i1 to i32
      %cond3A_403 = arith.constant 0 : i32
      %cond3A_404 = arith.cmpi ne, %convert_element_type3A_402, %cond3A_403 : i32
      scf.if %cond3A_404 {
        %add3A_412 = arith.constant 4 : i32
        %add3A_413 = arith.addi %add3A_363, %add3A_412 : i32
        %dma_start3A_414 = arith.constant 3 : i32
        %dma_start3A_415 = arith.constant 3 : i32
        %dma_start3A_416 = arith.constant 0 : i32
        %dma_start3A_417 = tpu.memref_slice %arg10[%dma_start3A_414, %dma_start3A_416] : memref<4x128xi32, #tpu.memory_space<vmem>> -> memref<1x128xi32, #tpu.memory_space<vmem>>
        %dma_start3A_418 = tpu.memref_squeeze %dma_start3A_417 : memref<1x128xi32, #tpu.memory_space<vmem>> -> memref<128xi32, #tpu.memory_space<vmem>>
        %dma_start3A_419 = arith.constant 0 : i32
        %dma_start3A_420 = tpu.memref_slice %arg3[%add3A, %add3A_413, %dma_start3A_419] : memref<32x80x128xi32, #tpu.memory_space<hbm>> -> memref<1x1x128xi32, #tpu.memory_space<hbm>>
        %dma_start3A_421 = tpu.memref_squeeze %dma_start3A_420 : memref<1x1x128xi32, #tpu.memory_space<hbm>> -> memref<128xi32, #tpu.memory_space<hbm>>
        %dma_start3A_422 = tpu.memref_slice %arg17[%dma_start3A_415] : memref<4x!tpu.dma_semaphore, #tpu.memory_space<semaphore_mem>> -> memref<1x!tpu.dma_semaphore, #tpu.memory_space<semaphore_mem>>
        %dma_start3A_423 = tpu.memref_squeeze %dma_start3A_422 : memref<1x!tpu.dma_semaphore, #tpu.memory_space<semaphore_mem>> -> memref<!tpu.dma_semaphore, #tpu.memory_space<semaphore_mem>>
        %dma_start3A_424 = arith.constant 0 : i32
        %dma_start3A_425 = tpu.memref_slice %arg10[%dma_start3A_414, %dma_start3A_424] : memref<4x128xi32, #tpu.memory_space<vmem>> -> memref<1x128xi32, #tpu.memory_space<vmem>>
        %dma_start3A_426 = tpu.memref_squeeze %dma_start3A_425 : memref<1x128xi32, #tpu.memory_space<vmem>> -> memref<128xi32, #tpu.memory_space<vmem>>
        %dma_start3A_427 = arith.constant 0 : i32
        %dma_start3A_428 = tpu.memref_slice %arg3[%add3A, %add3A_413, %dma_start3A_427] : memref<32x80x128xi32, #tpu.memory_space<hbm>> -> memref<1x1x128xi32, #tpu.memory_space<hbm>>
        %dma_start3A_429 = tpu.memref_squeeze %dma_start3A_428 : memref<1x1x128xi32, #tpu.memory_space<hbm>> -> memref<128xi32, #tpu.memory_space<hbm>>
        tpu.enqueue_dma source(%dma_start3A_429 : memref<128xi32, #tpu.memory_space<hbm>>) target(%dma_start3A_426 : memref<128xi32, #tpu.memory_space<vmem>>) target_semaphore(%dma_start3A_423 : memref<!tpu.dma_semaphore, #tpu.memory_space<semaphore_mem>>)
        %dma_start3A_430 = arith.constant 3 : i32
        %dma_start3A_431 = arith.constant 3 : i32
        %dma_start3A_432 = arith.constant 0 : i32
        %dma_start3A_433 = tpu.memref_slice %arg11[%dma_start3A_430, %dma_start3A_432] : memref<4x128xi32, #tpu.memory_space<vmem>> -> memref<1x128xi32, #tpu.memory_space<vmem>>
        %dma_start3A_434 = tpu.memref_squeeze %dma_start3A_433 : memref<1x128xi32, #tpu.memory_space<vmem>> -> memref<128xi32, #tpu.memory_space<vmem>>
        %dma_start3A_435 = arith.constant 0 : i32
        %dma_start3A_436 = tpu.memref_slice %arg4[%add3A, %add3A_413, %dma_start3A_435] : memref<32x80x128xi32, #tpu.memory_space<hbm>> -> memref<1x1x128xi32, #tpu.memory_space<hbm>>
        %dma_start3A_437 = tpu.memref_squeeze %dma_start3A_436 : memref<1x1x128xi32, #tpu.memory_space<hbm>> -> memref<128xi32, #tpu.memory_space<hbm>>
        %dma_start3A_438 = tpu.memref_slice %arg18[%dma_start3A_431] : memref<4x!tpu.dma_semaphore, #tpu.memory_space<semaphore_mem>> -> memref<1x!tpu.dma_semaphore, #tpu.memory_space<semaphore_mem>>
        %dma_start3A_439 = tpu.memref_squeeze %dma_start3A_438 : memref<1x!tpu.dma_semaphore, #tpu.memory_space<semaphore_mem>> -> memref<!tpu.dma_semaphore, #tpu.memory_space<semaphore_mem>>
        %dma_start3A_440 = arith.constant 0 : i32
        %dma_start3A_441 = tpu.memref_slice %arg11[%dma_start3A_430, %dma_start3A_440] : memref<4x128xi32, #tpu.memory_space<vmem>> -> memref<1x128xi32, #tpu.memory_space<vmem>>
        %dma_start3A_442 = tpu.memref_squeeze %dma_start3A_441 : memref<1x128xi32, #tpu.memory_space<vmem>> -> memref<128xi32, #tpu.memory_space<vmem>>
        %dma_start3A_443 = arith.constant 0 : i32
        %dma_start3A_444 = tpu.memref_slice %arg4[%add3A, %add3A_413, %dma_start3A_443] : memref<32x80x128xi32, #tpu.memory_space<hbm>> -> memref<1x1x128xi32, #tpu.memory_space<hbm>>
        %dma_start3A_445 = tpu.memref_squeeze %dma_start3A_444 : memref<1x1x128xi32, #tpu.memory_space<hbm>> -> memref<128xi32, #tpu.memory_space<hbm>>
        tpu.enqueue_dma source(%dma_start3A_445 : memref<128xi32, #tpu.memory_space<hbm>>) target(%dma_start3A_442 : memref<128xi32, #tpu.memory_space<vmem>>) target_semaphore(%dma_start3A_439 : memref<!tpu.dma_semaphore, #tpu.memory_space<semaphore_mem>>)
      } else {
      }
      %add3A_405 = arith.constant 2 : i32
      %add3A_406 = arith.addi %add3A_363, %add3A_405 : i32
      %lt3A_407 = arith.constant 80 : i32
      %lt3A_408 = arith.cmpi slt, %add3A_406, %lt3A_407 : i32
      %convert_element_type3A_409 = arith.extui %lt3A_408 : i1 to i32
      %cond3A_410 = arith.constant 0 : i32
      %cond3A_411 = arith.cmpi ne, %convert_element_type3A_409, %cond3A_410 : i32
      scf.if %cond3A_411 {
        %add3A_412 = arith.constant 2 : i32
        %add3A_413 = arith.addi %add3A_363, %add3A_412 : i32
        %dma_wait3A_414 = arith.constant 1 : i32
        %dma_wait3A_415 = arith.constant 1 : i32
        %dma_wait3A_416 = arith.constant 0 : i32
        %dma_wait3A_417 = tpu.memref_slice %arg10[%dma_wait3A_414, %dma_wait3A_416] : memref<4x128xi32, #tpu.memory_space<vmem>> -> memref<1x128xi32, #tpu.memory_space<vmem>>
        %dma_wait3A_418 = tpu.memref_squeeze %dma_wait3A_417 : memref<1x128xi32, #tpu.memory_space<vmem>> -> memref<128xi32, #tpu.memory_space<vmem>>
        %dma_wait3A_419 = arith.constant 0 : i32
        %dma_wait3A_420 = tpu.memref_slice %arg3[%add3A, %add3A_413, %dma_wait3A_419] : memref<32x80x128xi32, #tpu.memory_space<hbm>> -> memref<1x1x128xi32, #tpu.memory_space<hbm>>
        %dma_wait3A_421 = tpu.memref_squeeze %dma_wait3A_420 : memref<1x1x128xi32, #tpu.memory_space<hbm>> -> memref<128xi32, #tpu.memory_space<hbm>>
        %dma_wait3A_422 = tpu.memref_slice %arg17[%dma_wait3A_415] : memref<4x!tpu.dma_semaphore, #tpu.memory_space<semaphore_mem>> -> memref<1x!tpu.dma_semaphore, #tpu.memory_space<semaphore_mem>>
        %dma_wait3A_423 = tpu.memref_squeeze %dma_wait3A_422 : memref<1x!tpu.dma_semaphore, #tpu.memory_space<semaphore_mem>> -> memref<!tpu.dma_semaphore, #tpu.memory_space<semaphore_mem>>
        %dma_wait3A_424 = arith.constant 0 : i32
        %dma_wait3A_425 = tpu.memref_slice %arg10[%dma_wait3A_414, %dma_wait3A_424] : memref<4x128xi32, #tpu.memory_space<vmem>> -> memref<1x128xi32, #tpu.memory_space<vmem>>
        %dma_wait3A_426 = tpu.memref_squeeze %dma_wait3A_425 : memref<1x128xi32, #tpu.memory_space<vmem>> -> memref<128xi32, #tpu.memory_space<vmem>>
        %dma_wait3A_427 = arith.constant 0 : i32
        %dma_wait3A_428 = tpu.memref_slice %arg3[%add3A, %add3A_413, %dma_wait3A_427] : memref<32x80x128xi32, #tpu.memory_space<hbm>> -> memref<1x1x128xi32, #tpu.memory_space<hbm>>
        %dma_wait3A_429 = tpu.memref_squeeze %dma_wait3A_428 : memref<1x1x128xi32, #tpu.memory_space<hbm>> -> memref<128xi32, #tpu.memory_space<hbm>>
        tpu.wait_dma2 semaphore(%dma_wait3A_423 : memref<!tpu.dma_semaphore, #tpu.memory_space<semaphore_mem>>) src(%dma_wait3A_429 : memref<128xi32, #tpu.memory_space<hbm>>) dst(%dma_wait3A_426 : memref<128xi32, #tpu.memory_space<vmem>>)
        %dma_start3A_430 = arith.constant 1 : i32
        %dma_start3A_431 = arith.constant 1 : i32
        %dma_start3A_432 = arith.constant 1 : i32
        %dma_start3A_433 = arith.constant 0 : i32
        %dma_start3A_434 = arith.constant 0 : i32
        %dma_start3A_435 = tpu.memref_slice %arg12[%dma_start3A_431, %dma_start3A_433, %dma_start3A_434] : memref<2x128x128xf32, #tpu.memory_space<vmem>> -> memref<1x128x128xf32, #tpu.memory_space<vmem>>
        %dma_start3A_436 = tpu.memref_squeeze %dma_start3A_435 : memref<1x128x128xf32, #tpu.memory_space<vmem>> -> memref<128x128xf32, #tpu.memory_space<vmem>>
        %dma_start3A_437 = arith.constant 0 : i32
        %dma_start3A_438 = tpu.memref_slice %arg10[%dma_start3A_430, %dma_start3A_437] : memref<4x128xi32, #tpu.memory_space<vmem>> -> memref<1x128xi32, #tpu.memory_space<vmem>>
        %dma_start3A_439 = tpu.memref_squeeze %dma_start3A_438 : memref<1x128xi32, #tpu.memory_space<vmem>> -> memref<128xi32, #tpu.memory_space<vmem>>
        %dma_start3A_440 = arith.constant 0 : i32
        %dma_start3A_441 = arith.constant 0 : i32
        %dma_start3A_442 = tpu.memref_slice %arg2[%dma_start3A_440, %dma_start3A_441] : memref<10000x128xf32, #tpu.memory_space<hbm>> -> memref<10000x128xf32, #tpu.memory_space<hbm>>
        %dma_start3A_443 = tpu.memref_slice %arg16[%dma_start3A_432] : memref<2x!tpu.dma_semaphore, #tpu.memory_space<semaphore_mem>> -> memref<1x!tpu.dma_semaphore, #tpu.memory_space<semaphore_mem>>
        %dma_start3A_444 = tpu.memref_squeeze %dma_start3A_443 : memref<1x!tpu.dma_semaphore, #tpu.memory_space<semaphore_mem>> -> memref<!tpu.dma_semaphore, #tpu.memory_space<semaphore_mem>>
        tpu.enqueue_indirect_dma source(%dma_start3A_442 : memref<10000x128xf32, #tpu.memory_space<hbm>>) target(%dma_start3A_436 : memref<128x128xf32, #tpu.memory_space<vmem>>) offsets(%dma_start3A_439 : memref<128xi32, #tpu.memory_space<vmem>>) semaphore(%dma_start3A_444 : memref<!tpu.dma_semaphore, #tpu.memory_space<semaphore_mem>>)
      } else {
      }
    }
    %scan3A_205 = arith.constant 20 : i32
    %barrier3A_206 = arith.constant 0 : index
    tpu.barrier barrier_id(%barrier3A_206)
    "tpu.region"() ({
      %run_scoped3A = tpu.sem_alloc : memref<!tpu.dma_semaphore, #tpu.memory_space<semaphore_mem>>
      %dma_start3A_207 = arith.constant 0 : i32
      %dma_start3A_208 = tpu.memref_slice %arg8[%arg0, %mul3A_2, %dma_start3A_207] : memref<2x10240x128xf32, #tpu.memory_space<hbm>> -> memref<1x640x128xf32, #tpu.memory_space<hbm>>
      %dma_start3A_209 = tpu.memref_squeeze %dma_start3A_208 : memref<1x640x128xf32, #tpu.memory_space<hbm>> -> memref<640x128xf32, #tpu.memory_space<hbm>>
      %dma_start3A_210 = arith.constant 0 : i32
      %dma_start3A_211 = tpu.memref_slice %arg14[%mul3A_2, %dma_start3A_210] : memref<10240x128xf32, #tpu.memory_space<vmem_shared>> -> memref<640x128xf32, #tpu.memory_space<vmem_shared>>
      tpu.enqueue_dma source(%dma_start3A_211 : memref<640x128xf32, #tpu.memory_space<vmem_shared>>) target(%dma_start3A_209 : memref<640x128xf32, #tpu.memory_space<hbm>>) target_semaphore(%run_scoped3A : memref<!tpu.dma_semaphore, #tpu.memory_space<semaphore_mem>>)
      %dma_wait3A_212 = arith.constant 0 : i32
      %dma_wait3A_213 = tpu.memref_slice %arg8[%arg0, %mul3A_2, %dma_wait3A_212] : memref<2x10240x128xf32, #tpu.memory_space<hbm>> -> memref<1x640x128xf32, #tpu.memory_space<hbm>>
      %dma_wait3A_214 = tpu.memref_squeeze %dma_wait3A_213 : memref<1x640x128xf32, #tpu.memory_space<hbm>> -> memref<640x128xf32, #tpu.memory_space<hbm>>
      %dma_wait3A_215 = arith.constant 0 : i32
      %dma_wait3A_216 = tpu.memref_slice %arg14[%mul3A_2, %dma_wait3A_215] : memref<10240x128xf32, #tpu.memory_space<vmem_shared>> -> memref<640x128xf32, #tpu.memory_space<vmem_shared>>
      tpu.wait_dma2 semaphore(%run_scoped3A : memref<!tpu.dma_semaphore, #tpu.memory_space<semaphore_mem>>) src(%dma_wait3A_216 : memref<640x128xf32, #tpu.memory_space<vmem_shared>>) dst(%dma_wait3A_214 : memref<640x128xf32, #tpu.memory_space<hbm>>)
      tpu.yield
    }) : () -> ()
    "tpu.region"() ({
      %run_scoped3A = tpu.sem_alloc : memref<!tpu.dma_semaphore, #tpu.memory_space<semaphore_mem>>
      %dma_start3A_207 = arith.constant 0 : i32
      %dma_start3A_208 = tpu.memref_slice %arg9[%arg0, %mul3A_2, %dma_start3A_207] : memref<2x10240x16xf32, #tpu.memory_space<hbm>> -> memref<1x640x16xf32, #tpu.memory_space<hbm>>
      %dma_start3A_209 = tpu.memref_squeeze %dma_start3A_208 : memref<1x640x16xf32, #tpu.memory_space<hbm>> -> memref<640x16xf32, #tpu.memory_space<hbm>>
      %dma_start3A_210 = arith.constant 0 : i32
      %dma_start3A_211 = tpu.memref_slice %arg15[%mul3A_2, %dma_start3A_210] : memref<10240x16xf32, #tpu.memory_space<vmem_shared>> -> memref<640x16xf32, #tpu.memory_space<vmem_shared>>
      tpu.enqueue_dma source(%dma_start3A_211 : memref<640x16xf32, #tpu.memory_space<vmem_shared>>) target(%dma_start3A_209 : memref<640x16xf32, #tpu.memory_space<hbm>>) target_semaphore(%run_scoped3A : memref<!tpu.dma_semaphore, #tpu.memory_space<semaphore_mem>>)
      %dma_wait3A_212 = arith.constant 0 : i32
      %dma_wait3A_213 = tpu.memref_slice %arg9[%arg0, %mul3A_2, %dma_wait3A_212] : memref<2x10240x16xf32, #tpu.memory_space<hbm>> -> memref<1x640x16xf32, #tpu.memory_space<hbm>>
      %dma_wait3A_214 = tpu.memref_squeeze %dma_wait3A_213 : memref<1x640x16xf32, #tpu.memory_space<hbm>> -> memref<640x16xf32, #tpu.memory_space<hbm>>
      %dma_wait3A_215 = arith.constant 0 : i32
      %dma_wait3A_216 = tpu.memref_slice %arg15[%mul3A_2, %dma_wait3A_215] : memref<10240x16xf32, #tpu.memory_space<vmem_shared>> -> memref<640x16xf32, #tpu.memory_space<vmem_shared>>
      tpu.wait_dma2 semaphore(%run_scoped3A : memref<!tpu.dma_semaphore, #tpu.memory_space<semaphore_mem>>) src(%dma_wait3A_216 : memref<640x16xf32, #tpu.memory_space<vmem_shared>>) dst(%dma_wait3A_214 : memref<640x16xf32, #tpu.memory_space<hbm>>)
      tpu.yield
    }) : () -> ()
    return
  }
}

#map = affine_map<(d0, d1) -> (0, 0)>
#map1 = affine_map<(d0, d1) -> (0, 0, 0)>
module attributes {stable_mosaic.version = 14 : i64} {
  func.func @_agg_body(%arg0: i32, %arg1: i32, %arg2: memref<10000x64xf32, #tpu.memory_space<hbm>>, %arg3: memref<32x80x128xi32, #tpu.memory_space<hbm>>, %arg4: memref<32x80x128xi32, #tpu.memory_space<hbm>>, %arg5: memref<10240x64xf32, #tpu.memory_space<hbm>>, %arg6: memref<2x10240x64xf32, #tpu.memory_space<hbm>>, %arg7: memref<8x128xi32, #tpu.memory_space<vmem>>, %arg8: memref<8x128xi32, #tpu.memory_space<vmem>>, %arg9: memref<4x128x64xf32, #tpu.memory_space<vmem>>, %arg10: memref<10240x64xf32, #tpu.memory_space<vmem_shared>>, %arg11: memref<4x!tpu.dma_semaphore, #tpu.memory_space<semaphore_mem>>, %arg12: memref<8x!tpu.dma_semaphore, #tpu.memory_space<semaphore_mem>>, %arg13: memref<8x!tpu.dma_semaphore, #tpu.memory_space<semaphore_mem>>) attributes {dimension_semantics = [#tpu.dimension_semantics<core_parallel>, #tpu.dimension_semantics<subcore_parallel>], iteration_bounds = array<i64: 2, 16>, scalar_prefetch = 0 : i64, scratch_operands = 7 : i64, tpu.core_type = #tpu.core_type<sc_vector_subcore>, window_params = [{transform_indices = #map}, {transform_indices = #map1}, {transform_indices = #map1}, {transform_indices = #map}, {transform_indices = #map1}]} {
    %mul3A = arith.constant 2 : i32
    %mul3A_0 = arith.muli %arg1, %mul3A : i32
    %add3A = arith.addi %mul3A_0, %arg0 : i32
    %mul3A_1 = arith.constant 640 : i32
    %mul3A_2 = arith.muli %arg1, %mul3A_1 : i32
    "tpu.region"() ({
      %run_scoped3A = tpu.sem_alloc : memref<!tpu.dma_semaphore, #tpu.memory_space<semaphore_mem>>
      %dma_start3A_407 = arith.constant 0 : i32
      %dma_start3A_408 = tpu.memref_slice %arg10[%mul3A_2, %dma_start3A_407] : memref<10240x64xf32, #tpu.memory_space<vmem_shared>> -> memref<640x64xf32, #tpu.memory_space<vmem_shared>>
      %dma_start3A_409 = arith.constant 0 : i32
      %dma_start3A_410 = tpu.memref_slice %arg5[%mul3A_2, %dma_start3A_409] : memref<10240x64xf32, #tpu.memory_space<hbm>> -> memref<640x64xf32, #tpu.memory_space<hbm>>
      tpu.enqueue_dma source(%dma_start3A_410 : memref<640x64xf32, #tpu.memory_space<hbm>>) target(%dma_start3A_408 : memref<640x64xf32, #tpu.memory_space<vmem_shared>>) target_semaphore(%run_scoped3A : memref<!tpu.dma_semaphore, #tpu.memory_space<semaphore_mem>>)
      %dma_wait3A_411 = arith.constant 0 : i32
      %dma_wait3A_412 = tpu.memref_slice %arg10[%mul3A_2, %dma_wait3A_411] : memref<10240x64xf32, #tpu.memory_space<vmem_shared>> -> memref<640x64xf32, #tpu.memory_space<vmem_shared>>
      %dma_wait3A_413 = arith.constant 0 : i32
      %dma_wait3A_414 = tpu.memref_slice %arg5[%mul3A_2, %dma_wait3A_413] : memref<10240x64xf32, #tpu.memory_space<hbm>> -> memref<640x64xf32, #tpu.memory_space<hbm>>
      tpu.wait_dma2 semaphore(%run_scoped3A : memref<!tpu.dma_semaphore, #tpu.memory_space<semaphore_mem>>) src(%dma_wait3A_414 : memref<640x64xf32, #tpu.memory_space<hbm>>) dst(%dma_wait3A_412 : memref<640x64xf32, #tpu.memory_space<vmem_shared>>)
      tpu.yield
    }) : () -> ()
    %barrier3A = arith.constant 0 : index
    tpu.barrier barrier_id(%barrier3A)
    %dma_start3A = arith.constant 0 : i32
    %dma_start3A_3 = arith.constant 0 : i32
    %dma_start3A_4 = arith.constant 0 : i32
    %dma_start3A_5 = arith.constant 0 : i32
    %dma_start3A_6 = tpu.memref_slice %arg7[%dma_start3A_3, %dma_start3A_5] : memref<8x128xi32, #tpu.memory_space<vmem>> -> memref<1x128xi32, #tpu.memory_space<vmem>>
    %dma_start3A_7 = tpu.memref_squeeze %dma_start3A_6 : memref<1x128xi32, #tpu.memory_space<vmem>> -> memref<128xi32, #tpu.memory_space<vmem>>
    %dma_start3A_8 = arith.constant 0 : i32
    %dma_start3A_9 = tpu.memref_slice %arg3[%add3A, %dma_start3A, %dma_start3A_8] : memref<32x80x128xi32, #tpu.memory_space<hbm>> -> memref<1x1x128xi32, #tpu.memory_space<hbm>>
    %dma_start3A_10 = tpu.memref_squeeze %dma_start3A_9 : memref<1x1x128xi32, #tpu.memory_space<hbm>> -> memref<128xi32, #tpu.memory_space<hbm>>
    %dma_start3A_11 = tpu.memref_slice %arg12[%dma_start3A_4] : memref<8x!tpu.dma_semaphore, #tpu.memory_space<semaphore_mem>> -> memref<1x!tpu.dma_semaphore, #tpu.memory_space<semaphore_mem>>
    %dma_start3A_12 = tpu.memref_squeeze %dma_start3A_11 : memref<1x!tpu.dma_semaphore, #tpu.memory_space<semaphore_mem>> -> memref<!tpu.dma_semaphore, #tpu.memory_space<semaphore_mem>>
    %dma_start3A_13 = arith.constant 0 : i32
    %dma_start3A_14 = tpu.memref_slice %arg7[%dma_start3A_3, %dma_start3A_13] : memref<8x128xi32, #tpu.memory_space<vmem>> -> memref<1x128xi32, #tpu.memory_space<vmem>>
    %dma_start3A_15 = tpu.memref_squeeze %dma_start3A_14 : memref<1x128xi32, #tpu.memory_space<vmem>> -> memref<128xi32, #tpu.memory_space<vmem>>
    %dma_start3A_16 = arith.constant 0 : i32
    %dma_start3A_17 = tpu.memref_slice %arg3[%add3A, %dma_start3A, %dma_start3A_16] : memref<32x80x128xi32, #tpu.memory_space<hbm>> -> memref<1x1x128xi32, #tpu.memory_space<hbm>>
    %dma_start3A_18 = tpu.memref_squeeze %dma_start3A_17 : memref<1x1x128xi32, #tpu.memory_space<hbm>> -> memref<128xi32, #tpu.memory_space<hbm>>
    tpu.enqueue_dma source(%dma_start3A_18 : memref<128xi32, #tpu.memory_space<hbm>>) target(%dma_start3A_15 : memref<128xi32, #tpu.memory_space<vmem>>) target_semaphore(%dma_start3A_12 : memref<!tpu.dma_semaphore, #tpu.memory_space<semaphore_mem>>)
    %dma_start3A_19 = arith.constant 0 : i32
    %dma_start3A_20 = arith.constant 0 : i32
    %dma_start3A_21 = arith.constant 0 : i32
    %dma_start3A_22 = arith.constant 0 : i32
    %dma_start3A_23 = tpu.memref_slice %arg8[%dma_start3A_20, %dma_start3A_22] : memref<8x128xi32, #tpu.memory_space<vmem>> -> memref<1x128xi32, #tpu.memory_space<vmem>>
    %dma_start3A_24 = tpu.memref_squeeze %dma_start3A_23 : memref<1x128xi32, #tpu.memory_space<vmem>> -> memref<128xi32, #tpu.memory_space<vmem>>
    %dma_start3A_25 = arith.constant 0 : i32
    %dma_start3A_26 = tpu.memref_slice %arg4[%add3A, %dma_start3A_19, %dma_start3A_25] : memref<32x80x128xi32, #tpu.memory_space<hbm>> -> memref<1x1x128xi32, #tpu.memory_space<hbm>>
    %dma_start3A_27 = tpu.memref_squeeze %dma_start3A_26 : memref<1x1x128xi32, #tpu.memory_space<hbm>> -> memref<128xi32, #tpu.memory_space<hbm>>
    %dma_start3A_28 = tpu.memref_slice %arg13[%dma_start3A_21] : memref<8x!tpu.dma_semaphore, #tpu.memory_space<semaphore_mem>> -> memref<1x!tpu.dma_semaphore, #tpu.memory_space<semaphore_mem>>
    %dma_start3A_29 = tpu.memref_squeeze %dma_start3A_28 : memref<1x!tpu.dma_semaphore, #tpu.memory_space<semaphore_mem>> -> memref<!tpu.dma_semaphore, #tpu.memory_space<semaphore_mem>>
    %dma_start3A_30 = arith.constant 0 : i32
    %dma_start3A_31 = tpu.memref_slice %arg8[%dma_start3A_20, %dma_start3A_30] : memref<8x128xi32, #tpu.memory_space<vmem>> -> memref<1x128xi32, #tpu.memory_space<vmem>>
    %dma_start3A_32 = tpu.memref_squeeze %dma_start3A_31 : memref<1x128xi32, #tpu.memory_space<vmem>> -> memref<128xi32, #tpu.memory_space<vmem>>
    %dma_start3A_33 = arith.constant 0 : i32
    %dma_start3A_34 = tpu.memref_slice %arg4[%add3A, %dma_start3A_19, %dma_start3A_33] : memref<32x80x128xi32, #tpu.memory_space<hbm>> -> memref<1x1x128xi32, #tpu.memory_space<hbm>>
    %dma_start3A_35 = tpu.memref_squeeze %dma_start3A_34 : memref<1x1x128xi32, #tpu.memory_space<hbm>> -> memref<128xi32, #tpu.memory_space<hbm>>
    tpu.enqueue_dma source(%dma_start3A_35 : memref<128xi32, #tpu.memory_space<hbm>>) target(%dma_start3A_32 : memref<128xi32, #tpu.memory_space<vmem>>) target_semaphore(%dma_start3A_29 : memref<!tpu.dma_semaphore, #tpu.memory_space<semaphore_mem>>)
    %dma_start3A_36 = arith.constant 1 : i32
    %dma_start3A_37 = arith.constant 1 : i32
    %dma_start3A_38 = arith.constant 1 : i32
    %dma_start3A_39 = arith.constant 0 : i32
    %dma_start3A_40 = tpu.memref_slice %arg7[%dma_start3A_37, %dma_start3A_39] : memref<8x128xi32, #tpu.memory_space<vmem>> -> memref<1x128xi32, #tpu.memory_space<vmem>>
    %dma_start3A_41 = tpu.memref_squeeze %dma_start3A_40 : memref<1x128xi32, #tpu.memory_space<vmem>> -> memref<128xi32, #tpu.memory_space<vmem>>
    %dma_start3A_42 = arith.constant 0 : i32
    %dma_start3A_43 = tpu.memref_slice %arg3[%add3A, %dma_start3A_36, %dma_start3A_42] : memref<32x80x128xi32, #tpu.memory_space<hbm>> -> memref<1x1x128xi32, #tpu.memory_space<hbm>>
    %dma_start3A_44 = tpu.memref_squeeze %dma_start3A_43 : memref<1x1x128xi32, #tpu.memory_space<hbm>> -> memref<128xi32, #tpu.memory_space<hbm>>
    %dma_start3A_45 = tpu.memref_slice %arg12[%dma_start3A_38] : memref<8x!tpu.dma_semaphore, #tpu.memory_space<semaphore_mem>> -> memref<1x!tpu.dma_semaphore, #tpu.memory_space<semaphore_mem>>
    %dma_start3A_46 = tpu.memref_squeeze %dma_start3A_45 : memref<1x!tpu.dma_semaphore, #tpu.memory_space<semaphore_mem>> -> memref<!tpu.dma_semaphore, #tpu.memory_space<semaphore_mem>>
    %dma_start3A_47 = arith.constant 0 : i32
    %dma_start3A_48 = tpu.memref_slice %arg7[%dma_start3A_37, %dma_start3A_47] : memref<8x128xi32, #tpu.memory_space<vmem>> -> memref<1x128xi32, #tpu.memory_space<vmem>>
    %dma_start3A_49 = tpu.memref_squeeze %dma_start3A_48 : memref<1x128xi32, #tpu.memory_space<vmem>> -> memref<128xi32, #tpu.memory_space<vmem>>
    %dma_start3A_50 = arith.constant 0 : i32
    %dma_start3A_51 = tpu.memref_slice %arg3[%add3A, %dma_start3A_36, %dma_start3A_50] : memref<32x80x128xi32, #tpu.memory_space<hbm>> -> memref<1x1x128xi32, #tpu.memory_space<hbm>>
    %dma_start3A_52 = tpu.memref_squeeze %dma_start3A_51 : memref<1x1x128xi32, #tpu.memory_space<hbm>> -> memref<128xi32, #tpu.memory_space<hbm>>
    tpu.enqueue_dma source(%dma_start3A_52 : memref<128xi32, #tpu.memory_space<hbm>>) target(%dma_start3A_49 : memref<128xi32, #tpu.memory_space<vmem>>) target_semaphore(%dma_start3A_46 : memref<!tpu.dma_semaphore, #tpu.memory_space<semaphore_mem>>)
    %dma_start3A_53 = arith.constant 1 : i32
    %dma_start3A_54 = arith.constant 1 : i32
    %dma_start3A_55 = arith.constant 1 : i32
    %dma_start3A_56 = arith.constant 0 : i32
    %dma_start3A_57 = tpu.memref_slice %arg8[%dma_start3A_54, %dma_start3A_56] : memref<8x128xi32, #tpu.memory_space<vmem>> -> memref<1x128xi32, #tpu.memory_space<vmem>>
    %dma_start3A_58 = tpu.memref_squeeze %dma_start3A_57 : memref<1x128xi32, #tpu.memory_space<vmem>> -> memref<128xi32, #tpu.memory_space<vmem>>
    %dma_start3A_59 = arith.constant 0 : i32
    %dma_start3A_60 = tpu.memref_slice %arg4[%add3A, %dma_start3A_53, %dma_start3A_59] : memref<32x80x128xi32, #tpu.memory_space<hbm>> -> memref<1x1x128xi32, #tpu.memory_space<hbm>>
    %dma_start3A_61 = tpu.memref_squeeze %dma_start3A_60 : memref<1x1x128xi32, #tpu.memory_space<hbm>> -> memref<128xi32, #tpu.memory_space<hbm>>
    %dma_start3A_62 = tpu.memref_slice %arg13[%dma_start3A_55] : memref<8x!tpu.dma_semaphore, #tpu.memory_space<semaphore_mem>> -> memref<1x!tpu.dma_semaphore, #tpu.memory_space<semaphore_mem>>
    %dma_start3A_63 = tpu.memref_squeeze %dma_start3A_62 : memref<1x!tpu.dma_semaphore, #tpu.memory_space<semaphore_mem>> -> memref<!tpu.dma_semaphore, #tpu.memory_space<semaphore_mem>>
    %dma_start3A_64 = arith.constant 0 : i32
    %dma_start3A_65 = tpu.memref_slice %arg8[%dma_start3A_54, %dma_start3A_64] : memref<8x128xi32, #tpu.memory_space<vmem>> -> memref<1x128xi32, #tpu.memory_space<vmem>>
    %dma_start3A_66 = tpu.memref_squeeze %dma_start3A_65 : memref<1x128xi32, #tpu.memory_space<vmem>> -> memref<128xi32, #tpu.memory_space<vmem>>
    %dma_start3A_67 = arith.constant 0 : i32
    %dma_start3A_68 = tpu.memref_slice %arg4[%add3A, %dma_start3A_53, %dma_start3A_67] : memref<32x80x128xi32, #tpu.memory_space<hbm>> -> memref<1x1x128xi32, #tpu.memory_space<hbm>>
    %dma_start3A_69 = tpu.memref_squeeze %dma_start3A_68 : memref<1x1x128xi32, #tpu.memory_space<hbm>> -> memref<128xi32, #tpu.memory_space<hbm>>
    tpu.enqueue_dma source(%dma_start3A_69 : memref<128xi32, #tpu.memory_space<hbm>>) target(%dma_start3A_66 : memref<128xi32, #tpu.memory_space<vmem>>) target_semaphore(%dma_start3A_63 : memref<!tpu.dma_semaphore, #tpu.memory_space<semaphore_mem>>)
    %dma_start3A_70 = arith.constant 2 : i32
    %dma_start3A_71 = arith.constant 2 : i32
    %dma_start3A_72 = arith.constant 2 : i32
    %dma_start3A_73 = arith.constant 0 : i32
    %dma_start3A_74 = tpu.memref_slice %arg7[%dma_start3A_71, %dma_start3A_73] : memref<8x128xi32, #tpu.memory_space<vmem>> -> memref<1x128xi32, #tpu.memory_space<vmem>>
    %dma_start3A_75 = tpu.memref_squeeze %dma_start3A_74 : memref<1x128xi32, #tpu.memory_space<vmem>> -> memref<128xi32, #tpu.memory_space<vmem>>
    %dma_start3A_76 = arith.constant 0 : i32
    %dma_start3A_77 = tpu.memref_slice %arg3[%add3A, %dma_start3A_70, %dma_start3A_76] : memref<32x80x128xi32, #tpu.memory_space<hbm>> -> memref<1x1x128xi32, #tpu.memory_space<hbm>>
    %dma_start3A_78 = tpu.memref_squeeze %dma_start3A_77 : memref<1x1x128xi32, #tpu.memory_space<hbm>> -> memref<128xi32, #tpu.memory_space<hbm>>
    %dma_start3A_79 = tpu.memref_slice %arg12[%dma_start3A_72] : memref<8x!tpu.dma_semaphore, #tpu.memory_space<semaphore_mem>> -> memref<1x!tpu.dma_semaphore, #tpu.memory_space<semaphore_mem>>
    %dma_start3A_80 = tpu.memref_squeeze %dma_start3A_79 : memref<1x!tpu.dma_semaphore, #tpu.memory_space<semaphore_mem>> -> memref<!tpu.dma_semaphore, #tpu.memory_space<semaphore_mem>>
    %dma_start3A_81 = arith.constant 0 : i32
    %dma_start3A_82 = tpu.memref_slice %arg7[%dma_start3A_71, %dma_start3A_81] : memref<8x128xi32, #tpu.memory_space<vmem>> -> memref<1x128xi32, #tpu.memory_space<vmem>>
    %dma_start3A_83 = tpu.memref_squeeze %dma_start3A_82 : memref<1x128xi32, #tpu.memory_space<vmem>> -> memref<128xi32, #tpu.memory_space<vmem>>
    %dma_start3A_84 = arith.constant 0 : i32
    %dma_start3A_85 = tpu.memref_slice %arg3[%add3A, %dma_start3A_70, %dma_start3A_84] : memref<32x80x128xi32, #tpu.memory_space<hbm>> -> memref<1x1x128xi32, #tpu.memory_space<hbm>>
    %dma_start3A_86 = tpu.memref_squeeze %dma_start3A_85 : memref<1x1x128xi32, #tpu.memory_space<hbm>> -> memref<128xi32, #tpu.memory_space<hbm>>
    tpu.enqueue_dma source(%dma_start3A_86 : memref<128xi32, #tpu.memory_space<hbm>>) target(%dma_start3A_83 : memref<128xi32, #tpu.memory_space<vmem>>) target_semaphore(%dma_start3A_80 : memref<!tpu.dma_semaphore, #tpu.memory_space<semaphore_mem>>)
    %dma_start3A_87 = arith.constant 2 : i32
    %dma_start3A_88 = arith.constant 2 : i32
    %dma_start3A_89 = arith.constant 2 : i32
    %dma_start3A_90 = arith.constant 0 : i32
    %dma_start3A_91 = tpu.memref_slice %arg8[%dma_start3A_88, %dma_start3A_90] : memref<8x128xi32, #tpu.memory_space<vmem>> -> memref<1x128xi32, #tpu.memory_space<vmem>>
    %dma_start3A_92 = tpu.memref_squeeze %dma_start3A_91 : memref<1x128xi32, #tpu.memory_space<vmem>> -> memref<128xi32, #tpu.memory_space<vmem>>
    %dma_start3A_93 = arith.constant 0 : i32
    %dma_start3A_94 = tpu.memref_slice %arg4[%add3A, %dma_start3A_87, %dma_start3A_93] : memref<32x80x128xi32, #tpu.memory_space<hbm>> -> memref<1x1x128xi32, #tpu.memory_space<hbm>>
    %dma_start3A_95 = tpu.memref_squeeze %dma_start3A_94 : memref<1x1x128xi32, #tpu.memory_space<hbm>> -> memref<128xi32, #tpu.memory_space<hbm>>
    %dma_start3A_96 = tpu.memref_slice %arg13[%dma_start3A_89] : memref<8x!tpu.dma_semaphore, #tpu.memory_space<semaphore_mem>> -> memref<1x!tpu.dma_semaphore, #tpu.memory_space<semaphore_mem>>
    %dma_start3A_97 = tpu.memref_squeeze %dma_start3A_96 : memref<1x!tpu.dma_semaphore, #tpu.memory_space<semaphore_mem>> -> memref<!tpu.dma_semaphore, #tpu.memory_space<semaphore_mem>>
    %dma_start3A_98 = arith.constant 0 : i32
    %dma_start3A_99 = tpu.memref_slice %arg8[%dma_start3A_88, %dma_start3A_98] : memref<8x128xi32, #tpu.memory_space<vmem>> -> memref<1x128xi32, #tpu.memory_space<vmem>>
    %dma_start3A_100 = tpu.memref_squeeze %dma_start3A_99 : memref<1x128xi32, #tpu.memory_space<vmem>> -> memref<128xi32, #tpu.memory_space<vmem>>
    %dma_start3A_101 = arith.constant 0 : i32
    %dma_start3A_102 = tpu.memref_slice %arg4[%add3A, %dma_start3A_87, %dma_start3A_101] : memref<32x80x128xi32, #tpu.memory_space<hbm>> -> memref<1x1x128xi32, #tpu.memory_space<hbm>>
    %dma_start3A_103 = tpu.memref_squeeze %dma_start3A_102 : memref<1x1x128xi32, #tpu.memory_space<hbm>> -> memref<128xi32, #tpu.memory_space<hbm>>
    tpu.enqueue_dma source(%dma_start3A_103 : memref<128xi32, #tpu.memory_space<hbm>>) target(%dma_start3A_100 : memref<128xi32, #tpu.memory_space<vmem>>) target_semaphore(%dma_start3A_97 : memref<!tpu.dma_semaphore, #tpu.memory_space<semaphore_mem>>)
    %dma_start3A_104 = arith.constant 3 : i32
    %dma_start3A_105 = arith.constant 3 : i32
    %dma_start3A_106 = arith.constant 3 : i32
    %dma_start3A_107 = arith.constant 0 : i32
    %dma_start3A_108 = tpu.memref_slice %arg7[%dma_start3A_105, %dma_start3A_107] : memref<8x128xi32, #tpu.memory_space<vmem>> -> memref<1x128xi32, #tpu.memory_space<vmem>>
    %dma_start3A_109 = tpu.memref_squeeze %dma_start3A_108 : memref<1x128xi32, #tpu.memory_space<vmem>> -> memref<128xi32, #tpu.memory_space<vmem>>
    %dma_start3A_110 = arith.constant 0 : i32
    %dma_start3A_111 = tpu.memref_slice %arg3[%add3A, %dma_start3A_104, %dma_start3A_110] : memref<32x80x128xi32, #tpu.memory_space<hbm>> -> memref<1x1x128xi32, #tpu.memory_space<hbm>>
    %dma_start3A_112 = tpu.memref_squeeze %dma_start3A_111 : memref<1x1x128xi32, #tpu.memory_space<hbm>> -> memref<128xi32, #tpu.memory_space<hbm>>
    %dma_start3A_113 = tpu.memref_slice %arg12[%dma_start3A_106] : memref<8x!tpu.dma_semaphore, #tpu.memory_space<semaphore_mem>> -> memref<1x!tpu.dma_semaphore, #tpu.memory_space<semaphore_mem>>
    %dma_start3A_114 = tpu.memref_squeeze %dma_start3A_113 : memref<1x!tpu.dma_semaphore, #tpu.memory_space<semaphore_mem>> -> memref<!tpu.dma_semaphore, #tpu.memory_space<semaphore_mem>>
    %dma_start3A_115 = arith.constant 0 : i32
    %dma_start3A_116 = tpu.memref_slice %arg7[%dma_start3A_105, %dma_start3A_115] : memref<8x128xi32, #tpu.memory_space<vmem>> -> memref<1x128xi32, #tpu.memory_space<vmem>>
    %dma_start3A_117 = tpu.memref_squeeze %dma_start3A_116 : memref<1x128xi32, #tpu.memory_space<vmem>> -> memref<128xi32, #tpu.memory_space<vmem>>
    %dma_start3A_118 = arith.constant 0 : i32
    %dma_start3A_119 = tpu.memref_slice %arg3[%add3A, %dma_start3A_104, %dma_start3A_118] : memref<32x80x128xi32, #tpu.memory_space<hbm>> -> memref<1x1x128xi32, #tpu.memory_space<hbm>>
    %dma_start3A_120 = tpu.memref_squeeze %dma_start3A_119 : memref<1x1x128xi32, #tpu.memory_space<hbm>> -> memref<128xi32, #tpu.memory_space<hbm>>
    tpu.enqueue_dma source(%dma_start3A_120 : memref<128xi32, #tpu.memory_space<hbm>>) target(%dma_start3A_117 : memref<128xi32, #tpu.memory_space<vmem>>) target_semaphore(%dma_start3A_114 : memref<!tpu.dma_semaphore, #tpu.memory_space<semaphore_mem>>)
    %dma_start3A_121 = arith.constant 3 : i32
    %dma_start3A_122 = arith.constant 3 : i32
    %dma_start3A_123 = arith.constant 3 : i32
    %dma_start3A_124 = arith.constant 0 : i32
    %dma_start3A_125 = tpu.memref_slice %arg8[%dma_start3A_122, %dma_start3A_124] : memref<8x128xi32, #tpu.memory_space<vmem>> -> memref<1x128xi32, #tpu.memory_space<vmem>>
    %dma_start3A_126 = tpu.memref_squeeze %dma_start3A_125 : memref<1x128xi32, #tpu.memory_space<vmem>> -> memref<128xi32, #tpu.memory_space<vmem>>
    %dma_start3A_127 = arith.constant 0 : i32
    %dma_start3A_128 = tpu.memref_slice %arg4[%add3A, %dma_start3A_121, %dma_start3A_127] : memref<32x80x128xi32, #tpu.memory_space<hbm>> -> memref<1x1x128xi32, #tpu.memory_space<hbm>>
    %dma_start3A_129 = tpu.memref_squeeze %dma_start3A_128 : memref<1x1x128xi32, #tpu.memory_space<hbm>> -> memref<128xi32, #tpu.memory_space<hbm>>
    %dma_start3A_130 = tpu.memref_slice %arg13[%dma_start3A_123] : memref<8x!tpu.dma_semaphore, #tpu.memory_space<semaphore_mem>> -> memref<1x!tpu.dma_semaphore, #tpu.memory_space<semaphore_mem>>
    %dma_start3A_131 = tpu.memref_squeeze %dma_start3A_130 : memref<1x!tpu.dma_semaphore, #tpu.memory_space<semaphore_mem>> -> memref<!tpu.dma_semaphore, #tpu.memory_space<semaphore_mem>>
    %dma_start3A_132 = arith.constant 0 : i32
    %dma_start3A_133 = tpu.memref_slice %arg8[%dma_start3A_122, %dma_start3A_132] : memref<8x128xi32, #tpu.memory_space<vmem>> -> memref<1x128xi32, #tpu.memory_space<vmem>>
    %dma_start3A_134 = tpu.memref_squeeze %dma_start3A_133 : memref<1x128xi32, #tpu.memory_space<vmem>> -> memref<128xi32, #tpu.memory_space<vmem>>
    %dma_start3A_135 = arith.constant 0 : i32
    %dma_start3A_136 = tpu.memref_slice %arg4[%add3A, %dma_start3A_121, %dma_start3A_135] : memref<32x80x128xi32, #tpu.memory_space<hbm>> -> memref<1x1x128xi32, #tpu.memory_space<hbm>>
    %dma_start3A_137 = tpu.memref_squeeze %dma_start3A_136 : memref<1x1x128xi32, #tpu.memory_space<hbm>> -> memref<128xi32, #tpu.memory_space<hbm>>
    tpu.enqueue_dma source(%dma_start3A_137 : memref<128xi32, #tpu.memory_space<hbm>>) target(%dma_start3A_134 : memref<128xi32, #tpu.memory_space<vmem>>) target_semaphore(%dma_start3A_131 : memref<!tpu.dma_semaphore, #tpu.memory_space<semaphore_mem>>)
    %dma_start3A_138 = arith.constant 4 : i32
    %dma_start3A_139 = arith.constant 4 : i32
    %dma_start3A_140 = arith.constant 4 : i32
    %dma_start3A_141 = arith.constant 0 : i32
    %dma_start3A_142 = tpu.memref_slice %arg7[%dma_start3A_139, %dma_start3A_141] : memref<8x128xi32, #tpu.memory_space<vmem>> -> memref<1x128xi32, #tpu.memory_space<vmem>>
    %dma_start3A_143 = tpu.memref_squeeze %dma_start3A_142 : memref<1x128xi32, #tpu.memory_space<vmem>> -> memref<128xi32, #tpu.memory_space<vmem>>
    %dma_start3A_144 = arith.constant 0 : i32
    %dma_start3A_145 = tpu.memref_slice %arg3[%add3A, %dma_start3A_138, %dma_start3A_144] : memref<32x80x128xi32, #tpu.memory_space<hbm>> -> memref<1x1x128xi32, #tpu.memory_space<hbm>>
    %dma_start3A_146 = tpu.memref_squeeze %dma_start3A_145 : memref<1x1x128xi32, #tpu.memory_space<hbm>> -> memref<128xi32, #tpu.memory_space<hbm>>
    %dma_start3A_147 = tpu.memref_slice %arg12[%dma_start3A_140] : memref<8x!tpu.dma_semaphore, #tpu.memory_space<semaphore_mem>> -> memref<1x!tpu.dma_semaphore, #tpu.memory_space<semaphore_mem>>
    %dma_start3A_148 = tpu.memref_squeeze %dma_start3A_147 : memref<1x!tpu.dma_semaphore, #tpu.memory_space<semaphore_mem>> -> memref<!tpu.dma_semaphore, #tpu.memory_space<semaphore_mem>>
    %dma_start3A_149 = arith.constant 0 : i32
    %dma_start3A_150 = tpu.memref_slice %arg7[%dma_start3A_139, %dma_start3A_149] : memref<8x128xi32, #tpu.memory_space<vmem>> -> memref<1x128xi32, #tpu.memory_space<vmem>>
    %dma_start3A_151 = tpu.memref_squeeze %dma_start3A_150 : memref<1x128xi32, #tpu.memory_space<vmem>> -> memref<128xi32, #tpu.memory_space<vmem>>
    %dma_start3A_152 = arith.constant 0 : i32
    %dma_start3A_153 = tpu.memref_slice %arg3[%add3A, %dma_start3A_138, %dma_start3A_152] : memref<32x80x128xi32, #tpu.memory_space<hbm>> -> memref<1x1x128xi32, #tpu.memory_space<hbm>>
    %dma_start3A_154 = tpu.memref_squeeze %dma_start3A_153 : memref<1x1x128xi32, #tpu.memory_space<hbm>> -> memref<128xi32, #tpu.memory_space<hbm>>
    tpu.enqueue_dma source(%dma_start3A_154 : memref<128xi32, #tpu.memory_space<hbm>>) target(%dma_start3A_151 : memref<128xi32, #tpu.memory_space<vmem>>) target_semaphore(%dma_start3A_148 : memref<!tpu.dma_semaphore, #tpu.memory_space<semaphore_mem>>)
    %dma_start3A_155 = arith.constant 4 : i32
    %dma_start3A_156 = arith.constant 4 : i32
    %dma_start3A_157 = arith.constant 4 : i32
    %dma_start3A_158 = arith.constant 0 : i32
    %dma_start3A_159 = tpu.memref_slice %arg8[%dma_start3A_156, %dma_start3A_158] : memref<8x128xi32, #tpu.memory_space<vmem>> -> memref<1x128xi32, #tpu.memory_space<vmem>>
    %dma_start3A_160 = tpu.memref_squeeze %dma_start3A_159 : memref<1x128xi32, #tpu.memory_space<vmem>> -> memref<128xi32, #tpu.memory_space<vmem>>
    %dma_start3A_161 = arith.constant 0 : i32
    %dma_start3A_162 = tpu.memref_slice %arg4[%add3A, %dma_start3A_155, %dma_start3A_161] : memref<32x80x128xi32, #tpu.memory_space<hbm>> -> memref<1x1x128xi32, #tpu.memory_space<hbm>>
    %dma_start3A_163 = tpu.memref_squeeze %dma_start3A_162 : memref<1x1x128xi32, #tpu.memory_space<hbm>> -> memref<128xi32, #tpu.memory_space<hbm>>
    %dma_start3A_164 = tpu.memref_slice %arg13[%dma_start3A_157] : memref<8x!tpu.dma_semaphore, #tpu.memory_space<semaphore_mem>> -> memref<1x!tpu.dma_semaphore, #tpu.memory_space<semaphore_mem>>
    %dma_start3A_165 = tpu.memref_squeeze %dma_start3A_164 : memref<1x!tpu.dma_semaphore, #tpu.memory_space<semaphore_mem>> -> memref<!tpu.dma_semaphore, #tpu.memory_space<semaphore_mem>>
    %dma_start3A_166 = arith.constant 0 : i32
    %dma_start3A_167 = tpu.memref_slice %arg8[%dma_start3A_156, %dma_start3A_166] : memref<8x128xi32, #tpu.memory_space<vmem>> -> memref<1x128xi32, #tpu.memory_space<vmem>>
    %dma_start3A_168 = tpu.memref_squeeze %dma_start3A_167 : memref<1x128xi32, #tpu.memory_space<vmem>> -> memref<128xi32, #tpu.memory_space<vmem>>
    %dma_start3A_169 = arith.constant 0 : i32
    %dma_start3A_170 = tpu.memref_slice %arg4[%add3A, %dma_start3A_155, %dma_start3A_169] : memref<32x80x128xi32, #tpu.memory_space<hbm>> -> memref<1x1x128xi32, #tpu.memory_space<hbm>>
    %dma_start3A_171 = tpu.memref_squeeze %dma_start3A_170 : memref<1x1x128xi32, #tpu.memory_space<hbm>> -> memref<128xi32, #tpu.memory_space<hbm>>
    tpu.enqueue_dma source(%dma_start3A_171 : memref<128xi32, #tpu.memory_space<hbm>>) target(%dma_start3A_168 : memref<128xi32, #tpu.memory_space<vmem>>) target_semaphore(%dma_start3A_165 : memref<!tpu.dma_semaphore, #tpu.memory_space<semaphore_mem>>)
    %dma_start3A_172 = arith.constant 5 : i32
    %dma_start3A_173 = arith.constant 5 : i32
    %dma_start3A_174 = arith.constant 5 : i32
    %dma_start3A_175 = arith.constant 0 : i32
    %dma_start3A_176 = tpu.memref_slice %arg7[%dma_start3A_173, %dma_start3A_175] : memref<8x128xi32, #tpu.memory_space<vmem>> -> memref<1x128xi32, #tpu.memory_space<vmem>>
    %dma_start3A_177 = tpu.memref_squeeze %dma_start3A_176 : memref<1x128xi32, #tpu.memory_space<vmem>> -> memref<128xi32, #tpu.memory_space<vmem>>
    %dma_start3A_178 = arith.constant 0 : i32
    %dma_start3A_179 = tpu.memref_slice %arg3[%add3A, %dma_start3A_172, %dma_start3A_178] : memref<32x80x128xi32, #tpu.memory_space<hbm>> -> memref<1x1x128xi32, #tpu.memory_space<hbm>>
    %dma_start3A_180 = tpu.memref_squeeze %dma_start3A_179 : memref<1x1x128xi32, #tpu.memory_space<hbm>> -> memref<128xi32, #tpu.memory_space<hbm>>
    %dma_start3A_181 = tpu.memref_slice %arg12[%dma_start3A_174] : memref<8x!tpu.dma_semaphore, #tpu.memory_space<semaphore_mem>> -> memref<1x!tpu.dma_semaphore, #tpu.memory_space<semaphore_mem>>
    %dma_start3A_182 = tpu.memref_squeeze %dma_start3A_181 : memref<1x!tpu.dma_semaphore, #tpu.memory_space<semaphore_mem>> -> memref<!tpu.dma_semaphore, #tpu.memory_space<semaphore_mem>>
    %dma_start3A_183 = arith.constant 0 : i32
    %dma_start3A_184 = tpu.memref_slice %arg7[%dma_start3A_173, %dma_start3A_183] : memref<8x128xi32, #tpu.memory_space<vmem>> -> memref<1x128xi32, #tpu.memory_space<vmem>>
    %dma_start3A_185 = tpu.memref_squeeze %dma_start3A_184 : memref<1x128xi32, #tpu.memory_space<vmem>> -> memref<128xi32, #tpu.memory_space<vmem>>
    %dma_start3A_186 = arith.constant 0 : i32
    %dma_start3A_187 = tpu.memref_slice %arg3[%add3A, %dma_start3A_172, %dma_start3A_186] : memref<32x80x128xi32, #tpu.memory_space<hbm>> -> memref<1x1x128xi32, #tpu.memory_space<hbm>>
    %dma_start3A_188 = tpu.memref_squeeze %dma_start3A_187 : memref<1x1x128xi32, #tpu.memory_space<hbm>> -> memref<128xi32, #tpu.memory_space<hbm>>
    tpu.enqueue_dma source(%dma_start3A_188 : memref<128xi32, #tpu.memory_space<hbm>>) target(%dma_start3A_185 : memref<128xi32, #tpu.memory_space<vmem>>) target_semaphore(%dma_start3A_182 : memref<!tpu.dma_semaphore, #tpu.memory_space<semaphore_mem>>)
    %dma_start3A_189 = arith.constant 5 : i32
    %dma_start3A_190 = arith.constant 5 : i32
    %dma_start3A_191 = arith.constant 5 : i32
    %dma_start3A_192 = arith.constant 0 : i32
    %dma_start3A_193 = tpu.memref_slice %arg8[%dma_start3A_190, %dma_start3A_192] : memref<8x128xi32, #tpu.memory_space<vmem>> -> memref<1x128xi32, #tpu.memory_space<vmem>>
    %dma_start3A_194 = tpu.memref_squeeze %dma_start3A_193 : memref<1x128xi32, #tpu.memory_space<vmem>> -> memref<128xi32, #tpu.memory_space<vmem>>
    %dma_start3A_195 = arith.constant 0 : i32
    %dma_start3A_196 = tpu.memref_slice %arg4[%add3A, %dma_start3A_189, %dma_start3A_195] : memref<32x80x128xi32, #tpu.memory_space<hbm>> -> memref<1x1x128xi32, #tpu.memory_space<hbm>>
    %dma_start3A_197 = tpu.memref_squeeze %dma_start3A_196 : memref<1x1x128xi32, #tpu.memory_space<hbm>> -> memref<128xi32, #tpu.memory_space<hbm>>
    %dma_start3A_198 = tpu.memref_slice %arg13[%dma_start3A_191] : memref<8x!tpu.dma_semaphore, #tpu.memory_space<semaphore_mem>> -> memref<1x!tpu.dma_semaphore, #tpu.memory_space<semaphore_mem>>
    %dma_start3A_199 = tpu.memref_squeeze %dma_start3A_198 : memref<1x!tpu.dma_semaphore, #tpu.memory_space<semaphore_mem>> -> memref<!tpu.dma_semaphore, #tpu.memory_space<semaphore_mem>>
    %dma_start3A_200 = arith.constant 0 : i32
    %dma_start3A_201 = tpu.memref_slice %arg8[%dma_start3A_190, %dma_start3A_200] : memref<8x128xi32, #tpu.memory_space<vmem>> -> memref<1x128xi32, #tpu.memory_space<vmem>>
    %dma_start3A_202 = tpu.memref_squeeze %dma_start3A_201 : memref<1x128xi32, #tpu.memory_space<vmem>> -> memref<128xi32, #tpu.memory_space<vmem>>
    %dma_start3A_203 = arith.constant 0 : i32
    %dma_start3A_204 = tpu.memref_slice %arg4[%add3A, %dma_start3A_189, %dma_start3A_203] : memref<32x80x128xi32, #tpu.memory_space<hbm>> -> memref<1x1x128xi32, #tpu.memory_space<hbm>>
    %dma_start3A_205 = tpu.memref_squeeze %dma_start3A_204 : memref<1x1x128xi32, #tpu.memory_space<hbm>> -> memref<128xi32, #tpu.memory_space<hbm>>
    tpu.enqueue_dma source(%dma_start3A_205 : memref<128xi32, #tpu.memory_space<hbm>>) target(%dma_start3A_202 : memref<128xi32, #tpu.memory_space<vmem>>) target_semaphore(%dma_start3A_199 : memref<!tpu.dma_semaphore, #tpu.memory_space<semaphore_mem>>)
    %dma_start3A_206 = arith.constant 6 : i32
    %dma_start3A_207 = arith.constant 6 : i32
    %dma_start3A_208 = arith.constant 6 : i32
    %dma_start3A_209 = arith.constant 0 : i32
    %dma_start3A_210 = tpu.memref_slice %arg7[%dma_start3A_207, %dma_start3A_209] : memref<8x128xi32, #tpu.memory_space<vmem>> -> memref<1x128xi32, #tpu.memory_space<vmem>>
    %dma_start3A_211 = tpu.memref_squeeze %dma_start3A_210 : memref<1x128xi32, #tpu.memory_space<vmem>> -> memref<128xi32, #tpu.memory_space<vmem>>
    %dma_start3A_212 = arith.constant 0 : i32
    %dma_start3A_213 = tpu.memref_slice %arg3[%add3A, %dma_start3A_206, %dma_start3A_212] : memref<32x80x128xi32, #tpu.memory_space<hbm>> -> memref<1x1x128xi32, #tpu.memory_space<hbm>>
    %dma_start3A_214 = tpu.memref_squeeze %dma_start3A_213 : memref<1x1x128xi32, #tpu.memory_space<hbm>> -> memref<128xi32, #tpu.memory_space<hbm>>
    %dma_start3A_215 = tpu.memref_slice %arg12[%dma_start3A_208] : memref<8x!tpu.dma_semaphore, #tpu.memory_space<semaphore_mem>> -> memref<1x!tpu.dma_semaphore, #tpu.memory_space<semaphore_mem>>
    %dma_start3A_216 = tpu.memref_squeeze %dma_start3A_215 : memref<1x!tpu.dma_semaphore, #tpu.memory_space<semaphore_mem>> -> memref<!tpu.dma_semaphore, #tpu.memory_space<semaphore_mem>>
    %dma_start3A_217 = arith.constant 0 : i32
    %dma_start3A_218 = tpu.memref_slice %arg7[%dma_start3A_207, %dma_start3A_217] : memref<8x128xi32, #tpu.memory_space<vmem>> -> memref<1x128xi32, #tpu.memory_space<vmem>>
    %dma_start3A_219 = tpu.memref_squeeze %dma_start3A_218 : memref<1x128xi32, #tpu.memory_space<vmem>> -> memref<128xi32, #tpu.memory_space<vmem>>
    %dma_start3A_220 = arith.constant 0 : i32
    %dma_start3A_221 = tpu.memref_slice %arg3[%add3A, %dma_start3A_206, %dma_start3A_220] : memref<32x80x128xi32, #tpu.memory_space<hbm>> -> memref<1x1x128xi32, #tpu.memory_space<hbm>>
    %dma_start3A_222 = tpu.memref_squeeze %dma_start3A_221 : memref<1x1x128xi32, #tpu.memory_space<hbm>> -> memref<128xi32, #tpu.memory_space<hbm>>
    tpu.enqueue_dma source(%dma_start3A_222 : memref<128xi32, #tpu.memory_space<hbm>>) target(%dma_start3A_219 : memref<128xi32, #tpu.memory_space<vmem>>) target_semaphore(%dma_start3A_216 : memref<!tpu.dma_semaphore, #tpu.memory_space<semaphore_mem>>)
    %dma_start3A_223 = arith.constant 6 : i32
    %dma_start3A_224 = arith.constant 6 : i32
    %dma_start3A_225 = arith.constant 6 : i32
    %dma_start3A_226 = arith.constant 0 : i32
    %dma_start3A_227 = tpu.memref_slice %arg8[%dma_start3A_224, %dma_start3A_226] : memref<8x128xi32, #tpu.memory_space<vmem>> -> memref<1x128xi32, #tpu.memory_space<vmem>>
    %dma_start3A_228 = tpu.memref_squeeze %dma_start3A_227 : memref<1x128xi32, #tpu.memory_space<vmem>> -> memref<128xi32, #tpu.memory_space<vmem>>
    %dma_start3A_229 = arith.constant 0 : i32
    %dma_start3A_230 = tpu.memref_slice %arg4[%add3A, %dma_start3A_223, %dma_start3A_229] : memref<32x80x128xi32, #tpu.memory_space<hbm>> -> memref<1x1x128xi32, #tpu.memory_space<hbm>>
    %dma_start3A_231 = tpu.memref_squeeze %dma_start3A_230 : memref<1x1x128xi32, #tpu.memory_space<hbm>> -> memref<128xi32, #tpu.memory_space<hbm>>
    %dma_start3A_232 = tpu.memref_slice %arg13[%dma_start3A_225] : memref<8x!tpu.dma_semaphore, #tpu.memory_space<semaphore_mem>> -> memref<1x!tpu.dma_semaphore, #tpu.memory_space<semaphore_mem>>
    %dma_start3A_233 = tpu.memref_squeeze %dma_start3A_232 : memref<1x!tpu.dma_semaphore, #tpu.memory_space<semaphore_mem>> -> memref<!tpu.dma_semaphore, #tpu.memory_space<semaphore_mem>>
    %dma_start3A_234 = arith.constant 0 : i32
    %dma_start3A_235 = tpu.memref_slice %arg8[%dma_start3A_224, %dma_start3A_234] : memref<8x128xi32, #tpu.memory_space<vmem>> -> memref<1x128xi32, #tpu.memory_space<vmem>>
    %dma_start3A_236 = tpu.memref_squeeze %dma_start3A_235 : memref<1x128xi32, #tpu.memory_space<vmem>> -> memref<128xi32, #tpu.memory_space<vmem>>
    %dma_start3A_237 = arith.constant 0 : i32
    %dma_start3A_238 = tpu.memref_slice %arg4[%add3A, %dma_start3A_223, %dma_start3A_237] : memref<32x80x128xi32, #tpu.memory_space<hbm>> -> memref<1x1x128xi32, #tpu.memory_space<hbm>>
    %dma_start3A_239 = tpu.memref_squeeze %dma_start3A_238 : memref<1x1x128xi32, #tpu.memory_space<hbm>> -> memref<128xi32, #tpu.memory_space<hbm>>
    tpu.enqueue_dma source(%dma_start3A_239 : memref<128xi32, #tpu.memory_space<hbm>>) target(%dma_start3A_236 : memref<128xi32, #tpu.memory_space<vmem>>) target_semaphore(%dma_start3A_233 : memref<!tpu.dma_semaphore, #tpu.memory_space<semaphore_mem>>)
    %dma_start3A_240 = arith.constant 7 : i32
    %dma_start3A_241 = arith.constant 7 : i32
    %dma_start3A_242 = arith.constant 7 : i32
    %dma_start3A_243 = arith.constant 0 : i32
    %dma_start3A_244 = tpu.memref_slice %arg7[%dma_start3A_241, %dma_start3A_243] : memref<8x128xi32, #tpu.memory_space<vmem>> -> memref<1x128xi32, #tpu.memory_space<vmem>>
    %dma_start3A_245 = tpu.memref_squeeze %dma_start3A_244 : memref<1x128xi32, #tpu.memory_space<vmem>> -> memref<128xi32, #tpu.memory_space<vmem>>
    %dma_start3A_246 = arith.constant 0 : i32
    %dma_start3A_247 = tpu.memref_slice %arg3[%add3A, %dma_start3A_240, %dma_start3A_246] : memref<32x80x128xi32, #tpu.memory_space<hbm>> -> memref<1x1x128xi32, #tpu.memory_space<hbm>>
    %dma_start3A_248 = tpu.memref_squeeze %dma_start3A_247 : memref<1x1x128xi32, #tpu.memory_space<hbm>> -> memref<128xi32, #tpu.memory_space<hbm>>
    %dma_start3A_249 = tpu.memref_slice %arg12[%dma_start3A_242] : memref<8x!tpu.dma_semaphore, #tpu.memory_space<semaphore_mem>> -> memref<1x!tpu.dma_semaphore, #tpu.memory_space<semaphore_mem>>
    %dma_start3A_250 = tpu.memref_squeeze %dma_start3A_249 : memref<1x!tpu.dma_semaphore, #tpu.memory_space<semaphore_mem>> -> memref<!tpu.dma_semaphore, #tpu.memory_space<semaphore_mem>>
    %dma_start3A_251 = arith.constant 0 : i32
    %dma_start3A_252 = tpu.memref_slice %arg7[%dma_start3A_241, %dma_start3A_251] : memref<8x128xi32, #tpu.memory_space<vmem>> -> memref<1x128xi32, #tpu.memory_space<vmem>>
    %dma_start3A_253 = tpu.memref_squeeze %dma_start3A_252 : memref<1x128xi32, #tpu.memory_space<vmem>> -> memref<128xi32, #tpu.memory_space<vmem>>
    %dma_start3A_254 = arith.constant 0 : i32
    %dma_start3A_255 = tpu.memref_slice %arg3[%add3A, %dma_start3A_240, %dma_start3A_254] : memref<32x80x128xi32, #tpu.memory_space<hbm>> -> memref<1x1x128xi32, #tpu.memory_space<hbm>>
    %dma_start3A_256 = tpu.memref_squeeze %dma_start3A_255 : memref<1x1x128xi32, #tpu.memory_space<hbm>> -> memref<128xi32, #tpu.memory_space<hbm>>
    tpu.enqueue_dma source(%dma_start3A_256 : memref<128xi32, #tpu.memory_space<hbm>>) target(%dma_start3A_253 : memref<128xi32, #tpu.memory_space<vmem>>) target_semaphore(%dma_start3A_250 : memref<!tpu.dma_semaphore, #tpu.memory_space<semaphore_mem>>)
    %dma_start3A_257 = arith.constant 7 : i32
    %dma_start3A_258 = arith.constant 7 : i32
    %dma_start3A_259 = arith.constant 7 : i32
    %dma_start3A_260 = arith.constant 0 : i32
    %dma_start3A_261 = tpu.memref_slice %arg8[%dma_start3A_258, %dma_start3A_260] : memref<8x128xi32, #tpu.memory_space<vmem>> -> memref<1x128xi32, #tpu.memory_space<vmem>>
    %dma_start3A_262 = tpu.memref_squeeze %dma_start3A_261 : memref<1x128xi32, #tpu.memory_space<vmem>> -> memref<128xi32, #tpu.memory_space<vmem>>
    %dma_start3A_263 = arith.constant 0 : i32
    %dma_start3A_264 = tpu.memref_slice %arg4[%add3A, %dma_start3A_257, %dma_start3A_263] : memref<32x80x128xi32, #tpu.memory_space<hbm>> -> memref<1x1x128xi32, #tpu.memory_space<hbm>>
    %dma_start3A_265 = tpu.memref_squeeze %dma_start3A_264 : memref<1x1x128xi32, #tpu.memory_space<hbm>> -> memref<128xi32, #tpu.memory_space<hbm>>
    %dma_start3A_266 = tpu.memref_slice %arg13[%dma_start3A_259] : memref<8x!tpu.dma_semaphore, #tpu.memory_space<semaphore_mem>> -> memref<1x!tpu.dma_semaphore, #tpu.memory_space<semaphore_mem>>
    %dma_start3A_267 = tpu.memref_squeeze %dma_start3A_266 : memref<1x!tpu.dma_semaphore, #tpu.memory_space<semaphore_mem>> -> memref<!tpu.dma_semaphore, #tpu.memory_space<semaphore_mem>>
    %dma_start3A_268 = arith.constant 0 : i32
    %dma_start3A_269 = tpu.memref_slice %arg8[%dma_start3A_258, %dma_start3A_268] : memref<8x128xi32, #tpu.memory_space<vmem>> -> memref<1x128xi32, #tpu.memory_space<vmem>>
    %dma_start3A_270 = tpu.memref_squeeze %dma_start3A_269 : memref<1x128xi32, #tpu.memory_space<vmem>> -> memref<128xi32, #tpu.memory_space<vmem>>
    %dma_start3A_271 = arith.constant 0 : i32
    %dma_start3A_272 = tpu.memref_slice %arg4[%add3A, %dma_start3A_257, %dma_start3A_271] : memref<32x80x128xi32, #tpu.memory_space<hbm>> -> memref<1x1x128xi32, #tpu.memory_space<hbm>>
    %dma_start3A_273 = tpu.memref_squeeze %dma_start3A_272 : memref<1x1x128xi32, #tpu.memory_space<hbm>> -> memref<128xi32, #tpu.memory_space<hbm>>
    tpu.enqueue_dma source(%dma_start3A_273 : memref<128xi32, #tpu.memory_space<hbm>>) target(%dma_start3A_270 : memref<128xi32, #tpu.memory_space<vmem>>) target_semaphore(%dma_start3A_267 : memref<!tpu.dma_semaphore, #tpu.memory_space<semaphore_mem>>)
    %dma_wait3A = arith.constant 0 : i32
    %dma_wait3A_274 = arith.constant 0 : i32
    %dma_wait3A_275 = arith.constant 0 : i32
    %dma_wait3A_276 = arith.constant 0 : i32
    %dma_wait3A_277 = tpu.memref_slice %arg7[%dma_wait3A_274, %dma_wait3A_276] : memref<8x128xi32, #tpu.memory_space<vmem>> -> memref<1x128xi32, #tpu.memory_space<vmem>>
    %dma_wait3A_278 = tpu.memref_squeeze %dma_wait3A_277 : memref<1x128xi32, #tpu.memory_space<vmem>> -> memref<128xi32, #tpu.memory_space<vmem>>
    %dma_wait3A_279 = arith.constant 0 : i32
    %dma_wait3A_280 = tpu.memref_slice %arg3[%add3A, %dma_wait3A, %dma_wait3A_279] : memref<32x80x128xi32, #tpu.memory_space<hbm>> -> memref<1x1x128xi32, #tpu.memory_space<hbm>>
    %dma_wait3A_281 = tpu.memref_squeeze %dma_wait3A_280 : memref<1x1x128xi32, #tpu.memory_space<hbm>> -> memref<128xi32, #tpu.memory_space<hbm>>
    %dma_wait3A_282 = tpu.memref_slice %arg12[%dma_wait3A_275] : memref<8x!tpu.dma_semaphore, #tpu.memory_space<semaphore_mem>> -> memref<1x!tpu.dma_semaphore, #tpu.memory_space<semaphore_mem>>
    %dma_wait3A_283 = tpu.memref_squeeze %dma_wait3A_282 : memref<1x!tpu.dma_semaphore, #tpu.memory_space<semaphore_mem>> -> memref<!tpu.dma_semaphore, #tpu.memory_space<semaphore_mem>>
    %dma_wait3A_284 = arith.constant 0 : i32
    %dma_wait3A_285 = tpu.memref_slice %arg7[%dma_wait3A_274, %dma_wait3A_284] : memref<8x128xi32, #tpu.memory_space<vmem>> -> memref<1x128xi32, #tpu.memory_space<vmem>>
    %dma_wait3A_286 = tpu.memref_squeeze %dma_wait3A_285 : memref<1x128xi32, #tpu.memory_space<vmem>> -> memref<128xi32, #tpu.memory_space<vmem>>
    %dma_wait3A_287 = arith.constant 0 : i32
    %dma_wait3A_288 = tpu.memref_slice %arg3[%add3A, %dma_wait3A, %dma_wait3A_287] : memref<32x80x128xi32, #tpu.memory_space<hbm>> -> memref<1x1x128xi32, #tpu.memory_space<hbm>>
    %dma_wait3A_289 = tpu.memref_squeeze %dma_wait3A_288 : memref<1x1x128xi32, #tpu.memory_space<hbm>> -> memref<128xi32, #tpu.memory_space<hbm>>
    tpu.wait_dma2 semaphore(%dma_wait3A_283 : memref<!tpu.dma_semaphore, #tpu.memory_space<semaphore_mem>>) src(%dma_wait3A_289 : memref<128xi32, #tpu.memory_space<hbm>>) dst(%dma_wait3A_286 : memref<128xi32, #tpu.memory_space<vmem>>)
    %dma_start3A_290 = arith.constant 0 : i32
    %dma_start3A_291 = arith.constant 0 : i32
    %dma_start3A_292 = arith.constant 0 : i32
    %dma_start3A_293 = arith.constant 0 : i32
    %dma_start3A_294 = arith.constant 0 : i32
    %dma_start3A_295 = tpu.memref_slice %arg9[%dma_start3A_291, %dma_start3A_293, %dma_start3A_294] : memref<4x128x64xf32, #tpu.memory_space<vmem>> -> memref<1x128x64xf32, #tpu.memory_space<vmem>>
    %dma_start3A_296 = tpu.memref_squeeze %dma_start3A_295 : memref<1x128x64xf32, #tpu.memory_space<vmem>> -> memref<128x64xf32, #tpu.memory_space<vmem>>
    %dma_start3A_297 = arith.constant 0 : i32
    %dma_start3A_298 = tpu.memref_slice %arg7[%dma_start3A_290, %dma_start3A_297] : memref<8x128xi32, #tpu.memory_space<vmem>> -> memref<1x128xi32, #tpu.memory_space<vmem>>
    %dma_start3A_299 = tpu.memref_squeeze %dma_start3A_298 : memref<1x128xi32, #tpu.memory_space<vmem>> -> memref<128xi32, #tpu.memory_space<vmem>>
    %dma_start3A_300 = arith.constant 0 : i32
    %dma_start3A_301 = arith.constant 0 : i32
    %dma_start3A_302 = tpu.memref_slice %arg2[%dma_start3A_300, %dma_start3A_301] : memref<10000x64xf32, #tpu.memory_space<hbm>> -> memref<10000x64xf32, #tpu.memory_space<hbm>>
    %dma_start3A_303 = tpu.memref_slice %arg11[%dma_start3A_292] : memref<4x!tpu.dma_semaphore, #tpu.memory_space<semaphore_mem>> -> memref<1x!tpu.dma_semaphore, #tpu.memory_space<semaphore_mem>>
    %dma_start3A_304 = tpu.memref_squeeze %dma_start3A_303 : memref<1x!tpu.dma_semaphore, #tpu.memory_space<semaphore_mem>> -> memref<!tpu.dma_semaphore, #tpu.memory_space<semaphore_mem>>
    tpu.enqueue_indirect_dma source(%dma_start3A_302 : memref<10000x64xf32, #tpu.memory_space<hbm>>) target(%dma_start3A_296 : memref<128x64xf32, #tpu.memory_space<vmem>>) offsets(%dma_start3A_299 : memref<128xi32, #tpu.memory_space<vmem>>) semaphore(%dma_start3A_304 : memref<!tpu.dma_semaphore, #tpu.memory_space<semaphore_mem>>)
    %dma_wait3A_305 = arith.constant 1 : i32
    %dma_wait3A_306 = arith.constant 1 : i32
    %dma_wait3A_307 = arith.constant 1 : i32
    %dma_wait3A_308 = arith.constant 0 : i32
    %dma_wait3A_309 = tpu.memref_slice %arg7[%dma_wait3A_306, %dma_wait3A_308] : memref<8x128xi32, #tpu.memory_space<vmem>> -> memref<1x128xi32, #tpu.memory_space<vmem>>
    %dma_wait3A_310 = tpu.memref_squeeze %dma_wait3A_309 : memref<1x128xi32, #tpu.memory_space<vmem>> -> memref<128xi32, #tpu.memory_space<vmem>>
    %dma_wait3A_311 = arith.constant 0 : i32
    %dma_wait3A_312 = tpu.memref_slice %arg3[%add3A, %dma_wait3A_305, %dma_wait3A_311] : memref<32x80x128xi32, #tpu.memory_space<hbm>> -> memref<1x1x128xi32, #tpu.memory_space<hbm>>
    %dma_wait3A_313 = tpu.memref_squeeze %dma_wait3A_312 : memref<1x1x128xi32, #tpu.memory_space<hbm>> -> memref<128xi32, #tpu.memory_space<hbm>>
    %dma_wait3A_314 = tpu.memref_slice %arg12[%dma_wait3A_307] : memref<8x!tpu.dma_semaphore, #tpu.memory_space<semaphore_mem>> -> memref<1x!tpu.dma_semaphore, #tpu.memory_space<semaphore_mem>>
    %dma_wait3A_315 = tpu.memref_squeeze %dma_wait3A_314 : memref<1x!tpu.dma_semaphore, #tpu.memory_space<semaphore_mem>> -> memref<!tpu.dma_semaphore, #tpu.memory_space<semaphore_mem>>
    %dma_wait3A_316 = arith.constant 0 : i32
    %dma_wait3A_317 = tpu.memref_slice %arg7[%dma_wait3A_306, %dma_wait3A_316] : memref<8x128xi32, #tpu.memory_space<vmem>> -> memref<1x128xi32, #tpu.memory_space<vmem>>
    %dma_wait3A_318 = tpu.memref_squeeze %dma_wait3A_317 : memref<1x128xi32, #tpu.memory_space<vmem>> -> memref<128xi32, #tpu.memory_space<vmem>>
    %dma_wait3A_319 = arith.constant 0 : i32
    %dma_wait3A_320 = tpu.memref_slice %arg3[%add3A, %dma_wait3A_305, %dma_wait3A_319] : memref<32x80x128xi32, #tpu.memory_space<hbm>> -> memref<1x1x128xi32, #tpu.memory_space<hbm>>
    %dma_wait3A_321 = tpu.memref_squeeze %dma_wait3A_320 : memref<1x1x128xi32, #tpu.memory_space<hbm>> -> memref<128xi32, #tpu.memory_space<hbm>>
    tpu.wait_dma2 semaphore(%dma_wait3A_315 : memref<!tpu.dma_semaphore, #tpu.memory_space<semaphore_mem>>) src(%dma_wait3A_321 : memref<128xi32, #tpu.memory_space<hbm>>) dst(%dma_wait3A_318 : memref<128xi32, #tpu.memory_space<vmem>>)
    %dma_start3A_322 = arith.constant 1 : i32
    %dma_start3A_323 = arith.constant 1 : i32
    %dma_start3A_324 = arith.constant 1 : i32
    %dma_start3A_325 = arith.constant 0 : i32
    %dma_start3A_326 = arith.constant 0 : i32
    %dma_start3A_327 = tpu.memref_slice %arg9[%dma_start3A_323, %dma_start3A_325, %dma_start3A_326] : memref<4x128x64xf32, #tpu.memory_space<vmem>> -> memref<1x128x64xf32, #tpu.memory_space<vmem>>
    %dma_start3A_328 = tpu.memref_squeeze %dma_start3A_327 : memref<1x128x64xf32, #tpu.memory_space<vmem>> -> memref<128x64xf32, #tpu.memory_space<vmem>>
    %dma_start3A_329 = arith.constant 0 : i32
    %dma_start3A_330 = tpu.memref_slice %arg7[%dma_start3A_322, %dma_start3A_329] : memref<8x128xi32, #tpu.memory_space<vmem>> -> memref<1x128xi32, #tpu.memory_space<vmem>>
    %dma_start3A_331 = tpu.memref_squeeze %dma_start3A_330 : memref<1x128xi32, #tpu.memory_space<vmem>> -> memref<128xi32, #tpu.memory_space<vmem>>
    %dma_start3A_332 = arith.constant 0 : i32
    %dma_start3A_333 = arith.constant 0 : i32
    %dma_start3A_334 = tpu.memref_slice %arg2[%dma_start3A_332, %dma_start3A_333] : memref<10000x64xf32, #tpu.memory_space<hbm>> -> memref<10000x64xf32, #tpu.memory_space<hbm>>
    %dma_start3A_335 = tpu.memref_slice %arg11[%dma_start3A_324] : memref<4x!tpu.dma_semaphore, #tpu.memory_space<semaphore_mem>> -> memref<1x!tpu.dma_semaphore, #tpu.memory_space<semaphore_mem>>
    %dma_start3A_336 = tpu.memref_squeeze %dma_start3A_335 : memref<1x!tpu.dma_semaphore, #tpu.memory_space<semaphore_mem>> -> memref<!tpu.dma_semaphore, #tpu.memory_space<semaphore_mem>>
    tpu.enqueue_indirect_dma source(%dma_start3A_334 : memref<10000x64xf32, #tpu.memory_space<hbm>>) target(%dma_start3A_328 : memref<128x64xf32, #tpu.memory_space<vmem>>) offsets(%dma_start3A_331 : memref<128xi32, #tpu.memory_space<vmem>>) semaphore(%dma_start3A_336 : memref<!tpu.dma_semaphore, #tpu.memory_space<semaphore_mem>>)
    %dma_wait3A_337 = arith.constant 2 : i32
    %dma_wait3A_338 = arith.constant 2 : i32
    %dma_wait3A_339 = arith.constant 2 : i32
    %dma_wait3A_340 = arith.constant 0 : i32
    %dma_wait3A_341 = tpu.memref_slice %arg7[%dma_wait3A_338, %dma_wait3A_340] : memref<8x128xi32, #tpu.memory_space<vmem>> -> memref<1x128xi32, #tpu.memory_space<vmem>>
    %dma_wait3A_342 = tpu.memref_squeeze %dma_wait3A_341 : memref<1x128xi32, #tpu.memory_space<vmem>> -> memref<128xi32, #tpu.memory_space<vmem>>
    %dma_wait3A_343 = arith.constant 0 : i32
    %dma_wait3A_344 = tpu.memref_slice %arg3[%add3A, %dma_wait3A_337, %dma_wait3A_343] : memref<32x80x128xi32, #tpu.memory_space<hbm>> -> memref<1x1x128xi32, #tpu.memory_space<hbm>>
    %dma_wait3A_345 = tpu.memref_squeeze %dma_wait3A_344 : memref<1x1x128xi32, #tpu.memory_space<hbm>> -> memref<128xi32, #tpu.memory_space<hbm>>
    %dma_wait3A_346 = tpu.memref_slice %arg12[%dma_wait3A_339] : memref<8x!tpu.dma_semaphore, #tpu.memory_space<semaphore_mem>> -> memref<1x!tpu.dma_semaphore, #tpu.memory_space<semaphore_mem>>
    %dma_wait3A_347 = tpu.memref_squeeze %dma_wait3A_346 : memref<1x!tpu.dma_semaphore, #tpu.memory_space<semaphore_mem>> -> memref<!tpu.dma_semaphore, #tpu.memory_space<semaphore_mem>>
    %dma_wait3A_348 = arith.constant 0 : i32
    %dma_wait3A_349 = tpu.memref_slice %arg7[%dma_wait3A_338, %dma_wait3A_348] : memref<8x128xi32, #tpu.memory_space<vmem>> -> memref<1x128xi32, #tpu.memory_space<vmem>>
    %dma_wait3A_350 = tpu.memref_squeeze %dma_wait3A_349 : memref<1x128xi32, #tpu.memory_space<vmem>> -> memref<128xi32, #tpu.memory_space<vmem>>
    %dma_wait3A_351 = arith.constant 0 : i32
    %dma_wait3A_352 = tpu.memref_slice %arg3[%add3A, %dma_wait3A_337, %dma_wait3A_351] : memref<32x80x128xi32, #tpu.memory_space<hbm>> -> memref<1x1x128xi32, #tpu.memory_space<hbm>>
    %dma_wait3A_353 = tpu.memref_squeeze %dma_wait3A_352 : memref<1x1x128xi32, #tpu.memory_space<hbm>> -> memref<128xi32, #tpu.memory_space<hbm>>
    tpu.wait_dma2 semaphore(%dma_wait3A_347 : memref<!tpu.dma_semaphore, #tpu.memory_space<semaphore_mem>>) src(%dma_wait3A_353 : memref<128xi32, #tpu.memory_space<hbm>>) dst(%dma_wait3A_350 : memref<128xi32, #tpu.memory_space<vmem>>)
    %dma_start3A_354 = arith.constant 2 : i32
    %dma_start3A_355 = arith.constant 2 : i32
    %dma_start3A_356 = arith.constant 2 : i32
    %dma_start3A_357 = arith.constant 0 : i32
    %dma_start3A_358 = arith.constant 0 : i32
    %dma_start3A_359 = tpu.memref_slice %arg9[%dma_start3A_355, %dma_start3A_357, %dma_start3A_358] : memref<4x128x64xf32, #tpu.memory_space<vmem>> -> memref<1x128x64xf32, #tpu.memory_space<vmem>>
    %dma_start3A_360 = tpu.memref_squeeze %dma_start3A_359 : memref<1x128x64xf32, #tpu.memory_space<vmem>> -> memref<128x64xf32, #tpu.memory_space<vmem>>
    %dma_start3A_361 = arith.constant 0 : i32
    %dma_start3A_362 = tpu.memref_slice %arg7[%dma_start3A_354, %dma_start3A_361] : memref<8x128xi32, #tpu.memory_space<vmem>> -> memref<1x128xi32, #tpu.memory_space<vmem>>
    %dma_start3A_363 = tpu.memref_squeeze %dma_start3A_362 : memref<1x128xi32, #tpu.memory_space<vmem>> -> memref<128xi32, #tpu.memory_space<vmem>>
    %dma_start3A_364 = arith.constant 0 : i32
    %dma_start3A_365 = arith.constant 0 : i32
    %dma_start3A_366 = tpu.memref_slice %arg2[%dma_start3A_364, %dma_start3A_365] : memref<10000x64xf32, #tpu.memory_space<hbm>> -> memref<10000x64xf32, #tpu.memory_space<hbm>>
    %dma_start3A_367 = tpu.memref_slice %arg11[%dma_start3A_356] : memref<4x!tpu.dma_semaphore, #tpu.memory_space<semaphore_mem>> -> memref<1x!tpu.dma_semaphore, #tpu.memory_space<semaphore_mem>>
    %dma_start3A_368 = tpu.memref_squeeze %dma_start3A_367 : memref<1x!tpu.dma_semaphore, #tpu.memory_space<semaphore_mem>> -> memref<!tpu.dma_semaphore, #tpu.memory_space<semaphore_mem>>
    tpu.enqueue_indirect_dma source(%dma_start3A_366 : memref<10000x64xf32, #tpu.memory_space<hbm>>) target(%dma_start3A_360 : memref<128x64xf32, #tpu.memory_space<vmem>>) offsets(%dma_start3A_363 : memref<128xi32, #tpu.memory_space<vmem>>) semaphore(%dma_start3A_368 : memref<!tpu.dma_semaphore, #tpu.memory_space<semaphore_mem>>)
    %dma_wait3A_369 = arith.constant 3 : i32
    %dma_wait3A_370 = arith.constant 3 : i32
    %dma_wait3A_371 = arith.constant 3 : i32
    %dma_wait3A_372 = arith.constant 0 : i32
    %dma_wait3A_373 = tpu.memref_slice %arg7[%dma_wait3A_370, %dma_wait3A_372] : memref<8x128xi32, #tpu.memory_space<vmem>> -> memref<1x128xi32, #tpu.memory_space<vmem>>
    %dma_wait3A_374 = tpu.memref_squeeze %dma_wait3A_373 : memref<1x128xi32, #tpu.memory_space<vmem>> -> memref<128xi32, #tpu.memory_space<vmem>>
    %dma_wait3A_375 = arith.constant 0 : i32
    %dma_wait3A_376 = tpu.memref_slice %arg3[%add3A, %dma_wait3A_369, %dma_wait3A_375] : memref<32x80x128xi32, #tpu.memory_space<hbm>> -> memref<1x1x128xi32, #tpu.memory_space<hbm>>
    %dma_wait3A_377 = tpu.memref_squeeze %dma_wait3A_376 : memref<1x1x128xi32, #tpu.memory_space<hbm>> -> memref<128xi32, #tpu.memory_space<hbm>>
    %dma_wait3A_378 = tpu.memref_slice %arg12[%dma_wait3A_371] : memref<8x!tpu.dma_semaphore, #tpu.memory_space<semaphore_mem>> -> memref<1x!tpu.dma_semaphore, #tpu.memory_space<semaphore_mem>>
    %dma_wait3A_379 = tpu.memref_squeeze %dma_wait3A_378 : memref<1x!tpu.dma_semaphore, #tpu.memory_space<semaphore_mem>> -> memref<!tpu.dma_semaphore, #tpu.memory_space<semaphore_mem>>
    %dma_wait3A_380 = arith.constant 0 : i32
    %dma_wait3A_381 = tpu.memref_slice %arg7[%dma_wait3A_370, %dma_wait3A_380] : memref<8x128xi32, #tpu.memory_space<vmem>> -> memref<1x128xi32, #tpu.memory_space<vmem>>
    %dma_wait3A_382 = tpu.memref_squeeze %dma_wait3A_381 : memref<1x128xi32, #tpu.memory_space<vmem>> -> memref<128xi32, #tpu.memory_space<vmem>>
    %dma_wait3A_383 = arith.constant 0 : i32
    %dma_wait3A_384 = tpu.memref_slice %arg3[%add3A, %dma_wait3A_369, %dma_wait3A_383] : memref<32x80x128xi32, #tpu.memory_space<hbm>> -> memref<1x1x128xi32, #tpu.memory_space<hbm>>
    %dma_wait3A_385 = tpu.memref_squeeze %dma_wait3A_384 : memref<1x1x128xi32, #tpu.memory_space<hbm>> -> memref<128xi32, #tpu.memory_space<hbm>>
    tpu.wait_dma2 semaphore(%dma_wait3A_379 : memref<!tpu.dma_semaphore, #tpu.memory_space<semaphore_mem>>) src(%dma_wait3A_385 : memref<128xi32, #tpu.memory_space<hbm>>) dst(%dma_wait3A_382 : memref<128xi32, #tpu.memory_space<vmem>>)
    %dma_start3A_386 = arith.constant 3 : i32
    %dma_start3A_387 = arith.constant 3 : i32
    %dma_start3A_388 = arith.constant 3 : i32
    %dma_start3A_389 = arith.constant 0 : i32
    %dma_start3A_390 = arith.constant 0 : i32
    %dma_start3A_391 = tpu.memref_slice %arg9[%dma_start3A_387, %dma_start3A_389, %dma_start3A_390] : memref<4x128x64xf32, #tpu.memory_space<vmem>> -> memref<1x128x64xf32, #tpu.memory_space<vmem>>
    %dma_start3A_392 = tpu.memref_squeeze %dma_start3A_391 : memref<1x128x64xf32, #tpu.memory_space<vmem>> -> memref<128x64xf32, #tpu.memory_space<vmem>>
    %dma_start3A_393 = arith.constant 0 : i32
    %dma_start3A_394 = tpu.memref_slice %arg7[%dma_start3A_386, %dma_start3A_393] : memref<8x128xi32, #tpu.memory_space<vmem>> -> memref<1x128xi32, #tpu.memory_space<vmem>>
    %dma_start3A_395 = tpu.memref_squeeze %dma_start3A_394 : memref<1x128xi32, #tpu.memory_space<vmem>> -> memref<128xi32, #tpu.memory_space<vmem>>
    %dma_start3A_396 = arith.constant 0 : i32
    %dma_start3A_397 = arith.constant 0 : i32
    %dma_start3A_398 = tpu.memref_slice %arg2[%dma_start3A_396, %dma_start3A_397] : memref<10000x64xf32, #tpu.memory_space<hbm>> -> memref<10000x64xf32, #tpu.memory_space<hbm>>
    %dma_start3A_399 = tpu.memref_slice %arg11[%dma_start3A_388] : memref<4x!tpu.dma_semaphore, #tpu.memory_space<semaphore_mem>> -> memref<1x!tpu.dma_semaphore, #tpu.memory_space<semaphore_mem>>
    %dma_start3A_400 = tpu.memref_squeeze %dma_start3A_399 : memref<1x!tpu.dma_semaphore, #tpu.memory_space<semaphore_mem>> -> memref<!tpu.dma_semaphore, #tpu.memory_space<semaphore_mem>>
    tpu.enqueue_indirect_dma source(%dma_start3A_398 : memref<10000x64xf32, #tpu.memory_space<hbm>>) target(%dma_start3A_392 : memref<128x64xf32, #tpu.memory_space<vmem>>) offsets(%dma_start3A_395 : memref<128xi32, #tpu.memory_space<vmem>>) semaphore(%dma_start3A_400 : memref<!tpu.dma_semaphore, #tpu.memory_space<semaphore_mem>>)
    %scan3A = arith.constant 0 : i32
    %scan3A_401 = arith.constant 0 : i32
    %scan3A_402 = arith.constant 10 : i32
    %scan3A_403 = arith.addi %scan3A_401, %scan3A_402 : i32
    %scan3A_404 = arith.constant 1 : i32
    scf.for %scan3A_407 = %scan3A_401 to %scan3A_403 step %scan3A_404  : i32 {
      %mul3A_408 = arith.constant 8 : i32
      %mul3A_409 = arith.muli %scan3A_407, %mul3A_408 : i32
      %add3A_410 = arith.constant 0 : i32
      %add3A_411 = arith.addi %mul3A_409, %add3A_410 : i32
      %dma_wait3A_412 = arith.constant 0 : i32
      %dma_wait3A_413 = arith.constant 0 : i32
      %dma_wait3A_414 = arith.constant 0 : i32
      %dma_wait3A_415 = arith.constant 0 : i32
      %dma_wait3A_416 = arith.constant 0 : i32
      %dma_wait3A_417 = tpu.memref_slice %arg9[%dma_wait3A_413, %dma_wait3A_415, %dma_wait3A_416] : memref<4x128x64xf32, #tpu.memory_space<vmem>> -> memref<1x128x64xf32, #tpu.memory_space<vmem>>
      %dma_wait3A_418 = tpu.memref_squeeze %dma_wait3A_417 : memref<1x128x64xf32, #tpu.memory_space<vmem>> -> memref<128x64xf32, #tpu.memory_space<vmem>>
      %dma_wait3A_419 = arith.constant 0 : i32
      %dma_wait3A_420 = tpu.memref_slice %arg7[%dma_wait3A_412, %dma_wait3A_419] : memref<8x128xi32, #tpu.memory_space<vmem>> -> memref<1x128xi32, #tpu.memory_space<vmem>>
      %dma_wait3A_421 = tpu.memref_squeeze %dma_wait3A_420 : memref<1x128xi32, #tpu.memory_space<vmem>> -> memref<128xi32, #tpu.memory_space<vmem>>
      %dma_wait3A_422 = arith.constant 0 : i32
      %dma_wait3A_423 = arith.constant 0 : i32
      %dma_wait3A_424 = tpu.memref_slice %arg2[%dma_wait3A_422, %dma_wait3A_423] : memref<10000x64xf32, #tpu.memory_space<hbm>> -> memref<10000x64xf32, #tpu.memory_space<hbm>>
      %dma_wait3A_425 = tpu.memref_slice %arg11[%dma_wait3A_414] : memref<4x!tpu.dma_semaphore, #tpu.memory_space<semaphore_mem>> -> memref<1x!tpu.dma_semaphore, #tpu.memory_space<semaphore_mem>>
      %dma_wait3A_426 = tpu.memref_squeeze %dma_wait3A_425 : memref<1x!tpu.dma_semaphore, #tpu.memory_space<semaphore_mem>> -> memref<!tpu.dma_semaphore, #tpu.memory_space<semaphore_mem>>
      tpu.wait_indirect_dma semaphore(%dma_wait3A_426 : memref<!tpu.dma_semaphore, #tpu.memory_space<semaphore_mem>>) src(%dma_wait3A_424 : memref<10000x64xf32, #tpu.memory_space<hbm>>) dst(%dma_wait3A_418 : memref<128x64xf32, #tpu.memory_space<vmem>>)
      %dma_wait3A_427 = arith.constant 0 : i32
      %dma_wait3A_428 = arith.constant 0 : i32
      %dma_wait3A_429 = arith.constant 0 : i32
      %dma_wait3A_430 = tpu.memref_slice %arg8[%dma_wait3A_427, %dma_wait3A_429] : memref<8x128xi32, #tpu.memory_space<vmem>> -> memref<1x128xi32, #tpu.memory_space<vmem>>
      %dma_wait3A_431 = tpu.memref_squeeze %dma_wait3A_430 : memref<1x128xi32, #tpu.memory_space<vmem>> -> memref<128xi32, #tpu.memory_space<vmem>>
      %dma_wait3A_432 = arith.constant 0 : i32
      %dma_wait3A_433 = tpu.memref_slice %arg4[%add3A, %add3A_411, %dma_wait3A_432] : memref<32x80x128xi32, #tpu.memory_space<hbm>> -> memref<1x1x128xi32, #tpu.memory_space<hbm>>
      %dma_wait3A_434 = tpu.memref_squeeze %dma_wait3A_433 : memref<1x1x128xi32, #tpu.memory_space<hbm>> -> memref<128xi32, #tpu.memory_space<hbm>>
      %dma_wait3A_435 = tpu.memref_slice %arg13[%dma_wait3A_428] : memref<8x!tpu.dma_semaphore, #tpu.memory_space<semaphore_mem>> -> memref<1x!tpu.dma_semaphore, #tpu.memory_space<semaphore_mem>>
      %dma_wait3A_436 = tpu.memref_squeeze %dma_wait3A_435 : memref<1x!tpu.dma_semaphore, #tpu.memory_space<semaphore_mem>> -> memref<!tpu.dma_semaphore, #tpu.memory_space<semaphore_mem>>
      %dma_wait3A_437 = arith.constant 0 : i32
      %dma_wait3A_438 = tpu.memref_slice %arg8[%dma_wait3A_427, %dma_wait3A_437] : memref<8x128xi32, #tpu.memory_space<vmem>> -> memref<1x128xi32, #tpu.memory_space<vmem>>
      %dma_wait3A_439 = tpu.memref_squeeze %dma_wait3A_438 : memref<1x128xi32, #tpu.memory_space<vmem>> -> memref<128xi32, #tpu.memory_space<vmem>>
      %dma_wait3A_440 = arith.constant 0 : i32
      %dma_wait3A_441 = tpu.memref_slice %arg4[%add3A, %add3A_411, %dma_wait3A_440] : memref<32x80x128xi32, #tpu.memory_space<hbm>> -> memref<1x1x128xi32, #tpu.memory_space<hbm>>
      %dma_wait3A_442 = tpu.memref_squeeze %dma_wait3A_441 : memref<1x1x128xi32, #tpu.memory_space<hbm>> -> memref<128xi32, #tpu.memory_space<hbm>>
      tpu.wait_dma2 semaphore(%dma_wait3A_436 : memref<!tpu.dma_semaphore, #tpu.memory_space<semaphore_mem>>) src(%dma_wait3A_442 : memref<128xi32, #tpu.memory_space<hbm>>) dst(%dma_wait3A_439 : memref<128xi32, #tpu.memory_space<vmem>>)
      %run_scoped3A = arith.constant 0 : i32
      %run_scoped3A_443 = arith.constant 0 : i32
      "tpu.region"() ({
        %run_scoped3A_812 = tpu.sem_alloc : memref<!tpu.dma_semaphore, #tpu.memory_space<semaphore_mem>>
        %dma_start3A_813 = arith.constant 0 : i32
        %dma_start3A_814 = arith.constant 0 : i32
        %dma_start3A_815 = tpu.memref_slice %arg9[%run_scoped3A, %dma_start3A_813, %dma_start3A_814] : memref<4x128x64xf32, #tpu.memory_space<vmem>> -> memref<1x128x64xf32, #tpu.memory_space<vmem>>
        %dma_start3A_816 = tpu.memref_squeeze %dma_start3A_815 : memref<1x128x64xf32, #tpu.memory_space<vmem>> -> memref<128x64xf32, #tpu.memory_space<vmem>>
        %dma_start3A_817 = arith.constant 0 : i32
        %dma_start3A_818 = tpu.memref_slice %arg8[%run_scoped3A_443, %dma_start3A_817] : memref<8x128xi32, #tpu.memory_space<vmem>> -> memref<1x128xi32, #tpu.memory_space<vmem>>
        %dma_start3A_819 = tpu.memref_squeeze %dma_start3A_818 : memref<1x128xi32, #tpu.memory_space<vmem>> -> memref<128xi32, #tpu.memory_space<vmem>>
        %dma_start3A_820 = arith.constant 0 : i32
        %dma_start3A_821 = arith.constant 0 : i32
        %dma_start3A_822 = tpu.memref_slice %arg10[%dma_start3A_820, %dma_start3A_821] : memref<10240x64xf32, #tpu.memory_space<vmem_shared>> -> memref<10240x64xf32, #tpu.memory_space<vmem_shared>>
        tpu.enqueue_indirect_dma source(%dma_start3A_816 : memref<128x64xf32, #tpu.memory_space<vmem>>) target(%dma_start3A_822 : memref<10240x64xf32, #tpu.memory_space<vmem_shared>>) offsets(%dma_start3A_819 : memref<128xi32, #tpu.memory_space<vmem>>) semaphore(%run_scoped3A_812 : memref<!tpu.dma_semaphore, #tpu.memory_space<semaphore_mem>>) {add = true}
        %dma_wait3A_823 = arith.constant 0 : i32
        %dma_wait3A_824 = arith.constant 0 : i32
        %dma_wait3A_825 = tpu.memref_slice %arg9[%run_scoped3A, %dma_wait3A_823, %dma_wait3A_824] : memref<4x128x64xf32, #tpu.memory_space<vmem>> -> memref<1x128x64xf32, #tpu.memory_space<vmem>>
        %dma_wait3A_826 = tpu.memref_squeeze %dma_wait3A_825 : memref<1x128x64xf32, #tpu.memory_space<vmem>> -> memref<128x64xf32, #tpu.memory_space<vmem>>
        %dma_wait3A_827 = arith.constant 0 : i32
        %dma_wait3A_828 = tpu.memref_slice %arg8[%run_scoped3A_443, %dma_wait3A_827] : memref<8x128xi32, #tpu.memory_space<vmem>> -> memref<1x128xi32, #tpu.memory_space<vmem>>
        %dma_wait3A_829 = tpu.memref_squeeze %dma_wait3A_828 : memref<1x128xi32, #tpu.memory_space<vmem>> -> memref<128xi32, #tpu.memory_space<vmem>>
        %dma_wait3A_830 = arith.constant 0 : i32
        %dma_wait3A_831 = arith.constant 0 : i32
        %dma_wait3A_832 = tpu.memref_slice %arg10[%dma_wait3A_830, %dma_wait3A_831] : memref<10240x64xf32, #tpu.memory_space<vmem_shared>> -> memref<10240x64xf32, #tpu.memory_space<vmem_shared>>
        tpu.wait_indirect_dma semaphore(%run_scoped3A_812 : memref<!tpu.dma_semaphore, #tpu.memory_space<semaphore_mem>>) src(%dma_wait3A_826 : memref<128x64xf32, #tpu.memory_space<vmem>>) dst(%dma_wait3A_832 : memref<10240x64xf32, #tpu.memory_space<vmem_shared>>)
        tpu.yield
      }) : () -> ()
      %add3A_444 = arith.constant 8 : i32
      %add3A_445 = arith.addi %add3A_411, %add3A_444 : i32
      %lt3A = arith.constant 80 : i32
      %lt3A_446 = arith.cmpi slt, %add3A_445, %lt3A : i32
      %convert_element_type3A = arith.extui %lt3A_446 : i1 to i32
      %cond3A = arith.constant 0 : i32
      %cond3A_447 = arith.cmpi ne, %convert_element_type3A, %cond3A : i32
      scf.if %cond3A_447 {
        %add3A_812 = arith.constant 8 : i32
        %add3A_813 = arith.addi %add3A_411, %add3A_812 : i32
        %dma_start3A_814 = arith.constant 0 : i32
        %dma_start3A_815 = arith.constant 0 : i32
        %dma_start3A_816 = arith.constant 0 : i32
        %dma_start3A_817 = tpu.memref_slice %arg7[%dma_start3A_814, %dma_start3A_816] : memref<8x128xi32, #tpu.memory_space<vmem>> -> memref<1x128xi32, #tpu.memory_space<vmem>>
        %dma_start3A_818 = tpu.memref_squeeze %dma_start3A_817 : memref<1x128xi32, #tpu.memory_space<vmem>> -> memref<128xi32, #tpu.memory_space<vmem>>
        %dma_start3A_819 = arith.constant 0 : i32
        %dma_start3A_820 = tpu.memref_slice %arg3[%add3A, %add3A_813, %dma_start3A_819] : memref<32x80x128xi32, #tpu.memory_space<hbm>> -> memref<1x1x128xi32, #tpu.memory_space<hbm>>
        %dma_start3A_821 = tpu.memref_squeeze %dma_start3A_820 : memref<1x1x128xi32, #tpu.memory_space<hbm>> -> memref<128xi32, #tpu.memory_space<hbm>>
        %dma_start3A_822 = tpu.memref_slice %arg12[%dma_start3A_815] : memref<8x!tpu.dma_semaphore, #tpu.memory_space<semaphore_mem>> -> memref<1x!tpu.dma_semaphore, #tpu.memory_space<semaphore_mem>>
        %dma_start3A_823 = tpu.memref_squeeze %dma_start3A_822 : memref<1x!tpu.dma_semaphore, #tpu.memory_space<semaphore_mem>> -> memref<!tpu.dma_semaphore, #tpu.memory_space<semaphore_mem>>
        %dma_start3A_824 = arith.constant 0 : i32
        %dma_start3A_825 = tpu.memref_slice %arg7[%dma_start3A_814, %dma_start3A_824] : memref<8x128xi32, #tpu.memory_space<vmem>> -> memref<1x128xi32, #tpu.memory_space<vmem>>
        %dma_start3A_826 = tpu.memref_squeeze %dma_start3A_825 : memref<1x128xi32, #tpu.memory_space<vmem>> -> memref<128xi32, #tpu.memory_space<vmem>>
        %dma_start3A_827 = arith.constant 0 : i32
        %dma_start3A_828 = tpu.memref_slice %arg3[%add3A, %add3A_813, %dma_start3A_827] : memref<32x80x128xi32, #tpu.memory_space<hbm>> -> memref<1x1x128xi32, #tpu.memory_space<hbm>>
        %dma_start3A_829 = tpu.memref_squeeze %dma_start3A_828 : memref<1x1x128xi32, #tpu.memory_space<hbm>> -> memref<128xi32, #tpu.memory_space<hbm>>
        tpu.enqueue_dma source(%dma_start3A_829 : memref<128xi32, #tpu.memory_space<hbm>>) target(%dma_start3A_826 : memref<128xi32, #tpu.memory_space<vmem>>) target_semaphore(%dma_start3A_823 : memref<!tpu.dma_semaphore, #tpu.memory_space<semaphore_mem>>)
        %dma_start3A_830 = arith.constant 0 : i32
        %dma_start3A_831 = arith.constant 0 : i32
        %dma_start3A_832 = arith.constant 0 : i32
        %dma_start3A_833 = tpu.memref_slice %arg8[%dma_start3A_830, %dma_start3A_832] : memref<8x128xi32, #tpu.memory_space<vmem>> -> memref<1x128xi32, #tpu.memory_space<vmem>>
        %dma_start3A_834 = tpu.memref_squeeze %dma_start3A_833 : memref<1x128xi32, #tpu.memory_space<vmem>> -> memref<128xi32, #tpu.memory_space<vmem>>
        %dma_start3A_835 = arith.constant 0 : i32
        %dma_start3A_836 = tpu.memref_slice %arg4[%add3A, %add3A_813, %dma_start3A_835] : memref<32x80x128xi32, #tpu.memory_space<hbm>> -> memref<1x1x128xi32, #tpu.memory_space<hbm>>
        %dma_start3A_837 = tpu.memref_squeeze %dma_start3A_836 : memref<1x1x128xi32, #tpu.memory_space<hbm>> -> memref<128xi32, #tpu.memory_space<hbm>>
        %dma_start3A_838 = tpu.memref_slice %arg13[%dma_start3A_831] : memref<8x!tpu.dma_semaphore, #tpu.memory_space<semaphore_mem>> -> memref<1x!tpu.dma_semaphore, #tpu.memory_space<semaphore_mem>>
        %dma_start3A_839 = tpu.memref_squeeze %dma_start3A_838 : memref<1x!tpu.dma_semaphore, #tpu.memory_space<semaphore_mem>> -> memref<!tpu.dma_semaphore, #tpu.memory_space<semaphore_mem>>
        %dma_start3A_840 = arith.constant 0 : i32
        %dma_start3A_841 = tpu.memref_slice %arg8[%dma_start3A_830, %dma_start3A_840] : memref<8x128xi32, #tpu.memory_space<vmem>> -> memref<1x128xi32, #tpu.memory_space<vmem>>
        %dma_start3A_842 = tpu.memref_squeeze %dma_start3A_841 : memref<1x128xi32, #tpu.memory_space<vmem>> -> memref<128xi32, #tpu.memory_space<vmem>>
        %dma_start3A_843 = arith.constant 0 : i32
        %dma_start3A_844 = tpu.memref_slice %arg4[%add3A, %add3A_813, %dma_start3A_843] : memref<32x80x128xi32, #tpu.memory_space<hbm>> -> memref<1x1x128xi32, #tpu.memory_space<hbm>>
        %dma_start3A_845 = tpu.memref_squeeze %dma_start3A_844 : memref<1x1x128xi32, #tpu.memory_space<hbm>> -> memref<128xi32, #tpu.memory_space<hbm>>
        tpu.enqueue_dma source(%dma_start3A_845 : memref<128xi32, #tpu.memory_space<hbm>>) target(%dma_start3A_842 : memref<128xi32, #tpu.memory_space<vmem>>) target_semaphore(%dma_start3A_839 : memref<!tpu.dma_semaphore, #tpu.memory_space<semaphore_mem>>)
      } else {
      }
      %add3A_448 = arith.constant 4 : i32
      %add3A_449 = arith.addi %add3A_411, %add3A_448 : i32
      %lt3A_450 = arith.constant 80 : i32
      %lt3A_451 = arith.cmpi slt, %add3A_449, %lt3A_450 : i32
      %convert_element_type3A_452 = arith.extui %lt3A_451 : i1 to i32
      %cond3A_453 = arith.constant 0 : i32
      %cond3A_454 = arith.cmpi ne, %convert_element_type3A_452, %cond3A_453 : i32
      scf.if %cond3A_454 {
        %add3A_812 = arith.constant 4 : i32
        %add3A_813 = arith.addi %add3A_411, %add3A_812 : i32
        %dma_wait3A_814 = arith.constant 4 : i32
        %dma_wait3A_815 = arith.constant 4 : i32
        %dma_wait3A_816 = arith.constant 0 : i32
        %dma_wait3A_817 = tpu.memref_slice %arg7[%dma_wait3A_814, %dma_wait3A_816] : memref<8x128xi32, #tpu.memory_space<vmem>> -> memref<1x128xi32, #tpu.memory_space<vmem>>
        %dma_wait3A_818 = tpu.memref_squeeze %dma_wait3A_817 : memref<1x128xi32, #tpu.memory_space<vmem>> -> memref<128xi32, #tpu.memory_space<vmem>>
        %dma_wait3A_819 = arith.constant 0 : i32
        %dma_wait3A_820 = tpu.memref_slice %arg3[%add3A, %add3A_813, %dma_wait3A_819] : memref<32x80x128xi32, #tpu.memory_space<hbm>> -> memref<1x1x128xi32, #tpu.memory_space<hbm>>
        %dma_wait3A_821 = tpu.memref_squeeze %dma_wait3A_820 : memref<1x1x128xi32, #tpu.memory_space<hbm>> -> memref<128xi32, #tpu.memory_space<hbm>>
        %dma_wait3A_822 = tpu.memref_slice %arg12[%dma_wait3A_815] : memref<8x!tpu.dma_semaphore, #tpu.memory_space<semaphore_mem>> -> memref<1x!tpu.dma_semaphore, #tpu.memory_space<semaphore_mem>>
        %dma_wait3A_823 = tpu.memref_squeeze %dma_wait3A_822 : memref<1x!tpu.dma_semaphore, #tpu.memory_space<semaphore_mem>> -> memref<!tpu.dma_semaphore, #tpu.memory_space<semaphore_mem>>
        %dma_wait3A_824 = arith.constant 0 : i32
        %dma_wait3A_825 = tpu.memref_slice %arg7[%dma_wait3A_814, %dma_wait3A_824] : memref<8x128xi32, #tpu.memory_space<vmem>> -> memref<1x128xi32, #tpu.memory_space<vmem>>
        %dma_wait3A_826 = tpu.memref_squeeze %dma_wait3A_825 : memref<1x128xi32, #tpu.memory_space<vmem>> -> memref<128xi32, #tpu.memory_space<vmem>>
        %dma_wait3A_827 = arith.constant 0 : i32
        %dma_wait3A_828 = tpu.memref_slice %arg3[%add3A, %add3A_813, %dma_wait3A_827] : memref<32x80x128xi32, #tpu.memory_space<hbm>> -> memref<1x1x128xi32, #tpu.memory_space<hbm>>
        %dma_wait3A_829 = tpu.memref_squeeze %dma_wait3A_828 : memref<1x1x128xi32, #tpu.memory_space<hbm>> -> memref<128xi32, #tpu.memory_space<hbm>>
        tpu.wait_dma2 semaphore(%dma_wait3A_823 : memref<!tpu.dma_semaphore, #tpu.memory_space<semaphore_mem>>) src(%dma_wait3A_829 : memref<128xi32, #tpu.memory_space<hbm>>) dst(%dma_wait3A_826 : memref<128xi32, #tpu.memory_space<vmem>>)
        %dma_start3A_830 = arith.constant 4 : i32
        %dma_start3A_831 = arith.constant 0 : i32
        %dma_start3A_832 = arith.constant 0 : i32
        %dma_start3A_833 = arith.constant 0 : i32
        %dma_start3A_834 = arith.constant 0 : i32
        %dma_start3A_835 = tpu.memref_slice %arg9[%dma_start3A_831, %dma_start3A_833, %dma_start3A_834] : memref<4x128x64xf32, #tpu.memory_space<vmem>> -> memref<1x128x64xf32, #tpu.memory_space<vmem>>
        %dma_start3A_836 = tpu.memref_squeeze %dma_start3A_835 : memref<1x128x64xf32, #tpu.memory_space<vmem>> -> memref<128x64xf32, #tpu.memory_space<vmem>>
        %dma_start3A_837 = arith.constant 0 : i32
        %dma_start3A_838 = tpu.memref_slice %arg7[%dma_start3A_830, %dma_start3A_837] : memref<8x128xi32, #tpu.memory_space<vmem>> -> memref<1x128xi32, #tpu.memory_space<vmem>>
        %dma_start3A_839 = tpu.memref_squeeze %dma_start3A_838 : memref<1x128xi32, #tpu.memory_space<vmem>> -> memref<128xi32, #tpu.memory_space<vmem>>
        %dma_start3A_840 = arith.constant 0 : i32
        %dma_start3A_841 = arith.constant 0 : i32
        %dma_start3A_842 = tpu.memref_slice %arg2[%dma_start3A_840, %dma_start3A_841] : memref<10000x64xf32, #tpu.memory_space<hbm>> -> memref<10000x64xf32, #tpu.memory_space<hbm>>
        %dma_start3A_843 = tpu.memref_slice %arg11[%dma_start3A_832] : memref<4x!tpu.dma_semaphore, #tpu.memory_space<semaphore_mem>> -> memref<1x!tpu.dma_semaphore, #tpu.memory_space<semaphore_mem>>
        %dma_start3A_844 = tpu.memref_squeeze %dma_start3A_843 : memref<1x!tpu.dma_semaphore, #tpu.memory_space<semaphore_mem>> -> memref<!tpu.dma_semaphore, #tpu.memory_space<semaphore_mem>>
        tpu.enqueue_indirect_dma source(%dma_start3A_842 : memref<10000x64xf32, #tpu.memory_space<hbm>>) target(%dma_start3A_836 : memref<128x64xf32, #tpu.memory_space<vmem>>) offsets(%dma_start3A_839 : memref<128xi32, #tpu.memory_space<vmem>>) semaphore(%dma_start3A_844 : memref<!tpu.dma_semaphore, #tpu.memory_space<semaphore_mem>>)
      } else {
      }
      %mul3A_455 = arith.constant 8 : i32
      %mul3A_456 = arith.muli %scan3A_407, %mul3A_455 : i32
      %add3A_457 = arith.constant 1 : i32
      %add3A_458 = arith.addi %mul3A_456, %add3A_457 : i32
      %dma_wait3A_459 = arith.constant 1 : i32
      %dma_wait3A_460 = arith.constant 1 : i32
      %dma_wait3A_461 = arith.constant 1 : i32
      %dma_wait3A_462 = arith.constant 0 : i32
      %dma_wait3A_463 = arith.constant 0 : i32
      %dma_wait3A_464 = tpu.memref_slice %arg9[%dma_wait3A_460, %dma_wait3A_462, %dma_wait3A_463] : memref<4x128x64xf32, #tpu.memory_space<vmem>> -> memref<1x128x64xf32, #tpu.memory_space<vmem>>
      %dma_wait3A_465 = tpu.memref_squeeze %dma_wait3A_464 : memref<1x128x64xf32, #tpu.memory_space<vmem>> -> memref<128x64xf32, #tpu.memory_space<vmem>>
      %dma_wait3A_466 = arith.constant 0 : i32
      %dma_wait3A_467 = tpu.memref_slice %arg7[%dma_wait3A_459, %dma_wait3A_466] : memref<8x128xi32, #tpu.memory_space<vmem>> -> memref<1x128xi32, #tpu.memory_space<vmem>>
      %dma_wait3A_468 = tpu.memref_squeeze %dma_wait3A_467 : memref<1x128xi32, #tpu.memory_space<vmem>> -> memref<128xi32, #tpu.memory_space<vmem>>
      %dma_wait3A_469 = arith.constant 0 : i32
      %dma_wait3A_470 = arith.constant 0 : i32
      %dma_wait3A_471 = tpu.memref_slice %arg2[%dma_wait3A_469, %dma_wait3A_470] : memref<10000x64xf32, #tpu.memory_space<hbm>> -> memref<10000x64xf32, #tpu.memory_space<hbm>>
      %dma_wait3A_472 = tpu.memref_slice %arg11[%dma_wait3A_461] : memref<4x!tpu.dma_semaphore, #tpu.memory_space<semaphore_mem>> -> memref<1x!tpu.dma_semaphore, #tpu.memory_space<semaphore_mem>>
      %dma_wait3A_473 = tpu.memref_squeeze %dma_wait3A_472 : memref<1x!tpu.dma_semaphore, #tpu.memory_space<semaphore_mem>> -> memref<!tpu.dma_semaphore, #tpu.memory_space<semaphore_mem>>
      tpu.wait_indirect_dma semaphore(%dma_wait3A_473 : memref<!tpu.dma_semaphore, #tpu.memory_space<semaphore_mem>>) src(%dma_wait3A_471 : memref<10000x64xf32, #tpu.memory_space<hbm>>) dst(%dma_wait3A_465 : memref<128x64xf32, #tpu.memory_space<vmem>>)
      %dma_wait3A_474 = arith.constant 1 : i32
      %dma_wait3A_475 = arith.constant 1 : i32
      %dma_wait3A_476 = arith.constant 0 : i32
      %dma_wait3A_477 = tpu.memref_slice %arg8[%dma_wait3A_474, %dma_wait3A_476] : memref<8x128xi32, #tpu.memory_space<vmem>> -> memref<1x128xi32, #tpu.memory_space<vmem>>
      %dma_wait3A_478 = tpu.memref_squeeze %dma_wait3A_477 : memref<1x128xi32, #tpu.memory_space<vmem>> -> memref<128xi32, #tpu.memory_space<vmem>>
      %dma_wait3A_479 = arith.constant 0 : i32
      %dma_wait3A_480 = tpu.memref_slice %arg4[%add3A, %add3A_458, %dma_wait3A_479] : memref<32x80x128xi32, #tpu.memory_space<hbm>> -> memref<1x1x128xi32, #tpu.memory_space<hbm>>
      %dma_wait3A_481 = tpu.memref_squeeze %dma_wait3A_480 : memref<1x1x128xi32, #tpu.memory_space<hbm>> -> memref<128xi32, #tpu.memory_space<hbm>>
      %dma_wait3A_482 = tpu.memref_slice %arg13[%dma_wait3A_475] : memref<8x!tpu.dma_semaphore, #tpu.memory_space<semaphore_mem>> -> memref<1x!tpu.dma_semaphore, #tpu.memory_space<semaphore_mem>>
      %dma_wait3A_483 = tpu.memref_squeeze %dma_wait3A_482 : memref<1x!tpu.dma_semaphore, #tpu.memory_space<semaphore_mem>> -> memref<!tpu.dma_semaphore, #tpu.memory_space<semaphore_mem>>
      %dma_wait3A_484 = arith.constant 0 : i32
      %dma_wait3A_485 = tpu.memref_slice %arg8[%dma_wait3A_474, %dma_wait3A_484] : memref<8x128xi32, #tpu.memory_space<vmem>> -> memref<1x128xi32, #tpu.memory_space<vmem>>
      %dma_wait3A_486 = tpu.memref_squeeze %dma_wait3A_485 : memref<1x128xi32, #tpu.memory_space<vmem>> -> memref<128xi32, #tpu.memory_space<vmem>>
      %dma_wait3A_487 = arith.constant 0 : i32
      %dma_wait3A_488 = tpu.memref_slice %arg4[%add3A, %add3A_458, %dma_wait3A_487] : memref<32x80x128xi32, #tpu.memory_space<hbm>> -> memref<1x1x128xi32, #tpu.memory_space<hbm>>
      %dma_wait3A_489 = tpu.memref_squeeze %dma_wait3A_488 : memref<1x1x128xi32, #tpu.memory_space<hbm>> -> memref<128xi32, #tpu.memory_space<hbm>>
      tpu.wait_dma2 semaphore(%dma_wait3A_483 : memref<!tpu.dma_semaphore, #tpu.memory_space<semaphore_mem>>) src(%dma_wait3A_489 : memref<128xi32, #tpu.memory_space<hbm>>) dst(%dma_wait3A_486 : memref<128xi32, #tpu.memory_space<vmem>>)
      %run_scoped3A_490 = arith.constant 1 : i32
      %run_scoped3A_491 = arith.constant 1 : i32
      "tpu.region"() ({
        %run_scoped3A_812 = tpu.sem_alloc : memref<!tpu.dma_semaphore, #tpu.memory_space<semaphore_mem>>
        %dma_start3A_813 = arith.constant 0 : i32
        %dma_start3A_814 = arith.constant 0 : i32
        %dma_start3A_815 = tpu.memref_slice %arg9[%run_scoped3A_490, %dma_start3A_813, %dma_start3A_814] : memref<4x128x64xf32, #tpu.memory_space<vmem>> -> memref<1x128x64xf32, #tpu.memory_space<vmem>>
        %dma_start3A_816 = tpu.memref_squeeze %dma_start3A_815 : memref<1x128x64xf32, #tpu.memory_space<vmem>> -> memref<128x64xf32, #tpu.memory_space<vmem>>
        %dma_start3A_817 = arith.constant 0 : i32
        %dma_start3A_818 = tpu.memref_slice %arg8[%run_scoped3A_491, %dma_start3A_817] : memref<8x128xi32, #tpu.memory_space<vmem>> -> memref<1x128xi32, #tpu.memory_space<vmem>>
        %dma_start3A_819 = tpu.memref_squeeze %dma_start3A_818 : memref<1x128xi32, #tpu.memory_space<vmem>> -> memref<128xi32, #tpu.memory_space<vmem>>
        %dma_start3A_820 = arith.constant 0 : i32
        %dma_start3A_821 = arith.constant 0 : i32
        %dma_start3A_822 = tpu.memref_slice %arg10[%dma_start3A_820, %dma_start3A_821] : memref<10240x64xf32, #tpu.memory_space<vmem_shared>> -> memref<10240x64xf32, #tpu.memory_space<vmem_shared>>
        tpu.enqueue_indirect_dma source(%dma_start3A_816 : memref<128x64xf32, #tpu.memory_space<vmem>>) target(%dma_start3A_822 : memref<10240x64xf32, #tpu.memory_space<vmem_shared>>) offsets(%dma_start3A_819 : memref<128xi32, #tpu.memory_space<vmem>>) semaphore(%run_scoped3A_812 : memref<!tpu.dma_semaphore, #tpu.memory_space<semaphore_mem>>) {add = true}
        %dma_wait3A_823 = arith.constant 0 : i32
        %dma_wait3A_824 = arith.constant 0 : i32
        %dma_wait3A_825 = tpu.memref_slice %arg9[%run_scoped3A_490, %dma_wait3A_823, %dma_wait3A_824] : memref<4x128x64xf32, #tpu.memory_space<vmem>> -> memref<1x128x64xf32, #tpu.memory_space<vmem>>
        %dma_wait3A_826 = tpu.memref_squeeze %dma_wait3A_825 : memref<1x128x64xf32, #tpu.memory_space<vmem>> -> memref<128x64xf32, #tpu.memory_space<vmem>>
        %dma_wait3A_827 = arith.constant 0 : i32
        %dma_wait3A_828 = tpu.memref_slice %arg8[%run_scoped3A_491, %dma_wait3A_827] : memref<8x128xi32, #tpu.memory_space<vmem>> -> memref<1x128xi32, #tpu.memory_space<vmem>>
        %dma_wait3A_829 = tpu.memref_squeeze %dma_wait3A_828 : memref<1x128xi32, #tpu.memory_space<vmem>> -> memref<128xi32, #tpu.memory_space<vmem>>
        %dma_wait3A_830 = arith.constant 0 : i32
        %dma_wait3A_831 = arith.constant 0 : i32
        %dma_wait3A_832 = tpu.memref_slice %arg10[%dma_wait3A_830, %dma_wait3A_831] : memref<10240x64xf32, #tpu.memory_space<vmem_shared>> -> memref<10240x64xf32, #tpu.memory_space<vmem_shared>>
        tpu.wait_indirect_dma semaphore(%run_scoped3A_812 : memref<!tpu.dma_semaphore, #tpu.memory_space<semaphore_mem>>) src(%dma_wait3A_826 : memref<128x64xf32, #tpu.memory_space<vmem>>) dst(%dma_wait3A_832 : memref<10240x64xf32, #tpu.memory_space<vmem_shared>>)
        tpu.yield
      }) : () -> ()
      %add3A_492 = arith.constant 8 : i32
      %add3A_493 = arith.addi %add3A_458, %add3A_492 : i32
      %lt3A_494 = arith.constant 80 : i32
      %lt3A_495 = arith.cmpi slt, %add3A_493, %lt3A_494 : i32
      %convert_element_type3A_496 = arith.extui %lt3A_495 : i1 to i32
      %cond3A_497 = arith.constant 0 : i32
      %cond3A_498 = arith.cmpi ne, %convert_element_type3A_496, %cond3A_497 : i32
      scf.if %cond3A_498 {
        %add3A_812 = arith.constant 8 : i32
        %add3A_813 = arith.addi %add3A_458, %add3A_812 : i32
        %dma_start3A_814 = arith.constant 1 : i32
        %dma_start3A_815 = arith.constant 1 : i32
        %dma_start3A_816 = arith.constant 0 : i32
        %dma_start3A_817 = tpu.memref_slice %arg7[%dma_start3A_814, %dma_start3A_816] : memref<8x128xi32, #tpu.memory_space<vmem>> -> memref<1x128xi32, #tpu.memory_space<vmem>>
        %dma_start3A_818 = tpu.memref_squeeze %dma_start3A_817 : memref<1x128xi32, #tpu.memory_space<vmem>> -> memref<128xi32, #tpu.memory_space<vmem>>
        %dma_start3A_819 = arith.constant 0 : i32
        %dma_start3A_820 = tpu.memref_slice %arg3[%add3A, %add3A_813, %dma_start3A_819] : memref<32x80x128xi32, #tpu.memory_space<hbm>> -> memref<1x1x128xi32, #tpu.memory_space<hbm>>
        %dma_start3A_821 = tpu.memref_squeeze %dma_start3A_820 : memref<1x1x128xi32, #tpu.memory_space<hbm>> -> memref<128xi32, #tpu.memory_space<hbm>>
        %dma_start3A_822 = tpu.memref_slice %arg12[%dma_start3A_815] : memref<8x!tpu.dma_semaphore, #tpu.memory_space<semaphore_mem>> -> memref<1x!tpu.dma_semaphore, #tpu.memory_space<semaphore_mem>>
        %dma_start3A_823 = tpu.memref_squeeze %dma_start3A_822 : memref<1x!tpu.dma_semaphore, #tpu.memory_space<semaphore_mem>> -> memref<!tpu.dma_semaphore, #tpu.memory_space<semaphore_mem>>
        %dma_start3A_824 = arith.constant 0 : i32
        %dma_start3A_825 = tpu.memref_slice %arg7[%dma_start3A_814, %dma_start3A_824] : memref<8x128xi32, #tpu.memory_space<vmem>> -> memref<1x128xi32, #tpu.memory_space<vmem>>
        %dma_start3A_826 = tpu.memref_squeeze %dma_start3A_825 : memref<1x128xi32, #tpu.memory_space<vmem>> -> memref<128xi32, #tpu.memory_space<vmem>>
        %dma_start3A_827 = arith.constant 0 : i32
        %dma_start3A_828 = tpu.memref_slice %arg3[%add3A, %add3A_813, %dma_start3A_827] : memref<32x80x128xi32, #tpu.memory_space<hbm>> -> memref<1x1x128xi32, #tpu.memory_space<hbm>>
        %dma_start3A_829 = tpu.memref_squeeze %dma_start3A_828 : memref<1x1x128xi32, #tpu.memory_space<hbm>> -> memref<128xi32, #tpu.memory_space<hbm>>
        tpu.enqueue_dma source(%dma_start3A_829 : memref<128xi32, #tpu.memory_space<hbm>>) target(%dma_start3A_826 : memref<128xi32, #tpu.memory_space<vmem>>) target_semaphore(%dma_start3A_823 : memref<!tpu.dma_semaphore, #tpu.memory_space<semaphore_mem>>)
        %dma_start3A_830 = arith.constant 1 : i32
        %dma_start3A_831 = arith.constant 1 : i32
        %dma_start3A_832 = arith.constant 0 : i32
        %dma_start3A_833 = tpu.memref_slice %arg8[%dma_start3A_830, %dma_start3A_832] : memref<8x128xi32, #tpu.memory_space<vmem>> -> memref<1x128xi32, #tpu.memory_space<vmem>>
        %dma_start3A_834 = tpu.memref_squeeze %dma_start3A_833 : memref<1x128xi32, #tpu.memory_space<vmem>> -> memref<128xi32, #tpu.memory_space<vmem>>
        %dma_start3A_835 = arith.constant 0 : i32
        %dma_start3A_836 = tpu.memref_slice %arg4[%add3A, %add3A_813, %dma_start3A_835] : memref<32x80x128xi32, #tpu.memory_space<hbm>> -> memref<1x1x128xi32, #tpu.memory_space<hbm>>
        %dma_start3A_837 = tpu.memref_squeeze %dma_start3A_836 : memref<1x1x128xi32, #tpu.memory_space<hbm>> -> memref<128xi32, #tpu.memory_space<hbm>>
        %dma_start3A_838 = tpu.memref_slice %arg13[%dma_start3A_831] : memref<8x!tpu.dma_semaphore, #tpu.memory_space<semaphore_mem>> -> memref<1x!tpu.dma_semaphore, #tpu.memory_space<semaphore_mem>>
        %dma_start3A_839 = tpu.memref_squeeze %dma_start3A_838 : memref<1x!tpu.dma_semaphore, #tpu.memory_space<semaphore_mem>> -> memref<!tpu.dma_semaphore, #tpu.memory_space<semaphore_mem>>
        %dma_start3A_840 = arith.constant 0 : i32
        %dma_start3A_841 = tpu.memref_slice %arg8[%dma_start3A_830, %dma_start3A_840] : memref<8x128xi32, #tpu.memory_space<vmem>> -> memref<1x128xi32, #tpu.memory_space<vmem>>
        %dma_start3A_842 = tpu.memref_squeeze %dma_start3A_841 : memref<1x128xi32, #tpu.memory_space<vmem>> -> memref<128xi32, #tpu.memory_space<vmem>>
        %dma_start3A_843 = arith.constant 0 : i32
        %dma_start3A_844 = tpu.memref_slice %arg4[%add3A, %add3A_813, %dma_start3A_843] : memref<32x80x128xi32, #tpu.memory_space<hbm>> -> memref<1x1x128xi32, #tpu.memory_space<hbm>>
        %dma_start3A_845 = tpu.memref_squeeze %dma_start3A_844 : memref<1x1x128xi32, #tpu.memory_space<hbm>> -> memref<128xi32, #tpu.memory_space<hbm>>
        tpu.enqueue_dma source(%dma_start3A_845 : memref<128xi32, #tpu.memory_space<hbm>>) target(%dma_start3A_842 : memref<128xi32, #tpu.memory_space<vmem>>) target_semaphore(%dma_start3A_839 : memref<!tpu.dma_semaphore, #tpu.memory_space<semaphore_mem>>)
      } else {
      }
      %add3A_499 = arith.constant 4 : i32
      %add3A_500 = arith.addi %add3A_458, %add3A_499 : i32
      %lt3A_501 = arith.constant 80 : i32
      %lt3A_502 = arith.cmpi slt, %add3A_500, %lt3A_501 : i32
      %convert_element_type3A_503 = arith.extui %lt3A_502 : i1 to i32
      %cond3A_504 = arith.constant 0 : i32
      %cond3A_505 = arith.cmpi ne, %convert_element_type3A_503, %cond3A_504 : i32
      scf.if %cond3A_505 {
        %add3A_812 = arith.constant 4 : i32
        %add3A_813 = arith.addi %add3A_458, %add3A_812 : i32
        %dma_wait3A_814 = arith.constant 5 : i32
        %dma_wait3A_815 = arith.constant 5 : i32
        %dma_wait3A_816 = arith.constant 0 : i32
        %dma_wait3A_817 = tpu.memref_slice %arg7[%dma_wait3A_814, %dma_wait3A_816] : memref<8x128xi32, #tpu.memory_space<vmem>> -> memref<1x128xi32, #tpu.memory_space<vmem>>
        %dma_wait3A_818 = tpu.memref_squeeze %dma_wait3A_817 : memref<1x128xi32, #tpu.memory_space<vmem>> -> memref<128xi32, #tpu.memory_space<vmem>>
        %dma_wait3A_819 = arith.constant 0 : i32
        %dma_wait3A_820 = tpu.memref_slice %arg3[%add3A, %add3A_813, %dma_wait3A_819] : memref<32x80x128xi32, #tpu.memory_space<hbm>> -> memref<1x1x128xi32, #tpu.memory_space<hbm>>
        %dma_wait3A_821 = tpu.memref_squeeze %dma_wait3A_820 : memref<1x1x128xi32, #tpu.memory_space<hbm>> -> memref<128xi32, #tpu.memory_space<hbm>>
        %dma_wait3A_822 = tpu.memref_slice %arg12[%dma_wait3A_815] : memref<8x!tpu.dma_semaphore, #tpu.memory_space<semaphore_mem>> -> memref<1x!tpu.dma_semaphore, #tpu.memory_space<semaphore_mem>>
        %dma_wait3A_823 = tpu.memref_squeeze %dma_wait3A_822 : memref<1x!tpu.dma_semaphore, #tpu.memory_space<semaphore_mem>> -> memref<!tpu.dma_semaphore, #tpu.memory_space<semaphore_mem>>
        %dma_wait3A_824 = arith.constant 0 : i32
        %dma_wait3A_825 = tpu.memref_slice %arg7[%dma_wait3A_814, %dma_wait3A_824] : memref<8x128xi32, #tpu.memory_space<vmem>> -> memref<1x128xi32, #tpu.memory_space<vmem>>
        %dma_wait3A_826 = tpu.memref_squeeze %dma_wait3A_825 : memref<1x128xi32, #tpu.memory_space<vmem>> -> memref<128xi32, #tpu.memory_space<vmem>>
        %dma_wait3A_827 = arith.constant 0 : i32
        %dma_wait3A_828 = tpu.memref_slice %arg3[%add3A, %add3A_813, %dma_wait3A_827] : memref<32x80x128xi32, #tpu.memory_space<hbm>> -> memref<1x1x128xi32, #tpu.memory_space<hbm>>
        %dma_wait3A_829 = tpu.memref_squeeze %dma_wait3A_828 : memref<1x1x128xi32, #tpu.memory_space<hbm>> -> memref<128xi32, #tpu.memory_space<hbm>>
        tpu.wait_dma2 semaphore(%dma_wait3A_823 : memref<!tpu.dma_semaphore, #tpu.memory_space<semaphore_mem>>) src(%dma_wait3A_829 : memref<128xi32, #tpu.memory_space<hbm>>) dst(%dma_wait3A_826 : memref<128xi32, #tpu.memory_space<vmem>>)
        %dma_start3A_830 = arith.constant 5 : i32
        %dma_start3A_831 = arith.constant 1 : i32
        %dma_start3A_832 = arith.constant 1 : i32
        %dma_start3A_833 = arith.constant 0 : i32
        %dma_start3A_834 = arith.constant 0 : i32
        %dma_start3A_835 = tpu.memref_slice %arg9[%dma_start3A_831, %dma_start3A_833, %dma_start3A_834] : memref<4x128x64xf32, #tpu.memory_space<vmem>> -> memref<1x128x64xf32, #tpu.memory_space<vmem>>
        %dma_start3A_836 = tpu.memref_squeeze %dma_start3A_835 : memref<1x128x64xf32, #tpu.memory_space<vmem>> -> memref<128x64xf32, #tpu.memory_space<vmem>>
        %dma_start3A_837 = arith.constant 0 : i32
        %dma_start3A_838 = tpu.memref_slice %arg7[%dma_start3A_830, %dma_start3A_837] : memref<8x128xi32, #tpu.memory_space<vmem>> -> memref<1x128xi32, #tpu.memory_space<vmem>>
        %dma_start3A_839 = tpu.memref_squeeze %dma_start3A_838 : memref<1x128xi32, #tpu.memory_space<vmem>> -> memref<128xi32, #tpu.memory_space<vmem>>
        %dma_start3A_840 = arith.constant 0 : i32
        %dma_start3A_841 = arith.constant 0 : i32
        %dma_start3A_842 = tpu.memref_slice %arg2[%dma_start3A_840, %dma_start3A_841] : memref<10000x64xf32, #tpu.memory_space<hbm>> -> memref<10000x64xf32, #tpu.memory_space<hbm>>
        %dma_start3A_843 = tpu.memref_slice %arg11[%dma_start3A_832] : memref<4x!tpu.dma_semaphore, #tpu.memory_space<semaphore_mem>> -> memref<1x!tpu.dma_semaphore, #tpu.memory_space<semaphore_mem>>
        %dma_start3A_844 = tpu.memref_squeeze %dma_start3A_843 : memref<1x!tpu.dma_semaphore, #tpu.memory_space<semaphore_mem>> -> memref<!tpu.dma_semaphore, #tpu.memory_space<semaphore_mem>>
        tpu.enqueue_indirect_dma source(%dma_start3A_842 : memref<10000x64xf32, #tpu.memory_space<hbm>>) target(%dma_start3A_836 : memref<128x64xf32, #tpu.memory_space<vmem>>) offsets(%dma_start3A_839 : memref<128xi32, #tpu.memory_space<vmem>>) semaphore(%dma_start3A_844 : memref<!tpu.dma_semaphore, #tpu.memory_space<semaphore_mem>>)
      } else {
      }
      %mul3A_506 = arith.constant 8 : i32
      %mul3A_507 = arith.muli %scan3A_407, %mul3A_506 : i32
      %add3A_508 = arith.constant 2 : i32
      %add3A_509 = arith.addi %mul3A_507, %add3A_508 : i32
      %dma_wait3A_510 = arith.constant 2 : i32
      %dma_wait3A_511 = arith.constant 2 : i32
      %dma_wait3A_512 = arith.constant 2 : i32
      %dma_wait3A_513 = arith.constant 0 : i32
      %dma_wait3A_514 = arith.constant 0 : i32
      %dma_wait3A_515 = tpu.memref_slice %arg9[%dma_wait3A_511, %dma_wait3A_513, %dma_wait3A_514] : memref<4x128x64xf32, #tpu.memory_space<vmem>> -> memref<1x128x64xf32, #tpu.memory_space<vmem>>
      %dma_wait3A_516 = tpu.memref_squeeze %dma_wait3A_515 : memref<1x128x64xf32, #tpu.memory_space<vmem>> -> memref<128x64xf32, #tpu.memory_space<vmem>>
      %dma_wait3A_517 = arith.constant 0 : i32
      %dma_wait3A_518 = tpu.memref_slice %arg7[%dma_wait3A_510, %dma_wait3A_517] : memref<8x128xi32, #tpu.memory_space<vmem>> -> memref<1x128xi32, #tpu.memory_space<vmem>>
      %dma_wait3A_519 = tpu.memref_squeeze %dma_wait3A_518 : memref<1x128xi32, #tpu.memory_space<vmem>> -> memref<128xi32, #tpu.memory_space<vmem>>
      %dma_wait3A_520 = arith.constant 0 : i32
      %dma_wait3A_521 = arith.constant 0 : i32
      %dma_wait3A_522 = tpu.memref_slice %arg2[%dma_wait3A_520, %dma_wait3A_521] : memref<10000x64xf32, #tpu.memory_space<hbm>> -> memref<10000x64xf32, #tpu.memory_space<hbm>>
      %dma_wait3A_523 = tpu.memref_slice %arg11[%dma_wait3A_512] : memref<4x!tpu.dma_semaphore, #tpu.memory_space<semaphore_mem>> -> memref<1x!tpu.dma_semaphore, #tpu.memory_space<semaphore_mem>>
      %dma_wait3A_524 = tpu.memref_squeeze %dma_wait3A_523 : memref<1x!tpu.dma_semaphore, #tpu.memory_space<semaphore_mem>> -> memref<!tpu.dma_semaphore, #tpu.memory_space<semaphore_mem>>
      tpu.wait_indirect_dma semaphore(%dma_wait3A_524 : memref<!tpu.dma_semaphore, #tpu.memory_space<semaphore_mem>>) src(%dma_wait3A_522 : memref<10000x64xf32, #tpu.memory_space<hbm>>) dst(%dma_wait3A_516 : memref<128x64xf32, #tpu.memory_space<vmem>>)
      %dma_wait3A_525 = arith.constant 2 : i32
      %dma_wait3A_526 = arith.constant 2 : i32
      %dma_wait3A_527 = arith.constant 0 : i32
      %dma_wait3A_528 = tpu.memref_slice %arg8[%dma_wait3A_525, %dma_wait3A_527] : memref<8x128xi32, #tpu.memory_space<vmem>> -> memref<1x128xi32, #tpu.memory_space<vmem>>
      %dma_wait3A_529 = tpu.memref_squeeze %dma_wait3A_528 : memref<1x128xi32, #tpu.memory_space<vmem>> -> memref<128xi32, #tpu.memory_space<vmem>>
      %dma_wait3A_530 = arith.constant 0 : i32
      %dma_wait3A_531 = tpu.memref_slice %arg4[%add3A, %add3A_509, %dma_wait3A_530] : memref<32x80x128xi32, #tpu.memory_space<hbm>> -> memref<1x1x128xi32, #tpu.memory_space<hbm>>
      %dma_wait3A_532 = tpu.memref_squeeze %dma_wait3A_531 : memref<1x1x128xi32, #tpu.memory_space<hbm>> -> memref<128xi32, #tpu.memory_space<hbm>>
      %dma_wait3A_533 = tpu.memref_slice %arg13[%dma_wait3A_526] : memref<8x!tpu.dma_semaphore, #tpu.memory_space<semaphore_mem>> -> memref<1x!tpu.dma_semaphore, #tpu.memory_space<semaphore_mem>>
      %dma_wait3A_534 = tpu.memref_squeeze %dma_wait3A_533 : memref<1x!tpu.dma_semaphore, #tpu.memory_space<semaphore_mem>> -> memref<!tpu.dma_semaphore, #tpu.memory_space<semaphore_mem>>
      %dma_wait3A_535 = arith.constant 0 : i32
      %dma_wait3A_536 = tpu.memref_slice %arg8[%dma_wait3A_525, %dma_wait3A_535] : memref<8x128xi32, #tpu.memory_space<vmem>> -> memref<1x128xi32, #tpu.memory_space<vmem>>
      %dma_wait3A_537 = tpu.memref_squeeze %dma_wait3A_536 : memref<1x128xi32, #tpu.memory_space<vmem>> -> memref<128xi32, #tpu.memory_space<vmem>>
      %dma_wait3A_538 = arith.constant 0 : i32
      %dma_wait3A_539 = tpu.memref_slice %arg4[%add3A, %add3A_509, %dma_wait3A_538] : memref<32x80x128xi32, #tpu.memory_space<hbm>> -> memref<1x1x128xi32, #tpu.memory_space<hbm>>
      %dma_wait3A_540 = tpu.memref_squeeze %dma_wait3A_539 : memref<1x1x128xi32, #tpu.memory_space<hbm>> -> memref<128xi32, #tpu.memory_space<hbm>>
      tpu.wait_dma2 semaphore(%dma_wait3A_534 : memref<!tpu.dma_semaphore, #tpu.memory_space<semaphore_mem>>) src(%dma_wait3A_540 : memref<128xi32, #tpu.memory_space<hbm>>) dst(%dma_wait3A_537 : memref<128xi32, #tpu.memory_space<vmem>>)
      %run_scoped3A_541 = arith.constant 2 : i32
      %run_scoped3A_542 = arith.constant 2 : i32
      "tpu.region"() ({
        %run_scoped3A_812 = tpu.sem_alloc : memref<!tpu.dma_semaphore, #tpu.memory_space<semaphore_mem>>
        %dma_start3A_813 = arith.constant 0 : i32
        %dma_start3A_814 = arith.constant 0 : i32
        %dma_start3A_815 = tpu.memref_slice %arg9[%run_scoped3A_541, %dma_start3A_813, %dma_start3A_814] : memref<4x128x64xf32, #tpu.memory_space<vmem>> -> memref<1x128x64xf32, #tpu.memory_space<vmem>>
        %dma_start3A_816 = tpu.memref_squeeze %dma_start3A_815 : memref<1x128x64xf32, #tpu.memory_space<vmem>> -> memref<128x64xf32, #tpu.memory_space<vmem>>
        %dma_start3A_817 = arith.constant 0 : i32
        %dma_start3A_818 = tpu.memref_slice %arg8[%run_scoped3A_542, %dma_start3A_817] : memref<8x128xi32, #tpu.memory_space<vmem>> -> memref<1x128xi32, #tpu.memory_space<vmem>>
        %dma_start3A_819 = tpu.memref_squeeze %dma_start3A_818 : memref<1x128xi32, #tpu.memory_space<vmem>> -> memref<128xi32, #tpu.memory_space<vmem>>
        %dma_start3A_820 = arith.constant 0 : i32
        %dma_start3A_821 = arith.constant 0 : i32
        %dma_start3A_822 = tpu.memref_slice %arg10[%dma_start3A_820, %dma_start3A_821] : memref<10240x64xf32, #tpu.memory_space<vmem_shared>> -> memref<10240x64xf32, #tpu.memory_space<vmem_shared>>
        tpu.enqueue_indirect_dma source(%dma_start3A_816 : memref<128x64xf32, #tpu.memory_space<vmem>>) target(%dma_start3A_822 : memref<10240x64xf32, #tpu.memory_space<vmem_shared>>) offsets(%dma_start3A_819 : memref<128xi32, #tpu.memory_space<vmem>>) semaphore(%run_scoped3A_812 : memref<!tpu.dma_semaphore, #tpu.memory_space<semaphore_mem>>) {add = true}
        %dma_wait3A_823 = arith.constant 0 : i32
        %dma_wait3A_824 = arith.constant 0 : i32
        %dma_wait3A_825 = tpu.memref_slice %arg9[%run_scoped3A_541, %dma_wait3A_823, %dma_wait3A_824] : memref<4x128x64xf32, #tpu.memory_space<vmem>> -> memref<1x128x64xf32, #tpu.memory_space<vmem>>
        %dma_wait3A_826 = tpu.memref_squeeze %dma_wait3A_825 : memref<1x128x64xf32, #tpu.memory_space<vmem>> -> memref<128x64xf32, #tpu.memory_space<vmem>>
        %dma_wait3A_827 = arith.constant 0 : i32
        %dma_wait3A_828 = tpu.memref_slice %arg8[%run_scoped3A_542, %dma_wait3A_827] : memref<8x128xi32, #tpu.memory_space<vmem>> -> memref<1x128xi32, #tpu.memory_space<vmem>>
        %dma_wait3A_829 = tpu.memref_squeeze %dma_wait3A_828 : memref<1x128xi32, #tpu.memory_space<vmem>> -> memref<128xi32, #tpu.memory_space<vmem>>
        %dma_wait3A_830 = arith.constant 0 : i32
        %dma_wait3A_831 = arith.constant 0 : i32
        %dma_wait3A_832 = tpu.memref_slice %arg10[%dma_wait3A_830, %dma_wait3A_831] : memref<10240x64xf32, #tpu.memory_space<vmem_shared>> -> memref<10240x64xf32, #tpu.memory_space<vmem_shared>>
        tpu.wait_indirect_dma semaphore(%run_scoped3A_812 : memref<!tpu.dma_semaphore, #tpu.memory_space<semaphore_mem>>) src(%dma_wait3A_826 : memref<128x64xf32, #tpu.memory_space<vmem>>) dst(%dma_wait3A_832 : memref<10240x64xf32, #tpu.memory_space<vmem_shared>>)
        tpu.yield
      }) : () -> ()
      %add3A_543 = arith.constant 8 : i32
      %add3A_544 = arith.addi %add3A_509, %add3A_543 : i32
      %lt3A_545 = arith.constant 80 : i32
      %lt3A_546 = arith.cmpi slt, %add3A_544, %lt3A_545 : i32
      %convert_element_type3A_547 = arith.extui %lt3A_546 : i1 to i32
      %cond3A_548 = arith.constant 0 : i32
      %cond3A_549 = arith.cmpi ne, %convert_element_type3A_547, %cond3A_548 : i32
      scf.if %cond3A_549 {
        %add3A_812 = arith.constant 8 : i32
        %add3A_813 = arith.addi %add3A_509, %add3A_812 : i32
        %dma_start3A_814 = arith.constant 2 : i32
        %dma_start3A_815 = arith.constant 2 : i32
        %dma_start3A_816 = arith.constant 0 : i32
        %dma_start3A_817 = tpu.memref_slice %arg7[%dma_start3A_814, %dma_start3A_816] : memref<8x128xi32, #tpu.memory_space<vmem>> -> memref<1x128xi32, #tpu.memory_space<vmem>>
        %dma_start3A_818 = tpu.memref_squeeze %dma_start3A_817 : memref<1x128xi32, #tpu.memory_space<vmem>> -> memref<128xi32, #tpu.memory_space<vmem>>
        %dma_start3A_819 = arith.constant 0 : i32
        %dma_start3A_820 = tpu.memref_slice %arg3[%add3A, %add3A_813, %dma_start3A_819] : memref<32x80x128xi32, #tpu.memory_space<hbm>> -> memref<1x1x128xi32, #tpu.memory_space<hbm>>
        %dma_start3A_821 = tpu.memref_squeeze %dma_start3A_820 : memref<1x1x128xi32, #tpu.memory_space<hbm>> -> memref<128xi32, #tpu.memory_space<hbm>>
        %dma_start3A_822 = tpu.memref_slice %arg12[%dma_start3A_815] : memref<8x!tpu.dma_semaphore, #tpu.memory_space<semaphore_mem>> -> memref<1x!tpu.dma_semaphore, #tpu.memory_space<semaphore_mem>>
        %dma_start3A_823 = tpu.memref_squeeze %dma_start3A_822 : memref<1x!tpu.dma_semaphore, #tpu.memory_space<semaphore_mem>> -> memref<!tpu.dma_semaphore, #tpu.memory_space<semaphore_mem>>
        %dma_start3A_824 = arith.constant 0 : i32
        %dma_start3A_825 = tpu.memref_slice %arg7[%dma_start3A_814, %dma_start3A_824] : memref<8x128xi32, #tpu.memory_space<vmem>> -> memref<1x128xi32, #tpu.memory_space<vmem>>
        %dma_start3A_826 = tpu.memref_squeeze %dma_start3A_825 : memref<1x128xi32, #tpu.memory_space<vmem>> -> memref<128xi32, #tpu.memory_space<vmem>>
        %dma_start3A_827 = arith.constant 0 : i32
        %dma_start3A_828 = tpu.memref_slice %arg3[%add3A, %add3A_813, %dma_start3A_827] : memref<32x80x128xi32, #tpu.memory_space<hbm>> -> memref<1x1x128xi32, #tpu.memory_space<hbm>>
        %dma_start3A_829 = tpu.memref_squeeze %dma_start3A_828 : memref<1x1x128xi32, #tpu.memory_space<hbm>> -> memref<128xi32, #tpu.memory_space<hbm>>
        tpu.enqueue_dma source(%dma_start3A_829 : memref<128xi32, #tpu.memory_space<hbm>>) target(%dma_start3A_826 : memref<128xi32, #tpu.memory_space<vmem>>) target_semaphore(%dma_start3A_823 : memref<!tpu.dma_semaphore, #tpu.memory_space<semaphore_mem>>)
        %dma_start3A_830 = arith.constant 2 : i32
        %dma_start3A_831 = arith.constant 2 : i32
        %dma_start3A_832 = arith.constant 0 : i32
        %dma_start3A_833 = tpu.memref_slice %arg8[%dma_start3A_830, %dma_start3A_832] : memref<8x128xi32, #tpu.memory_space<vmem>> -> memref<1x128xi32, #tpu.memory_space<vmem>>
        %dma_start3A_834 = tpu.memref_squeeze %dma_start3A_833 : memref<1x128xi32, #tpu.memory_space<vmem>> -> memref<128xi32, #tpu.memory_space<vmem>>
        %dma_start3A_835 = arith.constant 0 : i32
        %dma_start3A_836 = tpu.memref_slice %arg4[%add3A, %add3A_813, %dma_start3A_835] : memref<32x80x128xi32, #tpu.memory_space<hbm>> -> memref<1x1x128xi32, #tpu.memory_space<hbm>>
        %dma_start3A_837 = tpu.memref_squeeze %dma_start3A_836 : memref<1x1x128xi32, #tpu.memory_space<hbm>> -> memref<128xi32, #tpu.memory_space<hbm>>
        %dma_start3A_838 = tpu.memref_slice %arg13[%dma_start3A_831] : memref<8x!tpu.dma_semaphore, #tpu.memory_space<semaphore_mem>> -> memref<1x!tpu.dma_semaphore, #tpu.memory_space<semaphore_mem>>
        %dma_start3A_839 = tpu.memref_squeeze %dma_start3A_838 : memref<1x!tpu.dma_semaphore, #tpu.memory_space<semaphore_mem>> -> memref<!tpu.dma_semaphore, #tpu.memory_space<semaphore_mem>>
        %dma_start3A_840 = arith.constant 0 : i32
        %dma_start3A_841 = tpu.memref_slice %arg8[%dma_start3A_830, %dma_start3A_840] : memref<8x128xi32, #tpu.memory_space<vmem>> -> memref<1x128xi32, #tpu.memory_space<vmem>>
        %dma_start3A_842 = tpu.memref_squeeze %dma_start3A_841 : memref<1x128xi32, #tpu.memory_space<vmem>> -> memref<128xi32, #tpu.memory_space<vmem>>
        %dma_start3A_843 = arith.constant 0 : i32
        %dma_start3A_844 = tpu.memref_slice %arg4[%add3A, %add3A_813, %dma_start3A_843] : memref<32x80x128xi32, #tpu.memory_space<hbm>> -> memref<1x1x128xi32, #tpu.memory_space<hbm>>
        %dma_start3A_845 = tpu.memref_squeeze %dma_start3A_844 : memref<1x1x128xi32, #tpu.memory_space<hbm>> -> memref<128xi32, #tpu.memory_space<hbm>>
        tpu.enqueue_dma source(%dma_start3A_845 : memref<128xi32, #tpu.memory_space<hbm>>) target(%dma_start3A_842 : memref<128xi32, #tpu.memory_space<vmem>>) target_semaphore(%dma_start3A_839 : memref<!tpu.dma_semaphore, #tpu.memory_space<semaphore_mem>>)
      } else {
      }
      %add3A_550 = arith.constant 4 : i32
      %add3A_551 = arith.addi %add3A_509, %add3A_550 : i32
      %lt3A_552 = arith.constant 80 : i32
      %lt3A_553 = arith.cmpi slt, %add3A_551, %lt3A_552 : i32
      %convert_element_type3A_554 = arith.extui %lt3A_553 : i1 to i32
      %cond3A_555 = arith.constant 0 : i32
      %cond3A_556 = arith.cmpi ne, %convert_element_type3A_554, %cond3A_555 : i32
      scf.if %cond3A_556 {
        %add3A_812 = arith.constant 4 : i32
        %add3A_813 = arith.addi %add3A_509, %add3A_812 : i32
        %dma_wait3A_814 = arith.constant 6 : i32
        %dma_wait3A_815 = arith.constant 6 : i32
        %dma_wait3A_816 = arith.constant 0 : i32
        %dma_wait3A_817 = tpu.memref_slice %arg7[%dma_wait3A_814, %dma_wait3A_816] : memref<8x128xi32, #tpu.memory_space<vmem>> -> memref<1x128xi32, #tpu.memory_space<vmem>>
        %dma_wait3A_818 = tpu.memref_squeeze %dma_wait3A_817 : memref<1x128xi32, #tpu.memory_space<vmem>> -> memref<128xi32, #tpu.memory_space<vmem>>
        %dma_wait3A_819 = arith.constant 0 : i32
        %dma_wait3A_820 = tpu.memref_slice %arg3[%add3A, %add3A_813, %dma_wait3A_819] : memref<32x80x128xi32, #tpu.memory_space<hbm>> -> memref<1x1x128xi32, #tpu.memory_space<hbm>>
        %dma_wait3A_821 = tpu.memref_squeeze %dma_wait3A_820 : memref<1x1x128xi32, #tpu.memory_space<hbm>> -> memref<128xi32, #tpu.memory_space<hbm>>
        %dma_wait3A_822 = tpu.memref_slice %arg12[%dma_wait3A_815] : memref<8x!tpu.dma_semaphore, #tpu.memory_space<semaphore_mem>> -> memref<1x!tpu.dma_semaphore, #tpu.memory_space<semaphore_mem>>
        %dma_wait3A_823 = tpu.memref_squeeze %dma_wait3A_822 : memref<1x!tpu.dma_semaphore, #tpu.memory_space<semaphore_mem>> -> memref<!tpu.dma_semaphore, #tpu.memory_space<semaphore_mem>>
        %dma_wait3A_824 = arith.constant 0 : i32
        %dma_wait3A_825 = tpu.memref_slice %arg7[%dma_wait3A_814, %dma_wait3A_824] : memref<8x128xi32, #tpu.memory_space<vmem>> -> memref<1x128xi32, #tpu.memory_space<vmem>>
        %dma_wait3A_826 = tpu.memref_squeeze %dma_wait3A_825 : memref<1x128xi32, #tpu.memory_space<vmem>> -> memref<128xi32, #tpu.memory_space<vmem>>
        %dma_wait3A_827 = arith.constant 0 : i32
        %dma_wait3A_828 = tpu.memref_slice %arg3[%add3A, %add3A_813, %dma_wait3A_827] : memref<32x80x128xi32, #tpu.memory_space<hbm>> -> memref<1x1x128xi32, #tpu.memory_space<hbm>>
        %dma_wait3A_829 = tpu.memref_squeeze %dma_wait3A_828 : memref<1x1x128xi32, #tpu.memory_space<hbm>> -> memref<128xi32, #tpu.memory_space<hbm>>
        tpu.wait_dma2 semaphore(%dma_wait3A_823 : memref<!tpu.dma_semaphore, #tpu.memory_space<semaphore_mem>>) src(%dma_wait3A_829 : memref<128xi32, #tpu.memory_space<hbm>>) dst(%dma_wait3A_826 : memref<128xi32, #tpu.memory_space<vmem>>)
        %dma_start3A_830 = arith.constant 6 : i32
        %dma_start3A_831 = arith.constant 2 : i32
        %dma_start3A_832 = arith.constant 2 : i32
        %dma_start3A_833 = arith.constant 0 : i32
        %dma_start3A_834 = arith.constant 0 : i32
        %dma_start3A_835 = tpu.memref_slice %arg9[%dma_start3A_831, %dma_start3A_833, %dma_start3A_834] : memref<4x128x64xf32, #tpu.memory_space<vmem>> -> memref<1x128x64xf32, #tpu.memory_space<vmem>>
        %dma_start3A_836 = tpu.memref_squeeze %dma_start3A_835 : memref<1x128x64xf32, #tpu.memory_space<vmem>> -> memref<128x64xf32, #tpu.memory_space<vmem>>
        %dma_start3A_837 = arith.constant 0 : i32
        %dma_start3A_838 = tpu.memref_slice %arg7[%dma_start3A_830, %dma_start3A_837] : memref<8x128xi32, #tpu.memory_space<vmem>> -> memref<1x128xi32, #tpu.memory_space<vmem>>
        %dma_start3A_839 = tpu.memref_squeeze %dma_start3A_838 : memref<1x128xi32, #tpu.memory_space<vmem>> -> memref<128xi32, #tpu.memory_space<vmem>>
        %dma_start3A_840 = arith.constant 0 : i32
        %dma_start3A_841 = arith.constant 0 : i32
        %dma_start3A_842 = tpu.memref_slice %arg2[%dma_start3A_840, %dma_start3A_841] : memref<10000x64xf32, #tpu.memory_space<hbm>> -> memref<10000x64xf32, #tpu.memory_space<hbm>>
        %dma_start3A_843 = tpu.memref_slice %arg11[%dma_start3A_832] : memref<4x!tpu.dma_semaphore, #tpu.memory_space<semaphore_mem>> -> memref<1x!tpu.dma_semaphore, #tpu.memory_space<semaphore_mem>>
        %dma_start3A_844 = tpu.memref_squeeze %dma_start3A_843 : memref<1x!tpu.dma_semaphore, #tpu.memory_space<semaphore_mem>> -> memref<!tpu.dma_semaphore, #tpu.memory_space<semaphore_mem>>
        tpu.enqueue_indirect_dma source(%dma_start3A_842 : memref<10000x64xf32, #tpu.memory_space<hbm>>) target(%dma_start3A_836 : memref<128x64xf32, #tpu.memory_space<vmem>>) offsets(%dma_start3A_839 : memref<128xi32, #tpu.memory_space<vmem>>) semaphore(%dma_start3A_844 : memref<!tpu.dma_semaphore, #tpu.memory_space<semaphore_mem>>)
      } else {
      }
      %mul3A_557 = arith.constant 8 : i32
      %mul3A_558 = arith.muli %scan3A_407, %mul3A_557 : i32
      %add3A_559 = arith.constant 3 : i32
      %add3A_560 = arith.addi %mul3A_558, %add3A_559 : i32
      %dma_wait3A_561 = arith.constant 3 : i32
      %dma_wait3A_562 = arith.constant 3 : i32
      %dma_wait3A_563 = arith.constant 3 : i32
      %dma_wait3A_564 = arith.constant 0 : i32
      %dma_wait3A_565 = arith.constant 0 : i32
      %dma_wait3A_566 = tpu.memref_slice %arg9[%dma_wait3A_562, %dma_wait3A_564, %dma_wait3A_565] : memref<4x128x64xf32, #tpu.memory_space<vmem>> -> memref<1x128x64xf32, #tpu.memory_space<vmem>>
      %dma_wait3A_567 = tpu.memref_squeeze %dma_wait3A_566 : memref<1x128x64xf32, #tpu.memory_space<vmem>> -> memref<128x64xf32, #tpu.memory_space<vmem>>
      %dma_wait3A_568 = arith.constant 0 : i32
      %dma_wait3A_569 = tpu.memref_slice %arg7[%dma_wait3A_561, %dma_wait3A_568] : memref<8x128xi32, #tpu.memory_space<vmem>> -> memref<1x128xi32, #tpu.memory_space<vmem>>
      %dma_wait3A_570 = tpu.memref_squeeze %dma_wait3A_569 : memref<1x128xi32, #tpu.memory_space<vmem>> -> memref<128xi32, #tpu.memory_space<vmem>>
      %dma_wait3A_571 = arith.constant 0 : i32
      %dma_wait3A_572 = arith.constant 0 : i32
      %dma_wait3A_573 = tpu.memref_slice %arg2[%dma_wait3A_571, %dma_wait3A_572] : memref<10000x64xf32, #tpu.memory_space<hbm>> -> memref<10000x64xf32, #tpu.memory_space<hbm>>
      %dma_wait3A_574 = tpu.memref_slice %arg11[%dma_wait3A_563] : memref<4x!tpu.dma_semaphore, #tpu.memory_space<semaphore_mem>> -> memref<1x!tpu.dma_semaphore, #tpu.memory_space<semaphore_mem>>
      %dma_wait3A_575 = tpu.memref_squeeze %dma_wait3A_574 : memref<1x!tpu.dma_semaphore, #tpu.memory_space<semaphore_mem>> -> memref<!tpu.dma_semaphore, #tpu.memory_space<semaphore_mem>>
      tpu.wait_indirect_dma semaphore(%dma_wait3A_575 : memref<!tpu.dma_semaphore, #tpu.memory_space<semaphore_mem>>) src(%dma_wait3A_573 : memref<10000x64xf32, #tpu.memory_space<hbm>>) dst(%dma_wait3A_567 : memref<128x64xf32, #tpu.memory_space<vmem>>)
      %dma_wait3A_576 = arith.constant 3 : i32
      %dma_wait3A_577 = arith.constant 3 : i32
      %dma_wait3A_578 = arith.constant 0 : i32
      %dma_wait3A_579 = tpu.memref_slice %arg8[%dma_wait3A_576, %dma_wait3A_578] : memref<8x128xi32, #tpu.memory_space<vmem>> -> memref<1x128xi32, #tpu.memory_space<vmem>>
      %dma_wait3A_580 = tpu.memref_squeeze %dma_wait3A_579 : memref<1x128xi32, #tpu.memory_space<vmem>> -> memref<128xi32, #tpu.memory_space<vmem>>
      %dma_wait3A_581 = arith.constant 0 : i32
      %dma_wait3A_582 = tpu.memref_slice %arg4[%add3A, %add3A_560, %dma_wait3A_581] : memref<32x80x128xi32, #tpu.memory_space<hbm>> -> memref<1x1x128xi32, #tpu.memory_space<hbm>>
      %dma_wait3A_583 = tpu.memref_squeeze %dma_wait3A_582 : memref<1x1x128xi32, #tpu.memory_space<hbm>> -> memref<128xi32, #tpu.memory_space<hbm>>
      %dma_wait3A_584 = tpu.memref_slice %arg13[%dma_wait3A_577] : memref<8x!tpu.dma_semaphore, #tpu.memory_space<semaphore_mem>> -> memref<1x!tpu.dma_semaphore, #tpu.memory_space<semaphore_mem>>
      %dma_wait3A_585 = tpu.memref_squeeze %dma_wait3A_584 : memref<1x!tpu.dma_semaphore, #tpu.memory_space<semaphore_mem>> -> memref<!tpu.dma_semaphore, #tpu.memory_space<semaphore_mem>>
      %dma_wait3A_586 = arith.constant 0 : i32
      %dma_wait3A_587 = tpu.memref_slice %arg8[%dma_wait3A_576, %dma_wait3A_586] : memref<8x128xi32, #tpu.memory_space<vmem>> -> memref<1x128xi32, #tpu.memory_space<vmem>>
      %dma_wait3A_588 = tpu.memref_squeeze %dma_wait3A_587 : memref<1x128xi32, #tpu.memory_space<vmem>> -> memref<128xi32, #tpu.memory_space<vmem>>
      %dma_wait3A_589 = arith.constant 0 : i32
      %dma_wait3A_590 = tpu.memref_slice %arg4[%add3A, %add3A_560, %dma_wait3A_589] : memref<32x80x128xi32, #tpu.memory_space<hbm>> -> memref<1x1x128xi32, #tpu.memory_space<hbm>>
      %dma_wait3A_591 = tpu.memref_squeeze %dma_wait3A_590 : memref<1x1x128xi32, #tpu.memory_space<hbm>> -> memref<128xi32, #tpu.memory_space<hbm>>
      tpu.wait_dma2 semaphore(%dma_wait3A_585 : memref<!tpu.dma_semaphore, #tpu.memory_space<semaphore_mem>>) src(%dma_wait3A_591 : memref<128xi32, #tpu.memory_space<hbm>>) dst(%dma_wait3A_588 : memref<128xi32, #tpu.memory_space<vmem>>)
      %run_scoped3A_592 = arith.constant 3 : i32
      %run_scoped3A_593 = arith.constant 3 : i32
      "tpu.region"() ({
        %run_scoped3A_812 = tpu.sem_alloc : memref<!tpu.dma_semaphore, #tpu.memory_space<semaphore_mem>>
        %dma_start3A_813 = arith.constant 0 : i32
        %dma_start3A_814 = arith.constant 0 : i32
        %dma_start3A_815 = tpu.memref_slice %arg9[%run_scoped3A_592, %dma_start3A_813, %dma_start3A_814] : memref<4x128x64xf32, #tpu.memory_space<vmem>> -> memref<1x128x64xf32, #tpu.memory_space<vmem>>
        %dma_start3A_816 = tpu.memref_squeeze %dma_start3A_815 : memref<1x128x64xf32, #tpu.memory_space<vmem>> -> memref<128x64xf32, #tpu.memory_space<vmem>>
        %dma_start3A_817 = arith.constant 0 : i32
        %dma_start3A_818 = tpu.memref_slice %arg8[%run_scoped3A_593, %dma_start3A_817] : memref<8x128xi32, #tpu.memory_space<vmem>> -> memref<1x128xi32, #tpu.memory_space<vmem>>
        %dma_start3A_819 = tpu.memref_squeeze %dma_start3A_818 : memref<1x128xi32, #tpu.memory_space<vmem>> -> memref<128xi32, #tpu.memory_space<vmem>>
        %dma_start3A_820 = arith.constant 0 : i32
        %dma_start3A_821 = arith.constant 0 : i32
        %dma_start3A_822 = tpu.memref_slice %arg10[%dma_start3A_820, %dma_start3A_821] : memref<10240x64xf32, #tpu.memory_space<vmem_shared>> -> memref<10240x64xf32, #tpu.memory_space<vmem_shared>>
        tpu.enqueue_indirect_dma source(%dma_start3A_816 : memref<128x64xf32, #tpu.memory_space<vmem>>) target(%dma_start3A_822 : memref<10240x64xf32, #tpu.memory_space<vmem_shared>>) offsets(%dma_start3A_819 : memref<128xi32, #tpu.memory_space<vmem>>) semaphore(%run_scoped3A_812 : memref<!tpu.dma_semaphore, #tpu.memory_space<semaphore_mem>>) {add = true}
        %dma_wait3A_823 = arith.constant 0 : i32
        %dma_wait3A_824 = arith.constant 0 : i32
        %dma_wait3A_825 = tpu.memref_slice %arg9[%run_scoped3A_592, %dma_wait3A_823, %dma_wait3A_824] : memref<4x128x64xf32, #tpu.memory_space<vmem>> -> memref<1x128x64xf32, #tpu.memory_space<vmem>>
        %dma_wait3A_826 = tpu.memref_squeeze %dma_wait3A_825 : memref<1x128x64xf32, #tpu.memory_space<vmem>> -> memref<128x64xf32, #tpu.memory_space<vmem>>
        %dma_wait3A_827 = arith.constant 0 : i32
        %dma_wait3A_828 = tpu.memref_slice %arg8[%run_scoped3A_593, %dma_wait3A_827] : memref<8x128xi32, #tpu.memory_space<vmem>> -> memref<1x128xi32, #tpu.memory_space<vmem>>
        %dma_wait3A_829 = tpu.memref_squeeze %dma_wait3A_828 : memref<1x128xi32, #tpu.memory_space<vmem>> -> memref<128xi32, #tpu.memory_space<vmem>>
        %dma_wait3A_830 = arith.constant 0 : i32
        %dma_wait3A_831 = arith.constant 0 : i32
        %dma_wait3A_832 = tpu.memref_slice %arg10[%dma_wait3A_830, %dma_wait3A_831] : memref<10240x64xf32, #tpu.memory_space<vmem_shared>> -> memref<10240x64xf32, #tpu.memory_space<vmem_shared>>
        tpu.wait_indirect_dma semaphore(%run_scoped3A_812 : memref<!tpu.dma_semaphore, #tpu.memory_space<semaphore_mem>>) src(%dma_wait3A_826 : memref<128x64xf32, #tpu.memory_space<vmem>>) dst(%dma_wait3A_832 : memref<10240x64xf32, #tpu.memory_space<vmem_shared>>)
        tpu.yield
      }) : () -> ()
      %add3A_594 = arith.constant 8 : i32
      %add3A_595 = arith.addi %add3A_560, %add3A_594 : i32
      %lt3A_596 = arith.constant 80 : i32
      %lt3A_597 = arith.cmpi slt, %add3A_595, %lt3A_596 : i32
      %convert_element_type3A_598 = arith.extui %lt3A_597 : i1 to i32
      %cond3A_599 = arith.constant 0 : i32
      %cond3A_600 = arith.cmpi ne, %convert_element_type3A_598, %cond3A_599 : i32
      scf.if %cond3A_600 {
        %add3A_812 = arith.constant 8 : i32
        %add3A_813 = arith.addi %add3A_560, %add3A_812 : i32
        %dma_start3A_814 = arith.constant 3 : i32
        %dma_start3A_815 = arith.constant 3 : i32
        %dma_start3A_816 = arith.constant 0 : i32
        %dma_start3A_817 = tpu.memref_slice %arg7[%dma_start3A_814, %dma_start3A_816] : memref<8x128xi32, #tpu.memory_space<vmem>> -> memref<1x128xi32, #tpu.memory_space<vmem>>
        %dma_start3A_818 = tpu.memref_squeeze %dma_start3A_817 : memref<1x128xi32, #tpu.memory_space<vmem>> -> memref<128xi32, #tpu.memory_space<vmem>>
        %dma_start3A_819 = arith.constant 0 : i32
        %dma_start3A_820 = tpu.memref_slice %arg3[%add3A, %add3A_813, %dma_start3A_819] : memref<32x80x128xi32, #tpu.memory_space<hbm>> -> memref<1x1x128xi32, #tpu.memory_space<hbm>>
        %dma_start3A_821 = tpu.memref_squeeze %dma_start3A_820 : memref<1x1x128xi32, #tpu.memory_space<hbm>> -> memref<128xi32, #tpu.memory_space<hbm>>
        %dma_start3A_822 = tpu.memref_slice %arg12[%dma_start3A_815] : memref<8x!tpu.dma_semaphore, #tpu.memory_space<semaphore_mem>> -> memref<1x!tpu.dma_semaphore, #tpu.memory_space<semaphore_mem>>
        %dma_start3A_823 = tpu.memref_squeeze %dma_start3A_822 : memref<1x!tpu.dma_semaphore, #tpu.memory_space<semaphore_mem>> -> memref<!tpu.dma_semaphore, #tpu.memory_space<semaphore_mem>>
        %dma_start3A_824 = arith.constant 0 : i32
        %dma_start3A_825 = tpu.memref_slice %arg7[%dma_start3A_814, %dma_start3A_824] : memref<8x128xi32, #tpu.memory_space<vmem>> -> memref<1x128xi32, #tpu.memory_space<vmem>>
        %dma_start3A_826 = tpu.memref_squeeze %dma_start3A_825 : memref<1x128xi32, #tpu.memory_space<vmem>> -> memref<128xi32, #tpu.memory_space<vmem>>
        %dma_start3A_827 = arith.constant 0 : i32
        %dma_start3A_828 = tpu.memref_slice %arg3[%add3A, %add3A_813, %dma_start3A_827] : memref<32x80x128xi32, #tpu.memory_space<hbm>> -> memref<1x1x128xi32, #tpu.memory_space<hbm>>
        %dma_start3A_829 = tpu.memref_squeeze %dma_start3A_828 : memref<1x1x128xi32, #tpu.memory_space<hbm>> -> memref<128xi32, #tpu.memory_space<hbm>>
        tpu.enqueue_dma source(%dma_start3A_829 : memref<128xi32, #tpu.memory_space<hbm>>) target(%dma_start3A_826 : memref<128xi32, #tpu.memory_space<vmem>>) target_semaphore(%dma_start3A_823 : memref<!tpu.dma_semaphore, #tpu.memory_space<semaphore_mem>>)
        %dma_start3A_830 = arith.constant 3 : i32
        %dma_start3A_831 = arith.constant 3 : i32
        %dma_start3A_832 = arith.constant 0 : i32
        %dma_start3A_833 = tpu.memref_slice %arg8[%dma_start3A_830, %dma_start3A_832] : memref<8x128xi32, #tpu.memory_space<vmem>> -> memref<1x128xi32, #tpu.memory_space<vmem>>
        %dma_start3A_834 = tpu.memref_squeeze %dma_start3A_833 : memref<1x128xi32, #tpu.memory_space<vmem>> -> memref<128xi32, #tpu.memory_space<vmem>>
        %dma_start3A_835 = arith.constant 0 : i32
        %dma_start3A_836 = tpu.memref_slice %arg4[%add3A, %add3A_813, %dma_start3A_835] : memref<32x80x128xi32, #tpu.memory_space<hbm>> -> memref<1x1x128xi32, #tpu.memory_space<hbm>>
        %dma_start3A_837 = tpu.memref_squeeze %dma_start3A_836 : memref<1x1x128xi32, #tpu.memory_space<hbm>> -> memref<128xi32, #tpu.memory_space<hbm>>
        %dma_start3A_838 = tpu.memref_slice %arg13[%dma_start3A_831] : memref<8x!tpu.dma_semaphore, #tpu.memory_space<semaphore_mem>> -> memref<1x!tpu.dma_semaphore, #tpu.memory_space<semaphore_mem>>
        %dma_start3A_839 = tpu.memref_squeeze %dma_start3A_838 : memref<1x!tpu.dma_semaphore, #tpu.memory_space<semaphore_mem>> -> memref<!tpu.dma_semaphore, #tpu.memory_space<semaphore_mem>>
        %dma_start3A_840 = arith.constant 0 : i32
        %dma_start3A_841 = tpu.memref_slice %arg8[%dma_start3A_830, %dma_start3A_840] : memref<8x128xi32, #tpu.memory_space<vmem>> -> memref<1x128xi32, #tpu.memory_space<vmem>>
        %dma_start3A_842 = tpu.memref_squeeze %dma_start3A_841 : memref<1x128xi32, #tpu.memory_space<vmem>> -> memref<128xi32, #tpu.memory_space<vmem>>
        %dma_start3A_843 = arith.constant 0 : i32
        %dma_start3A_844 = tpu.memref_slice %arg4[%add3A, %add3A_813, %dma_start3A_843] : memref<32x80x128xi32, #tpu.memory_space<hbm>> -> memref<1x1x128xi32, #tpu.memory_space<hbm>>
        %dma_start3A_845 = tpu.memref_squeeze %dma_start3A_844 : memref<1x1x128xi32, #tpu.memory_space<hbm>> -> memref<128xi32, #tpu.memory_space<hbm>>
        tpu.enqueue_dma source(%dma_start3A_845 : memref<128xi32, #tpu.memory_space<hbm>>) target(%dma_start3A_842 : memref<128xi32, #tpu.memory_space<vmem>>) target_semaphore(%dma_start3A_839 : memref<!tpu.dma_semaphore, #tpu.memory_space<semaphore_mem>>)
      } else {
      }
      %add3A_601 = arith.constant 4 : i32
      %add3A_602 = arith.addi %add3A_560, %add3A_601 : i32
      %lt3A_603 = arith.constant 80 : i32
      %lt3A_604 = arith.cmpi slt, %add3A_602, %lt3A_603 : i32
      %convert_element_type3A_605 = arith.extui %lt3A_604 : i1 to i32
      %cond3A_606 = arith.constant 0 : i32
      %cond3A_607 = arith.cmpi ne, %convert_element_type3A_605, %cond3A_606 : i32
      scf.if %cond3A_607 {
        %add3A_812 = arith.constant 4 : i32
        %add3A_813 = arith.addi %add3A_560, %add3A_812 : i32
        %dma_wait3A_814 = arith.constant 7 : i32
        %dma_wait3A_815 = arith.constant 7 : i32
        %dma_wait3A_816 = arith.constant 0 : i32
        %dma_wait3A_817 = tpu.memref_slice %arg7[%dma_wait3A_814, %dma_wait3A_816] : memref<8x128xi32, #tpu.memory_space<vmem>> -> memref<1x128xi32, #tpu.memory_space<vmem>>
        %dma_wait3A_818 = tpu.memref_squeeze %dma_wait3A_817 : memref<1x128xi32, #tpu.memory_space<vmem>> -> memref<128xi32, #tpu.memory_space<vmem>>
        %dma_wait3A_819 = arith.constant 0 : i32
        %dma_wait3A_820 = tpu.memref_slice %arg3[%add3A, %add3A_813, %dma_wait3A_819] : memref<32x80x128xi32, #tpu.memory_space<hbm>> -> memref<1x1x128xi32, #tpu.memory_space<hbm>>
        %dma_wait3A_821 = tpu.memref_squeeze %dma_wait3A_820 : memref<1x1x128xi32, #tpu.memory_space<hbm>> -> memref<128xi32, #tpu.memory_space<hbm>>
        %dma_wait3A_822 = tpu.memref_slice %arg12[%dma_wait3A_815] : memref<8x!tpu.dma_semaphore, #tpu.memory_space<semaphore_mem>> -> memref<1x!tpu.dma_semaphore, #tpu.memory_space<semaphore_mem>>
        %dma_wait3A_823 = tpu.memref_squeeze %dma_wait3A_822 : memref<1x!tpu.dma_semaphore, #tpu.memory_space<semaphore_mem>> -> memref<!tpu.dma_semaphore, #tpu.memory_space<semaphore_mem>>
        %dma_wait3A_824 = arith.constant 0 : i32
        %dma_wait3A_825 = tpu.memref_slice %arg7[%dma_wait3A_814, %dma_wait3A_824] : memref<8x128xi32, #tpu.memory_space<vmem>> -> memref<1x128xi32, #tpu.memory_space<vmem>>
        %dma_wait3A_826 = tpu.memref_squeeze %dma_wait3A_825 : memref<1x128xi32, #tpu.memory_space<vmem>> -> memref<128xi32, #tpu.memory_space<vmem>>
        %dma_wait3A_827 = arith.constant 0 : i32
        %dma_wait3A_828 = tpu.memref_slice %arg3[%add3A, %add3A_813, %dma_wait3A_827] : memref<32x80x128xi32, #tpu.memory_space<hbm>> -> memref<1x1x128xi32, #tpu.memory_space<hbm>>
        %dma_wait3A_829 = tpu.memref_squeeze %dma_wait3A_828 : memref<1x1x128xi32, #tpu.memory_space<hbm>> -> memref<128xi32, #tpu.memory_space<hbm>>
        tpu.wait_dma2 semaphore(%dma_wait3A_823 : memref<!tpu.dma_semaphore, #tpu.memory_space<semaphore_mem>>) src(%dma_wait3A_829 : memref<128xi32, #tpu.memory_space<hbm>>) dst(%dma_wait3A_826 : memref<128xi32, #tpu.memory_space<vmem>>)
        %dma_start3A_830 = arith.constant 7 : i32
        %dma_start3A_831 = arith.constant 3 : i32
        %dma_start3A_832 = arith.constant 3 : i32
        %dma_start3A_833 = arith.constant 0 : i32
        %dma_start3A_834 = arith.constant 0 : i32
        %dma_start3A_835 = tpu.memref_slice %arg9[%dma_start3A_831, %dma_start3A_833, %dma_start3A_834] : memref<4x128x64xf32, #tpu.memory_space<vmem>> -> memref<1x128x64xf32, #tpu.memory_space<vmem>>
        %dma_start3A_836 = tpu.memref_squeeze %dma_start3A_835 : memref<1x128x64xf32, #tpu.memory_space<vmem>> -> memref<128x64xf32, #tpu.memory_space<vmem>>
        %dma_start3A_837 = arith.constant 0 : i32
        %dma_start3A_838 = tpu.memref_slice %arg7[%dma_start3A_830, %dma_start3A_837] : memref<8x128xi32, #tpu.memory_space<vmem>> -> memref<1x128xi32, #tpu.memory_space<vmem>>
        %dma_start3A_839 = tpu.memref_squeeze %dma_start3A_838 : memref<1x128xi32, #tpu.memory_space<vmem>> -> memref<128xi32, #tpu.memory_space<vmem>>
        %dma_start3A_840 = arith.constant 0 : i32
        %dma_start3A_841 = arith.constant 0 : i32
        %dma_start3A_842 = tpu.memref_slice %arg2[%dma_start3A_840, %dma_start3A_841] : memref<10000x64xf32, #tpu.memory_space<hbm>> -> memref<10000x64xf32, #tpu.memory_space<hbm>>
        %dma_start3A_843 = tpu.memref_slice %arg11[%dma_start3A_832] : memref<4x!tpu.dma_semaphore, #tpu.memory_space<semaphore_mem>> -> memref<1x!tpu.dma_semaphore, #tpu.memory_space<semaphore_mem>>
        %dma_start3A_844 = tpu.memref_squeeze %dma_start3A_843 : memref<1x!tpu.dma_semaphore, #tpu.memory_space<semaphore_mem>> -> memref<!tpu.dma_semaphore, #tpu.memory_space<semaphore_mem>>
        tpu.enqueue_indirect_dma source(%dma_start3A_842 : memref<10000x64xf32, #tpu.memory_space<hbm>>) target(%dma_start3A_836 : memref<128x64xf32, #tpu.memory_space<vmem>>) offsets(%dma_start3A_839 : memref<128xi32, #tpu.memory_space<vmem>>) semaphore(%dma_start3A_844 : memref<!tpu.dma_semaphore, #tpu.memory_space<semaphore_mem>>)
      } else {
      }
      %mul3A_608 = arith.constant 8 : i32
      %mul3A_609 = arith.muli %scan3A_407, %mul3A_608 : i32
      %add3A_610 = arith.constant 4 : i32
      %add3A_611 = arith.addi %mul3A_609, %add3A_610 : i32
      %dma_wait3A_612 = arith.constant 4 : i32
      %dma_wait3A_613 = arith.constant 0 : i32
      %dma_wait3A_614 = arith.constant 0 : i32
      %dma_wait3A_615 = arith.constant 0 : i32
      %dma_wait3A_616 = arith.constant 0 : i32
      %dma_wait3A_617 = tpu.memref_slice %arg9[%dma_wait3A_613, %dma_wait3A_615, %dma_wait3A_616] : memref<4x128x64xf32, #tpu.memory_space<vmem>> -> memref<1x128x64xf32, #tpu.memory_space<vmem>>
      %dma_wait3A_618 = tpu.memref_squeeze %dma_wait3A_617 : memref<1x128x64xf32, #tpu.memory_space<vmem>> -> memref<128x64xf32, #tpu.memory_space<vmem>>
      %dma_wait3A_619 = arith.constant 0 : i32
      %dma_wait3A_620 = tpu.memref_slice %arg7[%dma_wait3A_612, %dma_wait3A_619] : memref<8x128xi32, #tpu.memory_space<vmem>> -> memref<1x128xi32, #tpu.memory_space<vmem>>
      %dma_wait3A_621 = tpu.memref_squeeze %dma_wait3A_620 : memref<1x128xi32, #tpu.memory_space<vmem>> -> memref<128xi32, #tpu.memory_space<vmem>>
      %dma_wait3A_622 = arith.constant 0 : i32
      %dma_wait3A_623 = arith.constant 0 : i32
      %dma_wait3A_624 = tpu.memref_slice %arg2[%dma_wait3A_622, %dma_wait3A_623] : memref<10000x64xf32, #tpu.memory_space<hbm>> -> memref<10000x64xf32, #tpu.memory_space<hbm>>
      %dma_wait3A_625 = tpu.memref_slice %arg11[%dma_wait3A_614] : memref<4x!tpu.dma_semaphore, #tpu.memory_space<semaphore_mem>> -> memref<1x!tpu.dma_semaphore, #tpu.memory_space<semaphore_mem>>
      %dma_wait3A_626 = tpu.memref_squeeze %dma_wait3A_625 : memref<1x!tpu.dma_semaphore, #tpu.memory_space<semaphore_mem>> -> memref<!tpu.dma_semaphore, #tpu.memory_space<semaphore_mem>>
      tpu.wait_indirect_dma semaphore(%dma_wait3A_626 : memref<!tpu.dma_semaphore, #tpu.memory_space<semaphore_mem>>) src(%dma_wait3A_624 : memref<10000x64xf32, #tpu.memory_space<hbm>>) dst(%dma_wait3A_618 : memref<128x64xf32, #tpu.memory_space<vmem>>)
      %dma_wait3A_627 = arith.constant 4 : i32
      %dma_wait3A_628 = arith.constant 4 : i32
      %dma_wait3A_629 = arith.constant 0 : i32
      %dma_wait3A_630 = tpu.memref_slice %arg8[%dma_wait3A_627, %dma_wait3A_629] : memref<8x128xi32, #tpu.memory_space<vmem>> -> memref<1x128xi32, #tpu.memory_space<vmem>>
      %dma_wait3A_631 = tpu.memref_squeeze %dma_wait3A_630 : memref<1x128xi32, #tpu.memory_space<vmem>> -> memref<128xi32, #tpu.memory_space<vmem>>
      %dma_wait3A_632 = arith.constant 0 : i32
      %dma_wait3A_633 = tpu.memref_slice %arg4[%add3A, %add3A_611, %dma_wait3A_632] : memref<32x80x128xi32, #tpu.memory_space<hbm>> -> memref<1x1x128xi32, #tpu.memory_space<hbm>>
      %dma_wait3A_634 = tpu.memref_squeeze %dma_wait3A_633 : memref<1x1x128xi32, #tpu.memory_space<hbm>> -> memref<128xi32, #tpu.memory_space<hbm>>
      %dma_wait3A_635 = tpu.memref_slice %arg13[%dma_wait3A_628] : memref<8x!tpu.dma_semaphore, #tpu.memory_space<semaphore_mem>> -> memref<1x!tpu.dma_semaphore, #tpu.memory_space<semaphore_mem>>
      %dma_wait3A_636 = tpu.memref_squeeze %dma_wait3A_635 : memref<1x!tpu.dma_semaphore, #tpu.memory_space<semaphore_mem>> -> memref<!tpu.dma_semaphore, #tpu.memory_space<semaphore_mem>>
      %dma_wait3A_637 = arith.constant 0 : i32
      %dma_wait3A_638 = tpu.memref_slice %arg8[%dma_wait3A_627, %dma_wait3A_637] : memref<8x128xi32, #tpu.memory_space<vmem>> -> memref<1x128xi32, #tpu.memory_space<vmem>>
      %dma_wait3A_639 = tpu.memref_squeeze %dma_wait3A_638 : memref<1x128xi32, #tpu.memory_space<vmem>> -> memref<128xi32, #tpu.memory_space<vmem>>
      %dma_wait3A_640 = arith.constant 0 : i32
      %dma_wait3A_641 = tpu.memref_slice %arg4[%add3A, %add3A_611, %dma_wait3A_640] : memref<32x80x128xi32, #tpu.memory_space<hbm>> -> memref<1x1x128xi32, #tpu.memory_space<hbm>>
      %dma_wait3A_642 = tpu.memref_squeeze %dma_wait3A_641 : memref<1x1x128xi32, #tpu.memory_space<hbm>> -> memref<128xi32, #tpu.memory_space<hbm>>
      tpu.wait_dma2 semaphore(%dma_wait3A_636 : memref<!tpu.dma_semaphore, #tpu.memory_space<semaphore_mem>>) src(%dma_wait3A_642 : memref<128xi32, #tpu.memory_space<hbm>>) dst(%dma_wait3A_639 : memref<128xi32, #tpu.memory_space<vmem>>)
      %run_scoped3A_643 = arith.constant 0 : i32
      %run_scoped3A_644 = arith.constant 4 : i32
      "tpu.region"() ({
        %run_scoped3A_812 = tpu.sem_alloc : memref<!tpu.dma_semaphore, #tpu.memory_space<semaphore_mem>>
        %dma_start3A_813 = arith.constant 0 : i32
        %dma_start3A_814 = arith.constant 0 : i32
        %dma_start3A_815 = tpu.memref_slice %arg9[%run_scoped3A_643, %dma_start3A_813, %dma_start3A_814] : memref<4x128x64xf32, #tpu.memory_space<vmem>> -> memref<1x128x64xf32, #tpu.memory_space<vmem>>
        %dma_start3A_816 = tpu.memref_squeeze %dma_start3A_815 : memref<1x128x64xf32, #tpu.memory_space<vmem>> -> memref<128x64xf32, #tpu.memory_space<vmem>>
        %dma_start3A_817 = arith.constant 0 : i32
        %dma_start3A_818 = tpu.memref_slice %arg8[%run_scoped3A_644, %dma_start3A_817] : memref<8x128xi32, #tpu.memory_space<vmem>> -> memref<1x128xi32, #tpu.memory_space<vmem>>
        %dma_start3A_819 = tpu.memref_squeeze %dma_start3A_818 : memref<1x128xi32, #tpu.memory_space<vmem>> -> memref<128xi32, #tpu.memory_space<vmem>>
        %dma_start3A_820 = arith.constant 0 : i32
        %dma_start3A_821 = arith.constant 0 : i32
        %dma_start3A_822 = tpu.memref_slice %arg10[%dma_start3A_820, %dma_start3A_821] : memref<10240x64xf32, #tpu.memory_space<vmem_shared>> -> memref<10240x64xf32, #tpu.memory_space<vmem_shared>>
        tpu.enqueue_indirect_dma source(%dma_start3A_816 : memref<128x64xf32, #tpu.memory_space<vmem>>) target(%dma_start3A_822 : memref<10240x64xf32, #tpu.memory_space<vmem_shared>>) offsets(%dma_start3A_819 : memref<128xi32, #tpu.memory_space<vmem>>) semaphore(%run_scoped3A_812 : memref<!tpu.dma_semaphore, #tpu.memory_space<semaphore_mem>>) {add = true}
        %dma_wait3A_823 = arith.constant 0 : i32
        %dma_wait3A_824 = arith.constant 0 : i32
        %dma_wait3A_825 = tpu.memref_slice %arg9[%run_scoped3A_643, %dma_wait3A_823, %dma_wait3A_824] : memref<4x128x64xf32, #tpu.memory_space<vmem>> -> memref<1x128x64xf32, #tpu.memory_space<vmem>>
        %dma_wait3A_826 = tpu.memref_squeeze %dma_wait3A_825 : memref<1x128x64xf32, #tpu.memory_space<vmem>> -> memref<128x64xf32, #tpu.memory_space<vmem>>
        %dma_wait3A_827 = arith.constant 0 : i32
        %dma_wait3A_828 = tpu.memref_slice %arg8[%run_scoped3A_644, %dma_wait3A_827] : memref<8x128xi32, #tpu.memory_space<vmem>> -> memref<1x128xi32, #tpu.memory_space<vmem>>
        %dma_wait3A_829 = tpu.memref_squeeze %dma_wait3A_828 : memref<1x128xi32, #tpu.memory_space<vmem>> -> memref<128xi32, #tpu.memory_space<vmem>>
        %dma_wait3A_830 = arith.constant 0 : i32
        %dma_wait3A_831 = arith.constant 0 : i32
        %dma_wait3A_832 = tpu.memref_slice %arg10[%dma_wait3A_830, %dma_wait3A_831] : memref<10240x64xf32, #tpu.memory_space<vmem_shared>> -> memref<10240x64xf32, #tpu.memory_space<vmem_shared>>
        tpu.wait_indirect_dma semaphore(%run_scoped3A_812 : memref<!tpu.dma_semaphore, #tpu.memory_space<semaphore_mem>>) src(%dma_wait3A_826 : memref<128x64xf32, #tpu.memory_space<vmem>>) dst(%dma_wait3A_832 : memref<10240x64xf32, #tpu.memory_space<vmem_shared>>)
        tpu.yield
      }) : () -> ()
      %add3A_645 = arith.constant 8 : i32
      %add3A_646 = arith.addi %add3A_611, %add3A_645 : i32
      %lt3A_647 = arith.constant 80 : i32
      %lt3A_648 = arith.cmpi slt, %add3A_646, %lt3A_647 : i32
      %convert_element_type3A_649 = arith.extui %lt3A_648 : i1 to i32
      %cond3A_650 = arith.constant 0 : i32
      %cond3A_651 = arith.cmpi ne, %convert_element_type3A_649, %cond3A_650 : i32
      scf.if %cond3A_651 {
        %add3A_812 = arith.constant 8 : i32
        %add3A_813 = arith.addi %add3A_611, %add3A_812 : i32
        %dma_start3A_814 = arith.constant 4 : i32
        %dma_start3A_815 = arith.constant 4 : i32
        %dma_start3A_816 = arith.constant 0 : i32
        %dma_start3A_817 = tpu.memref_slice %arg7[%dma_start3A_814, %dma_start3A_816] : memref<8x128xi32, #tpu.memory_space<vmem>> -> memref<1x128xi32, #tpu.memory_space<vmem>>
        %dma_start3A_818 = tpu.memref_squeeze %dma_start3A_817 : memref<1x128xi32, #tpu.memory_space<vmem>> -> memref<128xi32, #tpu.memory_space<vmem>>
        %dma_start3A_819 = arith.constant 0 : i32
        %dma_start3A_820 = tpu.memref_slice %arg3[%add3A, %add3A_813, %dma_start3A_819] : memref<32x80x128xi32, #tpu.memory_space<hbm>> -> memref<1x1x128xi32, #tpu.memory_space<hbm>>
        %dma_start3A_821 = tpu.memref_squeeze %dma_start3A_820 : memref<1x1x128xi32, #tpu.memory_space<hbm>> -> memref<128xi32, #tpu.memory_space<hbm>>
        %dma_start3A_822 = tpu.memref_slice %arg12[%dma_start3A_815] : memref<8x!tpu.dma_semaphore, #tpu.memory_space<semaphore_mem>> -> memref<1x!tpu.dma_semaphore, #tpu.memory_space<semaphore_mem>>
        %dma_start3A_823 = tpu.memref_squeeze %dma_start3A_822 : memref<1x!tpu.dma_semaphore, #tpu.memory_space<semaphore_mem>> -> memref<!tpu.dma_semaphore, #tpu.memory_space<semaphore_mem>>
        %dma_start3A_824 = arith.constant 0 : i32
        %dma_start3A_825 = tpu.memref_slice %arg7[%dma_start3A_814, %dma_start3A_824] : memref<8x128xi32, #tpu.memory_space<vmem>> -> memref<1x128xi32, #tpu.memory_space<vmem>>
        %dma_start3A_826 = tpu.memref_squeeze %dma_start3A_825 : memref<1x128xi32, #tpu.memory_space<vmem>> -> memref<128xi32, #tpu.memory_space<vmem>>
        %dma_start3A_827 = arith.constant 0 : i32
        %dma_start3A_828 = tpu.memref_slice %arg3[%add3A, %add3A_813, %dma_start3A_827] : memref<32x80x128xi32, #tpu.memory_space<hbm>> -> memref<1x1x128xi32, #tpu.memory_space<hbm>>
        %dma_start3A_829 = tpu.memref_squeeze %dma_start3A_828 : memref<1x1x128xi32, #tpu.memory_space<hbm>> -> memref<128xi32, #tpu.memory_space<hbm>>
        tpu.enqueue_dma source(%dma_start3A_829 : memref<128xi32, #tpu.memory_space<hbm>>) target(%dma_start3A_826 : memref<128xi32, #tpu.memory_space<vmem>>) target_semaphore(%dma_start3A_823 : memref<!tpu.dma_semaphore, #tpu.memory_space<semaphore_mem>>)
        %dma_start3A_830 = arith.constant 4 : i32
        %dma_start3A_831 = arith.constant 4 : i32
        %dma_start3A_832 = arith.constant 0 : i32
        %dma_start3A_833 = tpu.memref_slice %arg8[%dma_start3A_830, %dma_start3A_832] : memref<8x128xi32, #tpu.memory_space<vmem>> -> memref<1x128xi32, #tpu.memory_space<vmem>>
        %dma_start3A_834 = tpu.memref_squeeze %dma_start3A_833 : memref<1x128xi32, #tpu.memory_space<vmem>> -> memref<128xi32, #tpu.memory_space<vmem>>
        %dma_start3A_835 = arith.constant 0 : i32
        %dma_start3A_836 = tpu.memref_slice %arg4[%add3A, %add3A_813, %dma_start3A_835] : memref<32x80x128xi32, #tpu.memory_space<hbm>> -> memref<1x1x128xi32, #tpu.memory_space<hbm>>
        %dma_start3A_837 = tpu.memref_squeeze %dma_start3A_836 : memref<1x1x128xi32, #tpu.memory_space<hbm>> -> memref<128xi32, #tpu.memory_space<hbm>>
        %dma_start3A_838 = tpu.memref_slice %arg13[%dma_start3A_831] : memref<8x!tpu.dma_semaphore, #tpu.memory_space<semaphore_mem>> -> memref<1x!tpu.dma_semaphore, #tpu.memory_space<semaphore_mem>>
        %dma_start3A_839 = tpu.memref_squeeze %dma_start3A_838 : memref<1x!tpu.dma_semaphore, #tpu.memory_space<semaphore_mem>> -> memref<!tpu.dma_semaphore, #tpu.memory_space<semaphore_mem>>
        %dma_start3A_840 = arith.constant 0 : i32
        %dma_start3A_841 = tpu.memref_slice %arg8[%dma_start3A_830, %dma_start3A_840] : memref<8x128xi32, #tpu.memory_space<vmem>> -> memref<1x128xi32, #tpu.memory_space<vmem>>
        %dma_start3A_842 = tpu.memref_squeeze %dma_start3A_841 : memref<1x128xi32, #tpu.memory_space<vmem>> -> memref<128xi32, #tpu.memory_space<vmem>>
        %dma_start3A_843 = arith.constant 0 : i32
        %dma_start3A_844 = tpu.memref_slice %arg4[%add3A, %add3A_813, %dma_start3A_843] : memref<32x80x128xi32, #tpu.memory_space<hbm>> -> memref<1x1x128xi32, #tpu.memory_space<hbm>>
        %dma_start3A_845 = tpu.memref_squeeze %dma_start3A_844 : memref<1x1x128xi32, #tpu.memory_space<hbm>> -> memref<128xi32, #tpu.memory_space<hbm>>
        tpu.enqueue_dma source(%dma_start3A_845 : memref<128xi32, #tpu.memory_space<hbm>>) target(%dma_start3A_842 : memref<128xi32, #tpu.memory_space<vmem>>) target_semaphore(%dma_start3A_839 : memref<!tpu.dma_semaphore, #tpu.memory_space<semaphore_mem>>)
      } else {
      }
      %add3A_652 = arith.constant 4 : i32
      %add3A_653 = arith.addi %add3A_611, %add3A_652 : i32
      %lt3A_654 = arith.constant 80 : i32
      %lt3A_655 = arith.cmpi slt, %add3A_653, %lt3A_654 : i32
      %convert_element_type3A_656 = arith.extui %lt3A_655 : i1 to i32
      %cond3A_657 = arith.constant 0 : i32
      %cond3A_658 = arith.cmpi ne, %convert_element_type3A_656, %cond3A_657 : i32
      scf.if %cond3A_658 {
        %add3A_812 = arith.constant 4 : i32
        %add3A_813 = arith.addi %add3A_611, %add3A_812 : i32
        %dma_wait3A_814 = arith.constant 0 : i32
        %dma_wait3A_815 = arith.constant 0 : i32
        %dma_wait3A_816 = arith.constant 0 : i32
        %dma_wait3A_817 = tpu.memref_slice %arg7[%dma_wait3A_814, %dma_wait3A_816] : memref<8x128xi32, #tpu.memory_space<vmem>> -> memref<1x128xi32, #tpu.memory_space<vmem>>
        %dma_wait3A_818 = tpu.memref_squeeze %dma_wait3A_817 : memref<1x128xi32, #tpu.memory_space<vmem>> -> memref<128xi32, #tpu.memory_space<vmem>>
        %dma_wait3A_819 = arith.constant 0 : i32
        %dma_wait3A_820 = tpu.memref_slice %arg3[%add3A, %add3A_813, %dma_wait3A_819] : memref<32x80x128xi32, #tpu.memory_space<hbm>> -> memref<1x1x128xi32, #tpu.memory_space<hbm>>
        %dma_wait3A_821 = tpu.memref_squeeze %dma_wait3A_820 : memref<1x1x128xi32, #tpu.memory_space<hbm>> -> memref<128xi32, #tpu.memory_space<hbm>>
        %dma_wait3A_822 = tpu.memref_slice %arg12[%dma_wait3A_815] : memref<8x!tpu.dma_semaphore, #tpu.memory_space<semaphore_mem>> -> memref<1x!tpu.dma_semaphore, #tpu.memory_space<semaphore_mem>>
        %dma_wait3A_823 = tpu.memref_squeeze %dma_wait3A_822 : memref<1x!tpu.dma_semaphore, #tpu.memory_space<semaphore_mem>> -> memref<!tpu.dma_semaphore, #tpu.memory_space<semaphore_mem>>
        %dma_wait3A_824 = arith.constant 0 : i32
        %dma_wait3A_825 = tpu.memref_slice %arg7[%dma_wait3A_814, %dma_wait3A_824] : memref<8x128xi32, #tpu.memory_space<vmem>> -> memref<1x128xi32, #tpu.memory_space<vmem>>
        %dma_wait3A_826 = tpu.memref_squeeze %dma_wait3A_825 : memref<1x128xi32, #tpu.memory_space<vmem>> -> memref<128xi32, #tpu.memory_space<vmem>>
        %dma_wait3A_827 = arith.constant 0 : i32
        %dma_wait3A_828 = tpu.memref_slice %arg3[%add3A, %add3A_813, %dma_wait3A_827] : memref<32x80x128xi32, #tpu.memory_space<hbm>> -> memref<1x1x128xi32, #tpu.memory_space<hbm>>
        %dma_wait3A_829 = tpu.memref_squeeze %dma_wait3A_828 : memref<1x1x128xi32, #tpu.memory_space<hbm>> -> memref<128xi32, #tpu.memory_space<hbm>>
        tpu.wait_dma2 semaphore(%dma_wait3A_823 : memref<!tpu.dma_semaphore, #tpu.memory_space<semaphore_mem>>) src(%dma_wait3A_829 : memref<128xi32, #tpu.memory_space<hbm>>) dst(%dma_wait3A_826 : memref<128xi32, #tpu.memory_space<vmem>>)
        %dma_start3A_830 = arith.constant 0 : i32
        %dma_start3A_831 = arith.constant 0 : i32
        %dma_start3A_832 = arith.constant 0 : i32
        %dma_start3A_833 = arith.constant 0 : i32
        %dma_start3A_834 = arith.constant 0 : i32
        %dma_start3A_835 = tpu.memref_slice %arg9[%dma_start3A_831, %dma_start3A_833, %dma_start3A_834] : memref<4x128x64xf32, #tpu.memory_space<vmem>> -> memref<1x128x64xf32, #tpu.memory_space<vmem>>
        %dma_start3A_836 = tpu.memref_squeeze %dma_start3A_835 : memref<1x128x64xf32, #tpu.memory_space<vmem>> -> memref<128x64xf32, #tpu.memory_space<vmem>>
        %dma_start3A_837 = arith.constant 0 : i32
        %dma_start3A_838 = tpu.memref_slice %arg7[%dma_start3A_830, %dma_start3A_837] : memref<8x128xi32, #tpu.memory_space<vmem>> -> memref<1x128xi32, #tpu.memory_space<vmem>>
        %dma_start3A_839 = tpu.memref_squeeze %dma_start3A_838 : memref<1x128xi32, #tpu.memory_space<vmem>> -> memref<128xi32, #tpu.memory_space<vmem>>
        %dma_start3A_840 = arith.constant 0 : i32
        %dma_start3A_841 = arith.constant 0 : i32
        %dma_start3A_842 = tpu.memref_slice %arg2[%dma_start3A_840, %dma_start3A_841] : memref<10000x64xf32, #tpu.memory_space<hbm>> -> memref<10000x64xf32, #tpu.memory_space<hbm>>
        %dma_start3A_843 = tpu.memref_slice %arg11[%dma_start3A_832] : memref<4x!tpu.dma_semaphore, #tpu.memory_space<semaphore_mem>> -> memref<1x!tpu.dma_semaphore, #tpu.memory_space<semaphore_mem>>
        %dma_start3A_844 = tpu.memref_squeeze %dma_start3A_843 : memref<1x!tpu.dma_semaphore, #tpu.memory_space<semaphore_mem>> -> memref<!tpu.dma_semaphore, #tpu.memory_space<semaphore_mem>>
        tpu.enqueue_indirect_dma source(%dma_start3A_842 : memref<10000x64xf32, #tpu.memory_space<hbm>>) target(%dma_start3A_836 : memref<128x64xf32, #tpu.memory_space<vmem>>) offsets(%dma_start3A_839 : memref<128xi32, #tpu.memory_space<vmem>>) semaphore(%dma_start3A_844 : memref<!tpu.dma_semaphore, #tpu.memory_space<semaphore_mem>>)
      } else {
      }
      %mul3A_659 = arith.constant 8 : i32
      %mul3A_660 = arith.muli %scan3A_407, %mul3A_659 : i32
      %add3A_661 = arith.constant 5 : i32
      %add3A_662 = arith.addi %mul3A_660, %add3A_661 : i32
      %dma_wait3A_663 = arith.constant 5 : i32
      %dma_wait3A_664 = arith.constant 1 : i32
      %dma_wait3A_665 = arith.constant 1 : i32
      %dma_wait3A_666 = arith.constant 0 : i32
      %dma_wait3A_667 = arith.constant 0 : i32
      %dma_wait3A_668 = tpu.memref_slice %arg9[%dma_wait3A_664, %dma_wait3A_666, %dma_wait3A_667] : memref<4x128x64xf32, #tpu.memory_space<vmem>> -> memref<1x128x64xf32, #tpu.memory_space<vmem>>
      %dma_wait3A_669 = tpu.memref_squeeze %dma_wait3A_668 : memref<1x128x64xf32, #tpu.memory_space<vmem>> -> memref<128x64xf32, #tpu.memory_space<vmem>>
      %dma_wait3A_670 = arith.constant 0 : i32
      %dma_wait3A_671 = tpu.memref_slice %arg7[%dma_wait3A_663, %dma_wait3A_670] : memref<8x128xi32, #tpu.memory_space<vmem>> -> memref<1x128xi32, #tpu.memory_space<vmem>>
      %dma_wait3A_672 = tpu.memref_squeeze %dma_wait3A_671 : memref<1x128xi32, #tpu.memory_space<vmem>> -> memref<128xi32, #tpu.memory_space<vmem>>
      %dma_wait3A_673 = arith.constant 0 : i32
      %dma_wait3A_674 = arith.constant 0 : i32
      %dma_wait3A_675 = tpu.memref_slice %arg2[%dma_wait3A_673, %dma_wait3A_674] : memref<10000x64xf32, #tpu.memory_space<hbm>> -> memref<10000x64xf32, #tpu.memory_space<hbm>>
      %dma_wait3A_676 = tpu.memref_slice %arg11[%dma_wait3A_665] : memref<4x!tpu.dma_semaphore, #tpu.memory_space<semaphore_mem>> -> memref<1x!tpu.dma_semaphore, #tpu.memory_space<semaphore_mem>>
      %dma_wait3A_677 = tpu.memref_squeeze %dma_wait3A_676 : memref<1x!tpu.dma_semaphore, #tpu.memory_space<semaphore_mem>> -> memref<!tpu.dma_semaphore, #tpu.memory_space<semaphore_mem>>
      tpu.wait_indirect_dma semaphore(%dma_wait3A_677 : memref<!tpu.dma_semaphore, #tpu.memory_space<semaphore_mem>>) src(%dma_wait3A_675 : memref<10000x64xf32, #tpu.memory_space<hbm>>) dst(%dma_wait3A_669 : memref<128x64xf32, #tpu.memory_space<vmem>>)
      %dma_wait3A_678 = arith.constant 5 : i32
      %dma_wait3A_679 = arith.constant 5 : i32
      %dma_wait3A_680 = arith.constant 0 : i32
      %dma_wait3A_681 = tpu.memref_slice %arg8[%dma_wait3A_678, %dma_wait3A_680] : memref<8x128xi32, #tpu.memory_space<vmem>> -> memref<1x128xi32, #tpu.memory_space<vmem>>
      %dma_wait3A_682 = tpu.memref_squeeze %dma_wait3A_681 : memref<1x128xi32, #tpu.memory_space<vmem>> -> memref<128xi32, #tpu.memory_space<vmem>>
      %dma_wait3A_683 = arith.constant 0 : i32
      %dma_wait3A_684 = tpu.memref_slice %arg4[%add3A, %add3A_662, %dma_wait3A_683] : memref<32x80x128xi32, #tpu.memory_space<hbm>> -> memref<1x1x128xi32, #tpu.memory_space<hbm>>
      %dma_wait3A_685 = tpu.memref_squeeze %dma_wait3A_684 : memref<1x1x128xi32, #tpu.memory_space<hbm>> -> memref<128xi32, #tpu.memory_space<hbm>>
      %dma_wait3A_686 = tpu.memref_slice %arg13[%dma_wait3A_679] : memref<8x!tpu.dma_semaphore, #tpu.memory_space<semaphore_mem>> -> memref<1x!tpu.dma_semaphore, #tpu.memory_space<semaphore_mem>>
      %dma_wait3A_687 = tpu.memref_squeeze %dma_wait3A_686 : memref<1x!tpu.dma_semaphore, #tpu.memory_space<semaphore_mem>> -> memref<!tpu.dma_semaphore, #tpu.memory_space<semaphore_mem>>
      %dma_wait3A_688 = arith.constant 0 : i32
      %dma_wait3A_689 = tpu.memref_slice %arg8[%dma_wait3A_678, %dma_wait3A_688] : memref<8x128xi32, #tpu.memory_space<vmem>> -> memref<1x128xi32, #tpu.memory_space<vmem>>
      %dma_wait3A_690 = tpu.memref_squeeze %dma_wait3A_689 : memref<1x128xi32, #tpu.memory_space<vmem>> -> memref<128xi32, #tpu.memory_space<vmem>>
      %dma_wait3A_691 = arith.constant 0 : i32
      %dma_wait3A_692 = tpu.memref_slice %arg4[%add3A, %add3A_662, %dma_wait3A_691] : memref<32x80x128xi32, #tpu.memory_space<hbm>> -> memref<1x1x128xi32, #tpu.memory_space<hbm>>
      %dma_wait3A_693 = tpu.memref_squeeze %dma_wait3A_692 : memref<1x1x128xi32, #tpu.memory_space<hbm>> -> memref<128xi32, #tpu.memory_space<hbm>>
      tpu.wait_dma2 semaphore(%dma_wait3A_687 : memref<!tpu.dma_semaphore, #tpu.memory_space<semaphore_mem>>) src(%dma_wait3A_693 : memref<128xi32, #tpu.memory_space<hbm>>) dst(%dma_wait3A_690 : memref<128xi32, #tpu.memory_space<vmem>>)
      %run_scoped3A_694 = arith.constant 1 : i32
      %run_scoped3A_695 = arith.constant 5 : i32
      "tpu.region"() ({
        %run_scoped3A_812 = tpu.sem_alloc : memref<!tpu.dma_semaphore, #tpu.memory_space<semaphore_mem>>
        %dma_start3A_813 = arith.constant 0 : i32
        %dma_start3A_814 = arith.constant 0 : i32
        %dma_start3A_815 = tpu.memref_slice %arg9[%run_scoped3A_694, %dma_start3A_813, %dma_start3A_814] : memref<4x128x64xf32, #tpu.memory_space<vmem>> -> memref<1x128x64xf32, #tpu.memory_space<vmem>>
        %dma_start3A_816 = tpu.memref_squeeze %dma_start3A_815 : memref<1x128x64xf32, #tpu.memory_space<vmem>> -> memref<128x64xf32, #tpu.memory_space<vmem>>
        %dma_start3A_817 = arith.constant 0 : i32
        %dma_start3A_818 = tpu.memref_slice %arg8[%run_scoped3A_695, %dma_start3A_817] : memref<8x128xi32, #tpu.memory_space<vmem>> -> memref<1x128xi32, #tpu.memory_space<vmem>>
        %dma_start3A_819 = tpu.memref_squeeze %dma_start3A_818 : memref<1x128xi32, #tpu.memory_space<vmem>> -> memref<128xi32, #tpu.memory_space<vmem>>
        %dma_start3A_820 = arith.constant 0 : i32
        %dma_start3A_821 = arith.constant 0 : i32
        %dma_start3A_822 = tpu.memref_slice %arg10[%dma_start3A_820, %dma_start3A_821] : memref<10240x64xf32, #tpu.memory_space<vmem_shared>> -> memref<10240x64xf32, #tpu.memory_space<vmem_shared>>
        tpu.enqueue_indirect_dma source(%dma_start3A_816 : memref<128x64xf32, #tpu.memory_space<vmem>>) target(%dma_start3A_822 : memref<10240x64xf32, #tpu.memory_space<vmem_shared>>) offsets(%dma_start3A_819 : memref<128xi32, #tpu.memory_space<vmem>>) semaphore(%run_scoped3A_812 : memref<!tpu.dma_semaphore, #tpu.memory_space<semaphore_mem>>) {add = true}
        %dma_wait3A_823 = arith.constant 0 : i32
        %dma_wait3A_824 = arith.constant 0 : i32
        %dma_wait3A_825 = tpu.memref_slice %arg9[%run_scoped3A_694, %dma_wait3A_823, %dma_wait3A_824] : memref<4x128x64xf32, #tpu.memory_space<vmem>> -> memref<1x128x64xf32, #tpu.memory_space<vmem>>
        %dma_wait3A_826 = tpu.memref_squeeze %dma_wait3A_825 : memref<1x128x64xf32, #tpu.memory_space<vmem>> -> memref<128x64xf32, #tpu.memory_space<vmem>>
        %dma_wait3A_827 = arith.constant 0 : i32
        %dma_wait3A_828 = tpu.memref_slice %arg8[%run_scoped3A_695, %dma_wait3A_827] : memref<8x128xi32, #tpu.memory_space<vmem>> -> memref<1x128xi32, #tpu.memory_space<vmem>>
        %dma_wait3A_829 = tpu.memref_squeeze %dma_wait3A_828 : memref<1x128xi32, #tpu.memory_space<vmem>> -> memref<128xi32, #tpu.memory_space<vmem>>
        %dma_wait3A_830 = arith.constant 0 : i32
        %dma_wait3A_831 = arith.constant 0 : i32
        %dma_wait3A_832 = tpu.memref_slice %arg10[%dma_wait3A_830, %dma_wait3A_831] : memref<10240x64xf32, #tpu.memory_space<vmem_shared>> -> memref<10240x64xf32, #tpu.memory_space<vmem_shared>>
        tpu.wait_indirect_dma semaphore(%run_scoped3A_812 : memref<!tpu.dma_semaphore, #tpu.memory_space<semaphore_mem>>) src(%dma_wait3A_826 : memref<128x64xf32, #tpu.memory_space<vmem>>) dst(%dma_wait3A_832 : memref<10240x64xf32, #tpu.memory_space<vmem_shared>>)
        tpu.yield
      }) : () -> ()
      %add3A_696 = arith.constant 8 : i32
      %add3A_697 = arith.addi %add3A_662, %add3A_696 : i32
      %lt3A_698 = arith.constant 80 : i32
      %lt3A_699 = arith.cmpi slt, %add3A_697, %lt3A_698 : i32
      %convert_element_type3A_700 = arith.extui %lt3A_699 : i1 to i32
      %cond3A_701 = arith.constant 0 : i32
      %cond3A_702 = arith.cmpi ne, %convert_element_type3A_700, %cond3A_701 : i32
      scf.if %cond3A_702 {
        %add3A_812 = arith.constant 8 : i32
        %add3A_813 = arith.addi %add3A_662, %add3A_812 : i32
        %dma_start3A_814 = arith.constant 5 : i32
        %dma_start3A_815 = arith.constant 5 : i32
        %dma_start3A_816 = arith.constant 0 : i32
        %dma_start3A_817 = tpu.memref_slice %arg7[%dma_start3A_814, %dma_start3A_816] : memref<8x128xi32, #tpu.memory_space<vmem>> -> memref<1x128xi32, #tpu.memory_space<vmem>>
        %dma_start3A_818 = tpu.memref_squeeze %dma_start3A_817 : memref<1x128xi32, #tpu.memory_space<vmem>> -> memref<128xi32, #tpu.memory_space<vmem>>
        %dma_start3A_819 = arith.constant 0 : i32
        %dma_start3A_820 = tpu.memref_slice %arg3[%add3A, %add3A_813, %dma_start3A_819] : memref<32x80x128xi32, #tpu.memory_space<hbm>> -> memref<1x1x128xi32, #tpu.memory_space<hbm>>
        %dma_start3A_821 = tpu.memref_squeeze %dma_start3A_820 : memref<1x1x128xi32, #tpu.memory_space<hbm>> -> memref<128xi32, #tpu.memory_space<hbm>>
        %dma_start3A_822 = tpu.memref_slice %arg12[%dma_start3A_815] : memref<8x!tpu.dma_semaphore, #tpu.memory_space<semaphore_mem>> -> memref<1x!tpu.dma_semaphore, #tpu.memory_space<semaphore_mem>>
        %dma_start3A_823 = tpu.memref_squeeze %dma_start3A_822 : memref<1x!tpu.dma_semaphore, #tpu.memory_space<semaphore_mem>> -> memref<!tpu.dma_semaphore, #tpu.memory_space<semaphore_mem>>
        %dma_start3A_824 = arith.constant 0 : i32
        %dma_start3A_825 = tpu.memref_slice %arg7[%dma_start3A_814, %dma_start3A_824] : memref<8x128xi32, #tpu.memory_space<vmem>> -> memref<1x128xi32, #tpu.memory_space<vmem>>
        %dma_start3A_826 = tpu.memref_squeeze %dma_start3A_825 : memref<1x128xi32, #tpu.memory_space<vmem>> -> memref<128xi32, #tpu.memory_space<vmem>>
        %dma_start3A_827 = arith.constant 0 : i32
        %dma_start3A_828 = tpu.memref_slice %arg3[%add3A, %add3A_813, %dma_start3A_827] : memref<32x80x128xi32, #tpu.memory_space<hbm>> -> memref<1x1x128xi32, #tpu.memory_space<hbm>>
        %dma_start3A_829 = tpu.memref_squeeze %dma_start3A_828 : memref<1x1x128xi32, #tpu.memory_space<hbm>> -> memref<128xi32, #tpu.memory_space<hbm>>
        tpu.enqueue_dma source(%dma_start3A_829 : memref<128xi32, #tpu.memory_space<hbm>>) target(%dma_start3A_826 : memref<128xi32, #tpu.memory_space<vmem>>) target_semaphore(%dma_start3A_823 : memref<!tpu.dma_semaphore, #tpu.memory_space<semaphore_mem>>)
        %dma_start3A_830 = arith.constant 5 : i32
        %dma_start3A_831 = arith.constant 5 : i32
        %dma_start3A_832 = arith.constant 0 : i32
        %dma_start3A_833 = tpu.memref_slice %arg8[%dma_start3A_830, %dma_start3A_832] : memref<8x128xi32, #tpu.memory_space<vmem>> -> memref<1x128xi32, #tpu.memory_space<vmem>>
        %dma_start3A_834 = tpu.memref_squeeze %dma_start3A_833 : memref<1x128xi32, #tpu.memory_space<vmem>> -> memref<128xi32, #tpu.memory_space<vmem>>
        %dma_start3A_835 = arith.constant 0 : i32
        %dma_start3A_836 = tpu.memref_slice %arg4[%add3A, %add3A_813, %dma_start3A_835] : memref<32x80x128xi32, #tpu.memory_space<hbm>> -> memref<1x1x128xi32, #tpu.memory_space<hbm>>
        %dma_start3A_837 = tpu.memref_squeeze %dma_start3A_836 : memref<1x1x128xi32, #tpu.memory_space<hbm>> -> memref<128xi32, #tpu.memory_space<hbm>>
        %dma_start3A_838 = tpu.memref_slice %arg13[%dma_start3A_831] : memref<8x!tpu.dma_semaphore, #tpu.memory_space<semaphore_mem>> -> memref<1x!tpu.dma_semaphore, #tpu.memory_space<semaphore_mem>>
        %dma_start3A_839 = tpu.memref_squeeze %dma_start3A_838 : memref<1x!tpu.dma_semaphore, #tpu.memory_space<semaphore_mem>> -> memref<!tpu.dma_semaphore, #tpu.memory_space<semaphore_mem>>
        %dma_start3A_840 = arith.constant 0 : i32
        %dma_start3A_841 = tpu.memref_slice %arg8[%dma_start3A_830, %dma_start3A_840] : memref<8x128xi32, #tpu.memory_space<vmem>> -> memref<1x128xi32, #tpu.memory_space<vmem>>
        %dma_start3A_842 = tpu.memref_squeeze %dma_start3A_841 : memref<1x128xi32, #tpu.memory_space<vmem>> -> memref<128xi32, #tpu.memory_space<vmem>>
        %dma_start3A_843 = arith.constant 0 : i32
        %dma_start3A_844 = tpu.memref_slice %arg4[%add3A, %add3A_813, %dma_start3A_843] : memref<32x80x128xi32, #tpu.memory_space<hbm>> -> memref<1x1x128xi32, #tpu.memory_space<hbm>>
        %dma_start3A_845 = tpu.memref_squeeze %dma_start3A_844 : memref<1x1x128xi32, #tpu.memory_space<hbm>> -> memref<128xi32, #tpu.memory_space<hbm>>
        tpu.enqueue_dma source(%dma_start3A_845 : memref<128xi32, #tpu.memory_space<hbm>>) target(%dma_start3A_842 : memref<128xi32, #tpu.memory_space<vmem>>) target_semaphore(%dma_start3A_839 : memref<!tpu.dma_semaphore, #tpu.memory_space<semaphore_mem>>)
      } else {
      }
      %add3A_703 = arith.constant 4 : i32
      %add3A_704 = arith.addi %add3A_662, %add3A_703 : i32
      %lt3A_705 = arith.constant 80 : i32
      %lt3A_706 = arith.cmpi slt, %add3A_704, %lt3A_705 : i32
      %convert_element_type3A_707 = arith.extui %lt3A_706 : i1 to i32
      %cond3A_708 = arith.constant 0 : i32
      %cond3A_709 = arith.cmpi ne, %convert_element_type3A_707, %cond3A_708 : i32
      scf.if %cond3A_709 {
        %add3A_812 = arith.constant 4 : i32
        %add3A_813 = arith.addi %add3A_662, %add3A_812 : i32
        %dma_wait3A_814 = arith.constant 1 : i32
        %dma_wait3A_815 = arith.constant 1 : i32
        %dma_wait3A_816 = arith.constant 0 : i32
        %dma_wait3A_817 = tpu.memref_slice %arg7[%dma_wait3A_814, %dma_wait3A_816] : memref<8x128xi32, #tpu.memory_space<vmem>> -> memref<1x128xi32, #tpu.memory_space<vmem>>
        %dma_wait3A_818 = tpu.memref_squeeze %dma_wait3A_817 : memref<1x128xi32, #tpu.memory_space<vmem>> -> memref<128xi32, #tpu.memory_space<vmem>>
        %dma_wait3A_819 = arith.constant 0 : i32
        %dma_wait3A_820 = tpu.memref_slice %arg3[%add3A, %add3A_813, %dma_wait3A_819] : memref<32x80x128xi32, #tpu.memory_space<hbm>> -> memref<1x1x128xi32, #tpu.memory_space<hbm>>
        %dma_wait3A_821 = tpu.memref_squeeze %dma_wait3A_820 : memref<1x1x128xi32, #tpu.memory_space<hbm>> -> memref<128xi32, #tpu.memory_space<hbm>>
        %dma_wait3A_822 = tpu.memref_slice %arg12[%dma_wait3A_815] : memref<8x!tpu.dma_semaphore, #tpu.memory_space<semaphore_mem>> -> memref<1x!tpu.dma_semaphore, #tpu.memory_space<semaphore_mem>>
        %dma_wait3A_823 = tpu.memref_squeeze %dma_wait3A_822 : memref<1x!tpu.dma_semaphore, #tpu.memory_space<semaphore_mem>> -> memref<!tpu.dma_semaphore, #tpu.memory_space<semaphore_mem>>
        %dma_wait3A_824 = arith.constant 0 : i32
        %dma_wait3A_825 = tpu.memref_slice %arg7[%dma_wait3A_814, %dma_wait3A_824] : memref<8x128xi32, #tpu.memory_space<vmem>> -> memref<1x128xi32, #tpu.memory_space<vmem>>
        %dma_wait3A_826 = tpu.memref_squeeze %dma_wait3A_825 : memref<1x128xi32, #tpu.memory_space<vmem>> -> memref<128xi32, #tpu.memory_space<vmem>>
        %dma_wait3A_827 = arith.constant 0 : i32
        %dma_wait3A_828 = tpu.memref_slice %arg3[%add3A, %add3A_813, %dma_wait3A_827] : memref<32x80x128xi32, #tpu.memory_space<hbm>> -> memref<1x1x128xi32, #tpu.memory_space<hbm>>
        %dma_wait3A_829 = tpu.memref_squeeze %dma_wait3A_828 : memref<1x1x128xi32, #tpu.memory_space<hbm>> -> memref<128xi32, #tpu.memory_space<hbm>>
        tpu.wait_dma2 semaphore(%dma_wait3A_823 : memref<!tpu.dma_semaphore, #tpu.memory_space<semaphore_mem>>) src(%dma_wait3A_829 : memref<128xi32, #tpu.memory_space<hbm>>) dst(%dma_wait3A_826 : memref<128xi32, #tpu.memory_space<vmem>>)
        %dma_start3A_830 = arith.constant 1 : i32
        %dma_start3A_831 = arith.constant 1 : i32
        %dma_start3A_832 = arith.constant 1 : i32
        %dma_start3A_833 = arith.constant 0 : i32
        %dma_start3A_834 = arith.constant 0 : i32
        %dma_start3A_835 = tpu.memref_slice %arg9[%dma_start3A_831, %dma_start3A_833, %dma_start3A_834] : memref<4x128x64xf32, #tpu.memory_space<vmem>> -> memref<1x128x64xf32, #tpu.memory_space<vmem>>
        %dma_start3A_836 = tpu.memref_squeeze %dma_start3A_835 : memref<1x128x64xf32, #tpu.memory_space<vmem>> -> memref<128x64xf32, #tpu.memory_space<vmem>>
        %dma_start3A_837 = arith.constant 0 : i32
        %dma_start3A_838 = tpu.memref_slice %arg7[%dma_start3A_830, %dma_start3A_837] : memref<8x128xi32, #tpu.memory_space<vmem>> -> memref<1x128xi32, #tpu.memory_space<vmem>>
        %dma_start3A_839 = tpu.memref_squeeze %dma_start3A_838 : memref<1x128xi32, #tpu.memory_space<vmem>> -> memref<128xi32, #tpu.memory_space<vmem>>
        %dma_start3A_840 = arith.constant 0 : i32
        %dma_start3A_841 = arith.constant 0 : i32
        %dma_start3A_842 = tpu.memref_slice %arg2[%dma_start3A_840, %dma_start3A_841] : memref<10000x64xf32, #tpu.memory_space<hbm>> -> memref<10000x64xf32, #tpu.memory_space<hbm>>
        %dma_start3A_843 = tpu.memref_slice %arg11[%dma_start3A_832] : memref<4x!tpu.dma_semaphore, #tpu.memory_space<semaphore_mem>> -> memref<1x!tpu.dma_semaphore, #tpu.memory_space<semaphore_mem>>
        %dma_start3A_844 = tpu.memref_squeeze %dma_start3A_843 : memref<1x!tpu.dma_semaphore, #tpu.memory_space<semaphore_mem>> -> memref<!tpu.dma_semaphore, #tpu.memory_space<semaphore_mem>>
        tpu.enqueue_indirect_dma source(%dma_start3A_842 : memref<10000x64xf32, #tpu.memory_space<hbm>>) target(%dma_start3A_836 : memref<128x64xf32, #tpu.memory_space<vmem>>) offsets(%dma_start3A_839 : memref<128xi32, #tpu.memory_space<vmem>>) semaphore(%dma_start3A_844 : memref<!tpu.dma_semaphore, #tpu.memory_space<semaphore_mem>>)
      } else {
      }
      %mul3A_710 = arith.constant 8 : i32
      %mul3A_711 = arith.muli %scan3A_407, %mul3A_710 : i32
      %add3A_712 = arith.constant 6 : i32
      %add3A_713 = arith.addi %mul3A_711, %add3A_712 : i32
      %dma_wait3A_714 = arith.constant 6 : i32
      %dma_wait3A_715 = arith.constant 2 : i32
      %dma_wait3A_716 = arith.constant 2 : i32
      %dma_wait3A_717 = arith.constant 0 : i32
      %dma_wait3A_718 = arith.constant 0 : i32
      %dma_wait3A_719 = tpu.memref_slice %arg9[%dma_wait3A_715, %dma_wait3A_717, %dma_wait3A_718] : memref<4x128x64xf32, #tpu.memory_space<vmem>> -> memref<1x128x64xf32, #tpu.memory_space<vmem>>
      %dma_wait3A_720 = tpu.memref_squeeze %dma_wait3A_719 : memref<1x128x64xf32, #tpu.memory_space<vmem>> -> memref<128x64xf32, #tpu.memory_space<vmem>>
      %dma_wait3A_721 = arith.constant 0 : i32
      %dma_wait3A_722 = tpu.memref_slice %arg7[%dma_wait3A_714, %dma_wait3A_721] : memref<8x128xi32, #tpu.memory_space<vmem>> -> memref<1x128xi32, #tpu.memory_space<vmem>>
      %dma_wait3A_723 = tpu.memref_squeeze %dma_wait3A_722 : memref<1x128xi32, #tpu.memory_space<vmem>> -> memref<128xi32, #tpu.memory_space<vmem>>
      %dma_wait3A_724 = arith.constant 0 : i32
      %dma_wait3A_725 = arith.constant 0 : i32
      %dma_wait3A_726 = tpu.memref_slice %arg2[%dma_wait3A_724, %dma_wait3A_725] : memref<10000x64xf32, #tpu.memory_space<hbm>> -> memref<10000x64xf32, #tpu.memory_space<hbm>>
      %dma_wait3A_727 = tpu.memref_slice %arg11[%dma_wait3A_716] : memref<4x!tpu.dma_semaphore, #tpu.memory_space<semaphore_mem>> -> memref<1x!tpu.dma_semaphore, #tpu.memory_space<semaphore_mem>>
      %dma_wait3A_728 = tpu.memref_squeeze %dma_wait3A_727 : memref<1x!tpu.dma_semaphore, #tpu.memory_space<semaphore_mem>> -> memref<!tpu.dma_semaphore, #tpu.memory_space<semaphore_mem>>
      tpu.wait_indirect_dma semaphore(%dma_wait3A_728 : memref<!tpu.dma_semaphore, #tpu.memory_space<semaphore_mem>>) src(%dma_wait3A_726 : memref<10000x64xf32, #tpu.memory_space<hbm>>) dst(%dma_wait3A_720 : memref<128x64xf32, #tpu.memory_space<vmem>>)
      %dma_wait3A_729 = arith.constant 6 : i32
      %dma_wait3A_730 = arith.constant 6 : i32
      %dma_wait3A_731 = arith.constant 0 : i32
      %dma_wait3A_732 = tpu.memref_slice %arg8[%dma_wait3A_729, %dma_wait3A_731] : memref<8x128xi32, #tpu.memory_space<vmem>> -> memref<1x128xi32, #tpu.memory_space<vmem>>
      %dma_wait3A_733 = tpu.memref_squeeze %dma_wait3A_732 : memref<1x128xi32, #tpu.memory_space<vmem>> -> memref<128xi32, #tpu.memory_space<vmem>>
      %dma_wait3A_734 = arith.constant 0 : i32
      %dma_wait3A_735 = tpu.memref_slice %arg4[%add3A, %add3A_713, %dma_wait3A_734] : memref<32x80x128xi32, #tpu.memory_space<hbm>> -> memref<1x1x128xi32, #tpu.memory_space<hbm>>
      %dma_wait3A_736 = tpu.memref_squeeze %dma_wait3A_735 : memref<1x1x128xi32, #tpu.memory_space<hbm>> -> memref<128xi32, #tpu.memory_space<hbm>>
      %dma_wait3A_737 = tpu.memref_slice %arg13[%dma_wait3A_730] : memref<8x!tpu.dma_semaphore, #tpu.memory_space<semaphore_mem>> -> memref<1x!tpu.dma_semaphore, #tpu.memory_space<semaphore_mem>>
      %dma_wait3A_738 = tpu.memref_squeeze %dma_wait3A_737 : memref<1x!tpu.dma_semaphore, #tpu.memory_space<semaphore_mem>> -> memref<!tpu.dma_semaphore, #tpu.memory_space<semaphore_mem>>
      %dma_wait3A_739 = arith.constant 0 : i32
      %dma_wait3A_740 = tpu.memref_slice %arg8[%dma_wait3A_729, %dma_wait3A_739] : memref<8x128xi32, #tpu.memory_space<vmem>> -> memref<1x128xi32, #tpu.memory_space<vmem>>
      %dma_wait3A_741 = tpu.memref_squeeze %dma_wait3A_740 : memref<1x128xi32, #tpu.memory_space<vmem>> -> memref<128xi32, #tpu.memory_space<vmem>>
      %dma_wait3A_742 = arith.constant 0 : i32
      %dma_wait3A_743 = tpu.memref_slice %arg4[%add3A, %add3A_713, %dma_wait3A_742] : memref<32x80x128xi32, #tpu.memory_space<hbm>> -> memref<1x1x128xi32, #tpu.memory_space<hbm>>
      %dma_wait3A_744 = tpu.memref_squeeze %dma_wait3A_743 : memref<1x1x128xi32, #tpu.memory_space<hbm>> -> memref<128xi32, #tpu.memory_space<hbm>>
      tpu.wait_dma2 semaphore(%dma_wait3A_738 : memref<!tpu.dma_semaphore, #tpu.memory_space<semaphore_mem>>) src(%dma_wait3A_744 : memref<128xi32, #tpu.memory_space<hbm>>) dst(%dma_wait3A_741 : memref<128xi32, #tpu.memory_space<vmem>>)
      %run_scoped3A_745 = arith.constant 2 : i32
      %run_scoped3A_746 = arith.constant 6 : i32
      "tpu.region"() ({
        %run_scoped3A_812 = tpu.sem_alloc : memref<!tpu.dma_semaphore, #tpu.memory_space<semaphore_mem>>
        %dma_start3A_813 = arith.constant 0 : i32
        %dma_start3A_814 = arith.constant 0 : i32
        %dma_start3A_815 = tpu.memref_slice %arg9[%run_scoped3A_745, %dma_start3A_813, %dma_start3A_814] : memref<4x128x64xf32, #tpu.memory_space<vmem>> -> memref<1x128x64xf32, #tpu.memory_space<vmem>>
        %dma_start3A_816 = tpu.memref_squeeze %dma_start3A_815 : memref<1x128x64xf32, #tpu.memory_space<vmem>> -> memref<128x64xf32, #tpu.memory_space<vmem>>
        %dma_start3A_817 = arith.constant 0 : i32
        %dma_start3A_818 = tpu.memref_slice %arg8[%run_scoped3A_746, %dma_start3A_817] : memref<8x128xi32, #tpu.memory_space<vmem>> -> memref<1x128xi32, #tpu.memory_space<vmem>>
        %dma_start3A_819 = tpu.memref_squeeze %dma_start3A_818 : memref<1x128xi32, #tpu.memory_space<vmem>> -> memref<128xi32, #tpu.memory_space<vmem>>
        %dma_start3A_820 = arith.constant 0 : i32
        %dma_start3A_821 = arith.constant 0 : i32
        %dma_start3A_822 = tpu.memref_slice %arg10[%dma_start3A_820, %dma_start3A_821] : memref<10240x64xf32, #tpu.memory_space<vmem_shared>> -> memref<10240x64xf32, #tpu.memory_space<vmem_shared>>
        tpu.enqueue_indirect_dma source(%dma_start3A_816 : memref<128x64xf32, #tpu.memory_space<vmem>>) target(%dma_start3A_822 : memref<10240x64xf32, #tpu.memory_space<vmem_shared>>) offsets(%dma_start3A_819 : memref<128xi32, #tpu.memory_space<vmem>>) semaphore(%run_scoped3A_812 : memref<!tpu.dma_semaphore, #tpu.memory_space<semaphore_mem>>) {add = true}
        %dma_wait3A_823 = arith.constant 0 : i32
        %dma_wait3A_824 = arith.constant 0 : i32
        %dma_wait3A_825 = tpu.memref_slice %arg9[%run_scoped3A_745, %dma_wait3A_823, %dma_wait3A_824] : memref<4x128x64xf32, #tpu.memory_space<vmem>> -> memref<1x128x64xf32, #tpu.memory_space<vmem>>
        %dma_wait3A_826 = tpu.memref_squeeze %dma_wait3A_825 : memref<1x128x64xf32, #tpu.memory_space<vmem>> -> memref<128x64xf32, #tpu.memory_space<vmem>>
        %dma_wait3A_827 = arith.constant 0 : i32
        %dma_wait3A_828 = tpu.memref_slice %arg8[%run_scoped3A_746, %dma_wait3A_827] : memref<8x128xi32, #tpu.memory_space<vmem>> -> memref<1x128xi32, #tpu.memory_space<vmem>>
        %dma_wait3A_829 = tpu.memref_squeeze %dma_wait3A_828 : memref<1x128xi32, #tpu.memory_space<vmem>> -> memref<128xi32, #tpu.memory_space<vmem>>
        %dma_wait3A_830 = arith.constant 0 : i32
        %dma_wait3A_831 = arith.constant 0 : i32
        %dma_wait3A_832 = tpu.memref_slice %arg10[%dma_wait3A_830, %dma_wait3A_831] : memref<10240x64xf32, #tpu.memory_space<vmem_shared>> -> memref<10240x64xf32, #tpu.memory_space<vmem_shared>>
        tpu.wait_indirect_dma semaphore(%run_scoped3A_812 : memref<!tpu.dma_semaphore, #tpu.memory_space<semaphore_mem>>) src(%dma_wait3A_826 : memref<128x64xf32, #tpu.memory_space<vmem>>) dst(%dma_wait3A_832 : memref<10240x64xf32, #tpu.memory_space<vmem_shared>>)
        tpu.yield
      }) : () -> ()
      %add3A_747 = arith.constant 8 : i32
      %add3A_748 = arith.addi %add3A_713, %add3A_747 : i32
      %lt3A_749 = arith.constant 80 : i32
      %lt3A_750 = arith.cmpi slt, %add3A_748, %lt3A_749 : i32
      %convert_element_type3A_751 = arith.extui %lt3A_750 : i1 to i32
      %cond3A_752 = arith.constant 0 : i32
      %cond3A_753 = arith.cmpi ne, %convert_element_type3A_751, %cond3A_752 : i32
      scf.if %cond3A_753 {
        %add3A_812 = arith.constant 8 : i32
        %add3A_813 = arith.addi %add3A_713, %add3A_812 : i32
        %dma_start3A_814 = arith.constant 6 : i32
        %dma_start3A_815 = arith.constant 6 : i32
        %dma_start3A_816 = arith.constant 0 : i32
        %dma_start3A_817 = tpu.memref_slice %arg7[%dma_start3A_814, %dma_start3A_816] : memref<8x128xi32, #tpu.memory_space<vmem>> -> memref<1x128xi32, #tpu.memory_space<vmem>>
        %dma_start3A_818 = tpu.memref_squeeze %dma_start3A_817 : memref<1x128xi32, #tpu.memory_space<vmem>> -> memref<128xi32, #tpu.memory_space<vmem>>
        %dma_start3A_819 = arith.constant 0 : i32
        %dma_start3A_820 = tpu.memref_slice %arg3[%add3A, %add3A_813, %dma_start3A_819] : memref<32x80x128xi32, #tpu.memory_space<hbm>> -> memref<1x1x128xi32, #tpu.memory_space<hbm>>
        %dma_start3A_821 = tpu.memref_squeeze %dma_start3A_820 : memref<1x1x128xi32, #tpu.memory_space<hbm>> -> memref<128xi32, #tpu.memory_space<hbm>>
        %dma_start3A_822 = tpu.memref_slice %arg12[%dma_start3A_815] : memref<8x!tpu.dma_semaphore, #tpu.memory_space<semaphore_mem>> -> memref<1x!tpu.dma_semaphore, #tpu.memory_space<semaphore_mem>>
        %dma_start3A_823 = tpu.memref_squeeze %dma_start3A_822 : memref<1x!tpu.dma_semaphore, #tpu.memory_space<semaphore_mem>> -> memref<!tpu.dma_semaphore, #tpu.memory_space<semaphore_mem>>
        %dma_start3A_824 = arith.constant 0 : i32
        %dma_start3A_825 = tpu.memref_slice %arg7[%dma_start3A_814, %dma_start3A_824] : memref<8x128xi32, #tpu.memory_space<vmem>> -> memref<1x128xi32, #tpu.memory_space<vmem>>
        %dma_start3A_826 = tpu.memref_squeeze %dma_start3A_825 : memref<1x128xi32, #tpu.memory_space<vmem>> -> memref<128xi32, #tpu.memory_space<vmem>>
        %dma_start3A_827 = arith.constant 0 : i32
        %dma_start3A_828 = tpu.memref_slice %arg3[%add3A, %add3A_813, %dma_start3A_827] : memref<32x80x128xi32, #tpu.memory_space<hbm>> -> memref<1x1x128xi32, #tpu.memory_space<hbm>>
        %dma_start3A_829 = tpu.memref_squeeze %dma_start3A_828 : memref<1x1x128xi32, #tpu.memory_space<hbm>> -> memref<128xi32, #tpu.memory_space<hbm>>
        tpu.enqueue_dma source(%dma_start3A_829 : memref<128xi32, #tpu.memory_space<hbm>>) target(%dma_start3A_826 : memref<128xi32, #tpu.memory_space<vmem>>) target_semaphore(%dma_start3A_823 : memref<!tpu.dma_semaphore, #tpu.memory_space<semaphore_mem>>)
        %dma_start3A_830 = arith.constant 6 : i32
        %dma_start3A_831 = arith.constant 6 : i32
        %dma_start3A_832 = arith.constant 0 : i32
        %dma_start3A_833 = tpu.memref_slice %arg8[%dma_start3A_830, %dma_start3A_832] : memref<8x128xi32, #tpu.memory_space<vmem>> -> memref<1x128xi32, #tpu.memory_space<vmem>>
        %dma_start3A_834 = tpu.memref_squeeze %dma_start3A_833 : memref<1x128xi32, #tpu.memory_space<vmem>> -> memref<128xi32, #tpu.memory_space<vmem>>
        %dma_start3A_835 = arith.constant 0 : i32
        %dma_start3A_836 = tpu.memref_slice %arg4[%add3A, %add3A_813, %dma_start3A_835] : memref<32x80x128xi32, #tpu.memory_space<hbm>> -> memref<1x1x128xi32, #tpu.memory_space<hbm>>
        %dma_start3A_837 = tpu.memref_squeeze %dma_start3A_836 : memref<1x1x128xi32, #tpu.memory_space<hbm>> -> memref<128xi32, #tpu.memory_space<hbm>>
        %dma_start3A_838 = tpu.memref_slice %arg13[%dma_start3A_831] : memref<8x!tpu.dma_semaphore, #tpu.memory_space<semaphore_mem>> -> memref<1x!tpu.dma_semaphore, #tpu.memory_space<semaphore_mem>>
        %dma_start3A_839 = tpu.memref_squeeze %dma_start3A_838 : memref<1x!tpu.dma_semaphore, #tpu.memory_space<semaphore_mem>> -> memref<!tpu.dma_semaphore, #tpu.memory_space<semaphore_mem>>
        %dma_start3A_840 = arith.constant 0 : i32
        %dma_start3A_841 = tpu.memref_slice %arg8[%dma_start3A_830, %dma_start3A_840] : memref<8x128xi32, #tpu.memory_space<vmem>> -> memref<1x128xi32, #tpu.memory_space<vmem>>
        %dma_start3A_842 = tpu.memref_squeeze %dma_start3A_841 : memref<1x128xi32, #tpu.memory_space<vmem>> -> memref<128xi32, #tpu.memory_space<vmem>>
        %dma_start3A_843 = arith.constant 0 : i32
        %dma_start3A_844 = tpu.memref_slice %arg4[%add3A, %add3A_813, %dma_start3A_843] : memref<32x80x128xi32, #tpu.memory_space<hbm>> -> memref<1x1x128xi32, #tpu.memory_space<hbm>>
        %dma_start3A_845 = tpu.memref_squeeze %dma_start3A_844 : memref<1x1x128xi32, #tpu.memory_space<hbm>> -> memref<128xi32, #tpu.memory_space<hbm>>
        tpu.enqueue_dma source(%dma_start3A_845 : memref<128xi32, #tpu.memory_space<hbm>>) target(%dma_start3A_842 : memref<128xi32, #tpu.memory_space<vmem>>) target_semaphore(%dma_start3A_839 : memref<!tpu.dma_semaphore, #tpu.memory_space<semaphore_mem>>)
      } else {
      }
      %add3A_754 = arith.constant 4 : i32
      %add3A_755 = arith.addi %add3A_713, %add3A_754 : i32
      %lt3A_756 = arith.constant 80 : i32
      %lt3A_757 = arith.cmpi slt, %add3A_755, %lt3A_756 : i32
      %convert_element_type3A_758 = arith.extui %lt3A_757 : i1 to i32
      %cond3A_759 = arith.constant 0 : i32
      %cond3A_760 = arith.cmpi ne, %convert_element_type3A_758, %cond3A_759 : i32
      scf.if %cond3A_760 {
        %add3A_812 = arith.constant 4 : i32
        %add3A_813 = arith.addi %add3A_713, %add3A_812 : i32
        %dma_wait3A_814 = arith.constant 2 : i32
        %dma_wait3A_815 = arith.constant 2 : i32
        %dma_wait3A_816 = arith.constant 0 : i32
        %dma_wait3A_817 = tpu.memref_slice %arg7[%dma_wait3A_814, %dma_wait3A_816] : memref<8x128xi32, #tpu.memory_space<vmem>> -> memref<1x128xi32, #tpu.memory_space<vmem>>
        %dma_wait3A_818 = tpu.memref_squeeze %dma_wait3A_817 : memref<1x128xi32, #tpu.memory_space<vmem>> -> memref<128xi32, #tpu.memory_space<vmem>>
        %dma_wait3A_819 = arith.constant 0 : i32
        %dma_wait3A_820 = tpu.memref_slice %arg3[%add3A, %add3A_813, %dma_wait3A_819] : memref<32x80x128xi32, #tpu.memory_space<hbm>> -> memref<1x1x128xi32, #tpu.memory_space<hbm>>
        %dma_wait3A_821 = tpu.memref_squeeze %dma_wait3A_820 : memref<1x1x128xi32, #tpu.memory_space<hbm>> -> memref<128xi32, #tpu.memory_space<hbm>>
        %dma_wait3A_822 = tpu.memref_slice %arg12[%dma_wait3A_815] : memref<8x!tpu.dma_semaphore, #tpu.memory_space<semaphore_mem>> -> memref<1x!tpu.dma_semaphore, #tpu.memory_space<semaphore_mem>>
        %dma_wait3A_823 = tpu.memref_squeeze %dma_wait3A_822 : memref<1x!tpu.dma_semaphore, #tpu.memory_space<semaphore_mem>> -> memref<!tpu.dma_semaphore, #tpu.memory_space<semaphore_mem>>
        %dma_wait3A_824 = arith.constant 0 : i32
        %dma_wait3A_825 = tpu.memref_slice %arg7[%dma_wait3A_814, %dma_wait3A_824] : memref<8x128xi32, #tpu.memory_space<vmem>> -> memref<1x128xi32, #tpu.memory_space<vmem>>
        %dma_wait3A_826 = tpu.memref_squeeze %dma_wait3A_825 : memref<1x128xi32, #tpu.memory_space<vmem>> -> memref<128xi32, #tpu.memory_space<vmem>>
        %dma_wait3A_827 = arith.constant 0 : i32
        %dma_wait3A_828 = tpu.memref_slice %arg3[%add3A, %add3A_813, %dma_wait3A_827] : memref<32x80x128xi32, #tpu.memory_space<hbm>> -> memref<1x1x128xi32, #tpu.memory_space<hbm>>
        %dma_wait3A_829 = tpu.memref_squeeze %dma_wait3A_828 : memref<1x1x128xi32, #tpu.memory_space<hbm>> -> memref<128xi32, #tpu.memory_space<hbm>>
        tpu.wait_dma2 semaphore(%dma_wait3A_823 : memref<!tpu.dma_semaphore, #tpu.memory_space<semaphore_mem>>) src(%dma_wait3A_829 : memref<128xi32, #tpu.memory_space<hbm>>) dst(%dma_wait3A_826 : memref<128xi32, #tpu.memory_space<vmem>>)
        %dma_start3A_830 = arith.constant 2 : i32
        %dma_start3A_831 = arith.constant 2 : i32
        %dma_start3A_832 = arith.constant 2 : i32
        %dma_start3A_833 = arith.constant 0 : i32
        %dma_start3A_834 = arith.constant 0 : i32
        %dma_start3A_835 = tpu.memref_slice %arg9[%dma_start3A_831, %dma_start3A_833, %dma_start3A_834] : memref<4x128x64xf32, #tpu.memory_space<vmem>> -> memref<1x128x64xf32, #tpu.memory_space<vmem>>
        %dma_start3A_836 = tpu.memref_squeeze %dma_start3A_835 : memref<1x128x64xf32, #tpu.memory_space<vmem>> -> memref<128x64xf32, #tpu.memory_space<vmem>>
        %dma_start3A_837 = arith.constant 0 : i32
        %dma_start3A_838 = tpu.memref_slice %arg7[%dma_start3A_830, %dma_start3A_837] : memref<8x128xi32, #tpu.memory_space<vmem>> -> memref<1x128xi32, #tpu.memory_space<vmem>>
        %dma_start3A_839 = tpu.memref_squeeze %dma_start3A_838 : memref<1x128xi32, #tpu.memory_space<vmem>> -> memref<128xi32, #tpu.memory_space<vmem>>
        %dma_start3A_840 = arith.constant 0 : i32
        %dma_start3A_841 = arith.constant 0 : i32
        %dma_start3A_842 = tpu.memref_slice %arg2[%dma_start3A_840, %dma_start3A_841] : memref<10000x64xf32, #tpu.memory_space<hbm>> -> memref<10000x64xf32, #tpu.memory_space<hbm>>
        %dma_start3A_843 = tpu.memref_slice %arg11[%dma_start3A_832] : memref<4x!tpu.dma_semaphore, #tpu.memory_space<semaphore_mem>> -> memref<1x!tpu.dma_semaphore, #tpu.memory_space<semaphore_mem>>
        %dma_start3A_844 = tpu.memref_squeeze %dma_start3A_843 : memref<1x!tpu.dma_semaphore, #tpu.memory_space<semaphore_mem>> -> memref<!tpu.dma_semaphore, #tpu.memory_space<semaphore_mem>>
        tpu.enqueue_indirect_dma source(%dma_start3A_842 : memref<10000x64xf32, #tpu.memory_space<hbm>>) target(%dma_start3A_836 : memref<128x64xf32, #tpu.memory_space<vmem>>) offsets(%dma_start3A_839 : memref<128xi32, #tpu.memory_space<vmem>>) semaphore(%dma_start3A_844 : memref<!tpu.dma_semaphore, #tpu.memory_space<semaphore_mem>>)
      } else {
      }
      %mul3A_761 = arith.constant 8 : i32
      %mul3A_762 = arith.muli %scan3A_407, %mul3A_761 : i32
      %add3A_763 = arith.constant 7 : i32
      %add3A_764 = arith.addi %mul3A_762, %add3A_763 : i32
      %dma_wait3A_765 = arith.constant 7 : i32
      %dma_wait3A_766 = arith.constant 3 : i32
      %dma_wait3A_767 = arith.constant 3 : i32
      %dma_wait3A_768 = arith.constant 0 : i32
      %dma_wait3A_769 = arith.constant 0 : i32
      %dma_wait3A_770 = tpu.memref_slice %arg9[%dma_wait3A_766, %dma_wait3A_768, %dma_wait3A_769] : memref<4x128x64xf32, #tpu.memory_space<vmem>> -> memref<1x128x64xf32, #tpu.memory_space<vmem>>
      %dma_wait3A_771 = tpu.memref_squeeze %dma_wait3A_770 : memref<1x128x64xf32, #tpu.memory_space<vmem>> -> memref<128x64xf32, #tpu.memory_space<vmem>>
      %dma_wait3A_772 = arith.constant 0 : i32
      %dma_wait3A_773 = tpu.memref_slice %arg7[%dma_wait3A_765, %dma_wait3A_772] : memref<8x128xi32, #tpu.memory_space<vmem>> -> memref<1x128xi32, #tpu.memory_space<vmem>>
      %dma_wait3A_774 = tpu.memref_squeeze %dma_wait3A_773 : memref<1x128xi32, #tpu.memory_space<vmem>> -> memref<128xi32, #tpu.memory_space<vmem>>
      %dma_wait3A_775 = arith.constant 0 : i32
      %dma_wait3A_776 = arith.constant 0 : i32
      %dma_wait3A_777 = tpu.memref_slice %arg2[%dma_wait3A_775, %dma_wait3A_776] : memref<10000x64xf32, #tpu.memory_space<hbm>> -> memref<10000x64xf32, #tpu.memory_space<hbm>>
      %dma_wait3A_778 = tpu.memref_slice %arg11[%dma_wait3A_767] : memref<4x!tpu.dma_semaphore, #tpu.memory_space<semaphore_mem>> -> memref<1x!tpu.dma_semaphore, #tpu.memory_space<semaphore_mem>>
      %dma_wait3A_779 = tpu.memref_squeeze %dma_wait3A_778 : memref<1x!tpu.dma_semaphore, #tpu.memory_space<semaphore_mem>> -> memref<!tpu.dma_semaphore, #tpu.memory_space<semaphore_mem>>
      tpu.wait_indirect_dma semaphore(%dma_wait3A_779 : memref<!tpu.dma_semaphore, #tpu.memory_space<semaphore_mem>>) src(%dma_wait3A_777 : memref<10000x64xf32, #tpu.memory_space<hbm>>) dst(%dma_wait3A_771 : memref<128x64xf32, #tpu.memory_space<vmem>>)
      %dma_wait3A_780 = arith.constant 7 : i32
      %dma_wait3A_781 = arith.constant 7 : i32
      %dma_wait3A_782 = arith.constant 0 : i32
      %dma_wait3A_783 = tpu.memref_slice %arg8[%dma_wait3A_780, %dma_wait3A_782] : memref<8x128xi32, #tpu.memory_space<vmem>> -> memref<1x128xi32, #tpu.memory_space<vmem>>
      %dma_wait3A_784 = tpu.memref_squeeze %dma_wait3A_783 : memref<1x128xi32, #tpu.memory_space<vmem>> -> memref<128xi32, #tpu.memory_space<vmem>>
      %dma_wait3A_785 = arith.constant 0 : i32
      %dma_wait3A_786 = tpu.memref_slice %arg4[%add3A, %add3A_764, %dma_wait3A_785] : memref<32x80x128xi32, #tpu.memory_space<hbm>> -> memref<1x1x128xi32, #tpu.memory_space<hbm>>
      %dma_wait3A_787 = tpu.memref_squeeze %dma_wait3A_786 : memref<1x1x128xi32, #tpu.memory_space<hbm>> -> memref<128xi32, #tpu.memory_space<hbm>>
      %dma_wait3A_788 = tpu.memref_slice %arg13[%dma_wait3A_781] : memref<8x!tpu.dma_semaphore, #tpu.memory_space<semaphore_mem>> -> memref<1x!tpu.dma_semaphore, #tpu.memory_space<semaphore_mem>>
      %dma_wait3A_789 = tpu.memref_squeeze %dma_wait3A_788 : memref<1x!tpu.dma_semaphore, #tpu.memory_space<semaphore_mem>> -> memref<!tpu.dma_semaphore, #tpu.memory_space<semaphore_mem>>
      %dma_wait3A_790 = arith.constant 0 : i32
      %dma_wait3A_791 = tpu.memref_slice %arg8[%dma_wait3A_780, %dma_wait3A_790] : memref<8x128xi32, #tpu.memory_space<vmem>> -> memref<1x128xi32, #tpu.memory_space<vmem>>
      %dma_wait3A_792 = tpu.memref_squeeze %dma_wait3A_791 : memref<1x128xi32, #tpu.memory_space<vmem>> -> memref<128xi32, #tpu.memory_space<vmem>>
      %dma_wait3A_793 = arith.constant 0 : i32
      %dma_wait3A_794 = tpu.memref_slice %arg4[%add3A, %add3A_764, %dma_wait3A_793] : memref<32x80x128xi32, #tpu.memory_space<hbm>> -> memref<1x1x128xi32, #tpu.memory_space<hbm>>
      %dma_wait3A_795 = tpu.memref_squeeze %dma_wait3A_794 : memref<1x1x128xi32, #tpu.memory_space<hbm>> -> memref<128xi32, #tpu.memory_space<hbm>>
      tpu.wait_dma2 semaphore(%dma_wait3A_789 : memref<!tpu.dma_semaphore, #tpu.memory_space<semaphore_mem>>) src(%dma_wait3A_795 : memref<128xi32, #tpu.memory_space<hbm>>) dst(%dma_wait3A_792 : memref<128xi32, #tpu.memory_space<vmem>>)
      %run_scoped3A_796 = arith.constant 3 : i32
      %run_scoped3A_797 = arith.constant 7 : i32
      "tpu.region"() ({
        %run_scoped3A_812 = tpu.sem_alloc : memref<!tpu.dma_semaphore, #tpu.memory_space<semaphore_mem>>
        %dma_start3A_813 = arith.constant 0 : i32
        %dma_start3A_814 = arith.constant 0 : i32
        %dma_start3A_815 = tpu.memref_slice %arg9[%run_scoped3A_796, %dma_start3A_813, %dma_start3A_814] : memref<4x128x64xf32, #tpu.memory_space<vmem>> -> memref<1x128x64xf32, #tpu.memory_space<vmem>>
        %dma_start3A_816 = tpu.memref_squeeze %dma_start3A_815 : memref<1x128x64xf32, #tpu.memory_space<vmem>> -> memref<128x64xf32, #tpu.memory_space<vmem>>
        %dma_start3A_817 = arith.constant 0 : i32
        %dma_start3A_818 = tpu.memref_slice %arg8[%run_scoped3A_797, %dma_start3A_817] : memref<8x128xi32, #tpu.memory_space<vmem>> -> memref<1x128xi32, #tpu.memory_space<vmem>>
        %dma_start3A_819 = tpu.memref_squeeze %dma_start3A_818 : memref<1x128xi32, #tpu.memory_space<vmem>> -> memref<128xi32, #tpu.memory_space<vmem>>
        %dma_start3A_820 = arith.constant 0 : i32
        %dma_start3A_821 = arith.constant 0 : i32
        %dma_start3A_822 = tpu.memref_slice %arg10[%dma_start3A_820, %dma_start3A_821] : memref<10240x64xf32, #tpu.memory_space<vmem_shared>> -> memref<10240x64xf32, #tpu.memory_space<vmem_shared>>
        tpu.enqueue_indirect_dma source(%dma_start3A_816 : memref<128x64xf32, #tpu.memory_space<vmem>>) target(%dma_start3A_822 : memref<10240x64xf32, #tpu.memory_space<vmem_shared>>) offsets(%dma_start3A_819 : memref<128xi32, #tpu.memory_space<vmem>>) semaphore(%run_scoped3A_812 : memref<!tpu.dma_semaphore, #tpu.memory_space<semaphore_mem>>) {add = true}
        %dma_wait3A_823 = arith.constant 0 : i32
        %dma_wait3A_824 = arith.constant 0 : i32
        %dma_wait3A_825 = tpu.memref_slice %arg9[%run_scoped3A_796, %dma_wait3A_823, %dma_wait3A_824] : memref<4x128x64xf32, #tpu.memory_space<vmem>> -> memref<1x128x64xf32, #tpu.memory_space<vmem>>
        %dma_wait3A_826 = tpu.memref_squeeze %dma_wait3A_825 : memref<1x128x64xf32, #tpu.memory_space<vmem>> -> memref<128x64xf32, #tpu.memory_space<vmem>>
        %dma_wait3A_827 = arith.constant 0 : i32
        %dma_wait3A_828 = tpu.memref_slice %arg8[%run_scoped3A_797, %dma_wait3A_827] : memref<8x128xi32, #tpu.memory_space<vmem>> -> memref<1x128xi32, #tpu.memory_space<vmem>>
        %dma_wait3A_829 = tpu.memref_squeeze %dma_wait3A_828 : memref<1x128xi32, #tpu.memory_space<vmem>> -> memref<128xi32, #tpu.memory_space<vmem>>
        %dma_wait3A_830 = arith.constant 0 : i32
        %dma_wait3A_831 = arith.constant 0 : i32
        %dma_wait3A_832 = tpu.memref_slice %arg10[%dma_wait3A_830, %dma_wait3A_831] : memref<10240x64xf32, #tpu.memory_space<vmem_shared>> -> memref<10240x64xf32, #tpu.memory_space<vmem_shared>>
        tpu.wait_indirect_dma semaphore(%run_scoped3A_812 : memref<!tpu.dma_semaphore, #tpu.memory_space<semaphore_mem>>) src(%dma_wait3A_826 : memref<128x64xf32, #tpu.memory_space<vmem>>) dst(%dma_wait3A_832 : memref<10240x64xf32, #tpu.memory_space<vmem_shared>>)
        tpu.yield
      }) : () -> ()
      %add3A_798 = arith.constant 8 : i32
      %add3A_799 = arith.addi %add3A_764, %add3A_798 : i32
      %lt3A_800 = arith.constant 80 : i32
      %lt3A_801 = arith.cmpi slt, %add3A_799, %lt3A_800 : i32
      %convert_element_type3A_802 = arith.extui %lt3A_801 : i1 to i32
      %cond3A_803 = arith.constant 0 : i32
      %cond3A_804 = arith.cmpi ne, %convert_element_type3A_802, %cond3A_803 : i32
      scf.if %cond3A_804 {
        %add3A_812 = arith.constant 8 : i32
        %add3A_813 = arith.addi %add3A_764, %add3A_812 : i32
        %dma_start3A_814 = arith.constant 7 : i32
        %dma_start3A_815 = arith.constant 7 : i32
        %dma_start3A_816 = arith.constant 0 : i32
        %dma_start3A_817 = tpu.memref_slice %arg7[%dma_start3A_814, %dma_start3A_816] : memref<8x128xi32, #tpu.memory_space<vmem>> -> memref<1x128xi32, #tpu.memory_space<vmem>>
        %dma_start3A_818 = tpu.memref_squeeze %dma_start3A_817 : memref<1x128xi32, #tpu.memory_space<vmem>> -> memref<128xi32, #tpu.memory_space<vmem>>
        %dma_start3A_819 = arith.constant 0 : i32
        %dma_start3A_820 = tpu.memref_slice %arg3[%add3A, %add3A_813, %dma_start3A_819] : memref<32x80x128xi32, #tpu.memory_space<hbm>> -> memref<1x1x128xi32, #tpu.memory_space<hbm>>
        %dma_start3A_821 = tpu.memref_squeeze %dma_start3A_820 : memref<1x1x128xi32, #tpu.memory_space<hbm>> -> memref<128xi32, #tpu.memory_space<hbm>>
        %dma_start3A_822 = tpu.memref_slice %arg12[%dma_start3A_815] : memref<8x!tpu.dma_semaphore, #tpu.memory_space<semaphore_mem>> -> memref<1x!tpu.dma_semaphore, #tpu.memory_space<semaphore_mem>>
        %dma_start3A_823 = tpu.memref_squeeze %dma_start3A_822 : memref<1x!tpu.dma_semaphore, #tpu.memory_space<semaphore_mem>> -> memref<!tpu.dma_semaphore, #tpu.memory_space<semaphore_mem>>
        %dma_start3A_824 = arith.constant 0 : i32
        %dma_start3A_825 = tpu.memref_slice %arg7[%dma_start3A_814, %dma_start3A_824] : memref<8x128xi32, #tpu.memory_space<vmem>> -> memref<1x128xi32, #tpu.memory_space<vmem>>
        %dma_start3A_826 = tpu.memref_squeeze %dma_start3A_825 : memref<1x128xi32, #tpu.memory_space<vmem>> -> memref<128xi32, #tpu.memory_space<vmem>>
        %dma_start3A_827 = arith.constant 0 : i32
        %dma_start3A_828 = tpu.memref_slice %arg3[%add3A, %add3A_813, %dma_start3A_827] : memref<32x80x128xi32, #tpu.memory_space<hbm>> -> memref<1x1x128xi32, #tpu.memory_space<hbm>>
        %dma_start3A_829 = tpu.memref_squeeze %dma_start3A_828 : memref<1x1x128xi32, #tpu.memory_space<hbm>> -> memref<128xi32, #tpu.memory_space<hbm>>
        tpu.enqueue_dma source(%dma_start3A_829 : memref<128xi32, #tpu.memory_space<hbm>>) target(%dma_start3A_826 : memref<128xi32, #tpu.memory_space<vmem>>) target_semaphore(%dma_start3A_823 : memref<!tpu.dma_semaphore, #tpu.memory_space<semaphore_mem>>)
        %dma_start3A_830 = arith.constant 7 : i32
        %dma_start3A_831 = arith.constant 7 : i32
        %dma_start3A_832 = arith.constant 0 : i32
        %dma_start3A_833 = tpu.memref_slice %arg8[%dma_start3A_830, %dma_start3A_832] : memref<8x128xi32, #tpu.memory_space<vmem>> -> memref<1x128xi32, #tpu.memory_space<vmem>>
        %dma_start3A_834 = tpu.memref_squeeze %dma_start3A_833 : memref<1x128xi32, #tpu.memory_space<vmem>> -> memref<128xi32, #tpu.memory_space<vmem>>
        %dma_start3A_835 = arith.constant 0 : i32
        %dma_start3A_836 = tpu.memref_slice %arg4[%add3A, %add3A_813, %dma_start3A_835] : memref<32x80x128xi32, #tpu.memory_space<hbm>> -> memref<1x1x128xi32, #tpu.memory_space<hbm>>
        %dma_start3A_837 = tpu.memref_squeeze %dma_start3A_836 : memref<1x1x128xi32, #tpu.memory_space<hbm>> -> memref<128xi32, #tpu.memory_space<hbm>>
        %dma_start3A_838 = tpu.memref_slice %arg13[%dma_start3A_831] : memref<8x!tpu.dma_semaphore, #tpu.memory_space<semaphore_mem>> -> memref<1x!tpu.dma_semaphore, #tpu.memory_space<semaphore_mem>>
        %dma_start3A_839 = tpu.memref_squeeze %dma_start3A_838 : memref<1x!tpu.dma_semaphore, #tpu.memory_space<semaphore_mem>> -> memref<!tpu.dma_semaphore, #tpu.memory_space<semaphore_mem>>
        %dma_start3A_840 = arith.constant 0 : i32
        %dma_start3A_841 = tpu.memref_slice %arg8[%dma_start3A_830, %dma_start3A_840] : memref<8x128xi32, #tpu.memory_space<vmem>> -> memref<1x128xi32, #tpu.memory_space<vmem>>
        %dma_start3A_842 = tpu.memref_squeeze %dma_start3A_841 : memref<1x128xi32, #tpu.memory_space<vmem>> -> memref<128xi32, #tpu.memory_space<vmem>>
        %dma_start3A_843 = arith.constant 0 : i32
        %dma_start3A_844 = tpu.memref_slice %arg4[%add3A, %add3A_813, %dma_start3A_843] : memref<32x80x128xi32, #tpu.memory_space<hbm>> -> memref<1x1x128xi32, #tpu.memory_space<hbm>>
        %dma_start3A_845 = tpu.memref_squeeze %dma_start3A_844 : memref<1x1x128xi32, #tpu.memory_space<hbm>> -> memref<128xi32, #tpu.memory_space<hbm>>
        tpu.enqueue_dma source(%dma_start3A_845 : memref<128xi32, #tpu.memory_space<hbm>>) target(%dma_start3A_842 : memref<128xi32, #tpu.memory_space<vmem>>) target_semaphore(%dma_start3A_839 : memref<!tpu.dma_semaphore, #tpu.memory_space<semaphore_mem>>)
      } else {
      }
      %add3A_805 = arith.constant 4 : i32
      %add3A_806 = arith.addi %add3A_764, %add3A_805 : i32
      %lt3A_807 = arith.constant 80 : i32
      %lt3A_808 = arith.cmpi slt, %add3A_806, %lt3A_807 : i32
      %convert_element_type3A_809 = arith.extui %lt3A_808 : i1 to i32
      %cond3A_810 = arith.constant 0 : i32
      %cond3A_811 = arith.cmpi ne, %convert_element_type3A_809, %cond3A_810 : i32
      scf.if %cond3A_811 {
        %add3A_812 = arith.constant 4 : i32
        %add3A_813 = arith.addi %add3A_764, %add3A_812 : i32
        %dma_wait3A_814 = arith.constant 3 : i32
        %dma_wait3A_815 = arith.constant 3 : i32
        %dma_wait3A_816 = arith.constant 0 : i32
        %dma_wait3A_817 = tpu.memref_slice %arg7[%dma_wait3A_814, %dma_wait3A_816] : memref<8x128xi32, #tpu.memory_space<vmem>> -> memref<1x128xi32, #tpu.memory_space<vmem>>
        %dma_wait3A_818 = tpu.memref_squeeze %dma_wait3A_817 : memref<1x128xi32, #tpu.memory_space<vmem>> -> memref<128xi32, #tpu.memory_space<vmem>>
        %dma_wait3A_819 = arith.constant 0 : i32
        %dma_wait3A_820 = tpu.memref_slice %arg3[%add3A, %add3A_813, %dma_wait3A_819] : memref<32x80x128xi32, #tpu.memory_space<hbm>> -> memref<1x1x128xi32, #tpu.memory_space<hbm>>
        %dma_wait3A_821 = tpu.memref_squeeze %dma_wait3A_820 : memref<1x1x128xi32, #tpu.memory_space<hbm>> -> memref<128xi32, #tpu.memory_space<hbm>>
        %dma_wait3A_822 = tpu.memref_slice %arg12[%dma_wait3A_815] : memref<8x!tpu.dma_semaphore, #tpu.memory_space<semaphore_mem>> -> memref<1x!tpu.dma_semaphore, #tpu.memory_space<semaphore_mem>>
        %dma_wait3A_823 = tpu.memref_squeeze %dma_wait3A_822 : memref<1x!tpu.dma_semaphore, #tpu.memory_space<semaphore_mem>> -> memref<!tpu.dma_semaphore, #tpu.memory_space<semaphore_mem>>
        %dma_wait3A_824 = arith.constant 0 : i32
        %dma_wait3A_825 = tpu.memref_slice %arg7[%dma_wait3A_814, %dma_wait3A_824] : memref<8x128xi32, #tpu.memory_space<vmem>> -> memref<1x128xi32, #tpu.memory_space<vmem>>
        %dma_wait3A_826 = tpu.memref_squeeze %dma_wait3A_825 : memref<1x128xi32, #tpu.memory_space<vmem>> -> memref<128xi32, #tpu.memory_space<vmem>>
        %dma_wait3A_827 = arith.constant 0 : i32
        %dma_wait3A_828 = tpu.memref_slice %arg3[%add3A, %add3A_813, %dma_wait3A_827] : memref<32x80x128xi32, #tpu.memory_space<hbm>> -> memref<1x1x128xi32, #tpu.memory_space<hbm>>
        %dma_wait3A_829 = tpu.memref_squeeze %dma_wait3A_828 : memref<1x1x128xi32, #tpu.memory_space<hbm>> -> memref<128xi32, #tpu.memory_space<hbm>>
        tpu.wait_dma2 semaphore(%dma_wait3A_823 : memref<!tpu.dma_semaphore, #tpu.memory_space<semaphore_mem>>) src(%dma_wait3A_829 : memref<128xi32, #tpu.memory_space<hbm>>) dst(%dma_wait3A_826 : memref<128xi32, #tpu.memory_space<vmem>>)
        %dma_start3A_830 = arith.constant 3 : i32
        %dma_start3A_831 = arith.constant 3 : i32
        %dma_start3A_832 = arith.constant 3 : i32
        %dma_start3A_833 = arith.constant 0 : i32
        %dma_start3A_834 = arith.constant 0 : i32
        %dma_start3A_835 = tpu.memref_slice %arg9[%dma_start3A_831, %dma_start3A_833, %dma_start3A_834] : memref<4x128x64xf32, #tpu.memory_space<vmem>> -> memref<1x128x64xf32, #tpu.memory_space<vmem>>
        %dma_start3A_836 = tpu.memref_squeeze %dma_start3A_835 : memref<1x128x64xf32, #tpu.memory_space<vmem>> -> memref<128x64xf32, #tpu.memory_space<vmem>>
        %dma_start3A_837 = arith.constant 0 : i32
        %dma_start3A_838 = tpu.memref_slice %arg7[%dma_start3A_830, %dma_start3A_837] : memref<8x128xi32, #tpu.memory_space<vmem>> -> memref<1x128xi32, #tpu.memory_space<vmem>>
        %dma_start3A_839 = tpu.memref_squeeze %dma_start3A_838 : memref<1x128xi32, #tpu.memory_space<vmem>> -> memref<128xi32, #tpu.memory_space<vmem>>
        %dma_start3A_840 = arith.constant 0 : i32
        %dma_start3A_841 = arith.constant 0 : i32
        %dma_start3A_842 = tpu.memref_slice %arg2[%dma_start3A_840, %dma_start3A_841] : memref<10000x64xf32, #tpu.memory_space<hbm>> -> memref<10000x64xf32, #tpu.memory_space<hbm>>
        %dma_start3A_843 = tpu.memref_slice %arg11[%dma_start3A_832] : memref<4x!tpu.dma_semaphore, #tpu.memory_space<semaphore_mem>> -> memref<1x!tpu.dma_semaphore, #tpu.memory_space<semaphore_mem>>
        %dma_start3A_844 = tpu.memref_squeeze %dma_start3A_843 : memref<1x!tpu.dma_semaphore, #tpu.memory_space<semaphore_mem>> -> memref<!tpu.dma_semaphore, #tpu.memory_space<semaphore_mem>>
        tpu.enqueue_indirect_dma source(%dma_start3A_842 : memref<10000x64xf32, #tpu.memory_space<hbm>>) target(%dma_start3A_836 : memref<128x64xf32, #tpu.memory_space<vmem>>) offsets(%dma_start3A_839 : memref<128xi32, #tpu.memory_space<vmem>>) semaphore(%dma_start3A_844 : memref<!tpu.dma_semaphore, #tpu.memory_space<semaphore_mem>>)
      } else {
      }
    }
    %scan3A_405 = arith.constant 10 : i32
    %barrier3A_406 = arith.constant 0 : index
    tpu.barrier barrier_id(%barrier3A_406)
    "tpu.region"() ({
      %run_scoped3A = tpu.sem_alloc : memref<!tpu.dma_semaphore, #tpu.memory_space<semaphore_mem>>
      %dma_start3A_407 = arith.constant 0 : i32
      %dma_start3A_408 = tpu.memref_slice %arg6[%arg0, %mul3A_2, %dma_start3A_407] : memref<2x10240x64xf32, #tpu.memory_space<hbm>> -> memref<1x640x64xf32, #tpu.memory_space<hbm>>
      %dma_start3A_409 = tpu.memref_squeeze %dma_start3A_408 : memref<1x640x64xf32, #tpu.memory_space<hbm>> -> memref<640x64xf32, #tpu.memory_space<hbm>>
      %dma_start3A_410 = arith.constant 0 : i32
      %dma_start3A_411 = tpu.memref_slice %arg10[%mul3A_2, %dma_start3A_410] : memref<10240x64xf32, #tpu.memory_space<vmem_shared>> -> memref<640x64xf32, #tpu.memory_space<vmem_shared>>
      tpu.enqueue_dma source(%dma_start3A_411 : memref<640x64xf32, #tpu.memory_space<vmem_shared>>) target(%dma_start3A_409 : memref<640x64xf32, #tpu.memory_space<hbm>>) target_semaphore(%run_scoped3A : memref<!tpu.dma_semaphore, #tpu.memory_space<semaphore_mem>>)
      %dma_wait3A_412 = arith.constant 0 : i32
      %dma_wait3A_413 = tpu.memref_slice %arg6[%arg0, %mul3A_2, %dma_wait3A_412] : memref<2x10240x64xf32, #tpu.memory_space<hbm>> -> memref<1x640x64xf32, #tpu.memory_space<hbm>>
      %dma_wait3A_414 = tpu.memref_squeeze %dma_wait3A_413 : memref<1x640x64xf32, #tpu.memory_space<hbm>> -> memref<640x64xf32, #tpu.memory_space<hbm>>
      %dma_wait3A_415 = arith.constant 0 : i32
      %dma_wait3A_416 = tpu.memref_slice %arg10[%mul3A_2, %dma_wait3A_415] : memref<10240x64xf32, #tpu.memory_space<vmem_shared>> -> memref<640x64xf32, #tpu.memory_space<vmem_shared>>
      tpu.wait_dma2 semaphore(%run_scoped3A : memref<!tpu.dma_semaphore, #tpu.memory_space<semaphore_mem>>) src(%dma_wait3A_416 : memref<640x64xf32, #tpu.memory_space<vmem_shared>>) dst(%dma_wait3A_414 : memref<640x64xf32, #tpu.memory_space<hbm>>)
      tpu.yield
    }) : () -> ()
    return
  }
}

module attributes {stable_mosaic.version = 14 : i64} {
  func.func @_tc1_body(%arg0: i32, %arg1: memref<2x1000x128xf32, #tpu.memory_space<vmem>>, %arg2: memref<2x1000x16xf32, #tpu.memory_space<vmem>>, %arg3: memref<1000x128xf32, #tpu.memory_space<vmem>>, %arg4: memref<128x128xf32, #tpu.memory_space<vmem>>, %arg5: memref<128x128xf32, #tpu.memory_space<vmem>>, %arg6: memref<1x128xf32, #tpu.memory_space<vmem>>, %arg7: memref<128x64xf32, #tpu.memory_space<vmem>>, %arg8: memref<128x64xf32, #tpu.memory_space<vmem>>, %arg9: memref<1x64xf32, #tpu.memory_space<vmem>>, %arg10: memref<1000x64xf32, #tpu.memory_space<vmem>>, %arg11: memref<1000x64xf32, #tpu.memory_space<vmem>>) attributes {dimension_semantics = [#tpu.dimension_semantics<arbitrary>], iteration_bounds = array<i64: 10>, scalar_prefetch = 0 : i64, scratch_operands = 0 : i64, tpu.core_type = #tpu.core_type<tc>, window_params = [{transform_indices = @transform_0, window_bounds = array<i64: 2, 1000, 128>}, {transform_indices = @transform_1, window_bounds = array<i64: 2, 1000, 16>}, {transform_indices = @transform_2, window_bounds = array<i64: 1000, 128>}, {pipeline_mode = #tpu.pipeline_mode<synchronous>, transform_indices = @transform_3, window_bounds = array<i64: 128, 128>}, {pipeline_mode = #tpu.pipeline_mode<synchronous>, transform_indices = @transform_4, window_bounds = array<i64: 128, 128>}, {pipeline_mode = #tpu.pipeline_mode<synchronous>, transform_indices = @transform_5, window_bounds = array<i64: 1, 128>}, {pipeline_mode = #tpu.pipeline_mode<synchronous>, transform_indices = @transform_6, window_bounds = array<i64: 128, 64>}, {pipeline_mode = #tpu.pipeline_mode<synchronous>, transform_indices = @transform_7, window_bounds = array<i64: 128, 64>}, {pipeline_mode = #tpu.pipeline_mode<synchronous>, transform_indices = @transform_8, window_bounds = array<i64: 1, 64>}, {transform_indices = @transform_9, window_bounds = array<i64: 1000, 64>}, {transform_indices = @transform_10, window_bounds = array<i64: 1000, 64>}]} {
    %get3A = arith.constant 0 : index
    %get3A_0 = arith.constant 0 : index
    %get3A_1 = arith.constant 0 : index
    %get3A_2 = vector.load %arg1[%get3A, %get3A_0, %get3A_1] : memref<2x1000x128xf32, #tpu.memory_space<vmem>>, vector<1x1000x128xf32>
    %get3A_3 = vector.shape_cast %get3A_2 : vector<1x1000x128xf32> to vector<1000x128xf32>
    %get3A_4 = arith.constant 1 : index
    %get3A_5 = arith.constant 0 : index
    %get3A_6 = arith.constant 0 : index
    %get3A_7 = vector.load %arg1[%get3A_4, %get3A_5, %get3A_6] : memref<2x1000x128xf32, #tpu.memory_space<vmem>>, vector<1x1000x128xf32>
    %get3A_8 = vector.shape_cast %get3A_7 : vector<1x1000x128xf32> to vector<1000x128xf32>
    %add3A = arith.addf %get3A_3, %get3A_8 : vector<1000x128xf32>
    %get3A_9 = arith.constant 0 : index
    %get3A_10 = arith.constant 0 : index
    %get3A_11 = arith.constant 0 : index
    %get3A_12 = vector.load %arg2[%get3A_9, %get3A_10, %get3A_11] : memref<2x1000x16xf32, #tpu.memory_space<vmem>>, vector<1x1000x16xf32>
    %get3A_13 = vector.shape_cast %get3A_12 : vector<1x1000x16xf32> to vector<1000x16xf32>
    %slice3A = vector.extract_strided_slice %get3A_13 {offsets = [0, 0], sizes = [1000, 1], strides = [1, 1]} : vector<1000x16xf32> to vector<1000x1xf32>
    %get3A_14 = arith.constant 1 : index
    %get3A_15 = arith.constant 0 : index
    %get3A_16 = arith.constant 0 : index
    %get3A_17 = vector.load %arg2[%get3A_14, %get3A_15, %get3A_16] : memref<2x1000x16xf32, #tpu.memory_space<vmem>>, vector<1x1000x16xf32>
    %get3A_18 = vector.shape_cast %get3A_17 : vector<1x1000x16xf32> to vector<1000x16xf32>
    %slice3A_19 = vector.extract_strided_slice %get3A_18 {offsets = [0, 0], sizes = [1000, 1], strides = [1, 1]} : vector<1000x16xf32> to vector<1000x1xf32>
    %add3A_20 = arith.addf %slice3A, %slice3A_19 : vector<1000x1xf32>
    %max3A = arith.constant 1.000000e+00 : f32
    %max3A_21 = vector.broadcast %max3A : f32 to vector<1000x1xf32>
    %max3A_22 = arith.maximumf %add3A_20, %max3A_21 : vector<1000x1xf32>
    %div3A = arith.constant 1.000000e+00 : f32
    %div3A_23 = vector.broadcast %div3A : f32 to vector<1000x1xf32>
    %div3A_24 = arith.divf %div3A_23, %max3A_22 : vector<1000x1xf32>
    %mul3A = vector.broadcast %div3A_24 : vector<1000x1xf32> to vector<1000x128xf32>
    %mul3A_25 = arith.mulf %add3A, %mul3A : vector<1000x128xf32>
    %get3A_26 = arith.constant 0 : index
    %get3A_27 = arith.constant 0 : index
    %get3A_28 = vector.load %arg4[%get3A_26, %get3A_27] : memref<128x128xf32, #tpu.memory_space<vmem>>, vector<128x128xf32>
    %dot_general3A = arith.constant dense<0.000000e+00> : vector<1000x128xf32>
    %dot_general3A_29 = tpu.matmul %mul3A_25, %get3A_28, %dot_general3A {dimension_numbers = #tpu.dot_dimension_numbers<[1], [0], [0], [1], [0, 0, 1, 1], [], []>, transpose_lhs_hint = false} : vector<1000x128xf32>, vector<128x128xf32>, vector<1000x128xf32> -> vector<1000x128xf32>
    %get3A_30 = arith.constant 0 : index
    %get3A_31 = arith.constant 0 : index
    %get3A_32 = vector.load %arg3[%get3A_30, %get3A_31] : memref<1000x128xf32, #tpu.memory_space<vmem>>, vector<1000x128xf32>
    %get3A_33 = arith.constant 0 : index
    %get3A_34 = arith.constant 0 : index
    %get3A_35 = vector.load %arg5[%get3A_33, %get3A_34] : memref<128x128xf32, #tpu.memory_space<vmem>>, vector<128x128xf32>
    %dot_general3A_36 = arith.constant dense<0.000000e+00> : vector<1000x128xf32>
    %dot_general3A_37 = tpu.matmul %get3A_32, %get3A_35, %dot_general3A_36 {dimension_numbers = #tpu.dot_dimension_numbers<[1], [0], [0], [1], [0, 0, 1, 1], [], []>, transpose_lhs_hint = false} : vector<1000x128xf32>, vector<128x128xf32>, vector<1000x128xf32> -> vector<1000x128xf32>
    %add3A_38 = arith.addf %dot_general3A_29, %dot_general3A_37 : vector<1000x128xf32>
    %get3A_39 = arith.constant 0 : index
    %get3A_40 = arith.constant 0 : index
    %get3A_41 = vector.load %arg6[%get3A_39, %get3A_40] : memref<1x128xf32, #tpu.memory_space<vmem>>, vector<1x128xf32>
    %get3A_42 = vector.shape_cast %get3A_41 : vector<1x128xf32> to vector<128xf32>
    %broadcast_in_dim3A = vector.shape_cast %get3A_42 : vector<128xf32> to vector<1x128xf32>
    %add3A_43 = vector.broadcast %broadcast_in_dim3A : vector<1x128xf32> to vector<1000x128xf32>
    %add3A_44 = arith.addf %add3A_38, %add3A_43 : vector<1000x128xf32>
    %max3A_45 = arith.constant 0.000000e+00 : f32
    %max3A_46 = vector.broadcast %max3A_45 : f32 to vector<1000x128xf32>
    %max3A_47 = arith.maximumf %add3A_44, %max3A_46 : vector<1000x128xf32>
    %get3A_48 = arith.constant 0 : index
    %get3A_49 = arith.constant 0 : index
    %get3A_50 = vector.load %arg7[%get3A_48, %get3A_49] : memref<128x64xf32, #tpu.memory_space<vmem>>, vector<128x64xf32>
    %dot_general3A_51 = arith.constant dense<0.000000e+00> : vector<1000x64xf32>
    %dot_general3A_52 = tpu.matmul %max3A_47, %get3A_50, %dot_general3A_51 {dimension_numbers = #tpu.dot_dimension_numbers<[1], [0], [0], [1], [0, 0, 1, 1], [], []>, transpose_lhs_hint = false} : vector<1000x128xf32>, vector<128x64xf32>, vector<1000x64xf32> -> vector<1000x64xf32>
    %swap3A = arith.constant 0 : index
    %swap3A_53 = arith.constant 0 : index
    %swap3A_54 = vector.load %arg10[%swap3A, %swap3A_53] : memref<1000x64xf32, #tpu.memory_space<vmem>>, vector<1000x64xf32>
    tpu.vector_store %arg10[%swap3A, %swap3A_53], %dot_general3A_52 {strides = array<i32>} : memref<1000x64xf32, #tpu.memory_space<vmem>>, vector<1000x64xf32>,
    %get3A_55 = arith.constant 0 : index
    %get3A_56 = arith.constant 0 : index
    %get3A_57 = vector.load %arg8[%get3A_55, %get3A_56] : memref<128x64xf32, #tpu.memory_space<vmem>>, vector<128x64xf32>
    %dot_general3A_58 = arith.constant dense<0.000000e+00> : vector<1000x64xf32>
    %dot_general3A_59 = tpu.matmul %max3A_47, %get3A_57, %dot_general3A_58 {dimension_numbers = #tpu.dot_dimension_numbers<[1], [0], [0], [1], [0, 0, 1, 1], [], []>, transpose_lhs_hint = false} : vector<1000x128xf32>, vector<128x64xf32>, vector<1000x64xf32> -> vector<1000x64xf32>
    %get3A_60 = arith.constant 0 : index
    %get3A_61 = arith.constant 0 : index
    %get3A_62 = vector.load %arg9[%get3A_60, %get3A_61] : memref<1x64xf32, #tpu.memory_space<vmem>>, vector<1x64xf32>
    %get3A_63 = vector.shape_cast %get3A_62 : vector<1x64xf32> to vector<64xf32>
    %broadcast_in_dim3A_64 = vector.shape_cast %get3A_63 : vector<64xf32> to vector<1x64xf32>
    %add3A_65 = vector.broadcast %broadcast_in_dim3A_64 : vector<1x64xf32> to vector<1000x64xf32>
    %add3A_66 = arith.addf %dot_general3A_59, %add3A_65 : vector<1000x64xf32>
    %swap3A_67 = arith.constant 0 : index
    %swap3A_68 = arith.constant 0 : index
    %swap3A_69 = vector.load %arg11[%swap3A_67, %swap3A_68] : memref<1000x64xf32, #tpu.memory_space<vmem>>, vector<1000x64xf32>
    tpu.vector_store %arg11[%swap3A_67, %swap3A_68], %add3A_66 {strides = array<i32>} : memref<1000x64xf32, #tpu.memory_space<vmem>>, vector<1000x64xf32>,
    return
  }
  func.func @transform_0(%arg0: i32) -> (i32, i32, i32) {
    %c0_i32 = arith.constant 0 : i32
    %c0_i32_0 = arith.constant 0 : i32
    %c0_i32_1 = arith.constant 0 : i32
    return %c0_i32, %arg0, %c0_i32_0 : i32, i32, i32
  }
  func.func @transform_1(%arg0: i32) -> (i32, i32, i32) {
    %c0_i32 = arith.constant 0 : i32
    %c0_i32_0 = arith.constant 0 : i32
    %c0_i32_1 = arith.constant 0 : i32
    return %c0_i32, %arg0, %c0_i32_0 : i32, i32, i32
  }
  func.func @transform_2(%arg0: i32) -> (i32, i32) {
    %c0_i32 = arith.constant 0 : i32
    %c0_i32_0 = arith.constant 0 : i32
    return %arg0, %c0_i32 : i32, i32
  }
  func.func @transform_3(%arg0: i32) -> (i32, i32) {
    %c0_i32 = arith.constant 0 : i32
    %c0_i32_0 = arith.constant 0 : i32
    %c0_i32_1 = arith.constant 0 : i32
    return %c0_i32, %c0_i32_0 : i32, i32
  }
  func.func @transform_4(%arg0: i32) -> (i32, i32) {
    %c0_i32 = arith.constant 0 : i32
    %c0_i32_0 = arith.constant 0 : i32
    %c0_i32_1 = arith.constant 0 : i32
    return %c0_i32, %c0_i32_0 : i32, i32
  }
  func.func @transform_5(%arg0: i32) -> (i32, i32) {
    %c0_i32 = arith.constant 0 : i32
    %c0_i32_0 = arith.constant 0 : i32
    %c0_i32_1 = arith.constant 0 : i32
    return %c0_i32, %c0_i32_0 : i32, i32
  }
  func.func @transform_6(%arg0: i32) -> (i32, i32) {
    %c0_i32 = arith.constant 0 : i32
    %c0_i32_0 = arith.constant 0 : i32
    %c0_i32_1 = arith.constant 0 : i32
    return %c0_i32, %c0_i32_0 : i32, i32
  }
  func.func @transform_7(%arg0: i32) -> (i32, i32) {
    %c0_i32 = arith.constant 0 : i32
    %c0_i32_0 = arith.constant 0 : i32
    %c0_i32_1 = arith.constant 0 : i32
    return %c0_i32, %c0_i32_0 : i32, i32
  }
  func.func @transform_8(%arg0: i32) -> (i32, i32) {
    %c0_i32 = arith.constant 0 : i32
    %c0_i32_0 = arith.constant 0 : i32
    %c0_i32_1 = arith.constant 0 : i32
    return %c0_i32, %c0_i32_0 : i32, i32
  }
  func.func @transform_9(%arg0: i32) -> (i32, i32) {
    %c0_i32 = arith.constant 0 : i32
    %c0_i32_0 = arith.constant 0 : i32
    return %arg0, %c0_i32 : i32, i32
  }
  func.func @transform_10(%arg0: i32) -> (i32, i32) {
    %c0_i32 = arith.constant 0 : i32
    %c0_i32_0 = arith.constant 0 : i32
    return %arg0, %c0_i32 : i32, i32
  }
}

module attributes {stable_mosaic.version = 14 : i64} {
  func.func @_tc2_body(%arg0: i32, %arg1: memref<2x1000x64xf32, #tpu.memory_space<vmem>>, %arg2: memref<2x1000x16xf32, #tpu.memory_space<vmem>>, %arg3: memref<1000x64xf32, #tpu.memory_space<vmem>>, %arg4: memref<1000x64xf32, #tpu.memory_space<vmem>>) attributes {dimension_semantics = [#tpu.dimension_semantics<arbitrary>], iteration_bounds = array<i64: 10>, scalar_prefetch = 0 : i64, scratch_operands = 0 : i64, tpu.core_type = #tpu.core_type<tc>, window_params = [{transform_indices = @transform_0, window_bounds = array<i64: 2, 1000, 64>}, {transform_indices = @transform_1, window_bounds = array<i64: 2, 1000, 16>}, {transform_indices = @transform_2, window_bounds = array<i64: 1000, 64>}, {transform_indices = @transform_3, window_bounds = array<i64: 1000, 64>}]} {
    %get3A = arith.constant 0 : index
    %get3A_0 = arith.constant 0 : index
    %get3A_1 = arith.constant 0 : index
    %get3A_2 = vector.load %arg1[%get3A, %get3A_0, %get3A_1] : memref<2x1000x64xf32, #tpu.memory_space<vmem>>, vector<1x1000x64xf32>
    %get3A_3 = vector.shape_cast %get3A_2 : vector<1x1000x64xf32> to vector<1000x64xf32>
    %get3A_4 = arith.constant 1 : index
    %get3A_5 = arith.constant 0 : index
    %get3A_6 = arith.constant 0 : index
    %get3A_7 = vector.load %arg1[%get3A_4, %get3A_5, %get3A_6] : memref<2x1000x64xf32, #tpu.memory_space<vmem>>, vector<1x1000x64xf32>
    %get3A_8 = vector.shape_cast %get3A_7 : vector<1x1000x64xf32> to vector<1000x64xf32>
    %add3A = arith.addf %get3A_3, %get3A_8 : vector<1000x64xf32>
    %get3A_9 = arith.constant 0 : index
    %get3A_10 = arith.constant 0 : index
    %get3A_11 = arith.constant 0 : index
    %get3A_12 = vector.load %arg2[%get3A_9, %get3A_10, %get3A_11] : memref<2x1000x16xf32, #tpu.memory_space<vmem>>, vector<1x1000x16xf32>
    %get3A_13 = vector.shape_cast %get3A_12 : vector<1x1000x16xf32> to vector<1000x16xf32>
    %slice3A = vector.extract_strided_slice %get3A_13 {offsets = [0, 0], sizes = [1000, 1], strides = [1, 1]} : vector<1000x16xf32> to vector<1000x1xf32>
    %get3A_14 = arith.constant 1 : index
    %get3A_15 = arith.constant 0 : index
    %get3A_16 = arith.constant 0 : index
    %get3A_17 = vector.load %arg2[%get3A_14, %get3A_15, %get3A_16] : memref<2x1000x16xf32, #tpu.memory_space<vmem>>, vector<1x1000x16xf32>
    %get3A_18 = vector.shape_cast %get3A_17 : vector<1x1000x16xf32> to vector<1000x16xf32>
    %slice3A_19 = vector.extract_strided_slice %get3A_18 {offsets = [0, 0], sizes = [1000, 1], strides = [1, 1]} : vector<1000x16xf32> to vector<1000x1xf32>
    %add3A_20 = arith.addf %slice3A, %slice3A_19 : vector<1000x1xf32>
    %get3A_21 = arith.constant 0 : index
    %get3A_22 = arith.constant 0 : index
    %get3A_23 = vector.load %arg3[%get3A_21, %get3A_22] : memref<1000x64xf32, #tpu.memory_space<vmem>>, vector<1000x64xf32>
    %max3A = arith.constant 1.000000e+00 : f32
    %max3A_24 = vector.broadcast %max3A : f32 to vector<1000x1xf32>
    %max3A_25 = arith.maximumf %add3A_20, %max3A_24 : vector<1000x1xf32>
    %div3A = arith.constant 1.000000e+00 : f32
    %div3A_26 = vector.broadcast %div3A : f32 to vector<1000x1xf32>
    %div3A_27 = arith.divf %div3A_26, %max3A_25 : vector<1000x1xf32>
    %mul3A = vector.broadcast %div3A_27 : vector<1000x1xf32> to vector<1000x64xf32>
    %mul3A_28 = arith.mulf %add3A, %mul3A : vector<1000x64xf32>
    %add3A_29 = arith.addf %get3A_23, %mul3A_28 : vector<1000x64xf32>
    %reduce_max3A = arith.constant dense<0xFF800000> : vector<1000xf32>
    %reduce_max3A_30 = vector.multi_reduction <maximumf>, %add3A_29, %reduce_max3A [1] : vector<1000x64xf32> to vector<1000xf32>
    %broadcast_in_dim3A = vector.shape_cast %reduce_max3A_30 : vector<1000xf32> to vector<1000x1xf32>
    %sub3A = vector.broadcast %broadcast_in_dim3A : vector<1000x1xf32> to vector<1000x64xf32>
    %sub3A_31 = arith.subf %add3A_29, %sub3A : vector<1000x64xf32>
    %exp3A = math.exp %sub3A_31 : vector<1000x64xf32>
    %reduce_sum3A = arith.constant dense<0.000000e+00> : vector<1000xf32>
    %reduce_sum3A_32 = vector.multi_reduction <add>, %exp3A, %reduce_sum3A [1] : vector<1000x64xf32> to vector<1000xf32>
    %broadcast_in_dim3A_33 = vector.shape_cast %reduce_sum3A_32 : vector<1000xf32> to vector<1000x1xf32>
    %sub3A_34 = vector.broadcast %broadcast_in_dim3A : vector<1000x1xf32> to vector<1000x64xf32>
    %sub3A_35 = arith.subf %add3A_29, %sub3A_34 : vector<1000x64xf32>
    %log3A = math.log %broadcast_in_dim3A_33 : vector<1000x1xf32>
    %sub3A_36 = vector.broadcast %log3A : vector<1000x1xf32> to vector<1000x64xf32>
    %sub3A_37 = arith.subf %sub3A_35, %sub3A_36 : vector<1000x64xf32>
    %swap3A = arith.constant 0 : index
    %swap3A_38 = arith.constant 0 : index
    %swap3A_39 = vector.load %arg4[%swap3A, %swap3A_38] : memref<1000x64xf32, #tpu.memory_space<vmem>>, vector<1000x64xf32>
    tpu.vector_store %arg4[%swap3A, %swap3A_38], %sub3A_37 {strides = array<i32>} : memref<1000x64xf32, #tpu.memory_space<vmem>>, vector<1000x64xf32>,
    return
  }
  func.func @transform_0(%arg0: i32) -> (i32, i32, i32) {
    %c0_i32 = arith.constant 0 : i32
    %c0_i32_0 = arith.constant 0 : i32
    %c0_i32_1 = arith.constant 0 : i32
    return %c0_i32, %arg0, %c0_i32_0 : i32, i32, i32
  }
  func.func @transform_1(%arg0: i32) -> (i32, i32, i32) {
    %c0_i32 = arith.constant 0 : i32
    %c0_i32_0 = arith.constant 0 : i32
    %c0_i32_1 = arith.constant 0 : i32
    return %c0_i32, %arg0, %c0_i32_0 : i32, i32, i32
  }
  func.func @transform_2(%arg0: i32) -> (i32, i32) {
    %c0_i32 = arith.constant 0 : i32
    %c0_i32_0 = arith.constant 0 : i32
    return %arg0, %c0_i32 : i32, i32
  }
  func.func @transform_3(%arg0: i32) -> (i32, i32) {
    %c0_i32 = arith.constant 0 : i32
    %c0_i32_0 = arith.constant 0 : i32
    return %arg0, %c0_i32 : i32, i32
  }
}

</mosaic_0001>

<sc_bundles>
// kernel: kernel.6.cloned.1.call-start
scs
__scs_entry_jumppad:
0x0: {  	(pc) =	sbr.rel $0x88, $3  }
0x1: {  	(tag) =	ssettag $0x0;
	lr =	simm.s32 $0x1  }
0x2: {  	[smem:$0x3F99] =	sst lr;
	_ =	strace $0xD0000000  }
0x3: {  	_ = 	snop  }
0x4: {  	_ = 	snop  }
0x5: {  	_ = 	snop  }
0x6: {  	_ = 	snop  }
0x7: {  	_ = 	snop  }
__scs_overlays_trampoline_lowered:
0x8: {  	[smem:$0x3FA8] =	sst s0  }
0x9: {  	[smem:$0x3FA9] =	sst s1  }
0xa: {  	[smem:$0x3FAA] =	sst s2  }
0xb: {  	[smem:$0x3FAB] =	sst s3  }
0xc: {  	[smem:$0x3FAC] =	sst s4  }
0xd: {  	[smem:$0x3FAD] =	sst s5  }
0xe: {  	[smem:$0x3FAE] =	sst s6  }
0xf: {  	[smem:$0x3FAF] =	sst s7  }
0x10: {  	[smem:$0x3FB0] =	sst s8  }
0x11: {  	[smem:$0x3FB1] =	sst s9;
	s0 =	simm.s32 @!p0 $0x0  }
0x12: {  	s1 =	sld [smem:$0x3F97];
	s0 =	simm.s32 @p0 $0x1  }
0x13: {  	[smem:$0x3FB2] =	sst s0;
	s0 =	simm.s32 @!p1 $0x0  }
0x14: {  	s2 =	sld [smem:$0x3F96];
	s0 =	simm.s32 @p1 $0x1  }
0x15: {  	[smem:$0x3FB3] =	sst s0;
	s0 =	simm.s32 @!p2 $0x0  }
0x16: {  	s3 =	sld [smem:$0x3FDB];
	s0 =	simm.s32 @p2 $0x1  }
0x17: {  	s4 =	simm.s32 $0x1BF5;
	[smem:$0x3FB5] =	sst s0  }
0x18: {  	s0 =	sld [smem:$0x3F98];
	_ =	swait.ge [sflag:s4], $0x0  }
0x19: {  	s7 =	sld [smem:$0x3F99]  }
0x1a: {  	s8 =	sadd.s32 $0xFFFFE003, lr  }
0x1b: {  	s9 =	sadd.s32 $0xFFFFFEF7, lr;
	s5 =	simm.s32 $0xFFFFFFFF;
	p2 =	slt.u32 s8, $0xFFFFF086  }
0x1c: {  	p1 =	slt.u32 s9, $0xF7A;
	s5 =	simm.s32 @!p2 $0x0  }
0x1d: {  	s5 =	simm.s32 @p1 $0x1;
	p0 =	seq.s32 s7, s2  }
0x1e: {  	s7 =	smul.u32 @!p0 $0xF7A, s2;
	p2 =	seq.s32 @!p0 s5, $0x0  }
0x1f: {  	s9 =	smul.u32 $0xF7A, s1;
	s8 =	simm.s32 @!p0 $0x1BF5;
	p2 =	por !p2, p0  }
0x20: {  	[sflag:s8] =	ssyncset.s32 @!p0 $0xFFFFF086;
	s6 =	sadd.s32 @!p0 s3, s7;
	s7 =	simm.s32 @!p0 $0x108  }
0x21: {  	s3 =	sadd.s32 s3, s9;
	s6 =	sadd.s32 @!p0 $0x88, s6;
	s7 =	simm.s32 @p2 $0x1082  }
0x22: {  	[simem:s7], [sflag:s8] =	dma.local @!p0 [hbm:s6], $0xF7A  }
0x23: {  	s9 =	sor.u32 $0xD0000000, s2;
	s6 =	simm.s32 $0x108;
	_ =	swait.ge @!p0 [sflag:s8], $0x0  }
0x24: {  	s3 =	sadd.s32 $0x88, s3;
	s6 =	simm.s32 @!p1 $0x1082;
	[sflag:s4] =	ssyncset.s32 $0xFFFFF086  }
0x25: {  	[simem:s6], [sflag:s4] =	dma.local [hbm:s3], $0xF7A  }
0x26: {  	[smem:$0x3F99] =	sst s1;
	(tag) =	ssettag s2;
	_ =	strace s9  }
0x27: {  	s1 =	sld [smem:$0x3FA9]  }
0x28: {  	s2 =	sld [smem:$0x3FAA]  }
0x29: {  	s4 =	sld [smem:$0x3FAC]  }
0x2a: {  	p0 =	seq.s32 s5, $0x0;
	s5 =	sld [smem:$0x3FAD]  }
0x2b: {  	s6 =	sld [smem:$0x3FAE]  }
0x2c: {  	s7 =	sld [smem:$0x3FAF]  }
0x2d: {  	s3 =	simm.s32 $0x108;
	s8 =	sld [smem:$0x3FB0]  }
0x2e: {  	s3 =	simm.s32 @!p0 $0x1082;
	s9 =	sld [smem:$0x3FB1]  }
0x2f: {  	lr =	sadd.s32 s0, s3;
	s0 =	sld [smem:$0x3FA8]  }
0x30: {  	s3 =	sld [smem:$0x3FAB]  }
0x31: {  	[smem:$0x3FB4] =	sst s10  }
0x32: {  	s10 =	sld [smem:$0x3FB2];
	_ =	sdelay $0x3  }
0x33: {  	p0 =	seq.s32 s10, $0x1;
	s10 =	sld [smem:$0x3FB4];
	_ =	sdelay $0x3  }
0x34: {  	[smem:$0x3FB4] =	sst s10  }
0x35: {  	s10 =	sld [smem:$0x3FB3];
	_ =	sdelay $0x3  }
0x36: {  	p1 =	seq.s32 s10, $0x1;
	s10 =	sld [smem:$0x3FB4];
	_ =	sdelay $0x3  }
0x37: {  	[smem:$0x3FB4] =	sst s10  }
0x38: {  	s10 =	sld [smem:$0x3FB5]  }
0x39: {  	_ = 	snop;
	(pc) =	sbr.ind lr, $3  }
0x3a: {  	_ = 	snop  }
0x3b: {  	_ = 	snop  }
0x3c: {  	p2 =	seq.s32 s10, $0x1;
	s10 =	sld [smem:$0x3FB4]  }
0x3d: {  	_ =	shalt  }
0x3e: {  	_ =	shalt  }
0x3f: {  	_ =	shalt  }
0x40: {  	_ =	shalt  }
0x41: {  	_ =	shalt  }
0x42: {  	_ =	shalt  }
0x43: {  	_ =	shalt  }
0x44: {  	_ =	shalt  }
0x45: {  	_ =	shalt  }
0x46: {  	_ =	shalt  }
0x47: {  	_ =	shalt  }
0x48: {  	_ =	shalt  }
0x49: {  	_ =	shalt  }
0x4a: {  	_ =	shalt  }
0x4b: {  	_ =	shalt  }
0x4c: {  	_ =	shalt  }
0x4d: {  	_ =	shalt  }
0x4e: {  	_ =	shalt  }
0x4f: {  	_ =	shalt  }
0x50: {  	_ =	shalt  }
0x51: {  	_ =	shalt  }
0x52: {  	_ =	shalt  }
0x53: {  	_ =	shalt  }
0x54: {  	_ =	shalt  }
0x55: {  	_ =	shalt  }
0x56: {  	_ =	shalt  }
0x57: {  	_ =	shalt  }
0x58: {  	_ =	shalt  }
0x59: {  	_ =	shalt  }
0x5a: {  	_ =	shalt  }
0x5b: {  	_ =	shalt  }
0x5c: {  	_ =	shalt  }
0x5d: {  	_ =	shalt  }
0x5e: {  	_ =	shalt  }
0x5f: {  	_ =	shalt  }
0x60: {  	_ =	shalt  }
0x61: {  	_ =	shalt  }
0x62: {  	_ =	shalt  }
0x63: {  	_ =	shalt  }
0x64: {  	_ =	shalt  }
0x65: {  	_ =	shalt  }
0x66: {  	_ =	shalt  }
0x67: {  	_ =	shalt  }
0x68: {  	_ =	shalt  }
0x69: {  	_ =	shalt  }
0x6a: {  	_ =	shalt  }
0x6b: {  	_ =	shalt  }
0x6c: {  	_ =	shalt  }
0x6d: {  	_ =	shalt  }
0x6e: {  	_ =	shalt  }
0x6f: {  	_ =	shalt  }
0x70: {  	_ =	shalt  }
0x71: {  	_ =	shalt  }
0x72: {  	_ =	shalt  }
0x73: {  	_ =	shalt  }
0x74: {  	_ =	shalt  }
0x75: {  	_ =	shalt  }
0x76: {  	_ =	shalt  }
0x77: {  	_ =	shalt  }
0x78: {  	_ =	shalt  }
0x79: {  	_ =	shalt  }
0x7a: {  	_ =	shalt  }
0x7b: {  	_ =	shalt  }
0x7c: {  	_ =	shalt  }
0x7d: {  	_ =	shalt  }
0x7e: {  	_ =	shalt  }
0x7f: {  	_ =	shalt  }
0x80: {  	_ =	shalt  }
0x81: {  	_ =	shalt  }
0x82: {  	_ =	shalt  }
0x83: {  	_ =	shalt  }
0x84: {  	_ =	shalt  }
0x85: {  	_ =	shalt  }
0x86: {  	_ =	shalt  }
0x87: {  	_ =	shalt  }
.Lfunc_end0:
.L_simem_size_0:
called_computation_lowered:
.L_overlay_start_0:
0x88: {  	s2 =	sld [smem:$0x3FD9]  }
0x89: {  	s3 =	sld [smem:$0x3FFE];
	_ =	sdelay $0x1  }
0x8a: {  	s1 =	srdreg.scid  }
0x8b: {  	s0 =	sand.u32 $0x1, s1  }
0x8c: {  	s17 =	sshll.u32 s0, $0xA;
	s2 =	sadd.s32 s3, s2  }
0x8d: {  	s2 =	sadd.s32 s2, s17  }
0x8e: {  	[smem:$0x3FC0] =	sst s2  }
0x8f: {  	_ = 	snop  }
0x90: {  	s2 =	sld [smem:$0x3FC9]  }
0x91: {  	s18 =	sld [smem:$0x3FD0];
	(tm) =	ssettm $0x1  }
0x92: {  	s4 =	sld [smem:$0x3FFB];
	_ =	sdelay $0x3  }
0x93: {  	_ =	strace s4  }
0x94: {  	s4 =	sld [smem:$0x3FFC];
	_ =	sdelay $0x3  }
0x95: {  	_ =	strace s4  }
0x96: {  	s4 =	sld [smem:$0x3FFD];
	_ =	sdelay $0x3  }
0x97: {  	_ =	strace s4  }
0x98: {  	_ =	strace $0x8FFFFFFF  }
0x99: {  	s19 =	sld [smem:$0x3FDB];
	_ =	sdelay $0x1  }
0x9a: {  	s5 =	simm.s32 $_scs_section_size  }
0x9b: {  	s6 =	simm.s32 $_size__tile_overlayer_lowered;
	s7 =	simm.s32 $_tile_overlayer_lowered  }
0x9c: {  	s22 =	simm.s32 $0x1BFF;
	s21 =	sshll.u32 s7, $0x1;
	s4 =	sadd.s32 s5, s19  }
0x9d: {  	s8 =	simm.s32 $0x0;
	s20 =	sshll.u32 s6, $0x1;
	s6 =	sadd.s32 s21, s4  }
0x9e: {  	[timem:s8], [sflag:s22] =	dma.local [hbm:s6], s20  }
0x9f: {  	_ =	swait.ge [sflag:s22], s20  }
0xa0: {  	s5 =	ssub.s32 $0x0, s20;
	[sflag:s22] =	ssyncset.done $0x0  }
0xa1: {  	[sflag:s22] =	ssyncadd.s32 s5;
	_ =	sdelay $0x1  }
0xa2: {  	s23 =	simm.s32 $0x1B8B  }
0xa3: {  	_ =	swait.ge [sflag:s23], $0x1  }
0xa4: {  	[sflag:s23] =	ssyncset.done $0x0  }
0xa5: {  	s25 =	simm.s32 $0x1B8E;
	s24 =	sld [smem:$0x3FFE];
	[sflag:s23] =	ssyncadd.s32 $0xFFFFFFFF  }
0xa6: {  	s26 =	simm.s32 $execute0_lowered;
	[smem:$0x3FD2] =	sst s25  }
0xa7: {  	s6 =	sshll.u32 s26, $0x1;
	_ =	strace $0x80000046;
	[dreg:$0x1] =	wrdreg $0xFFFFFFFF  }
0xa8: {  	s28 =	simm.s32 $_size_execute0_lowered;
	s4 =	sadd.s32 s4, s6;
	[dreg:$0x0] =	wrdreg $0x0  }
0xa9: {  	s6 =	sshll.u32 s28, $0x1;
	[dreg:$0x2] =	wrdreg s4  }
0xaa: {  	[dreg:$0x3] =	wrdreg s6  }
0xab: {  	[dreg:$0x4] =	wrdreg $0xC0  }
0xac: {  	_ =	task [dreg:s8], $0x5FFFF  }
0xad: {  	[dreg:$0x1] =	wrdreg $0xFFFFFFFF  }
0xae: {  	[dreg:$0x0] =	wrdreg $0x60  }
0xaf: {  	[dreg:$0x2] =	wrdreg s2  }
0xb0: {  	[dreg:$0x3] =	wrdreg s18  }
0xb1: {  	[dreg:$0x4] =	wrdreg s24  }
0xb2: {  	[dreg:$0x5] =	wrdreg $0x8C000  }
0xb3: {  	[dreg:$0x6] =	wrdreg $0x1CC000  }
0xb4: {  	[dreg:$0x7] =	wrdreg $0x9  }
0xb5: {  	_ =	task.clear_ibuf [dreg:s8], $0x8FFFF;
	_ =	strace $0x90000046  }
0xb6: {  	s29 =	simm.s32 $0x9;
	_ =	strace $0x80000048  }
0xb7: {  	_ =	swait.ge [sflag:s29], $0x1  }
0xb8: {  	[sflag:s29] =	ssyncadd.s32 $0xFFFFFFFF  }
0xb9: {  	_ =	strace $0x90000048  }
0xba: {  	_ =	sfence  }
0xbb: {  	s30 =	sld [smem:$0x0];
	_ =	sdelay $0x2  }
0xbc: {  	s31 =	sshll.u32 s1, $0xD;
	s1 =	sshrl.u32 s1, $0x2  }
0xbd: {  	s3 =	sand.u32 $0x4000, s31;
	s1 =	sadd.s32 s1, s30  }
0xbe: {  	s0 =	sor.u32 s3, s0;
	s1 =	sshll.u32 s1, $0x11  }
0xbf: {  	s0 =	sor.u32 s1, s0  }
0xc0: {  	s0 =	sadd.s32 $0x8F2B, s0  }
0xc1: {  	[sflag:s0] =	ssyncadd.remote.s32 $0x1  }
0xc2: {  	_ =	sfence.sel $0xFFFF  }
0xc3: {  	[dreg:$0x0] =	wrdreg $0xFFFFFFFF;
	(pc) =	sbr.abs _section_cstart, $3  }
0xc4: {  	[dreg:$0x1] =	wrdreg $0xFFFFFFFF  }
0xc5: {  	_ =	task.clear_ibuf [dreg:s8], $0x2FFFF;
	_ =	strace $0x9FFFFFFF  }
0xc6: {  	(tm) =	ssettm $0x7FFFFFFF  }
0xc7: {  	_ =	shalt  }
tec
execute0_lowered:
.L_overlay_start_1:
0x0: {  	(tag) =	ssettag $0x1  }
0x1: {  	s1 =	rddreg [dreg:$0x0]  }
0x2: {  	s0 =	rddreg [dreg:$0x1]  }
0x3: {  	s4 =	stileid.u32;
	s2 =	srdreg.scid  }
0x4: {  	s5 =	rddreg [dreg:$0x2];
	s14 =	simm.s32 $0x0;
	s28 =	simm.s32 $0x7  }
0x5: {  	s29 =	simm.s32 $0x5;
	s30 =	simm.s32 $0x2;
	s31 =	simm.s32 $0x8  }
0x6: {  	s6 =	sand.u32 $0x1, s2;
	s3 =	sshll.u32 s4, $0x1;
	s9 =	smul.u32 $0x14000, s4  }
0x7: {  	s2 =	rddreg [dreg:$0x3];
	s8 =	sadd.s32 $0x1A00, s5;
	s12 =	smul.u32 $0x5000, s4  }
0x8: {  	s7 =	sor.u32 s6, s3;
	s10 =	ssub.s32 $0x2, s6;
	s13 =	smul.u32 $0x2800, s6  }
0x9: {  	[smem:$0x7FF] =	sst s14;
	s7 =	smul.u32 $0x2800, s7;
	s11 =	sshrl.u32 s10, $0x1  }
0xa: {  	s14 =	smul.u32 $0x2800, s4;
	s3 =	rddreg [dreg:$0x4];
	s10 =	ssub.s32 s10, s11  }
0xb: {  	s12 =	sadd.s32 s13, s12;
	s13 =	sshrl.u32 s9, $0x3;
	s7 =	sshrl.u32 s7, $0x3  }
0xc: {  	s19 =	sor.u32 $0x380, s12;
	s23 =	sor.u32 $0x300, s12;
	s24 =	sor.u32 $0x280, s12  }
0xd: {  	s12 =	sor.u32 $0x200, s12;
	s25 =	sor.u32 $0x10, s7;
	s15 =	sadd.s32 s0, s7  }
0xe: {  	s26 =	sadd.s32 s8, s7;
	s17 =	sor.u32 $0x20, s7;
	[dreg:$0x6] =	wrdreg s15  }
0xf: {  	s7 =	sor.u32 $0x30, s7;
	[dreg:$0x7] =	wrdreg s26;
	s16 =	sadd.s32 s0, s25  }
0x10: {  	s21 =	sshrl.u32 s19, $0x3;
	s11 =	sadd.s32 s8, s25;
	[dreg:$0x8] =	wrdreg s16  }
0x11: {  	s18 =	sadd.s32 s0, s17;
	s20 =	sadd.s32 s0, s7;
	[dreg:$0x9] =	wrdreg s11  }
0x12: {  	s7 =	sadd.s32 s8, s7;
	s22 =	sadd.s32 s21, s8;
	[dreg:$0xa] =	wrdreg s18  }
0x13: {  	s26 =	sshrl.u32 s12, $0x3;
	s12 =	smul.u32 $0x28000, s6;
	[dreg:$0xc] =	wrdreg s20  }
0x14: {  	s15 =	sshrl.u32 s14, $0x3;
	s11 =	sadd.s32 s8, s17;
	[dreg:$0xd] =	wrdreg s7  }
0x15: {  	[dreg:$0xe] =	wrdreg s22;
	s7 =	sshrl.u32 s23, $0x3;
	s20 =	sadd.s32 s26, s8  }
0x16: {  	s16 =	sshll.u32 s4, $0x6;
	s18 =	sadd.s32 s9, s2;
	s23 =	sadd.s32 s14, s3  }
0x17: {  	[dreg:$0xb] =	wrdreg s11;
	s11 =	sadd.s32 s21, s0;
	s25 =	sadd.s32 s7, s8  }
0x18: {  	s7 =	sadd.s32 s7, s0;
	s21 =	sadd.s32 s26, s0;
	[dreg:$0xf] =	wrdreg s11  }
0x19: {  	s26 =	smax.u32 s10, $0x1;
	s10 =	simm.s32 $0x180;
	[dreg:$0x10] =	wrdreg s25  }
0x1a: {  	s11 =	sshrl.u32 s24, $0x3;
	[dreg:$0x11] =	wrdreg s7;
	s7 =	simm.s32 $0x280  }
0x1b: {  	s17 =	sadd.s32 s11, s8;
	s19 =	sadd.s32 s11, s0;
	s11 =	smul.u32 $0x140000, s6  }
0x1c: {  	_ =	strace $0x80000047;
	s6 =	sadd.s32 s13, s5;
	[dreg:$0x13] =	wrdreg s18  }
0x1d: {  	s0 =	sadd.s32 s14, s12;
	s13 =	sor.u32 $0x1C0B, s16;
	[dreg:$0x16] =	wrdreg s23  }
0x1e: {  	[dreg:$0x1a] =	wrdreg s26;
	s18 =	simm.s32 $0xB;
	s23 =	simm.s32 $0x4  }
0x1f: {  	s26 =	simm.s32 $0x1;
	s12 =	simm.s32 $0x6;
	s14 =	simm.s32 $0x0  }
0x20: {  	s0 =	sshrl.u32 s0, $0x3;
	s22 =	sadd.s32 $0xBA00, s6;
	s6 =	simm.s32 $0x80  }
0x21: {  	[dreg:$0x15] =	wrdreg s13;
	s8 =	sadd.s32 s9, s11;
	s11 =	sadd.s32 s15, s5  }
0x22: {  	s0 =	sadd.s32 s0, s5;
	[dreg:$0x14] =	wrdreg s22;
	s9 =	simm.s32 $0x300  }
0x23: {  	s22 =	simm.s32 $0x400;
	s8 =	sshrl.u32 s8, $0x3;
	s24 =	sadd.s32 $0x33A00, s11  }
.Ltmp0:
0x24: {  	s0 =	sadd.s32 $0x38C00, s0;
	s11 =	simm.s32 $0x380;
	(pc) =	sbr.rel .LBB2_1-.Ltmp0, $4  }
0x25: {  	s8 =	sadd.s32 s8, s5;
	s5 =	sadd.s32 $0x38A00, s5;
	[dreg:$0x17] =	wrdreg s24  }
0x26: {  	[dreg:$0x19] =	wrdreg s0;
	s0 =	simm.s32 $0x8400;
	s24 =	simm.s32 $0x4400  }
0x27: {  	[dreg:$0x12] =	wrdreg s5;
	s25 =	sadd.s32 $0x42C00, s8;
	s5 =	simm.s32 $0x200  }
0x28: {  	s8 =	simm.s32 $0xA;
	[dreg:$0x18] =	wrdreg s25;
	s25 =	simm.s32 $0x9  }
.LBB2_4:
0x29: {  	[bflag:$0x0] =	sbarrier.arrive $0xFFFF  }
0x2a: {  	s13 =	rddreg [dreg:$0x15]  }
0x2b: {  	s4 =	rddreg [dreg:$0x18]  }
0x2c: {  	s14 =	rddreg [dreg:$0x1c]  }
0x2d: {  	[hbm:s4], [sflag:s13] =	dma.local [spmem:s14], $0x2800  }
0x2e: {  	_ =	swait.ge [sflag:s18], $0x2800  }
0x2f: {  	[sflag:s18] =	ssyncset.done $0x0;
	s15 =	rddreg [dreg:$0x19]  }
0x30: {  	s16 =	rddreg [dreg:$0x1d];
	[sflag:s18] =	ssyncadd.s32 $0xFFFFD800  }
0x31: {  	[hbm:s15], [sflag:s13] =	dma.local [spmem:s16], $0x500  }
0x32: {  	_ =	swait.ge [sflag:s18], $0x500  }
0x33: {  	s15 =	rddreg [dreg:$0x1b]  }
0x34: {  	s16 =	rddreg [dreg:$0x1a];
	s14 =	sadd.s32 $0x1, s15  }
0x35: {  	p0 =	sne.s32 s14, s16  }
.Ltmp1:
0x36: {  	_ = 	snop;
	(pc) =	sbr.rel @!p0 .LBB2_5-.Ltmp1, $3  }
0x37: {  	_ =	sdelay $0x1  }
0x38: {  	[sflag:s18] =	ssyncset.done $0x0  }
0x39: {  	[sflag:s18] =	ssyncadd.s32 $0xFFFFFB00  }
.LBB2_1:
0x3a: {  	[dreg:$0x1b] =	wrdreg s14  }
0x3b: {  	s4 =	rddreg [dreg:$0x13]  }
0x3c: {  	s16 =	rddreg [dreg:$0x14];
	s15 =	sshrl.u32 s4, $0x3  }
0x3d: {  	[dreg:$0x1c] =	wrdreg s15  }
0x3e: {  	[spmem:s15], [sflag:s13] =	dma.local [hbm:s16], $0x2800  }
0x3f: {  	_ =	swait.ge [sflag:s18], $0x2800  }
0x40: {  	s14 =	rddreg [dreg:$0x16]  }
0x41: {  	[sflag:s18] =	ssyncset.done $0x0;
	s16 =	rddreg [dreg:$0x17];
	s15 =	sshrl.u32 s14, $0x3  }
0x42: {  	[sflag:s18] =	ssyncadd.s32 $0xFFFFD800;
	[dreg:$0x1d] =	wrdreg s15  }
0x43: {  	[spmem:s15], [sflag:s13] =	dma.local [hbm:s16], $0x500  }
0x44: {  	_ =	swait.ge [sflag:s18], $0x500  }
0x45: {  	[sflag:s18] =	ssyncset.done $0x0  }
0x46: {  	s4 =	simm.s32 $0x0;
	s15 =	rddreg [dreg:$0x12];
	[sflag:s18] =	ssyncadd.s32 $0xFFFFFB00  }
0x47: {  	[tilespmem:s0], [sflag:$0xB] =	stream.linear.gather [hbm4b:s15+s4], $0x800, $0x38;
	[tilespmem:$0x1F400] =	vst v63  }
0x48: {  	_ =	swait.ge [sflag:s18], $0x800  }
0x49: {  	[sflag:s18] =	ssyncset.done $0x0  }
0x4a: {  	[sflag:s18] =	ssyncadd.s32 $0xFFFFF800  }
0x4b: {  	[bflag:$0x0] =	sbarrier.arrive $0xFFFF  }
0x4c: {  	s16 =	rddreg [dreg:$0x6]  }
0x4d: {  	[tilespmem:s4], [sflag:$0x3] =	stream.linear.gather [hbm4b:s16+s4], $0x80, $0x38;
	[tilespmem:$0x1F400] =	vst v63  }
0x4e: {  	s14 =	rddreg [dreg:$0x7]  }
0x4f: {  	[tilespmem:s5], [sflag:$0x7] =	stream.linear.gather [hbm4b:s14+s4], $0x80, $0x38;
	[tilespmem:$0x1F400] =	vst v63  }
0x50: {  	s15 =	rddreg [dreg:$0x8]  }
0x51: {  	[tilespmem:s6], [sflag:$0x4] =	stream.linear.gather [hbm4b:s15+s4], $0x80, $0x38;
	[tilespmem:$0x1F400] =	vst v63  }
0x52: {  	s16 =	rddreg [dreg:$0x9]  }
0x53: {  	[tilespmem:s7], [sflag:$0x8] =	stream.linear.gather [hbm4b:s16+s4], $0x80, $0x38;
	[tilespmem:$0x1F400] =	vst v63  }
0x54: {  	s14 =	rddreg [dreg:$0xa];
	s15 =	simm.s32 $0x100  }
0x55: {  	[tilespmem:s15], [sflag:$0x5] =	stream.linear.gather [hbm4b:s14+s4], $0x80, $0x38;
	[tilespmem:$0x1F400] =	vst v63  }
0x56: {  	s16 =	rddreg [dreg:$0xb]  }
0x57: {  	[tilespmem:s9], [sflag:$0x9] =	stream.linear.gather [hbm4b:s16+s4], $0x80, $0x38;
	[tilespmem:$0x1F400] =	vst v63  }
0x58: {  	s14 =	rddreg [dreg:$0xc]  }
0x59: {  	[tilespmem:s10], [sflag:$0x6] =	stream.linear.gather [hbm4b:s14+s4], $0x80, $0x38;
	[tilespmem:$0x1F400] =	vst v63  }
0x5a: {  	s15 =	rddreg [dreg:$0xd];
	s16 =	simm.s32 $0x3  }
0x5b: {  	[tilespmem:s11], [sflag:$0xA] =	stream.linear.gather [hbm4b:s15+s4], $0x80, $0x38;
	[tilespmem:$0x1F400] =	vst v63  }
0x5c: {  	_ =	swait.ge [sflag:s16], $0x80  }
0x5d: {  	[sflag:s16] =	ssyncset.done $0x0  }
0x5e: {  	[sflag:s16] =	ssyncadd.s32 $0xFFFFFF80  }
0x5f: {  	[tilespmem:s22], [sflag:$0x1] =	stream.indirect.gather [hbm4b:s1+s6], $0x80, s4, s6, $0xb8;
	[tilespmem:$0x1F400] =	vst v63  }
0x60: {  	_ =	swait.ge [sflag:s23], $0x80  }
0x61: {  	[sflag:s23] =	ssyncset.done $0x0  }
0x62: {  	s13 =	simm.s32 $0x0;
	[sflag:s23] =	ssyncadd.s32 $0xFFFFFF80  }
0x63: {  	[tilespmem:s24], [sflag:$0x2] =	stream.indirect.gather [hbm4b:s1+s6], $0x80, s6, s6, $0xb8;
	[tilespmem:$0x1F400] =	vst v63  }
.LBB2_2:
0x64: {  	_ =	swait.ge [sflag:s26], $0x4000  }
0x65: {  	[sflag:s26] =	ssyncset.done $0x0  }
0x66: {  	[sflag:s26] =	ssyncadd.s32 $0xFFFFC000  }
0x67: {  	_ =	swait.ge [sflag:s28], $0x80  }
0x68: {  	[sflag:s28] =	ssyncset.done $0x0  }
0x69: {  	[sflag:s28] =	ssyncadd.s32 $0xFFFFFF80  }
0x6a: {  	[spmem:s2] =	stream.indirect.scatter.add.f32 [tilespmem:s22], [sflag:$0xB], $0x80, s5, s6, $0xb8;
	[tilespmem:$0x1F400] =	vst v63  }
0x6b: {  	_ =	swait.ge [sflag:s18], $0x4000  }
0x6c: {  	[sflag:s18] =	ssyncset.done $0x0  }
0x6d: {  	[sflag:s18] =	ssyncadd.s32 $0xFFFFC000  }
0x6e: {  	[spmem:s3] =	stream.indirect.scatter.add.f32 [tilespmem:s0], [sflag:$0xB], $0x10, s5, s6, $0xb8;
	[tilespmem:$0x1F400] =	vst v63  }
0x6f: {  	_ =	swait.ge [sflag:s18], $0x800  }
0x70: {  	p0 =	seq.s32 s13, $0x4C0;
	[sflag:s18] =	ssyncset.done $0x0  }
0x71: {  	s14 =	sadd.s32 @!p0 s13, s21;
	s4 =	simm.s32 @!p0 $0x0;
	[sflag:s18] =	ssyncadd.s32 $0xFFFFF800  }
0x72: {  	[tilespmem:s4], [sflag:$0x3] =	stream.linear.gather @!p0 [hbm4b:s14+s4], $0x80, $0x38;
	[tilespmem:$0x1F400] =	vst v63  }
0x73: {  	s15 =	simm.s32 @!p0 $0x200;
	s14 =	sadd.s32 @!p0 s13, s20  }
0x74: {  	[tilespmem:s15], [sflag:$0x7] =	stream.linear.gather @!p0 [hbm4b:s14+s4], $0x80, $0x38;
	[tilespmem:$0x1F400] =	vst v63  }
0x75: {  	_ =	swait.ge [sflag:s29], $0x80  }
0x76: {  	[sflag:s29] =	ssyncset.done $0x0  }
0x77: {  	s16 =	simm.s32 $0x100;
	[sflag:s29] =	ssyncadd.s32 $0xFFFFFF80  }
0x78: {  	[tilespmem:s22], [sflag:$0x1] =	stream.indirect.gather [hbm4b:s1+s6], $0x80, s16, s6, $0xb8;
	[tilespmem:$0x1F400] =	vst v63  }
0x79: {  	_ =	swait.ge [sflag:s30], $0x4000  }
0x7a: {  	[sflag:s30] =	ssyncset.done $0x0  }
0x7b: {  	[sflag:s30] =	ssyncadd.s32 $0xFFFFC000  }
0x7c: {  	_ =	swait.ge [sflag:s31], $0x80  }
0x7d: {  	[sflag:s31] =	ssyncset.done $0x0  }
0x7e: {  	[sflag:s31] =	ssyncadd.s32 $0xFFFFFF80  }
0x7f: {  	[spmem:s2] =	stream.indirect.scatter.add.f32 [tilespmem:s24], [sflag:$0xB], $0x80, s7, s6, $0xb8;
	[tilespmem:$0x1F400] =	vst v63  }
0x80: {  	_ =	swait.ge [sflag:s18], $0x4000  }
0x81: {  	[sflag:s18] =	ssyncset.done $0x0  }
0x82: {  	[sflag:s18] =	ssyncadd.s32 $0xFFFFC000  }
0x83: {  	[spmem:s3] =	stream.indirect.scatter.add.f32 [tilespmem:s0], [sflag:$0xB], $0x10, s7, s6, $0xb8;
	[tilespmem:$0x1F400] =	vst v63  }
0x84: {  	_ =	swait.ge [sflag:s18], $0x800  }
0x85: {  	[sflag:s18] =	ssyncset.done $0x0  }
0x86: {  	s14 =	sadd.s32 @!p0 s13, s19;
	s15 =	simm.s32 @!p0 $0x80;
	[sflag:s18] =	ssyncadd.s32 $0xFFFFF800  }
0x87: {  	[tilespmem:s15], [sflag:$0x4] =	stream.linear.gather @!p0 [hbm4b:s14+s4], $0x80, $0x38;
	[tilespmem:$0x1F400] =	vst v63  }
0x88: {  	s16 =	simm.s32 @!p0 $0x280;
	s14 =	sadd.s32 @!p0 s13, s17  }
0x89: {  	[tilespmem:s16], [sflag:$0x8] =	stream.linear.gather @!p0 [hbm4b:s14+s4], $0x80, $0x38;
	[tilespmem:$0x1F400] =	vst v63  }
0x8a: {  	_ =	swait.ge [sflag:s12], $0x80  }
0x8b: {  	[sflag:s12] =	ssyncset.done $0x0  }
0x8c: {  	[sflag:s12] =	ssyncadd.s32 $0xFFFFFF80  }
0x8d: {  	[tilespmem:s24], [sflag:$0x2] =	stream.indirect.gather [hbm4b:s1+s6], $0x80, s10, s6, $0xb8;
	[tilespmem:$0x1F400] =	vst v63  }
0x8e: {  	_ =	swait.ge [sflag:s26], $0x4000  }
0x8f: {  	[sflag:s26] =	ssyncset.done $0x0  }
0x90: {  	[sflag:s26] =	ssyncadd.s32 $0xFFFFC000  }
0x91: {  	_ =	swait.ge [sflag:s25], $0x80  }
0x92: {  	[sflag:s25] =	ssyncset.done $0x0  }
0x93: {  	[sflag:s25] =	ssyncadd.s32 $0xFFFFFF80  }
0x94: {  	[spmem:s2] =	stream.indirect.scatter.add.f32 [tilespmem:s22], [sflag:$0xB], $0x80, s9, s6, $0xb8;
	[tilespmem:$0x1F400] =	vst v63  }
0x95: {  	_ =	swait.ge [sflag:s18], $0x4000  }
0x96: {  	[sflag:s18] =	ssyncset.done $0x0  }
0x97: {  	[sflag:s18] =	ssyncadd.s32 $0xFFFFC000  }
0x98: {  	[spmem:s3] =	stream.indirect.scatter.add.f32 [tilespmem:s0], [sflag:$0xB], $0x10, s9, s6, $0xb8;
	[tilespmem:$0x1F400] =	vst v63  }
0x99: {  	_ =	swait.ge [sflag:s18], $0x800  }
0x9a: {  	[sflag:s18] =	ssyncset.done $0x0;
	s14 =	rddreg [dreg:$0x11]  }
0x9b: {  	s16 =	simm.s32 @!p0 $0x100;
	[sflag:s18] =	ssyncadd.s32 $0xFFFFF800;
	s14 =	sadd.s32 @!p0 s13, s14  }
0x9c: {  	[tilespmem:s16], [sflag:$0x5] =	stream.linear.gather @!p0 [hbm4b:s14+s4], $0x80, $0x38;
	[tilespmem:$0x1F400] =	vst v63  }
0x9d: {  	s14 =	rddreg [dreg:$0x10]  }
0x9e: {  	s16 =	simm.s32 @!p0 $0x300;
	s14 =	sadd.s32 @!p0 s13, s14  }
0x9f: {  	[tilespmem:s16], [sflag:$0x9] =	stream.linear.gather @!p0 [hbm4b:s14+s4], $0x80, $0x38;
	[tilespmem:$0x1F400] =	vst v63  }
0xa0: {  	s14 =	simm.s32 @!p0 $0x3  }
0xa1: {  	_ =	swait.ge @!p0 [sflag:s14], $0x80  }
0xa2: {  	[sflag:s14] =	ssyncset.done @!p0 $0x0  }
0xa3: {  	[sflag:s14] =	ssyncadd.s32 @!p0 $0xFFFFFF80;
	s14 =	simm.s32 @!p0 $0x400  }
0xa4: {  	[tilespmem:s14], [sflag:$0x1] =	stream.indirect.gather @!p0 [hbm4b:s1+s15], $0x80, s4, s15, $0xb8;
	[tilespmem:$0x1F400] =	vst v63  }
0xa5: {  	_ =	swait.ge [sflag:s30], $0x4000  }
0xa6: {  	[sflag:s30] =	ssyncset.done $0x0  }
0xa7: {  	[sflag:s30] =	ssyncadd.s32 $0xFFFFC000  }
0xa8: {  	_ =	swait.ge [sflag:s8], $0x80  }
0xa9: {  	[sflag:s8] =	ssyncset.done $0x0  }
0xaa: {  	[sflag:s8] =	ssyncadd.s32 $0xFFFFFF80  }
0xab: {  	[spmem:s2] =	stream.indirect.scatter.add.f32 [tilespmem:s24], [sflag:$0xB], $0x80, s11, s6, $0xb8;
	[tilespmem:$0x1F400] =	vst v63  }
0xac: {  	_ =	swait.ge [sflag:s18], $0x4000  }
0xad: {  	[sflag:s18] =	ssyncset.done $0x0  }
.Ltmp2:
0xae: {  	[sflag:s18] =	ssyncadd.s32 $0xFFFFC000;
	(pc) =	sbr.rel @p0 .LBB2_4-.Ltmp2, $4  }
0xaf: {  	[spmem:s3] =	stream.indirect.scatter.add.f32 [tilespmem:s0], [sflag:$0xB], $0x10, s11, s6, $0xb8;
	[tilespmem:$0x1F400] =	vst v63  }
0xb0: {  	_ =	swait.ge [sflag:s18], $0x800  }
0xb1: {  	[sflag:s18] =	ssyncset.done $0x0  }
0xb2: {  	[sflag:s18] =	ssyncadd.s32 $0xFFFFF800  }
0xb3: {  	s4 =	rddreg [dreg:$0xf]  }
0xb4: {  	s14 =	simm.s32 $0x0;
	s16 =	rddreg [dreg:$0xe];
	s4 =	sadd.s32 s13, s4  }
0xb5: {  	[tilespmem:s10], [sflag:$0x6] =	stream.linear.gather [hbm4b:s4+s14], $0x80, $0x38;
	[tilespmem:$0x1F400] =	vst v63  }
0xb6: {  	s4 =	sadd.s32 s13, s16  }
0xb7: {  	[tilespmem:s11], [sflag:$0xA] =	stream.linear.gather [hbm4b:s4+s14], $0x80, $0x38;
	[tilespmem:$0x1F400] =	vst v63  }
.Ltmp3:
0xb8: {  	_ = 	snop;
	(pc) =	sbr.rel .LBB2_2-.Ltmp3, $4  }
0xb9: {  	_ =	swait.ge [sflag:s23], $0x80  }
0xba: {  	[sflag:s23] =	ssyncset.done $0x0  }
0xbb: {  	s13 =	sadd.s32 $0x40, s13;
	[sflag:s23] =	ssyncadd.s32 $0xFFFFFF80  }
0xbc: {  	[tilespmem:s24], [sflag:$0x2] =	stream.indirect.gather [hbm4b:s1+s6], $0x80, s6, s6, $0xb8;
	[tilespmem:$0x1F400] =	vst v63  }
.LBB2_5:
0xbd: {  	_ =	sfence.sel $0x180000  }
0xbe: {  	[bflag:$0x0] =	sbarrier.arrive $0xFFFF  }
0xbf: {  	_ =	strace $0x90000047  }
0xc0: {  	s0 =	stileid.u32;
	[bflag:$0x2] =	sbarrier.arrive $0xFFFF  }
0xc1: {  	p0 =	sne.s32 s0, $0x0;
	s0 =	rddreg [dreg:$0x5]  }
0xc2: {  	s0 =	sadd.s32 @!p0 $0x100000, s0  }
0xc3: {  	[sflag:s0] =	ssyncadd.tile.s32 @!p0 $0x1;
	_ =	shalt  }
.Lfunc_end2:
_tile_overlayer_lowered:
.L_overlay_start_2:
0xc4: {  	(tag) =	ssettag $0x2  }
0xc5: {  	s0 =	rddreg [dreg:$0x0];
	s2 =	stileid.u32  }
0xc6: {  	s1 =	rddreg [dreg:$0x1];
	p0 =	sne.s32 s2, $0x0  }
0xc7: {  	s3 =	rddreg [dreg:$0x2];
	[bflag:$0x3] =	sbarrier.arrive $0xFFFF;
	s2 =	simm.s32 @!p0 $0x1C0B  }
0xc8: {  	[timem:s3], [sflag:s2] =	dma.local @!p0 [hbm:s0], s1  }
0xc9: {  	s0 =	simm.s32 @!p0 $0xB  }
0xca: {  	_ =	swait.ge @!p0 [sflag:s0], s1  }
0xcb: {  	s1 =	ssub.s32 @!p0 $0x0, s1;
	[sflag:s0] =	ssyncset.done @!p0 $0x0  }
0xcc: {  	[sflag:s0] =	ssyncadd.s32 @!p0 s1  }
0xcd: {  	[bflag:$0x3] =	sbarrier.arrive $0xFFFF  }
0xce: {  	_ =	shalt  }

// kernel: kernel.9.cloned.1.call-start
scs
__scs_entry_jumppad:
0x0: {  	(pc) =	sbr.rel $0x88, $3  }
0x1: {  	(tag) =	ssettag $0x0;
	lr =	simm.s32 $0x1  }
0x2: {  	[smem:$0x3F99] =	sst lr;
	_ =	strace $0xD0000000  }
0x3: {  	_ = 	snop  }
0x4: {  	_ = 	snop  }
0x5: {  	_ = 	snop  }
0x6: {  	_ = 	snop  }
0x7: {  	_ = 	snop  }
__scs_overlays_trampoline_lowered:
0x8: {  	[smem:$0x3FA8] =	sst s0  }
0x9: {  	[smem:$0x3FA9] =	sst s1  }
0xa: {  	[smem:$0x3FAA] =	sst s2  }
0xb: {  	[smem:$0x3FAB] =	sst s3  }
0xc: {  	[smem:$0x3FAC] =	sst s4  }
0xd: {  	[smem:$0x3FAD] =	sst s5  }
0xe: {  	[smem:$0x3FAE] =	sst s6  }
0xf: {  	[smem:$0x3FAF] =	sst s7  }
0x10: {  	[smem:$0x3FB0] =	sst s8  }
0x11: {  	[smem:$0x3FB1] =	sst s9;
	s0 =	simm.s32 @!p0 $0x0  }
0x12: {  	s1 =	sld [smem:$0x3F97];
	s0 =	simm.s32 @p0 $0x1  }
0x13: {  	[smem:$0x3FB2] =	sst s0;
	s0 =	simm.s32 @!p1 $0x0  }
0x14: {  	s2 =	sld [smem:$0x3F96];
	s0 =	simm.s32 @p1 $0x1  }
0x15: {  	[smem:$0x3FB3] =	sst s0;
	s0 =	simm.s32 @!p2 $0x0  }
0x16: {  	s3 =	sld [smem:$0x3FDB];
	s0 =	simm.s32 @p2 $0x1  }
0x17: {  	s4 =	simm.s32 $0x1BF5;
	[smem:$0x3FB5] =	sst s0  }
0x18: {  	s0 =	sld [smem:$0x3F98];
	_ =	swait.ge [sflag:s4], $0x0  }
0x19: {  	s7 =	sld [smem:$0x3F99]  }
0x1a: {  	s8 =	sadd.s32 $0xFFFFE003, lr  }
0x1b: {  	s9 =	sadd.s32 $0xFFFFFEF7, lr;
	s5 =	simm.s32 $0xFFFFFFFF;
	p2 =	slt.u32 s8, $0xFFFFF086  }
0x1c: {  	p1 =	slt.u32 s9, $0xF7A;
	s5 =	simm.s32 @!p2 $0x0  }
0x1d: {  	s5 =	simm.s32 @p1 $0x1;
	p0 =	seq.s32 s7, s2  }
0x1e: {  	s7 =	smul.u32 @!p0 $0xF7A, s2;
	p2 =	seq.s32 @!p0 s5, $0x0  }
0x1f: {  	s9 =	smul.u32 $0xF7A, s1;
	s8 =	simm.s32 @!p0 $0x1BF5;
	p2 =	por !p2, p0  }
0x20: {  	[sflag:s8] =	ssyncset.s32 @!p0 $0xFFFFF086;
	s6 =	sadd.s32 @!p0 s3, s7;
	s7 =	simm.s32 @!p0 $0x108  }
0x21: {  	s3 =	sadd.s32 s3, s9;
	s6 =	sadd.s32 @!p0 $0x88, s6;
	s7 =	simm.s32 @p2 $0x1082  }
0x22: {  	[simem:s7], [sflag:s8] =	dma.local @!p0 [hbm:s6], $0xF7A  }
0x23: {  	s9 =	sor.u32 $0xD0000000, s2;
	s6 =	simm.s32 $0x108;
	_ =	swait.ge @!p0 [sflag:s8], $0x0  }
0x24: {  	s3 =	sadd.s32 $0x88, s3;
	s6 =	simm.s32 @!p1 $0x1082;
	[sflag:s4] =	ssyncset.s32 $0xFFFFF086  }
0x25: {  	[simem:s6], [sflag:s4] =	dma.local [hbm:s3], $0xF7A  }
0x26: {  	[smem:$0x3F99] =	sst s1;
	(tag) =	ssettag s2;
	_ =	strace s9  }
0x27: {  	s1 =	sld [smem:$0x3FA9]  }
0x28: {  	s2 =	sld [smem:$0x3FAA]  }
0x29: {  	s4 =	sld [smem:$0x3FAC]  }
0x2a: {  	p0 =	seq.s32 s5, $0x0;
	s5 =	sld [smem:$0x3FAD]  }
0x2b: {  	s6 =	sld [smem:$0x3FAE]  }
0x2c: {  	s7 =	sld [smem:$0x3FAF]  }
0x2d: {  	s3 =	simm.s32 $0x108;
	s8 =	sld [smem:$0x3FB0]  }
0x2e: {  	s3 =	simm.s32 @!p0 $0x1082;
	s9 =	sld [smem:$0x3FB1]  }
0x2f: {  	lr =	sadd.s32 s0, s3;
	s0 =	sld [smem:$0x3FA8]  }
0x30: {  	s3 =	sld [smem:$0x3FAB]  }
0x31: {  	[smem:$0x3FB4] =	sst s10  }
0x32: {  	s10 =	sld [smem:$0x3FB2];
	_ =	sdelay $0x3  }
0x33: {  	p0 =	seq.s32 s10, $0x1;
	s10 =	sld [smem:$0x3FB4];
	_ =	sdelay $0x3  }
0x34: {  	[smem:$0x3FB4] =	sst s10  }
0x35: {  	s10 =	sld [smem:$0x3FB3];
	_ =	sdelay $0x3  }
0x36: {  	p1 =	seq.s32 s10, $0x1;
	s10 =	sld [smem:$0x3FB4];
	_ =	sdelay $0x3  }
0x37: {  	[smem:$0x3FB4] =	sst s10  }
0x38: {  	s10 =	sld [smem:$0x3FB5]  }
0x39: {  	_ = 	snop;
	(pc) =	sbr.ind lr, $3  }
0x3a: {  	_ = 	snop  }
0x3b: {  	_ = 	snop  }
0x3c: {  	p2 =	seq.s32 s10, $0x1;
	s10 =	sld [smem:$0x3FB4]  }
0x3d: {  	_ =	shalt  }
0x3e: {  	_ =	shalt  }
0x3f: {  	_ =	shalt  }
0x40: {  	_ =	shalt  }
0x41: {  	_ =	shalt  }
0x42: {  	_ =	shalt  }
0x43: {  	_ =	shalt  }
0x44: {  	_ =	shalt  }
0x45: {  	_ =	shalt  }
0x46: {  	_ =	shalt  }
0x47: {  	_ =	shalt  }
0x48: {  	_ =	shalt  }
0x49: {  	_ =	shalt  }
0x4a: {  	_ =	shalt  }
0x4b: {  	_ =	shalt  }
0x4c: {  	_ =	shalt  }
0x4d: {  	_ =	shalt  }
0x4e: {  	_ =	shalt  }
0x4f: {  	_ =	shalt  }
0x50: {  	_ =	shalt  }
0x51: {  	_ =	shalt  }
0x52: {  	_ =	shalt  }
0x53: {  	_ =	shalt  }
0x54: {  	_ =	shalt  }
0x55: {  	_ =	shalt  }
0x56: {  	_ =	shalt  }
0x57: {  	_ =	shalt  }
0x58: {  	_ =	shalt  }
0x59: {  	_ =	shalt  }
0x5a: {  	_ =	shalt  }
0x5b: {  	_ =	shalt  }
0x5c: {  	_ =	shalt  }
0x5d: {  	_ =	shalt  }
0x5e: {  	_ =	shalt  }
0x5f: {  	_ =	shalt  }
0x60: {  	_ =	shalt  }
0x61: {  	_ =	shalt  }
0x62: {  	_ =	shalt  }
0x63: {  	_ =	shalt  }
0x64: {  	_ =	shalt  }
0x65: {  	_ =	shalt  }
0x66: {  	_ =	shalt  }
0x67: {  	_ =	shalt  }
0x68: {  	_ =	shalt  }
0x69: {  	_ =	shalt  }
0x6a: {  	_ =	shalt  }
0x6b: {  	_ =	shalt  }
0x6c: {  	_ =	shalt  }
0x6d: {  	_ =	shalt  }
0x6e: {  	_ =	shalt  }
0x6f: {  	_ =	shalt  }
0x70: {  	_ =	shalt  }
0x71: {  	_ =	shalt  }
0x72: {  	_ =	shalt  }
0x73: {  	_ =	shalt  }
0x74: {  	_ =	shalt  }
0x75: {  	_ =	shalt  }
0x76: {  	_ =	shalt  }
0x77: {  	_ =	shalt  }
0x78: {  	_ =	shalt  }
0x79: {  	_ =	shalt  }
0x7a: {  	_ =	shalt  }
0x7b: {  	_ =	shalt  }
0x7c: {  	_ =	shalt  }
0x7d: {  	_ =	shalt  }
0x7e: {  	_ =	shalt  }
0x7f: {  	_ =	shalt  }
0x80: {  	_ =	shalt  }
0x81: {  	_ =	shalt  }
0x82: {  	_ =	shalt  }
0x83: {  	_ =	shalt  }
0x84: {  	_ =	shalt  }
0x85: {  	_ =	shalt  }
0x86: {  	_ =	shalt  }
0x87: {  	_ =	shalt  }
.Lfunc_end0:
.L_simem_size_0:
called_computation.1_lowered:
.L_overlay_start_0:
0x88: {  	s2 =	sld [smem:$0x3FD9]  }
0x89: {  	s3 =	sld [smem:$0x3FFE];
	_ =	sdelay $0x1  }
0x8a: {  	s1 =	srdreg.scid  }
0x8b: {  	s0 =	sand.u32 $0x1, s1  }
0x8c: {  	s17 =	sshll.u32 s0, $0xA;
	s2 =	sadd.s32 s3, s2  }
0x8d: {  	s2 =	sadd.s32 s2, s17  }
0x8e: {  	[smem:$0x3FC0] =	sst s2  }
0x8f: {  	_ = 	snop  }
0x90: {  	s2 =	sld [smem:$0x3FD0];
	(tm) =	ssettm $0x1  }
0x91: {  	s18 =	sld [smem:$0x3FFB];
	_ =	sdelay $0x3  }
0x92: {  	_ =	strace s18  }
0x93: {  	s3 =	sld [smem:$0x3FFC];
	_ =	sdelay $0x3  }
0x94: {  	_ =	strace s3  }
0x95: {  	s3 =	sld [smem:$0x3FFD];
	_ =	sdelay $0x3  }
0x96: {  	_ =	strace s3  }
0x97: {  	_ =	strace $0x8FFFFFFF  }
0x98: {  	s19 =	sld [smem:$0x3FDB];
	_ =	sdelay $0x1  }
0x99: {  	s4 =	simm.s32 $_scs_section_size  }
0x9a: {  	s5 =	simm.s32 $_size__tile_overlayer_lowered;
	s6 =	simm.s32 $_tile_overlayer_lowered  }
0x9b: {  	s22 =	simm.s32 $0x1BFF;
	s21 =	sshll.u32 s6, $0x1;
	s3 =	sadd.s32 s4, s19  }
0x9c: {  	s7 =	simm.s32 $0x0;
	s20 =	sshll.u32 s5, $0x1;
	s5 =	sadd.s32 s21, s3  }
0x9d: {  	[timem:s7], [sflag:s22] =	dma.local [hbm:s5], s20  }
0x9e: {  	_ =	swait.ge [sflag:s22], s20  }
0x9f: {  	s4 =	ssub.s32 $0x0, s20;
	[sflag:s22] =	ssyncset.done $0x0  }
0xa0: {  	[sflag:s22] =	ssyncadd.s32 s4;
	_ =	sdelay $0x1  }
0xa1: {  	s23 =	simm.s32 $0x1B8B  }
0xa2: {  	_ =	swait.ge [sflag:s23], $0x1  }
0xa3: {  	[sflag:s23] =	ssyncset.done $0x0  }
0xa4: {  	s25 =	simm.s32 $0x1B8E;
	s24 =	sld [smem:$0x3FFE];
	[sflag:s23] =	ssyncadd.s32 $0xFFFFFFFF  }
0xa5: {  	s26 =	simm.s32 $execute0_lowered;
	[smem:$0x3FD2] =	sst s25  }
0xa6: {  	s5 =	sshll.u32 s26, $0x1;
	_ =	strace $0x80000049;
	[dreg:$0x1] =	wrdreg $0xFFFFFFFF  }
0xa7: {  	s28 =	simm.s32 $_size_execute0_lowered;
	s3 =	sadd.s32 s3, s5;
	[dreg:$0x0] =	wrdreg $0x0  }
0xa8: {  	s5 =	sshll.u32 s28, $0x1;
	[dreg:$0x2] =	wrdreg s3  }
0xa9: {  	[dreg:$0x3] =	wrdreg s5  }
0xaa: {  	[dreg:$0x4] =	wrdreg $0xC0  }
0xab: {  	_ =	task [dreg:s7], $0x5FFFF  }
0xac: {  	[dreg:$0x1] =	wrdreg $0xFFFFFFFF  }
0xad: {  	[dreg:$0x0] =	wrdreg $0x60  }
0xae: {  	[dreg:$0x2] =	wrdreg s24  }
0xaf: {  	[dreg:$0x3] =	wrdreg s2  }
0xb0: {  	[dreg:$0x4] =	wrdreg $0x88000  }
0xb1: {  	[dreg:$0x5] =	wrdreg $0x9  }
0xb2: {  	_ =	task.clear_ibuf [dreg:s7], $0x6FFFF;
	_ =	strace $0x90000049  }
0xb3: {  	s29 =	simm.s32 $0x9;
	_ =	strace $0x8000004B  }
0xb4: {  	_ =	swait.ge [sflag:s29], $0x1  }
0xb5: {  	[sflag:s29] =	ssyncadd.s32 $0xFFFFFFFF  }
0xb6: {  	_ =	strace $0x9000004B  }
0xb7: {  	_ =	sfence  }
0xb8: {  	s30 =	sld [smem:$0x0];
	_ =	sdelay $0x2  }
0xb9: {  	s31 =	sshll.u32 s1, $0xD;
	s1 =	sshrl.u32 s1, $0x2  }
0xba: {  	s3 =	sand.u32 $0x4000, s31;
	s1 =	sadd.s32 s1, s30  }
0xbb: {  	s0 =	sor.u32 s3, s0;
	s1 =	sshll.u32 s1, $0x11  }
0xbc: {  	s0 =	sor.u32 s1, s0  }
0xbd: {  	s0 =	sadd.s32 $0x8F2B, s0  }
0xbe: {  	[sflag:s0] =	ssyncadd.remote.s32 $0x1  }
0xbf: {  	_ =	sfence.sel $0xFFFF  }
0xc0: {  	[dreg:$0x0] =	wrdreg $0xFFFFFFFF;
	(pc) =	sbr.abs _section_cstart, $3  }
0xc1: {  	[dreg:$0x1] =	wrdreg $0xFFFFFFFF  }
0xc2: {  	_ =	task.clear_ibuf [dreg:s7], $0x2FFFF;
	_ =	strace $0x9FFFFFFF  }
0xc3: {  	(tm) =	ssettm $0x7FFFFFFF  }
tec
execute0_lowered:
.L_overlay_start_1:
0x0: {  	(tag) =	ssettag $0x1  }
0x1: {  	s11 =	stileid.u32  }
0x2: {  	s1 =	srdreg.scid;
	s0 =	rddreg [dreg:$0x0]  }
0x3: {  	s3 =	rddreg [dreg:$0x1];
	s28 =	simm.s32 $0x4;
	s29 =	simm.s32 $0x10  }
0x4: {  	s4 =	sand.u32 $0x1, s1;
	s16 =	sshll.u32 s11, $0x1;
	s25 =	smul.u32 $0x5000, s11  }
0x5: {  	s30 =	simm.s32 $0xC;
	s2 =	sor.u32 s4, s16;
	s5 =	smul.u32 $0xA0000, s4  }
0x6: {  	s31 =	simm.s32 $0x11;
	s1 =	simm.s32 $0x0;
	s7 =	smul.u32 $0x2800, s2  }
0x7: {  	s8 =	sadd.s32 $0x1A00, s0;
	s6 =	ssub.s32 $0x2, s4;
	s4 =	smul.u32 $0x2800, s4  }
0x8: {  	[smem:$0x7FF] =	sst s1;
	s17 =	sshrl.u32 s6, $0x1;
	s18 =	sshrl.u32 s7, $0x3  }
0x9: {  	s2 =	ssub.s32 s6, s17;
	s4 =	sadd.s32 s4, s25;
	s7 =	sadd.s32 s3, s18  }
0xa: {  	s19 =	sadd.s32 s8, s18;
	s20 =	sor.u32 $0x10, s18;
	[dreg:$0x4] =	wrdreg s7  }
0xb: {  	s17 =	sor.u32 $0x780, s4;
	[dreg:$0x5] =	wrdreg s19;
	s9 =	sadd.s32 s3, s20  }
0xc: {  	s21 =	sor.u32 $0x20, s18;
	s7 =	sadd.s32 s8, s20;
	[dreg:$0x6] =	wrdreg s9  }
0xd: {  	s23 =	sor.u32 $0x30, s18;
	s22 =	sadd.s32 s3, s21;
	[dreg:$0x7] =	wrdreg s7  }
0xe: {  	s26 =	sor.u32 $0x40, s18;
	s24 =	sadd.s32 s3, s23;
	[dreg:$0x8] =	wrdreg s22  }
0xf: {  	s10 =	sor.u32 $0x50, s18;
	s12 =	sadd.s32 s3, s26;
	[dreg:$0xa] =	wrdreg s24  }
0x10: {  	s15 =	sor.u32 $0x60, s18;
	s13 =	sadd.s32 s3, s10;
	[dreg:$0xc] =	wrdreg s12  }
0x11: {  	s6 =	sor.u32 $0x70, s18;
	s14 =	sadd.s32 s8, s10;
	[dreg:$0xe] =	wrdreg s13  }
0x12: {  	s16 =	sadd.s32 s3, s15;
	s18 =	sadd.s32 s3, s6;
	[dreg:$0xf] =	wrdreg s14  }
0x13: {  	s6 =	sadd.s32 s8, s6;
	s20 =	sor.u32 $0x700, s4;
	[dreg:$0x10] =	wrdreg s16  }
0x14: {  	s7 =	sadd.s32 s8, s21;
	s9 =	sadd.s32 s8, s26;
	[dreg:$0x12] =	wrdreg s18  }
0x15: {  	[dreg:$0x13] =	wrdreg s6;
	s6 =	sshrl.u32 s20, $0x3;
	s21 =	sor.u32 $0x680, s4  }
0x16: {  	s12 =	sor.u32 $0x500, s4;
	s14 =	sor.u32 $0x480, s4;
	[dreg:$0x9] =	wrdreg s7  }
0x17: {  	s18 =	smul.u32 $0xA000, s11;
	s7 =	sadd.s32 s8, s23;
	[dreg:$0xd] =	wrdreg s9  }
0x18: {  	s9 =	sadd.s32 s8, s15;
	s22 =	sadd.s32 s6, s8;
	[dreg:$0xb] =	wrdreg s7  }
0x19: {  	s23 =	sor.u32 $0x600, s4;
	s6 =	sadd.s32 s6, s3;
	[dreg:$0x11] =	wrdreg s9  }
0x1a: {  	s15 =	sshrl.u32 s14, $0x3;
	s14 =	simm.s32 $0x780;
	[dreg:$0x16] =	wrdreg s22  }
0x1b: {  	s7 =	sshrl.u32 s17, $0x3;
	[dreg:$0x17] =	wrdreg s6;
	s24 =	sshrl.u32 s23, $0x3  }
0x1c: {  	s9 =	sor.u32 $0x580, s4;
	s4 =	sor.u32 $0x400, s4;
	s17 =	sadd.s32 s15, s8  }
0x1d: {  	s20 =	sadd.s32 s18, s5;
	s5 =	sadd.s32 $0xBA00, s0;
	s23 =	sshll.u32 s11, $0x6  }
0x1e: {  	s11 =	simm.s32 $0x15;
	s19 =	sadd.s32 s7, s8;
	[smem:$0x7F5] =	sst s17  }
0x1f: {  	s7 =	sadd.s32 s7, s3;
	s26 =	sadd.s32 s24, s8;
	[dreg:$0x14] =	wrdreg s19  }
0x20: {  	s6 =	sadd.s32 s24, s3;
	s10 =	sshrl.u32 s9, $0x3;
	[dreg:$0x15] =	wrdreg s7  }
0x21: {  	s4 =	sshrl.u32 s4, $0x3;
	s17 =	simm.s32 $0x300;
	[dreg:$0x1a] =	wrdreg s26  }
0x22: {  	s9 =	simm.s32 $0x700;
	[dreg:$0x1b] =	wrdreg s6;
	s13 =	sadd.s32 s10, s8  }
0x23: {  	s7 =	sshrl.u32 s21, $0x3;
	s6 =	sadd.s32 s10, s3;
	[dreg:$0x1c] =	wrdreg s13  }
0x24: {  	s19 =	sadd.s32 s4, s8;
	s21 =	sshrl.u32 s18, $0x3;
	[dreg:$0x1d] =	wrdreg s6  }
0x25: {  	s26 =	smax.u32 s2, $0x1;
	s25 =	sadd.s32 s7, s8;
	[smem:$0x7F7] =	sst s19  }
0x26: {  	s10 =	simm.s32 $0x6800;
	s7 =	sadd.s32 s7, s3;
	[dreg:$0x18] =	wrdreg s25  }
0x27: {  	s6 =	sadd.s32 s15, s3;
	[dreg:$0x19] =	wrdreg s7;
	s7 =	sshrl.u32 s12, $0x3  }
0x28: {  	s2 =	simm.s32 $0x14;
	[smem:$0x7F6] =	sst s6;
	s16 =	sadd.s32 s7, s8  }
0x29: {  	s7 =	sadd.s32 s7, s3;
	s3 =	sadd.s32 s4, s3;
	s4 =	rddreg [dreg:$0x2]  }
0x2a: {  	s22 =	sadd.s32 s21, s0;
	s13 =	simm.s32 $0x80;
	[dreg:$0x1e] =	wrdreg s16  }
0x2b: {  	s21 =	simm.s32 $0x2800;
	s24 =	sadd.s32 $0x1F400, s22;
	[dreg:$0x1f] =	wrdreg s7  }
0x2c: {  	s22 =	simm.s32 $0xE;
	s8 =	simm.s32 $0x0;
	[smem:$0x7F8] =	sst s3  }
0x2d: {  	s3 =	sshrl.u32 s20, $0x3;
	s6 =	sadd.s32 s18, s4;
	s16 =	simm.s32 $0x380  }
0x2e: {  	s20 =	simm.s32 $0x800;
	s7 =	simm.s32 $0x4800;
	s18 =	simm.s32 $0x1  }
.Ltmp0:
0x2f: {  	_ =	strace $0x8000004A;
	[smem:$0x7F9] =	sst s6;
	(pc) =	sbr.rel .LBB2_1-.Ltmp0, $4  }
0x30: {  	s3 =	sadd.s32 s3, s0;
	[smem:$0x7FA] =	sst s24;
	s6 =	sor.u32 $0x1C15, s23  }
0x31: {  	[smem:$0x7FC] =	sst s26;
	s23 =	simm.s32 $0xA;
	s24 =	simm.s32 $0x3  }
0x32: {  	s26 =	simm.s32 $0xB;
	s25 =	sadd.s32 $0x33400, s3;
	[smem:$0x7FD] =	sst s6  }
0x33: {  	s0 =	simm.s32 $0x13;
	[smem:$0x7FB] =	sst s25;
	s25 =	simm.s32 $0xF  }
.LBB2_4:
0x34: {  	_ =	swait.ge [sflag:s28], $0x2000  }
0x35: {  	[sflag:s28] =	ssyncset.done $0x0  }
0x36: {  	[sflag:s28] =	ssyncadd.s32 $0xFFFFE000  }
0x37: {  	_ =	swait.ge [sflag:s2], $0x80  }
0x38: {  	[sflag:s2] =	ssyncset.done $0x0  }
0x39: {  	s14 =	simm.s32 $0x780;
	[sflag:s2] =	ssyncadd.s32 $0xFFFFFF80  }
0x3a: {  	[spmem:s4] =	stream.indirect.scatter.add.f32 [tilespmem:s10], [sflag:$0x15], $0x40, s14, s13, $0xb8;
	[tilespmem:$0x12800] =	vst v63  }
0x3b: {  	_ =	swait.ge [sflag:s11], $0x2000  }
0x3c: {  	[sflag:s11] =	ssyncset.done $0x0  }
0x3d: {  	[sflag:s11] =	ssyncadd.s32 $0xFFFFE000  }
0x3e: {  	[bflag:$0x0] =	sbarrier.arrive $0xFFFF  }
0x3f: {  	s6 =	sld [smem:$0x7FD]  }
0x40: {  	s3 =	sld [smem:$0x7FB]  }
0x41: {  	s8 =	sld [smem:$0x7F4];
	_ =	sdelay $0x2  }
0x42: {  	[hbm:s3], [sflag:s6] =	dma.local [spmem:s8], $0x1400  }
0x43: {  	_ =	swait.ge [sflag:s11], $0x1400  }
0x44: {  	s17 =	sld [smem:$0x7F3]  }
0x45: {  	s19 =	sld [smem:$0x7FC];
	_ =	sdelay $0x1  }
0x46: {  	s8 =	sadd.s32 $0x1, s17  }
0x47: {  	p0 =	sne.s32 s8, s19  }
.Ltmp1:
0x48: {  	_ = 	snop;
	(pc) =	sbr.rel @!p0 .LBB2_5-.Ltmp1, $3  }
0x49: {  	_ =	sdelay $0x1  }
0x4a: {  	[sflag:s11] =	ssyncset.done $0x0  }
0x4b: {  	s16 =	simm.s32 $0x380;
	[sflag:s11] =	ssyncadd.s32 $0xFFFFEC00;
	s17 =	simm.s32 $0x300  }
.LBB2_1:
0x4c: {  	s3 =	sld [smem:$0x7F9];
	_ =	sdelay $0x1  }
0x4d: {  	s19 =	sld [smem:$0x7FA]  }
0x4e: {  	[smem:$0x7F3] =	sst s8;
	s15 =	sshrl.u32 s3, $0x3  }
0x4f: {  	[smem:$0x7F4] =	sst s15  }
0x50: {  	[spmem:s15], [sflag:s6] =	dma.local [hbm:s19], $0x1400  }
0x51: {  	_ =	swait.ge [sflag:s11], $0x1400  }
0x52: {  	[sflag:s11] =	ssyncset.done $0x0  }
0x53: {  	[sflag:s11] =	ssyncadd.s32 $0xFFFFEC00  }
0x54: {  	[bflag:$0x0] =	sbarrier.arrive $0xFFFF  }
0x55: {  	s12 =	rddreg [dreg:$0x4]  }
0x56: {  	[tilespmem:s1], [sflag:$0x5] =	stream.linear.gather [hbm4b:s12+s1], $0x80, $0x38;
	[tilespmem:$0x12800] =	vst v63  }
0x57: {  	s19 =	simm.s32 $0x400;
	s15 =	rddreg [dreg:$0x5]  }
0x58: {  	[tilespmem:s19], [sflag:$0xD] =	stream.linear.gather [hbm4b:s15+s1], $0x80, $0x38;
	[tilespmem:$0x12800] =	vst v63  }
0x59: {  	s8 =	rddreg [dreg:$0x6]  }
0x5a: {  	[tilespmem:s13], [sflag:$0x6] =	stream.linear.gather [hbm4b:s8+s1], $0x80, $0x38;
	[tilespmem:$0x12800] =	vst v63  }
0x5b: {  	s12 =	rddreg [dreg:$0x7];
	s15 =	simm.s32 $0x480  }
0x5c: {  	[tilespmem:s15], [sflag:$0xE] =	stream.linear.gather [hbm4b:s12+s1], $0x80, $0x38;
	[tilespmem:$0x12800] =	vst v63  }
0x5d: {  	s6 =	simm.s32 $0x100;
	s19 =	rddreg [dreg:$0x8]  }
0x5e: {  	[tilespmem:s6], [sflag:$0x7] =	stream.linear.gather [hbm4b:s19+s1], $0x80, $0x38;
	[tilespmem:$0x12800] =	vst v63  }
0x5f: {  	s8 =	rddreg [dreg:$0x9];
	s12 =	simm.s32 $0x500  }
0x60: {  	[tilespmem:s12], [sflag:$0xF] =	stream.linear.gather [hbm4b:s8+s1], $0x80, $0x38;
	[tilespmem:$0x12800] =	vst v63  }
0x61: {  	s15 =	rddreg [dreg:$0xa];
	s8 =	simm.s32 $0x180  }
0x62: {  	[tilespmem:s8], [sflag:$0x8] =	stream.linear.gather [hbm4b:s15+s1], $0x80, $0x38;
	[tilespmem:$0x12800] =	vst v63  }
0x63: {  	s19 =	rddreg [dreg:$0xb];
	s12 =	simm.s32 $0x580  }
0x64: {  	[tilespmem:s12], [sflag:$0x10] =	stream.linear.gather [hbm4b:s19+s1], $0x80, $0x38;
	[tilespmem:$0x12800] =	vst v63  }
0x65: {  	s15 =	rddreg [dreg:$0xc];
	s19 =	simm.s32 $0x200  }
0x66: {  	[tilespmem:s19], [sflag:$0x9] =	stream.linear.gather [hbm4b:s15+s1], $0x80, $0x38;
	[tilespmem:$0x12800] =	vst v63  }
0x67: {  	s15 =	rddreg [dreg:$0xd];
	s19 =	simm.s32 $0x600  }
0x68: {  	[tilespmem:s19], [sflag:$0x11] =	stream.linear.gather [hbm4b:s15+s1], $0x80, $0x38;
	[tilespmem:$0x12800] =	vst v63  }
0x69: {  	s15 =	rddreg [dreg:$0xe];
	s19 =	simm.s32 $0x280  }
0x6a: {  	[tilespmem:s19], [sflag:$0xA] =	stream.linear.gather [hbm4b:s15+s1], $0x80, $0x38;
	[tilespmem:$0x12800] =	vst v63  }
0x6b: {  	s15 =	rddreg [dreg:$0xf];
	s19 =	simm.s32 $0x680  }
0x6c: {  	[tilespmem:s19], [sflag:$0x12] =	stream.linear.gather [hbm4b:s15+s1], $0x80, $0x38;
	[tilespmem:$0x12800] =	vst v63  }
0x6d: {  	s15 =	rddreg [dreg:$0x10]  }
0x6e: {  	[tilespmem:s17], [sflag:$0xB] =	stream.linear.gather [hbm4b:s15+s1], $0x80, $0x38;
	[tilespmem:$0x12800] =	vst v63  }
0x6f: {  	s19 =	rddreg [dreg:$0x11]  }
0x70: {  	[tilespmem:s9], [sflag:$0x13] =	stream.linear.gather [hbm4b:s19+s1], $0x80, $0x38;
	[tilespmem:$0x12800] =	vst v63  }
0x71: {  	s9 =	rddreg [dreg:$0x12]  }
0x72: {  	[tilespmem:s16], [sflag:$0xC] =	stream.linear.gather [hbm4b:s9+s1], $0x80, $0x38;
	[tilespmem:$0x12800] =	vst v63  }
0x73: {  	s12 =	rddreg [dreg:$0x13];
	s15 =	simm.s32 $0x5  }
0x74: {  	[tilespmem:s14], [sflag:$0x14] =	stream.linear.gather [hbm4b:s12+s1], $0x80, $0x38;
	[tilespmem:$0x12800] =	vst v63  }
0x75: {  	_ =	swait.ge [sflag:s15], $0x80  }
0x76: {  	[sflag:s15] =	ssyncset.done $0x0  }
0x77: {  	s19 =	simm.s32 $0x6;
	[sflag:s15] =	ssyncadd.s32 $0xFFFFFF80  }
0x78: {  	[tilespmem:s20], [sflag:$0x1] =	stream.indirect.gather [hbm4b:s5+s13], $0x40, s1, s13, $0xb8;
	[tilespmem:$0x12800] =	vst v63  }
0x79: {  	_ =	swait.ge [sflag:s19], $0x80  }
0x7a: {  	[sflag:s19] =	ssyncset.done $0x0  }
0x7b: {  	s20 =	simm.s32 $0x7;
	[sflag:s19] =	ssyncadd.s32 $0xFFFFFF80  }
0x7c: {  	[tilespmem:s21], [sflag:$0x2] =	stream.indirect.gather [hbm4b:s5+s13], $0x40, s13, s13, $0xb8;
	[tilespmem:$0x12800] =	vst v63  }
0x7d: {  	_ =	swait.ge [sflag:s20], $0x80  }
0x7e: {  	[sflag:s20] =	ssyncset.done $0x0  }
0x7f: {  	s21 =	simm.s32 $0x8;
	[sflag:s20] =	ssyncadd.s32 $0xFFFFFF80  }
0x80: {  	[tilespmem:s7], [sflag:$0x3] =	stream.indirect.gather [hbm4b:s5+s13], $0x40, s6, s13, $0xb8;
	[tilespmem:$0x12800] =	vst v63  }
0x81: {  	_ =	swait.ge [sflag:s21], $0x80  }
0x82: {  	[sflag:s21] =	ssyncset.done $0x0  }
0x83: {  	s3 =	simm.s32 $0x0;
	s9 =	simm.s32 $0x700;
	[sflag:s21] =	ssyncadd.s32 $0xFFFFFF80  }
0x84: {  	[tilespmem:s10], [sflag:$0x4] =	stream.indirect.gather [hbm4b:s5+s13], $0x40, s8, s13, $0xb8;
	[tilespmem:$0x12800] =	vst v63  }
.LBB2_2:
0x85: {  	_ =	swait.ge [sflag:s18], $0x2000  }
0x86: {  	[sflag:s18] =	ssyncset.done $0x0  }
0x87: {  	s6 =	simm.s32 $0xD;
	[sflag:s18] =	ssyncadd.s32 $0xFFFFE000  }
0x88: {  	_ =	swait.ge [sflag:s6], $0x80  }
0x89: {  	[sflag:s6] =	ssyncset.done $0x0  }
0x8a: {  	s15 =	simm.s32 $0x400;
	s19 =	simm.s32 $0x800;
	[sflag:s6] =	ssyncadd.s32 $0xFFFFFF80  }
0x8b: {  	[spmem:s4] =	stream.indirect.scatter.add.f32 [tilespmem:s19], [sflag:$0x15], $0x40, s15, s13, $0xb8;
	[tilespmem:$0x12800] =	vst v63  }
0x8c: {  	_ =	swait.ge [sflag:s11], $0x2000  }
0x8d: {  	s6 =	sld [smem:$0x7F8];
	_ =	sdelay $0x1  }
0x8e: {  	p0 =	seq.s32 s3, $0x480  }
0x8f: {  	[sflag:s11] =	ssyncset.done $0x0;
	s12 =	sadd.s32 @!p0 s3, s6;
	s6 =	sld [smem:$0x7F7]  }
0x90: {  	s8 =	simm.s32 @!p0 $0x0;
	[sflag:s11] =	ssyncadd.s32 $0xFFFFE000  }
0x91: {  	[tilespmem:s8], [sflag:$0x5] =	stream.linear.gather @!p0 [hbm4b:s12+s8], $0x80, $0x38;
	[tilespmem:$0x12800] =	vst v63  }
0x92: {  	s20 =	simm.s32 $0x9;
	s14 =	simm.s32 @!p0 $0x400;
	s12 =	sadd.s32 @!p0 s3, s6  }
0x93: {  	[tilespmem:s14], [sflag:$0xD] =	stream.linear.gather @!p0 [hbm4b:s12+s8], $0x80, $0x38;
	[tilespmem:$0x12800] =	vst v63  }
0x94: {  	_ =	swait.ge [sflag:s20], $0x80  }
0x95: {  	[sflag:s20] =	ssyncset.done $0x0  }
0x96: {  	s21 =	simm.s32 $0x200;
	s12 =	simm.s32 $0x2;
	[sflag:s20] =	ssyncadd.s32 $0xFFFFFF80  }
0x97: {  	[tilespmem:s19], [sflag:$0x1] =	stream.indirect.gather [hbm4b:s5+s13], $0x40, s21, s13, $0xb8;
	[tilespmem:$0x12800] =	vst v63  }
0x98: {  	_ =	swait.ge [sflag:s12], $0x2000  }
0x99: {  	[sflag:s12] =	ssyncset.done $0x0  }
0x9a: {  	[sflag:s12] =	ssyncadd.s32 $0xFFFFE000  }
0x9b: {  	_ =	swait.ge [sflag:s22], $0x80  }
0x9c: {  	[sflag:s22] =	ssyncset.done $0x0  }
0x9d: {  	s14 =	simm.s32 $0x480;
	s20 =	simm.s32 $0x2800;
	[sflag:s22] =	ssyncadd.s32 $0xFFFFFF80  }
0x9e: {  	[spmem:s4] =	stream.indirect.scatter.add.f32 [tilespmem:s20], [sflag:$0x15], $0x40, s14, s13, $0xb8;
	[tilespmem:$0x12800] =	vst v63  }
0x9f: {  	_ =	swait.ge [sflag:s11], $0x2000  }
0xa0: {  	s6 =	sld [smem:$0x7F6];
	_ =	sdelay $0x2  }
0xa1: {  	[sflag:s11] =	ssyncset.done $0x0;
	s14 =	sadd.s32 @!p0 s3, s6;
	s6 =	sld [smem:$0x7F5]  }
0xa2: {  	s12 =	simm.s32 @!p0 $0x80;
	[sflag:s11] =	ssyncadd.s32 $0xFFFFE000  }
0xa3: {  	[tilespmem:s12], [sflag:$0x6] =	stream.linear.gather @!p0 [hbm4b:s14+s8], $0x80, $0x38;
	[tilespmem:$0x12800] =	vst v63  }
0xa4: {  	s15 =	simm.s32 @!p0 $0x480;
	s14 =	sadd.s32 @!p0 s3, s6  }
0xa5: {  	[tilespmem:s15], [sflag:$0xE] =	stream.linear.gather @!p0 [hbm4b:s14+s8], $0x80, $0x38;
	[tilespmem:$0x12800] =	vst v63  }
0xa6: {  	_ =	swait.ge [sflag:s23], $0x80  }
0xa7: {  	[sflag:s23] =	ssyncset.done $0x0  }
0xa8: {  	s15 =	simm.s32 $0x280;
	[sflag:s23] =	ssyncadd.s32 $0xFFFFFF80  }
0xa9: {  	[tilespmem:s20], [sflag:$0x2] =	stream.indirect.gather [hbm4b:s5+s13], $0x40, s15, s13, $0xb8;
	[tilespmem:$0x12800] =	vst v63  }
0xaa: {  	_ =	swait.ge [sflag:s24], $0x2000  }
0xab: {  	[sflag:s24] =	ssyncset.done $0x0  }
0xac: {  	[sflag:s24] =	ssyncadd.s32 $0xFFFFE000  }
0xad: {  	_ =	swait.ge [sflag:s25], $0x80  }
0xae: {  	[sflag:s25] =	ssyncset.done $0x0  }
0xaf: {  	s14 =	simm.s32 $0x500;
	[sflag:s25] =	ssyncadd.s32 $0xFFFFFF80  }
0xb0: {  	[spmem:s4] =	stream.indirect.scatter.add.f32 [tilespmem:s7], [sflag:$0x15], $0x40, s14, s13, $0xb8;
	[tilespmem:$0x12800] =	vst v63  }
0xb1: {  	_ =	swait.ge [sflag:s11], $0x2000  }
0xb2: {  	s15 =	simm.s32 @!p0 $0x100;
	[sflag:s11] =	ssyncset.done $0x0;
	s6 =	rddreg [dreg:$0x1f]  }
0xb3: {  	[sflag:s11] =	ssyncadd.s32 $0xFFFFE000;
	s14 =	sadd.s32 @!p0 s3, s6;
	s6 =	rddreg [dreg:$0x1e]  }
0xb4: {  	[tilespmem:s15], [sflag:$0x7] =	stream.linear.gather @!p0 [hbm4b:s14+s8], $0x80, $0x38;
	[tilespmem:$0x12800] =	vst v63  }
0xb5: {  	s14 =	sadd.s32 @!p0 s3, s6;
	s15 =	simm.s32 @!p0 $0x500  }
0xb6: {  	[tilespmem:s15], [sflag:$0xF] =	stream.linear.gather @!p0 [hbm4b:s14+s8], $0x80, $0x38;
	[tilespmem:$0x12800] =	vst v63  }
0xb7: {  	_ =	swait.ge [sflag:s26], $0x80  }
0xb8: {  	[sflag:s26] =	ssyncset.done $0x0  }
0xb9: {  	[sflag:s26] =	ssyncadd.s32 $0xFFFFFF80  }
0xba: {  	[tilespmem:s7], [sflag:$0x3] =	stream.indirect.gather [hbm4b:s5+s13], $0x40, s17, s13, $0xb8;
	[tilespmem:$0x12800] =	vst v63  }
0xbb: {  	_ =	swait.ge [sflag:s28], $0x2000  }
0xbc: {  	[sflag:s28] =	ssyncset.done $0x0  }
0xbd: {  	[sflag:s28] =	ssyncadd.s32 $0xFFFFE000  }
0xbe: {  	_ =	swait.ge [sflag:s29], $0x80  }
0xbf: {  	[sflag:s29] =	ssyncset.done $0x0  }
0xc0: {  	s15 =	simm.s32 $0x580;
	[sflag:s29] =	ssyncadd.s32 $0xFFFFFF80  }
0xc1: {  	[spmem:s4] =	stream.indirect.scatter.add.f32 [tilespmem:s10], [sflag:$0x15], $0x40, s15, s13, $0xb8;
	[tilespmem:$0x12800] =	vst v63  }
0xc2: {  	_ =	swait.ge [sflag:s11], $0x2000  }
0xc3: {  	s15 =	simm.s32 @!p0 $0x180;
	[sflag:s11] =	ssyncset.done $0x0;
	s6 =	rddreg [dreg:$0x1d]  }
0xc4: {  	[sflag:s11] =	ssyncadd.s32 $0xFFFFE000;
	s14 =	sadd.s32 @!p0 s3, s6;
	s6 =	rddreg [dreg:$0x1c]  }
0xc5: {  	[tilespmem:s15], [sflag:$0x8] =	stream.linear.gather @!p0 [hbm4b:s14+s8], $0x80, $0x38;
	[tilespmem:$0x12800] =	vst v63  }
0xc6: {  	s14 =	sadd.s32 @!p0 s3, s6;
	s15 =	simm.s32 @!p0 $0x580  }
0xc7: {  	[tilespmem:s15], [sflag:$0x10] =	stream.linear.gather @!p0 [hbm4b:s14+s8], $0x80, $0x38;
	[tilespmem:$0x12800] =	vst v63  }
0xc8: {  	_ =	swait.ge [sflag:s30], $0x80  }
0xc9: {  	[sflag:s30] =	ssyncset.done $0x0  }
0xca: {  	[sflag:s30] =	ssyncadd.s32 $0xFFFFFF80  }
0xcb: {  	[tilespmem:s10], [sflag:$0x4] =	stream.indirect.gather [hbm4b:s5+s13], $0x40, s16, s13, $0xb8;
	[tilespmem:$0x12800] =	vst v63  }
0xcc: {  	_ =	swait.ge [sflag:s18], $0x2000  }
0xcd: {  	[sflag:s18] =	ssyncset.done $0x0  }
0xce: {  	[sflag:s18] =	ssyncadd.s32 $0xFFFFE000  }
0xcf: {  	_ =	swait.ge [sflag:s31], $0x80  }
0xd0: {  	[sflag:s31] =	ssyncset.done $0x0  }
0xd1: {  	s17 =	simm.s32 $0x600;
	[sflag:s31] =	ssyncadd.s32 $0xFFFFFF80  }
0xd2: {  	[spmem:s4] =	stream.indirect.scatter.add.f32 [tilespmem:s19], [sflag:$0x15], $0x40, s17, s13, $0xb8;
	[tilespmem:$0x12800] =	vst v63  }
0xd3: {  	_ =	swait.ge [sflag:s11], $0x2000  }
0xd4: {  	[sflag:s11] =	ssyncset.done $0x0  }
0xd5: {  	s14 =	simm.s32 @p0 $0x2;
	[sflag:s11] =	ssyncadd.s32 $0xFFFFE000  }
0xd6: {  	_ =	swait.ge @p0 [sflag:s14], $0x2000  }
0xd7: {  	[sflag:s14] =	ssyncset.done @p0 $0x0  }
0xd8: {  	[sflag:s14] =	ssyncadd.s32 @p0 $0xFFFFE000;
	s14 =	simm.s32 @p0 $0x12  }
0xd9: {  	_ =	swait.ge @p0 [sflag:s14], $0x80  }
0xda: {  	s15 =	simm.s32 @p0 $0x680;
	[sflag:s14] =	ssyncset.done @p0 $0x0  }
0xdb: {  	s17 =	simm.s32 @p0 $0x2800;
	[sflag:s14] =	ssyncadd.s32 @p0 $0xFFFFFF80;
	s14 =	simm.s32 @p0 $0x80  }
0xdc: {  	[spmem:s4] =	stream.indirect.scatter.add.f32 @p0 [tilespmem:s17], [sflag:$0x15], $0x40, s15, s14, $0xb8;
	[tilespmem:$0x12800] =	vst v63  }
0xdd: {  	s14 =	simm.s32 @p0 $0x15  }
0xde: {  	_ =	swait.ge @p0 [sflag:s14], $0x2000  }
0xdf: {  	s15 =	simm.s32 @!p0 $0x200;
	[sflag:s14] =	ssyncset.done @p0 $0x0;
	s6 =	rddreg [dreg:$0x1b]  }
0xe0: {  	[sflag:s14] =	ssyncadd.s32 @p0 $0xFFFFE000;
	s14 =	sadd.s32 @!p0 s3, s6;
	s6 =	rddreg [dreg:$0x1a]  }
0xe1: {  	[tilespmem:s15], [sflag:$0x9] =	stream.linear.gather @!p0 [hbm4b:s14+s8], $0x80, $0x38;
	[tilespmem:$0x12800] =	vst v63  }
0xe2: {  	s14 =	sadd.s32 @!p0 s3, s6;
	s15 =	simm.s32 @!p0 $0x600  }
0xe3: {  	[tilespmem:s15], [sflag:$0x11] =	stream.linear.gather @!p0 [hbm4b:s14+s8], $0x80, $0x38;
	[tilespmem:$0x12800] =	vst v63  }
0xe4: {  	s14 =	simm.s32 @!p0 $0x5  }
0xe5: {  	_ =	swait.ge @!p0 [sflag:s14], $0x80  }
0xe6: {  	[sflag:s14] =	ssyncset.done @!p0 $0x0  }
0xe7: {  	[sflag:s14] =	ssyncadd.s32 @!p0 $0xFFFFFF80;
	s14 =	simm.s32 @!p0 $0x800  }
0xe8: {  	[tilespmem:s14], [sflag:$0x1] =	stream.indirect.gather @!p0 [hbm4b:s5+s12], $0x40, s8, s12, $0xb8;
	[tilespmem:$0x12800] =	vst v63  }
0xe9: {  	s14 =	simm.s32 @!p0 $0x2  }
0xea: {  	_ =	swait.ge @!p0 [sflag:s14], $0x2000  }
0xeb: {  	[sflag:s14] =	ssyncset.done @!p0 $0x0  }
0xec: {  	[sflag:s14] =	ssyncadd.s32 @!p0 $0xFFFFE000;
	s14 =	simm.s32 @!p0 $0x12  }
0xed: {  	_ =	swait.ge @!p0 [sflag:s14], $0x80  }
0xee: {  	s17 =	simm.s32 @!p0 $0x15;
	[sflag:s14] =	ssyncset.done @!p0 $0x0  }
0xef: {  	s15 =	simm.s32 @!p0 $0x2800;
	[sflag:s14] =	ssyncadd.s32 @!p0 $0xFFFFFF80;
	s14 =	simm.s32 @!p0 $0x680  }
0xf0: {  	[spmem:s4] =	stream.indirect.scatter.add.f32 @!p0 [tilespmem:s15], [sflag:$0x15], $0x40, s14, s12, $0xb8;
	[tilespmem:$0x12800] =	vst v63  }
0xf1: {  	_ =	swait.ge @!p0 [sflag:s17], $0x2000  }
0xf2: {  	[sflag:s17] =	ssyncset.done @!p0 $0x0;
	s6 =	rddreg [dreg:$0x19]  }
0xf3: {  	[sflag:s17] =	ssyncadd.s32 @!p0 $0xFFFFE000;
	s17 =	sadd.s32 @!p0 s3, s6;
	s6 =	simm.s32 @!p0 $0x280  }
0xf4: {  	[tilespmem:s6], [sflag:$0xA] =	stream.linear.gather @!p0 [hbm4b:s17+s8], $0x80, $0x38;
	[tilespmem:$0x12800] =	vst v63  }
0xf5: {  	s6 =	rddreg [dreg:$0x18]  }
0xf6: {  	s6 =	sadd.s32 @!p0 s3, s6  }
0xf7: {  	[tilespmem:s14], [sflag:$0x12] =	stream.linear.gather @!p0 [hbm4b:s6+s8], $0x80, $0x38;
	[tilespmem:$0x12800] =	vst v63  }
0xf8: {  	s6 =	simm.s32 @!p0 $0x6  }
0xf9: {  	_ =	swait.ge @!p0 [sflag:s6], $0x80  }
0xfa: {  	[sflag:s6] =	ssyncset.done @!p0 $0x0  }
0xfb: {  	[sflag:s6] =	ssyncadd.s32 @!p0 $0xFFFFFF80  }
0xfc: {  	[tilespmem:s15], [sflag:$0x2] =	stream.indirect.gather @!p0 [hbm4b:s5+s12], $0x40, s12, s12, $0xb8;
	[tilespmem:$0x12800] =	vst v63  }
0xfd: {  	_ =	swait.ge [sflag:s24], $0x2000  }
0xfe: {  	[sflag:s24] =	ssyncset.done $0x0  }
0xff: {  	[sflag:s24] =	ssyncadd.s32 $0xFFFFE000  }
0x100: {  	_ =	swait.ge [sflag:s0], $0x80  }
0x101: {  	[sflag:s0] =	ssyncset.done $0x0  }
.Ltmp2:
0x102: {  	[sflag:s0] =	ssyncadd.s32 $0xFFFFFF80;
	(pc) =	sbr.rel @p0 .LBB2_4-.Ltmp2, $4  }
0x103: {  	[spmem:s4] =	stream.indirect.scatter.add.f32 [tilespmem:s7], [sflag:$0x15], $0x40, s9, s13, $0xb8;
	[tilespmem:$0x12800] =	vst v63  }
0x104: {  	s21 =	simm.s32 $0x2800;
	_ =	swait.ge [sflag:s11], $0x2000  }
0x105: {  	s20 =	simm.s32 $0x800;
	s16 =	simm.s32 $0x300;
	[sflag:s11] =	ssyncset.done $0x0  }
0x106: {  	s19 =	simm.s32 $0x380;
	s9 =	simm.s32 $0x700;
	[sflag:s11] =	ssyncadd.s32 $0xFFFFE000  }
0x107: {  	s6 =	rddreg [dreg:$0x17]  }
0x108: {  	s14 =	rddreg [dreg:$0x16];
	s6 =	sadd.s32 s3, s6  }
0x109: {  	[tilespmem:s16], [sflag:$0xB] =	stream.linear.gather [hbm4b:s6+s1], $0x80, $0x38;
	[tilespmem:$0x12800] =	vst v63  }
0x10a: {  	s15 =	simm.s32 $0x7;
	s6 =	sadd.s32 s3, s14  }
0x10b: {  	[tilespmem:s9], [sflag:$0x13] =	stream.linear.gather [hbm4b:s6+s1], $0x80, $0x38;
	[tilespmem:$0x12800] =	vst v63  }
0x10c: {  	_ =	swait.ge [sflag:s15], $0x80  }
0x10d: {  	[sflag:s15] =	ssyncset.done $0x0  }
0x10e: {  	s16 =	simm.s32 $0x100;
	[sflag:s15] =	ssyncadd.s32 $0xFFFFFF80  }
0x10f: {  	[tilespmem:s7], [sflag:$0x3] =	stream.indirect.gather [hbm4b:s5+s13], $0x40, s16, s13, $0xb8;
	[tilespmem:$0x12800] =	vst v63  }
0x110: {  	_ =	swait.ge [sflag:s28], $0x2000  }
0x111: {  	[sflag:s28] =	ssyncset.done $0x0  }
0x112: {  	[sflag:s28] =	ssyncadd.s32 $0xFFFFE000  }
0x113: {  	_ =	swait.ge [sflag:s2], $0x80  }
0x114: {  	[sflag:s2] =	ssyncset.done $0x0  }
0x115: {  	s8 =	simm.s32 $0x780;
	[sflag:s2] =	ssyncadd.s32 $0xFFFFFF80  }
0x116: {  	[spmem:s4] =	stream.indirect.scatter.add.f32 [tilespmem:s10], [sflag:$0x15], $0x40, s8, s13, $0xb8;
	[tilespmem:$0x12800] =	vst v63  }
0x117: {  	_ =	swait.ge [sflag:s11], $0x2000  }
0x118: {  	[sflag:s11] =	ssyncset.done $0x0;
	s17 =	rddreg [dreg:$0x15]  }
0x119: {  	[sflag:s11] =	ssyncadd.s32 $0xFFFFE000;
	s6 =	sadd.s32 s3, s17  }
0x11a: {  	[tilespmem:s19], [sflag:$0xC] =	stream.linear.gather [hbm4b:s6+s1], $0x80, $0x38;
	[tilespmem:$0x12800] =	vst v63  }
0x11b: {  	s19 =	rddreg [dreg:$0x14]  }
0x11c: {  	s6 =	sadd.s32 s3, s19  }
0x11d: {  	[tilespmem:s8], [sflag:$0x14] =	stream.linear.gather [hbm4b:s6+s1], $0x80, $0x38;
	[tilespmem:$0x12800] =	vst v63  }
.Ltmp3:
0x11e: {  	s20 =	simm.s32 $0x8;
	(pc) =	sbr.rel .LBB2_2-.Ltmp3, $4  }
0x11f: {  	s21 =	simm.s32 $0x180;
	_ =	swait.ge [sflag:s20], $0x80  }
0x120: {  	s9 =	simm.s32 $0x700;
	s16 =	simm.s32 $0x380;
	[sflag:s20] =	ssyncset.done $0x0  }
0x121: {  	s17 =	simm.s32 $0x300;
	s3 =	sadd.s32 $0x80, s3;
	[sflag:s20] =	ssyncadd.s32 $0xFFFFFF80  }
0x122: {  	[tilespmem:s10], [sflag:$0x4] =	stream.indirect.gather [hbm4b:s5+s13], $0x40, s21, s13, $0xb8;
	[tilespmem:$0x12800] =	vst v63  }
.LBB2_5:
0x123: {  	_ =	sfence.sel $0x180000  }
0x124: {  	[bflag:$0x0] =	sbarrier.arrive $0xFFFF  }
0x125: {  	_ =	strace $0x9000004A  }
0x126: {  	s0 =	stileid.u32;
	[bflag:$0x2] =	sbarrier.arrive $0xFFFF  }
0x127: {  	p0 =	sne.s32 s0, $0x0;
	s0 =	rddreg [dreg:$0x3]  }
0x128: {  	s0 =	sadd.s32 @!p0 $0x100000, s0  }
0x129: {  	[sflag:s0] =	ssyncadd.tile.s32 @!p0 $0x1;
	_ =	shalt  }
.Lfunc_end2:
_tile_overlayer_lowered:
.L_overlay_start_2:
0x12a: {  	(tag) =	ssettag $0x2  }
0x12b: {  	s0 =	rddreg [dreg:$0x0];
	s2 =	stileid.u32  }
0x12c: {  	s1 =	rddreg [dreg:$0x1];
	p0 =	sne.s32 s2, $0x0  }
0x12d: {  	s3 =	rddreg [dreg:$0x2];
	[bflag:$0x3] =	sbarrier.arrive $0xFFFF;
	s2 =	simm.s32 @!p0 $0x1C15  }
0x12e: {  	[timem:s3], [sflag:s2] =	dma.local @!p0 [hbm:s0], s1  }
0x12f: {  	s0 =	simm.s32 @!p0 $0x15  }
0x130: {  	_ =	swait.ge @!p0 [sflag:s0], s1  }
0x131: {  	s1 =	ssub.s32 @!p0 $0x0, s1;
	[sflag:s0] =	ssyncset.done @!p0 $0x0  }
0x132: {  	[sflag:s0] =	ssyncadd.s32 @!p0 s1  }
0x133: {  	[bflag:$0x3] =	sbarrier.arrive $0xFFFF  }
0x134: {  	_ =	shalt  }

</sc_bundles>
